<compile_context>
chip_gen: v7x
topology: tpu7x:2x2x1
jax: 0.10.2.dev20260603
libtpu: 0.0.44.dev20260713+nightly
codegen_flags: <defaults>
</compile_context>

<pallas_src>
import functools

import jax
import jax.numpy as jnp
from jax.experimental import pallas as pl
from jax.experimental.pallas import tpu as pltpu
from jax.experimental.pallas import tpu_sc as plsc

TILE = 256
SCW = 128


def _gate_route_body(x_ref, wgt_ref, gates_ref, pos_ref, te_ref):
    B, D = x_ref.shape
    E = wgt_ref.shape[0]
    P = 2 * B
    logitsT = jax.lax.dot_general(
        wgt_ref[...], x_ref[...], (((1,), (1,)), ((), ())),
        preferred_element_type=jnp.float32)
    NEG = jnp.float32(-1e30)
    m1 = jnp.full((1, B), NEG, jnp.float32)
    a1 = jnp.zeros((1, B), jnp.int32)
    for e in range(E):
        v = logitsT[e:e + 1, :]
        take = v > m1
        a1 = jnp.where(take, e, a1)
        m1 = jnp.where(take, v, m1)
    m2 = jnp.full((1, B), NEG, jnp.float32)
    a2 = jnp.zeros((1, B), jnp.int32)
    for e in range(E):
        v = logitsT[e:e + 1, :]
        take = (v > m2) & (a1 != e)
        a2 = jnp.where(take, e, a2)
        m2 = jnp.where(take, v, m2)
    g1 = 1.0 / (1.0 + jnp.exp(m2 - m1))
    gates_ref[...] = jnp.transpose(
        jnp.concatenate([g1, 1.0 - g1], axis=0))

    rows = []
    for e in range(E):
        rows.append(jnp.concatenate(
            [(a1 == e), (a2 == e)], axis=1).astype(jnp.float32))
    oh = jnp.concatenate(rows, axis=0)

    r = oh
    k = 1
    while k < P:
        r = r + jnp.concatenate(
            [jnp.zeros((E, k), jnp.float32), r[:, :P - k]], axis=1)
        k *= 2
    c = r[:, P - 1:P]
    pc = jnp.floor((c + (TILE - 1)) / TILE) * TILE
    inc = pc
    for k in (1, 2, 4):
        inc = inc + jnp.concatenate(
            [jnp.zeros((k, 1), jnp.float32), inc[:E - k]], axis=0)
    poff = inc - pc
    posf = jnp.sum(oh * (r - 1.0 + poff), axis=0, keepdims=True)
    pos_ref[...] = jnp.concatenate(
        [posf[:, :B], posf[:, B:]], axis=0).astype(jnp.int32)

    pend = poff + pc
    lanes = jax.lax.broadcasted_iota(jnp.int32, (1, te_ref.shape[1]), 1)
    starts = lanes.astype(jnp.float32) * TILE
    tecnt = jnp.sum((pend <= starts).astype(jnp.int32), axis=0, keepdims=True)
    nact = (jnp.sum(pc, axis=0, keepdims=True) / TILE).astype(jnp.int32)
    te_ref[...] = jnp.where(lanes == te_ref.shape[1] - 1, nact,
                            jnp.minimum(tecnt, E - 1))


def _gate_route(x, w_gateT, nt_pad):
    B = x.shape[0]
    E = w_gateT.shape[0]
    return pl.pallas_call(
        _gate_route_body,
        out_shape=(
            jax.ShapeDtypeStruct((B, 2), jnp.float32),
            jax.ShapeDtypeStruct((2, B), jnp.int32),
            jax.ShapeDtypeStruct((1, nt_pad), jnp.int32),
        ),
    )(x, w_gateT)


def _sc_mesh():
    return plsc.VectorSubcoreMesh(core_axis_name="c", subcore_axis_name="s")


def _sc_scatter_rows(x, pos2, npad):
    B, D = x.shape
    W = D // 2

    @functools.partial(
        pl.kernel,
        out_type=(jax.ShapeDtypeStruct((npad, W), jnp.float32),
                  jax.ShapeDtypeStruct((npad, W), jnp.float32)),
        mesh=_sc_mesh())
    def scatter_kernel(x_hbm, i_hbm, ol_hbm, or_hbm):
        cid = jax.lax.axis_index("c")

        def scat(col, o_hbm):
            def body(x_vmem, i_vmem):
                pltpu.sync_copy(x_vmem, o_hbm.at[i_vmem.at[0]])
                pltpu.sync_copy(x_vmem, o_hbm.at[i_vmem.at[1]])

            pltpu.emit_pipeline(
                body,
                grid=(B // SCW,),
                in_specs=[
                    pl.BlockSpec((SCW, W), lambda i: (i, col)),
                    pl.BlockSpec((2, SCW), lambda i: (0, i)),
                ],
                out_specs=[],
                core_axis_name="s",
                dimension_semantics=(pltpu.PARALLEL,),
            )(x_hbm, i_hbm)

        @pl.when(cid == 0)
        def _():
            scat(0, ol_hbm)

        @pl.when(cid == 1)
        def _():
            scat(1, or_hbm)

    return scatter_kernel(x, pos2)


def _sc_gather_rows(bufl, bufr, pos2):
    W = bufl.shape[1]
    K, B = pos2.shape
    P = K * B

    @functools.partial(
        pl.kernel,
        out_type=(jax.ShapeDtypeStruct((K, B, W), jnp.float32),
                  jax.ShapeDtypeStruct((K, B, W), jnp.float32)),
        mesh=_sc_mesh())
    def gather_kernel(xl_hbm, xr_hbm, i_hbm, ol_hbm, or_hbm):
        cid = jax.lax.axis_index("c")
        nblk = B // SCW

        def gath(x_hbm, o_hbm):
            def body(i_vmem, o_vmem):
                pltpu.sync_copy(x_hbm.at[i_vmem.at[0]], o_vmem.at[0])

            pltpu.emit_pipeline(
                body,
                grid=(P // SCW,),
                in_specs=[pl.BlockSpec(
                    (1, SCW),
                    lambda i: (jax.lax.div(i, nblk), jax.lax.rem(i, nblk)))],
                out_specs=[pl.BlockSpec(
                    (1, SCW, W),
                    lambda i: (jax.lax.div(i, nblk), jax.lax.rem(i, nblk), 0))],
                core_axis_name="s",
                dimension_semantics=(pltpu.PARALLEL,),
            )(i_hbm, o_hbm)

        @pl.when(cid == 0)
        def _():
            gath(xl_hbm, ol_hbm)

        @pl.when(cid == 1)
        def _():
            gath(xr_hbm, or_hbm)

    return gather_kernel(bufl, bufr, pos2)


def _expert_body(te_ref, bufl_ref, bufr_ref, w1_ref, b1_ref,
                 w2_ref, b2_ref, ol_ref, or_ref):
    i = pl.program_id(0)

    @pl.when(i < te_ref[te_ref.shape[0] - 1])
    def _():
        e = te_ref[i]
        Dh = bufl_ref.shape[1]
        w1 = w1_ref[0]
        h = (jnp.dot(bufl_ref[...].astype(w1_ref.dtype), w1[:Dh],
                     preferred_element_type=jnp.float32)
             + jnp.dot(bufr_ref[...].astype(w1_ref.dtype), w1[Dh:],
                       preferred_element_type=jnp.float32))
        h = jnp.maximum(h + b1_ref[pl.ds(e, 1), :], 0.0)
        h = h.astype(w1_ref.dtype)
        o = jnp.dot(h, w2_ref[0], preferred_element_type=jnp.float32)
        o = o + b2_ref[pl.ds(e, 1), :]
        m = jnp.max(o, axis=1, keepdims=True)
        p = jnp.exp(o - m)
        o = p / jnp.sum(p, axis=1, keepdims=True)
        half = o.shape[1] // 2
        ol_ref[...] = o[:, :half]
        or_ref[...] = o[:, half:]


def _expert_mlp(te, bufl, bufr, W1, b1, W2, b2, nt):
    npad, Dh = bufl.shape
    E, D, H = W1.shape
    MOUT = W2.shape[2]
    grid_spec = pltpu.PrefetchScalarGridSpec(
        num_scalar_prefetch=1,
        grid=(nt,),
        in_specs=[
            pl.BlockSpec((TILE, Dh), lambda i, te_r: (i, 0)),
            pl.BlockSpec((TILE, Dh), lambda i, te_r: (i, 0)),
            pl.BlockSpec((1, D, H), lambda i, te_r: (te_r[i], 0, 0)),
            pl.BlockSpec((E, H), lambda i, te_r: (0, 0)),
            pl.BlockSpec((1, H, MOUT), lambda i, te_r: (te_r[i], 0, 0)),
            pl.BlockSpec((E, MOUT), lambda i, te_r: (0, 0)),
        ],
        out_specs=[
            pl.BlockSpec((TILE, MOUT // 2), lambda i, te_r: (i, 0)),
            pl.BlockSpec((TILE, MOUT // 2), lambda i, te_r: (i, 0)),
        ],
    )
    return pl.pallas_call(
        _expert_body,
        grid_spec=grid_spec,
        out_shape=(
            jax.ShapeDtypeStruct((npad, MOUT // 2), jnp.float32),
            jax.ShapeDtypeStruct((npad, MOUT // 2), jnp.float32),
        ),
        compiler_params=pltpu.CompilerParams(
            dimension_semantics=("parallel",)),
    )(te, bufl, bufr, W1, b1, W2, b2)


def _combine_heads_body(opl_ref, opr_ref, g_ref, w11_ref, b11_ref, w12_ref,
                        b12_ref, w21_ref, b21_ref, w22_ref, b22_ref,
                        y1_ref, y2_ref):
    g = g_ref[...]
    MOUTH = opl_ref.shape[2]
    mol = (opl_ref[0] * g[:, 0:1]
           + opl_ref[1] * g[:, 1:2]).astype(w11_ref.dtype)
    mor = (opr_ref[0] * g[:, 0:1]
           + opr_ref[1] * g[:, 1:2]).astype(w11_ref.dtype)
    h1 = (jnp.dot(mol, w11_ref[:MOUTH], preferred_element_type=jnp.float32)
          + jnp.dot(mor, w11_ref[MOUTH:], preferred_element_type=jnp.float32))
    h1 = jnp.maximum(h1 + b11_ref[...], 0.0).astype(w11_ref.dtype)
    y1_ref[...] = (jnp.dot(h1, w12_ref[...],
                           preferred_element_type=jnp.float32) + b12_ref[...])
    h2 = (jnp.dot(mol, w21_ref[:MOUTH], preferred_element_type=jnp.float32)
          + jnp.dot(mor, w21_ref[MOUTH:], preferred_element_type=jnp.float32))
    h2 = jnp.maximum(h2 + b21_ref[...], 0.0).astype(w11_ref.dtype)
    y2_ref[...] = (jnp.dot(h2, w22_ref[...],
                           preferred_element_type=jnp.float32) + b22_ref[...])


def _combine_heads(opl, opr, gT, hw11, hb11, hw12, hb12, hw21, hb21,
                   hw22, hb22):
    _, B, MOUTH = opl.shape
    MOUT = 2 * MOUTH
    MH = hw11.shape[1]
    OUT = hw12.shape[1]
    TT = 512
    grid = (B // TT,)
    y1, y2 = pl.pallas_call(
        _combine_heads_body,
        grid=grid,
        in_specs=[
            pl.BlockSpec((2, TT, MOUTH), lambda i: (0, i, 0)),
            pl.BlockSpec((2, TT, MOUTH), lambda i: (0, i, 0)),
            pl.BlockSpec((TT, 2), lambda i: (i, 0)),
            pl.BlockSpec((MOUT, MH), lambda i: (0, 0)),
            pl.BlockSpec((1, MH), lambda i: (0, 0)),
            pl.BlockSpec((MH, OUT), lambda i: (0, 0)),
            pl.BlockSpec((1, OUT), lambda i: (0, 0)),
            pl.BlockSpec((MOUT, MH), lambda i: (0, 0)),
            pl.BlockSpec((1, MH), lambda i: (0, 0)),
            pl.BlockSpec((MH, OUT), lambda i: (0, 0)),
            pl.BlockSpec((1, OUT), lambda i: (0, 0)),
        ],
        out_specs=[
            pl.BlockSpec((TT, OUT), lambda i: (i, 0)),
            pl.BlockSpec((TT, OUT), lambda i: (i, 0)),
        ],
        out_shape=(
            jax.ShapeDtypeStruct((B, OUT), jnp.float32),
            jax.ShapeDtypeStruct((B, OUT), jnp.float32),
        ),
    )(opl, opr, gT, hw11, hb11, hw12, hb12, hw21, hb21, hw22, hb22)
    return y1, y2


def kernel(x, w_gate, W1, b1, W2, b2, m1_W1, m1_b1, m1_W2, m1_b2,
           m2_W1, m2_b1, m2_W2, m2_b2):
    B, D = x.shape
    E = w_gate.shape[1]
    H = W1.shape[2]
    MOUT = W2.shape[2]
    MH = m1_W1.shape[1]
    OUT = m1_W2.shape[1]
    npad = ((2 * B + E * (TILE - 1)) + TILE - 1) // TILE * TILE
    nt = npad // TILE
    nt_pad = ((nt + 63) // 64) * 64

    gates, pos, te = _gate_route(x, w_gate.T, nt_pad)
    te1 = te.reshape(nt_pad)

    bufl, bufr = _sc_scatter_rows(x, pos, npad)
    obufl, obufr = _expert_mlp(te1, bufl, bufr, W1, b1, W2, b2, nt)
    opl, opr = _sc_gather_rows(obufl, obufr, pos)

    y1, y2 = _combine_heads(
        opl, opr, gates,
        m1_W1, m1_b1.reshape(1, MH), m1_W2, m1_b2.reshape(1, OUT),
        m2_W1, m2_b1.reshape(1, MH), m2_W2, m2_b2.reshape(1, OUT))
    return (y1, y2)

# --- scband reference (transcript-rebuilt; emitter-appended) ---
"""Pipeline reference for scband-mmo-e-42434276884742 (READ-ONLY COPY).

The authoritative reference and input builder live on the scoring server;
editing this copy changes nothing except your own understanding.
"""

import jax, jax.numpy as jnp
import numpy as np

B = 2048
D = 768      # input_size
E = 8        # num_experts
K = 2        # top-k
H = 1536     # moe_hidden_size
MOUT = 768   # moe_output_size
MH = 768     # mlp_hidden_size
OUT = 128    # output_size


def setup_inputs(seed: int = 0) -> dict:
    key = jax.random.key(seed)
    ks = jax.random.split(key, 16)
    def w(i, shape, scale=0.02):
        return jax.random.normal(ks[i], shape, dtype=jnp.float32) * scale
    return {
        "x": jax.random.normal(ks[0], (B, D), dtype=jnp.float32),
        "w_gate": w(1, (D, E)),
        "W1": w(2, (E, D, H)),
        "b1": jnp.zeros((E, H), dtype=jnp.float32),
        "W2": w(3, (E, H, MOUT)),
        "b2": jnp.zeros((E, MOUT), dtype=jnp.float32),
        "m1_W1": w(4, (MOUT, MH)),
        "m1_b1": jnp.zeros((MH,), dtype=jnp.float32),
        "m1_W2": w(5, (MH, OUT)),
        "m1_b2": jnp.zeros((OUT,), dtype=jnp.float32),
        "m2_W1": w(6, (MOUT, MH)),
        "m2_b1": jnp.zeros((MH,), dtype=jnp.float32),
        "m2_W2": w(7, (MH, OUT)),
        "m2_b2": jnp.zeros((OUT,), dtype=jnp.float32),
    }


def _forward(x, w_gate, W1, b1, W2, b2, m1_W1, m1_b1, m1_W2, m1_b2, m2_W1, m2_b1, m2_W2, m2_b2):
    # --- noisy top-k gating (eval path: noise disabled, logits = x @ w_gate) ---
    logits = x @ w_gate                                   # [B, E]
    top_logits, top_idx = jax.lax.top_k(logits, K)        # [B, K]
    top_gates = jax.nn.softmax(top_logits, axis=1)        # softmax over top-k logits
    rows = jnp.arange(x.shape[0])[:, None]
    gates = jnp.zeros_like(logits).at[rows, top_idx].set(top_gates)  # scatter back to [B, E]

    # --- experts (dense evaluation; mathematically identical since gates are 0 off top-k) ---
    # each expert: Linear(D->H) -> ReLU -> Linear(H->MOUT) -> Softmax(dim=1)
    h = jax.nn.relu(jnp.einsum('bd,edh->ebh', x, W1) + b1[:, None, :])
    o = jnp.einsum('ebh,eho->ebo', h, W2) + b2[:, None, :]
    o = jax.nn.softmax(o, axis=-1)
    moe_y = jnp.einsum('be,ebo->bo', gates, o)            # weighted combine [B, MOUT]

    # --- aux load-balancing loss (computed as in MoE.forward; not returned by MmoE.forward) ---
    def cv_squared(v):
        eps = 1e-10
        return jnp.var(v, ddof=1) / (jnp.mean(v) ** 2 + eps)
    importance = gates.sum(0)
    load = (gates > 0).astype(jnp.float32).sum(0)
    _moe_loss = (cv_squared(importance) + cv_squared(load)) * 0.01

    # --- two task heads (MLP2: Linear -> ReLU -> Linear) ---
    y1 = jax.nn.relu(moe_y @ m1_W1 + m1_b1) @ m1_W2 + m1_b2
    y2 = jax.nn.relu(moe_y @ m2_W1 + m2_b1) @ m2_W2 + m2_b2
    return (y1, y2)


def reference(x, w_gate, W1, b1, W2, b2, m1_W1, m1_b1, m1_W2, m1_b2, m2_W1, m2_b1, m2_W2, m2_b2):
    return _forward(x, w_gate, W1, b1, W2, b2, m1_W1, m1_b1, m1_W2, m1_b2, m2_W1, m2_b1, m2_W2, m2_b2)

if __name__ == "__main__":
    import jax
    _d = setup_inputs()
    print(jax.jit(kernel)(*tuple(_d.values())))

</pallas_src>

<mosaic_0001>
#map = affine_map<(d0, d1) -> (0, 0)>
module attributes {stable_mosaic.version = 14 : i64} {
  func.func @scatter_kernel(%arg0: i32, %arg1: i32, %arg2: memref<2048x768xf32, #tpu.memory_space<hbm>>, %arg3: memref<2x2048xi32, #tpu.memory_space<hbm>>, %arg4: memref<6144x384xf32, #tpu.memory_space<hbm>>, %arg5: memref<6144x384xf32, #tpu.memory_space<hbm>>) attributes {dimension_semantics = [#tpu.dimension_semantics<core_parallel>, #tpu.dimension_semantics<subcore_parallel>], iteration_bounds = array<i64: 2, 16>, scalar_prefetch = 0 : i64, scratch_operands = 0 : i64, tpu.core_type = #tpu.core_type<sc_vector_subcore>, window_params = [{transform_indices = #map}, {transform_indices = #map}, {transform_indices = #map}, {transform_indices = #map}]} {
    %eq3A = arith.constant 0 : i32
    %eq3A_0 = arith.cmpi eq, %arg0, %eq3A : i32
    %convert_element_type3A = arith.extui %eq3A_0 : i1 to i32
    %cond3A = arith.constant 0 : i32
    %cond3A_1 = arith.cmpi ne, %convert_element_type3A, %cond3A : i32
    scf.if %cond3A_1 {
      %mul3A = arith.constant 1 : i32
      %mul3A_7 = arith.muli %arg1, %mul3A : i32
      "tpu.region"() ({
        %run_scoped3A = memref.alloca() : memref<2x128x384xf32, #tpu.memory_space<vmem>>
        %run_scoped3A_8 = tpu.sem_alloc : memref<2x!tpu.dma_semaphore, #tpu.memory_space<semaphore_mem>>
        %run_scoped3A_9 = memref.alloca() : memref<2x2x128xi32, #tpu.memory_space<vmem>>
        %run_scoped3A_10 = tpu.sem_alloc : memref<2x!tpu.dma_semaphore, #tpu.memory_space<semaphore_mem>>
        %add3A = arith.constant 0 : i32
        %add3A_11 = arith.addi %add3A, %mul3A_7 : i32
        %select_n3A = arith.constant true
        %select_n3A_12 = arith.constant 0 : i32
        %select_n3A_13 = arith.constant -1 : i32
        %select_n3A_14 = arith.select %select_n3A, %select_n3A_13, %select_n3A_12 : i32
        %eq3A_15 = arith.constant -1 : i32
        %eq3A_16 = arith.cmpi eq, %select_n3A_14, %eq3A_15 : i32
        %select_n3A_17 = arith.constant 0 : i32
        %select_n3A_18 = arith.select %eq3A_16, %select_n3A_17, %select_n3A_14 : i32
        %add3A_19 = arith.constant 0 : i32
        %add3A_20 = arith.addi %add3A_19, %mul3A_7 : i32
        %select_n3A_21 = arith.constant true
        %select_n3A_22 = arith.constant 0 : i32
        %select_n3A_23 = arith.constant 1 : i32
        %select_n3A_24 = arith.select %select_n3A_21, %select_n3A_23, %select_n3A_22 : i32
        %eq3A_25 = arith.constant 1 : i32
        %eq3A_26 = arith.cmpi eq, %select_n3A_24, %eq3A_25 : i32
        %select_n3A_27 = arith.constant 0 : i32
        %select_n3A_28 = arith.select %eq3A_26, %select_n3A_27, %select_n3A_24 : i32
        %add3A_29 = arith.constant 0 : i32
        %add3A_30 = arith.addi %add3A_29, %mul3A_7 : i32
        %select_n3A_31 = arith.constant true
        %select_n3A_32 = arith.constant 0 : i32
        %select_n3A_33 = arith.constant 1 : i32
        %select_n3A_34 = arith.select %select_n3A_31, %select_n3A_33, %select_n3A_32 : i32
        %eq3A_35 = arith.constant 1 : i32
        %eq3A_36 = arith.cmpi eq, %select_n3A_34, %eq3A_35 : i32
        %select_n3A_37 = arith.constant 0 : i32
        %select_n3A_38 = arith.select %eq3A_36, %select_n3A_37, %select_n3A_34 : i32
        %add3A_39 = arith.constant 0 : i32
        %add3A_40 = arith.addi %add3A_39, %mul3A_7 : i32
        "tpu.trace_start"() <{level = 10 : i32, message = "ep_initialize_0"}> : () -> ()
        %rem3A = arith.constant 0 : i32
        %rem3A_41 = arith.constant 2 : i32
        %rem3A_42 = arith.remui %rem3A, %rem3A_41 : i32
        %mul3A_43 = arith.constant 128 : i32
        %mul3A_44 = arith.muli %mul3A_43, %add3A_11 : i32
        %dma_start3A = arith.constant 0 : i32
        %dma_start3A_45 = arith.constant 0 : i32
        %dma_start3A_46 = tpu.memref_slice %run_scoped3A[%rem3A_42, %dma_start3A, %dma_start3A_45] : memref<2x128x384xf32, #tpu.memory_space<vmem>> -> memref<1x128x384xf32, #tpu.memory_space<vmem>>
        %dma_start3A_47 = tpu.memref_squeeze %dma_start3A_46 : memref<1x128x384xf32, #tpu.memory_space<vmem>> -> memref<128x384xf32, #tpu.memory_space<vmem>>
        %dma_start3A_48 = arith.constant 0 : i32
        %dma_start3A_49 = tpu.memref_slice %arg2[%mul3A_44, %dma_start3A_48] : memref<2048x768xf32, #tpu.memory_space<hbm>> -> memref<128x384xf32, #tpu.memory_space<hbm>>
        %dma_start3A_50 = tpu.memref_slice %run_scoped3A_8[%rem3A_42] : memref<2x!tpu.dma_semaphore, #tpu.memory_space<semaphore_mem>> -> memref<1x!tpu.dma_semaphore, #tpu.memory_space<semaphore_mem>>
        %dma_start3A_51 = tpu.memref_squeeze %dma_start3A_50 : memref<1x!tpu.dma_semaphore, #tpu.memory_space<semaphore_mem>> -> memref<!tpu.dma_semaphore, #tpu.memory_space<semaphore_mem>>
        %dma_start3A_52 = arith.constant 0 : i32
        %dma_start3A_53 = arith.constant 0 : i32
        %dma_start3A_54 = tpu.memref_slice %run_scoped3A[%rem3A_42, %dma_start3A_52, %dma_start3A_53] : memref<2x128x384xf32, #tpu.memory_space<vmem>> -> memref<1x128x384xf32, #tpu.memory_space<vmem>>
        %dma_start3A_55 = tpu.memref_squeeze %dma_start3A_54 : memref<1x128x384xf32, #tpu.memory_space<vmem>> -> memref<128x384xf32, #tpu.memory_space<vmem>>
        %dma_start3A_56 = arith.constant 0 : i32
        %dma_start3A_57 = tpu.memref_slice %arg2[%mul3A_44, %dma_start3A_56] : memref<2048x768xf32, #tpu.memory_space<hbm>> -> memref<128x384xf32, #tpu.memory_space<hbm>>
        tpu.enqueue_dma source(%dma_start3A_57 : memref<128x384xf32, #tpu.memory_space<hbm>>) target(%dma_start3A_55 : memref<128x384xf32, #tpu.memory_space<vmem>>) target_semaphore(%dma_start3A_51 : memref<!tpu.dma_semaphore, #tpu.memory_space<semaphore_mem>>)
        %add3A_58 = arith.constant 0 : i32
        %add3A_59 = arith.constant 1 : i32
        %add3A_60 = arith.addi %add3A_58, %add3A_59 : i32
        %select_n3A_61 = arith.constant true
        %select_n3A_62 = arith.constant 0 : i32
        %select_n3A_63 = arith.select %select_n3A_61, %add3A_60, %select_n3A_62 : i32
        %rem3A_64 = arith.constant 0 : i32
        %rem3A_65 = arith.constant 2 : i32
        %rem3A_66 = arith.remui %rem3A_64, %rem3A_65 : i32
        %mul3A_67 = arith.constant 128 : i32
        %mul3A_68 = arith.muli %mul3A_67, %add3A_11 : i32
        %dma_start3A_69 = arith.constant 0 : i32
        %dma_start3A_70 = arith.constant 0 : i32
        %dma_start3A_71 = tpu.memref_slice %run_scoped3A_9[%rem3A_66, %dma_start3A_69, %dma_start3A_70] : memref<2x2x128xi32, #tpu.memory_space<vmem>> -> memref<1x2x128xi32, #tpu.memory_space<vmem>>
        %dma_start3A_72 = tpu.memref_squeeze %dma_start3A_71 : memref<1x2x128xi32, #tpu.memory_space<vmem>> -> memref<2x128xi32, #tpu.memory_space<vmem>>
        %dma_start3A_73 = arith.constant 0 : i32
        %dma_start3A_74 = tpu.memref_slice %arg3[%dma_start3A_73, %mul3A_68] : memref<2x2048xi32, #tpu.memory_space<hbm>> -> memref<2x128xi32, #tpu.memory_space<hbm>>
        %dma_start3A_75 = tpu.memref_slice %run_scoped3A_10[%rem3A_66] : memref<2x!tpu.dma_semaphore, #tpu.memory_space<semaphore_mem>> -> memref<1x!tpu.dma_semaphore, #tpu.memory_space<semaphore_mem>>
        %dma_start3A_76 = tpu.memref_squeeze %dma_start3A_75 : memref<1x!tpu.dma_semaphore, #tpu.memory_space<semaphore_mem>> -> memref<!tpu.dma_semaphore, #tpu.memory_space<semaphore_mem>>
        %dma_start3A_77 = arith.constant 0 : i32
        %dma_start3A_78 = arith.constant 0 : i32
        %dma_start3A_79 = tpu.memref_slice %run_scoped3A_9[%rem3A_66, %dma_start3A_77, %dma_start3A_78] : memref<2x2x128xi32, #tpu.memory_space<vmem>> -> memref<1x2x128xi32, #tpu.memory_space<vmem>>
        %dma_start3A_80 = tpu.memref_squeeze %dma_start3A_79 : memref<1x2x128xi32, #tpu.memory_space<vmem>> -> memref<2x128xi32, #tpu.memory_space<vmem>>
        %dma_start3A_81 = arith.constant 0 : i32
        %dma_start3A_82 = tpu.memref_slice %arg3[%dma_start3A_81, %mul3A_68] : memref<2x2048xi32, #tpu.memory_space<hbm>> -> memref<2x128xi32, #tpu.memory_space<hbm>>
        tpu.enqueue_dma source(%dma_start3A_82 : memref<2x128xi32, #tpu.memory_space<hbm>>) target(%dma_start3A_80 : memref<2x128xi32, #tpu.memory_space<vmem>>) target_semaphore(%dma_start3A_76 : memref<!tpu.dma_semaphore, #tpu.memory_space<semaphore_mem>>)
        %add3A_83 = arith.constant 0 : i32
        %add3A_84 = arith.constant 1 : i32
        %add3A_85 = arith.addi %add3A_83, %add3A_84 : i32
        %select_n3A_86 = arith.constant true
        %select_n3A_87 = arith.constant 0 : i32
        %select_n3A_88 = arith.select %select_n3A_86, %add3A_85, %select_n3A_87 : i32
        "tpu.trace_stop"() : () -> ()
        %scan3A = arith.constant 0 : i32
        %scan3A_89 = arith.constant 0 : i32
        %scan3A_90 = arith.constant 0 : i32
        %scan3A_91 = arith.constant 0 : i32
        %eq3A_92 = arith.constant 0 : i32
        %eq3A_93 = arith.cmpi eq, %scan3A_91, %eq3A_92 : i32
        %eq3A_94 = arith.constant 0 : i32
        %eq3A_95 = arith.cmpi eq, %scan3A_91, %eq3A_94 : i32
        %add3A_96 = arith.constant 0 : i32
        %add3A_97 = arith.addi %add3A_96, %mul3A_7 : i32
        %select_n3A_98 = arith.constant true
        %select_n3A_99 = arith.constant 0 : i32
        %select_n3A_100 = arith.constant -1 : i32
        %select_n3A_101 = arith.select %select_n3A_98, %select_n3A_100, %select_n3A_99 : i32
        %eq3A_102 = arith.constant -1 : i32
        %eq3A_103 = arith.cmpi eq, %select_n3A_101, %eq3A_102 : i32
        %select_n3A_104 = arith.constant 0 : i32
        %select_n3A_105 = arith.select %eq3A_103, %select_n3A_104, %select_n3A_101 : i32
        %add3A_106 = arith.constant 0 : i32
        %add3A_107 = arith.addi %add3A_106, %mul3A_7 : i32
        %select_n3A_108 = arith.constant true
        %select_n3A_109 = arith.constant 0 : i32
        %select_n3A_110 = arith.constant 1 : i32
        %select_n3A_111 = arith.select %select_n3A_108, %select_n3A_110, %select_n3A_109 : i32
        %eq3A_112 = arith.constant 1 : i32
        %eq3A_113 = arith.cmpi eq, %select_n3A_111, %eq3A_112 : i32
        %select_n3A_114 = arith.constant 0 : i32
        %select_n3A_115 = arith.select %eq3A_113, %select_n3A_114, %select_n3A_111 : i32
        %add3A_116 = arith.constant 0 : i32
        %add3A_117 = arith.addi %add3A_116, %mul3A_7 : i32
        %select_n3A_118 = arith.constant true
        %select_n3A_119 = arith.constant 0 : i32
        %select_n3A_120 = arith.constant 1 : i32
        %select_n3A_121 = arith.select %select_n3A_118, %select_n3A_120, %select_n3A_119 : i32
        %eq3A_122 = arith.constant 1 : i32
        %eq3A_123 = arith.cmpi eq, %select_n3A_121, %eq3A_122 : i32
        %select_n3A_124 = arith.constant 0 : i32
        %select_n3A_125 = arith.select %eq3A_123, %select_n3A_124, %select_n3A_121 : i32
        %add3A_126 = arith.constant 0 : i32
        %add3A_127 = arith.addi %add3A_126, %mul3A_7 : i32
        %ne3A = arith.cmpi ne, %add3A_97, %add3A_117 : i32
        %or3A = arith.constant false
        %or3A_128 = arith.ori %or3A, %ne3A : i1
        %or3A_129 = arith.constant false
        %or3A_130 = arith.ori %or3A_128, %or3A_129 : i1
        %ge3A = arith.constant 0 : i32
        %ge3A_131 = arith.cmpi sge, %scan3A_91, %ge3A : i32
        %not3A = arith.constant true
        %not3A_132 = arith.xori %ge3A_131, %not3A : i1
        %and3A = arith.andi %or3A_130, %not3A_132 : i1
        %convert_element_type3A_133 = arith.extui %and3A : i1 to i32
        %cond3A_134 = arith.constant 0 : i32
        %cond3A_135 = arith.cmpi ne, %convert_element_type3A_133, %cond3A_134 : i32
        scf.if %cond3A_135 {
          "tpu.trace_start"() <{level = 10 : i32, message = "ep_copy_in"}> : () -> ()
          %rem3A_288 = arith.constant 2 : i32
          %rem3A_289 = arith.remui %select_n3A_63, %rem3A_288 : i32
          %mul3A_290 = arith.constant 128 : i32
          %mul3A_291 = arith.muli %mul3A_290, %add3A_117 : i32
          %dma_start3A_292 = arith.constant 0 : i32
          %dma_start3A_293 = arith.constant 0 : i32
          %dma_start3A_294 = tpu.memref_slice %run_scoped3A[%rem3A_289, %dma_start3A_292, %dma_start3A_293] : memref<2x128x384xf32, #tpu.memory_space<vmem>> -> memref<1x128x384xf32, #tpu.memory_space<vmem>>
          %dma_start3A_295 = tpu.memref_squeeze %dma_start3A_294 : memref<1x128x384xf32, #tpu.memory_space<vmem>> -> memref<128x384xf32, #tpu.memory_space<vmem>>
          %dma_start3A_296 = arith.constant 0 : i32
          %dma_start3A_297 = tpu.memref_slice %arg2[%mul3A_291, %dma_start3A_296] : memref<2048x768xf32, #tpu.memory_space<hbm>> -> memref<128x384xf32, #tpu.memory_space<hbm>>
          %dma_start3A_298 = tpu.memref_slice %run_scoped3A_8[%rem3A_289] : memref<2x!tpu.dma_semaphore, #tpu.memory_space<semaphore_mem>> -> memref<1x!tpu.dma_semaphore, #tpu.memory_space<semaphore_mem>>
          %dma_start3A_299 = tpu.memref_squeeze %dma_start3A_298 : memref<1x!tpu.dma_semaphore, #tpu.memory_space<semaphore_mem>> -> memref<!tpu.dma_semaphore, #tpu.memory_space<semaphore_mem>>
          %dma_start3A_300 = arith.constant 0 : i32
          %dma_start3A_301 = arith.constant 0 : i32
          %dma_start3A_302 = tpu.memref_slice %run_scoped3A[%rem3A_289, %dma_start3A_300, %dma_start3A_301] : memref<2x128x384xf32, #tpu.memory_space<vmem>> -> memref<1x128x384xf32, #tpu.memory_space<vmem>>
          %dma_start3A_303 = tpu.memref_squeeze %dma_start3A_302 : memref<1x128x384xf32, #tpu.memory_space<vmem>> -> memref<128x384xf32, #tpu.memory_space<vmem>>
          %dma_start3A_304 = arith.constant 0 : i32
          %dma_start3A_305 = tpu.memref_slice %arg2[%mul3A_291, %dma_start3A_304] : memref<2048x768xf32, #tpu.memory_space<hbm>> -> memref<128x384xf32, #tpu.memory_space<hbm>>
          tpu.enqueue_dma source(%dma_start3A_305 : memref<128x384xf32, #tpu.memory_space<hbm>>) target(%dma_start3A_303 : memref<128x384xf32, #tpu.memory_space<vmem>>) target_semaphore(%dma_start3A_299 : memref<!tpu.dma_semaphore, #tpu.memory_space<semaphore_mem>>)
          "tpu.trace_stop"() : () -> ()
        } else {
        }
        %and3A_136 = arith.constant true
        %and3A_137 = arith.andi %and3A, %and3A_136 : i1
        %add3A_138 = arith.constant 1 : i32
        %add3A_139 = arith.addi %select_n3A_63, %add3A_138 : i32
        %select_n3A_140 = arith.select %and3A_137, %add3A_139, %select_n3A_63 : i32
        %ne3A_141 = arith.cmpi ne, %add3A_97, %add3A_117 : i32
        %or3A_142 = arith.constant false
        %or3A_143 = arith.ori %or3A_142, %ne3A_141 : i1
        %ge3A_144 = arith.constant 0 : i32
        %ge3A_145 = arith.cmpi sge, %scan3A_91, %ge3A_144 : i32
        %not3A_146 = arith.constant true
        %not3A_147 = arith.xori %ge3A_145, %not3A_146 : i1
        %and3A_148 = arith.andi %or3A_143, %not3A_147 : i1
        %convert_element_type3A_149 = arith.extui %and3A_148 : i1 to i32
        %cond3A_150 = arith.constant 0 : i32
        %cond3A_151 = arith.cmpi ne, %convert_element_type3A_149, %cond3A_150 : i32
        scf.if %cond3A_151 {
          "tpu.trace_start"() <{level = 10 : i32, message = "ep_copy_in"}> : () -> ()
          %rem3A_288 = arith.constant 2 : i32
          %rem3A_289 = arith.remui %select_n3A_88, %rem3A_288 : i32
          %mul3A_290 = arith.constant 128 : i32
          %mul3A_291 = arith.muli %mul3A_290, %add3A_117 : i32
          %dma_start3A_292 = arith.constant 0 : i32
          %dma_start3A_293 = arith.constant 0 : i32
          %dma_start3A_294 = tpu.memref_slice %run_scoped3A_9[%rem3A_289, %dma_start3A_292, %dma_start3A_293] : memref<2x2x128xi32, #tpu.memory_space<vmem>> -> memref<1x2x128xi32, #tpu.memory_space<vmem>>
          %dma_start3A_295 = tpu.memref_squeeze %dma_start3A_294 : memref<1x2x128xi32, #tpu.memory_space<vmem>> -> memref<2x128xi32, #tpu.memory_space<vmem>>
          %dma_start3A_296 = arith.constant 0 : i32
          %dma_start3A_297 = tpu.memref_slice %arg3[%dma_start3A_296, %mul3A_291] : memref<2x2048xi32, #tpu.memory_space<hbm>> -> memref<2x128xi32, #tpu.memory_space<hbm>>
          %dma_start3A_298 = tpu.memref_slice %run_scoped3A_10[%rem3A_289] : memref<2x!tpu.dma_semaphore, #tpu.memory_space<semaphore_mem>> -> memref<1x!tpu.dma_semaphore, #tpu.memory_space<semaphore_mem>>
          %dma_start3A_299 = tpu.memref_squeeze %dma_start3A_298 : memref<1x!tpu.dma_semaphore, #tpu.memory_space<semaphore_mem>> -> memref<!tpu.dma_semaphore, #tpu.memory_space<semaphore_mem>>
          %dma_start3A_300 = arith.constant 0 : i32
          %dma_start3A_301 = arith.constant 0 : i32
          %dma_start3A_302 = tpu.memref_slice %run_scoped3A_9[%rem3A_289, %dma_start3A_300, %dma_start3A_301] : memref<2x2x128xi32, #tpu.memory_space<vmem>> -> memref<1x2x128xi32, #tpu.memory_space<vmem>>
          %dma_start3A_303 = tpu.memref_squeeze %dma_start3A_302 : memref<1x2x128xi32, #tpu.memory_space<vmem>> -> memref<2x128xi32, #tpu.memory_space<vmem>>
          %dma_start3A_304 = arith.constant 0 : i32
          %dma_start3A_305 = tpu.memref_slice %arg3[%dma_start3A_304, %mul3A_291] : memref<2x2048xi32, #tpu.memory_space<hbm>> -> memref<2x128xi32, #tpu.memory_space<hbm>>
          tpu.enqueue_dma source(%dma_start3A_305 : memref<2x128xi32, #tpu.memory_space<hbm>>) target(%dma_start3A_303 : memref<2x128xi32, #tpu.memory_space<vmem>>) target_semaphore(%dma_start3A_299 : memref<!tpu.dma_semaphore, #tpu.memory_space<semaphore_mem>>)
          "tpu.trace_stop"() : () -> ()
        } else {
        }
        %and3A_152 = arith.constant true
        %and3A_153 = arith.andi %and3A_148, %and3A_152 : i1
        %add3A_154 = arith.constant 1 : i32
        %add3A_155 = arith.addi %select_n3A_88, %add3A_154 : i32
        %select_n3A_156 = arith.select %and3A_153, %add3A_155, %select_n3A_88 : i32
        %ne3A_157 = arith.cmpi ne, %add3A_97, %add3A_107 : i32
        %or3A_158 = arith.constant false
        %or3A_159 = arith.ori %or3A_158, %ne3A_157 : i1
        %or3A_160 = arith.constant false
        %or3A_161 = arith.ori %or3A_159, %or3A_160 : i1
        %or3A_162 = arith.ori %or3A_161, %eq3A_93 : i1
        %convert_element_type3A_163 = arith.extui %or3A_162 : i1 to i32
        %cond3A_164 = arith.constant 0 : i32
        %cond3A_165 = arith.cmpi ne, %convert_element_type3A_163, %cond3A_164 : i32
        scf.if %cond3A_165 {
          "tpu.trace_start"() <{level = 10 : i32, message = "ep_wait_in"}> : () -> ()
          %mul3A_288 = arith.constant 128 : i32
          %mul3A_289 = arith.muli %mul3A_288, %add3A_97 : i32
          %rem3A_290 = arith.constant 2 : i32
          %rem3A_291 = arith.remui %scan3A, %rem3A_290 : i32
          %dma_wait3A = arith.constant 0 : i32
          %dma_wait3A_292 = arith.constant 0 : i32
          %dma_wait3A_293 = tpu.memref_slice %run_scoped3A[%rem3A_291, %dma_wait3A, %dma_wait3A_292] : memref<2x128x384xf32, #tpu.memory_space<vmem>> -> memref<1x128x384xf32, #tpu.memory_space<vmem>>
          %dma_wait3A_294 = tpu.memref_squeeze %dma_wait3A_293 : memref<1x128x384xf32, #tpu.memory_space<vmem>> -> memref<128x384xf32, #tpu.memory_space<vmem>>
          %dma_wait3A_295 = arith.constant 0 : i32
          %dma_wait3A_296 = tpu.memref_slice %arg2[%mul3A_289, %dma_wait3A_295] : memref<2048x768xf32, #tpu.memory_space<hbm>> -> memref<128x384xf32, #tpu.memory_space<hbm>>
          %dma_wait3A_297 = tpu.memref_slice %run_scoped3A_8[%rem3A_291] : memref<2x!tpu.dma_semaphore, #tpu.memory_space<semaphore_mem>> -> memref<1x!tpu.dma_semaphore, #tpu.memory_space<semaphore_mem>>
          %dma_wait3A_298 = tpu.memref_squeeze %dma_wait3A_297 : memref<1x!tpu.dma_semaphore, #tpu.memory_space<semaphore_mem>> -> memref<!tpu.dma_semaphore, #tpu.memory_space<semaphore_mem>>
          %dma_wait3A_299 = arith.constant 0 : i32
          %dma_wait3A_300 = arith.constant 0 : i32
          %dma_wait3A_301 = tpu.memref_slice %run_scoped3A[%rem3A_291, %dma_wait3A_299, %dma_wait3A_300] : memref<2x128x384xf32, #tpu.memory_space<vmem>> -> memref<1x128x384xf32, #tpu.memory_space<vmem>>
          %dma_wait3A_302 = tpu.memref_squeeze %dma_wait3A_301 : memref<1x128x384xf32, #tpu.memory_space<vmem>> -> memref<128x384xf32, #tpu.memory_space<vmem>>
          %dma_wait3A_303 = arith.constant 0 : i32
          %dma_wait3A_304 = tpu.memref_slice %arg2[%mul3A_289, %dma_wait3A_303] : memref<2048x768xf32, #tpu.memory_space<hbm>> -> memref<128x384xf32, #tpu.memory_space<hbm>>
          tpu.wait_dma2 semaphore(%dma_wait3A_298 : memref<!tpu.dma_semaphore, #tpu.memory_space<semaphore_mem>>) src(%dma_wait3A_304 : memref<128x384xf32, #tpu.memory_space<hbm>>) dst(%dma_wait3A_302 : memref<128x384xf32, #tpu.memory_space<vmem>>)
          "tpu.trace_stop"() : () -> ()
        } else {
        }
        %ne3A_166 = arith.cmpi ne, %add3A_97, %add3A_107 : i32
        %or3A_167 = arith.constant false
        %or3A_168 = arith.ori %or3A_167, %ne3A_166 : i1
        %or3A_169 = arith.ori %or3A_168, %eq3A_93 : i1
        %convert_element_type3A_170 = arith.extui %or3A_169 : i1 to i32
        %cond3A_171 = arith.constant 0 : i32
        %cond3A_172 = arith.cmpi ne, %convert_element_type3A_170, %cond3A_171 : i32
        scf.if %cond3A_172 {
          "tpu.trace_start"() <{level = 10 : i32, message = "ep_wait_in"}> : () -> ()
          %mul3A_288 = arith.constant 128 : i32
          %mul3A_289 = arith.muli %mul3A_288, %add3A_97 : i32
          %rem3A_290 = arith.constant 2 : i32
          %rem3A_291 = arith.remui %scan3A_89, %rem3A_290 : i32
          %dma_wait3A = arith.constant 0 : i32
          %dma_wait3A_292 = arith.constant 0 : i32
          %dma_wait3A_293 = tpu.memref_slice %run_scoped3A_9[%rem3A_291, %dma_wait3A, %dma_wait3A_292] : memref<2x2x128xi32, #tpu.memory_space<vmem>> -> memref<1x2x128xi32, #tpu.memory_space<vmem>>
          %dma_wait3A_294 = tpu.memref_squeeze %dma_wait3A_293 : memref<1x2x128xi32, #tpu.memory_space<vmem>> -> memref<2x128xi32, #tpu.memory_space<vmem>>
          %dma_wait3A_295 = arith.constant 0 : i32
          %dma_wait3A_296 = tpu.memref_slice %arg3[%dma_wait3A_295, %mul3A_289] : memref<2x2048xi32, #tpu.memory_space<hbm>> -> memref<2x128xi32, #tpu.memory_space<hbm>>
          %dma_wait3A_297 = tpu.memref_slice %run_scoped3A_10[%rem3A_291] : memref<2x!tpu.dma_semaphore, #tpu.memory_space<semaphore_mem>> -> memref<1x!tpu.dma_semaphore, #tpu.memory_space<semaphore_mem>>
          %dma_wait3A_298 = tpu.memref_squeeze %dma_wait3A_297 : memref<1x!tpu.dma_semaphore, #tpu.memory_space<semaphore_mem>> -> memref<!tpu.dma_semaphore, #tpu.memory_space<semaphore_mem>>
          %dma_wait3A_299 = arith.constant 0 : i32
          %dma_wait3A_300 = arith.constant 0 : i32
          %dma_wait3A_301 = tpu.memref_slice %run_scoped3A_9[%rem3A_291, %dma_wait3A_299, %dma_wait3A_300] : memref<2x2x128xi32, #tpu.memory_space<vmem>> -> memref<1x2x128xi32, #tpu.memory_space<vmem>>
          %dma_wait3A_302 = tpu.memref_squeeze %dma_wait3A_301 : memref<1x2x128xi32, #tpu.memory_space<vmem>> -> memref<2x128xi32, #tpu.memory_space<vmem>>
          %dma_wait3A_303 = arith.constant 0 : i32
          %dma_wait3A_304 = tpu.memref_slice %arg3[%dma_wait3A_303, %mul3A_289] : memref<2x2048xi32, #tpu.memory_space<hbm>> -> memref<2x128xi32, #tpu.memory_space<hbm>>
          tpu.wait_dma2 semaphore(%dma_wait3A_298 : memref<!tpu.dma_semaphore, #tpu.memory_space<semaphore_mem>>) src(%dma_wait3A_304 : memref<2x128xi32, #tpu.memory_space<hbm>>) dst(%dma_wait3A_302 : memref<2x128xi32, #tpu.memory_space<vmem>>)
          "tpu.trace_stop"() : () -> ()
        } else {
        }
        %rem3A_173 = arith.constant 2 : i32
        %rem3A_174 = arith.remui %scan3A, %rem3A_173 : i32
        %rem3A_175 = arith.constant 2 : i32
        %rem3A_176 = arith.remui %scan3A_89, %rem3A_175 : i32
        %run_scoped3A_177 = arith.constant 0 : i32
        "tpu.trace_start"() <{level = 10 : i32, message = "ep_run_kernel"}> : () -> ()
        "tpu.region"() ({
          %run_scoped3A_288 = tpu.sem_alloc : memref<!tpu.dma_semaphore, #tpu.memory_space<semaphore_mem>>
          %dma_start3A_289 = arith.constant 0 : i32
          %dma_start3A_290 = arith.constant 0 : i32
          %dma_start3A_291 = tpu.memref_slice %run_scoped3A[%rem3A_174, %dma_start3A_289, %dma_start3A_290] : memref<2x128x384xf32, #tpu.memory_space<vmem>> -> memref<1x128x384xf32, #tpu.memory_space<vmem>>
          %dma_start3A_292 = tpu.memref_squeeze %dma_start3A_291 : memref<1x128x384xf32, #tpu.memory_space<vmem>> -> memref<128x384xf32, #tpu.memory_space<vmem>>
          %dma_start3A_293 = arith.constant 0 : i32
          %dma_start3A_294 = arith.constant 0 : i32
          %dma_start3A_295 = tpu.memref_slice %run_scoped3A_9[%rem3A_176, %dma_start3A_293, %dma_start3A_294] : memref<2x2x128xi32, #tpu.memory_space<vmem>> -> memref<1x2x128xi32, #tpu.memory_space<vmem>>
          %dma_start3A_296 = tpu.memref_squeeze %dma_start3A_295 : memref<1x2x128xi32, #tpu.memory_space<vmem>> -> memref<2x128xi32, #tpu.memory_space<vmem>>
          %dma_start3A_297 = arith.constant 0 : i32
          %dma_start3A_298 = tpu.memref_slice %dma_start3A_296[%run_scoped3A_177, %dma_start3A_297] : memref<2x128xi32, #tpu.memory_space<vmem>> -> memref<1x128xi32, #tpu.memory_space<vmem>>
          %dma_start3A_299 = tpu.memref_squeeze %dma_start3A_298 : memref<1x128xi32, #tpu.memory_space<vmem>> -> memref<128xi32, #tpu.memory_space<vmem>>
          %dma_start3A_300 = arith.constant 0 : i32
          %dma_start3A_301 = arith.constant 0 : i32
          %dma_start3A_302 = tpu.memref_slice %arg4[%dma_start3A_300, %dma_start3A_301] : memref<6144x384xf32, #tpu.memory_space<hbm>> -> memref<6144x384xf32, #tpu.memory_space<hbm>>
          tpu.enqueue_indirect_dma source(%dma_start3A_292 : memref<128x384xf32, #tpu.memory_space<vmem>>) target(%dma_start3A_302 : memref<6144x384xf32, #tpu.memory_space<hbm>>) offsets(%dma_start3A_299 : memref<128xi32, #tpu.memory_space<vmem>>) semaphore(%run_scoped3A_288 : memref<!tpu.dma_semaphore, #tpu.memory_space<semaphore_mem>>)
          %dma_wait3A = arith.constant 0 : i32
          %dma_wait3A_303 = arith.constant 0 : i32
          %dma_wait3A_304 = tpu.memref_slice %run_scoped3A[%rem3A_174, %dma_wait3A, %dma_wait3A_303] : memref<2x128x384xf32, #tpu.memory_space<vmem>> -> memref<1x128x384xf32, #tpu.memory_space<vmem>>
          %dma_wait3A_305 = tpu.memref_squeeze %dma_wait3A_304 : memref<1x128x384xf32, #tpu.memory_space<vmem>> -> memref<128x384xf32, #tpu.memory_space<vmem>>
          %dma_wait3A_306 = arith.constant 0 : i32
          %dma_wait3A_307 = arith.constant 0 : i32
          %dma_wait3A_308 = tpu.memref_slice %run_scoped3A_9[%rem3A_176, %dma_wait3A_306, %dma_wait3A_307] : memref<2x2x128xi32, #tpu.memory_space<vmem>> -> memref<1x2x128xi32, #tpu.memory_space<vmem>>
          %dma_wait3A_309 = tpu.memref_squeeze %dma_wait3A_308 : memref<1x2x128xi32, #tpu.memory_space<vmem>> -> memref<2x128xi32, #tpu.memory_space<vmem>>
          %dma_wait3A_310 = arith.constant 0 : i32
          %dma_wait3A_311 = tpu.memref_slice %dma_wait3A_309[%run_scoped3A_177, %dma_wait3A_310] : memref<2x128xi32, #tpu.memory_space<vmem>> -> memref<1x128xi32, #tpu.memory_space<vmem>>
          %dma_wait3A_312 = tpu.memref_squeeze %dma_wait3A_311 : memref<1x128xi32, #tpu.memory_space<vmem>> -> memref<128xi32, #tpu.memory_space<vmem>>
          %dma_wait3A_313 = arith.constant 0 : i32
          %dma_wait3A_314 = arith.constant 0 : i32
          %dma_wait3A_315 = tpu.memref_slice %arg4[%dma_wait3A_313, %dma_wait3A_314] : memref<6144x384xf32, #tpu.memory_space<hbm>> -> memref<6144x384xf32, #tpu.memory_space<hbm>>
          tpu.wait_indirect_dma semaphore(%run_scoped3A_288 : memref<!tpu.dma_semaphore, #tpu.memory_space<semaphore_mem>>) src(%dma_wait3A_305 : memref<128x384xf32, #tpu.memory_space<vmem>>) dst(%dma_wait3A_315 : memref<6144x384xf32, #tpu.memory_space<hbm>>)
          tpu.yield
        }) : () -> ()
        %run_scoped3A_178 = arith.constant 1 : i32
        "tpu.region"() ({
          %run_scoped3A_288 = tpu.sem_alloc : memref<!tpu.dma_semaphore, #tpu.memory_space<semaphore_mem>>
          %dma_start3A_289 = arith.constant 0 : i32
          %dma_start3A_290 = arith.constant 0 : i32
          %dma_start3A_291 = tpu.memref_slice %run_scoped3A[%rem3A_174, %dma_start3A_289, %dma_start3A_290] : memref<2x128x384xf32, #tpu.memory_space<vmem>> -> memref<1x128x384xf32, #tpu.memory_space<vmem>>
          %dma_start3A_292 = tpu.memref_squeeze %dma_start3A_291 : memref<1x128x384xf32, #tpu.memory_space<vmem>> -> memref<128x384xf32, #tpu.memory_space<vmem>>
          %dma_start3A_293 = arith.constant 0 : i32
          %dma_start3A_294 = arith.constant 0 : i32
          %dma_start3A_295 = tpu.memref_slice %run_scoped3A_9[%rem3A_176, %dma_start3A_293, %dma_start3A_294] : memref<2x2x128xi32, #tpu.memory_space<vmem>> -> memref<1x2x128xi32, #tpu.memory_space<vmem>>
          %dma_start3A_296 = tpu.memref_squeeze %dma_start3A_295 : memref<1x2x128xi32, #tpu.memory_space<vmem>> -> memref<2x128xi32, #tpu.memory_space<vmem>>
          %dma_start3A_297 = arith.constant 0 : i32
          %dma_start3A_298 = tpu.memref_slice %dma_start3A_296[%run_scoped3A_178, %dma_start3A_297] : memref<2x128xi32, #tpu.memory_space<vmem>> -> memref<1x128xi32, #tpu.memory_space<vmem>>
          %dma_start3A_299 = tpu.memref_squeeze %dma_start3A_298 : memref<1x128xi32, #tpu.memory_space<vmem>> -> memref<128xi32, #tpu.memory_space<vmem>>
          %dma_start3A_300 = arith.constant 0 : i32
          %dma_start3A_301 = arith.constant 0 : i32
          %dma_start3A_302 = tpu.memref_slice %arg4[%dma_start3A_300, %dma_start3A_301] : memref<6144x384xf32, #tpu.memory_space<hbm>> -> memref<6144x384xf32, #tpu.memory_space<hbm>>
          tpu.enqueue_indirect_dma source(%dma_start3A_292 : memref<128x384xf32, #tpu.memory_space<vmem>>) target(%dma_start3A_302 : memref<6144x384xf32, #tpu.memory_space<hbm>>) offsets(%dma_start3A_299 : memref<128xi32, #tpu.memory_space<vmem>>) semaphore(%run_scoped3A_288 : memref<!tpu.dma_semaphore, #tpu.memory_space<semaphore_mem>>)
          %dma_wait3A = arith.constant 0 : i32
          %dma_wait3A_303 = arith.constant 0 : i32
          %dma_wait3A_304 = tpu.memref_slice %run_scoped3A[%rem3A_174, %dma_wait3A, %dma_wait3A_303] : memref<2x128x384xf32, #tpu.memory_space<vmem>> -> memref<1x128x384xf32, #tpu.memory_space<vmem>>
          %dma_wait3A_305 = tpu.memref_squeeze %dma_wait3A_304 : memref<1x128x384xf32, #tpu.memory_space<vmem>> -> memref<128x384xf32, #tpu.memory_space<vmem>>
          %dma_wait3A_306 = arith.constant 0 : i32
          %dma_wait3A_307 = arith.constant 0 : i32
          %dma_wait3A_308 = tpu.memref_slice %run_scoped3A_9[%rem3A_176, %dma_wait3A_306, %dma_wait3A_307] : memref<2x2x128xi32, #tpu.memory_space<vmem>> -> memref<1x2x128xi32, #tpu.memory_space<vmem>>
          %dma_wait3A_309 = tpu.memref_squeeze %dma_wait3A_308 : memref<1x2x128xi32, #tpu.memory_space<vmem>> -> memref<2x128xi32, #tpu.memory_space<vmem>>
          %dma_wait3A_310 = arith.constant 0 : i32
          %dma_wait3A_311 = tpu.memref_slice %dma_wait3A_309[%run_scoped3A_178, %dma_wait3A_310] : memref<2x128xi32, #tpu.memory_space<vmem>> -> memref<1x128xi32, #tpu.memory_space<vmem>>
          %dma_wait3A_312 = tpu.memref_squeeze %dma_wait3A_311 : memref<1x128xi32, #tpu.memory_space<vmem>> -> memref<128xi32, #tpu.memory_space<vmem>>
          %dma_wait3A_313 = arith.constant 0 : i32
          %dma_wait3A_314 = arith.constant 0 : i32
          %dma_wait3A_315 = tpu.memref_slice %arg4[%dma_wait3A_313, %dma_wait3A_314] : memref<6144x384xf32, #tpu.memory_space<hbm>> -> memref<6144x384xf32, #tpu.memory_space<hbm>>
          tpu.wait_indirect_dma semaphore(%run_scoped3A_288 : memref<!tpu.dma_semaphore, #tpu.memory_space<semaphore_mem>>) src(%dma_wait3A_305 : memref<128x384xf32, #tpu.memory_space<vmem>>) dst(%dma_wait3A_315 : memref<6144x384xf32, #tpu.memory_space<hbm>>)
          tpu.yield
        }) : () -> ()
        "tpu.trace_stop"() : () -> ()
        %ne3A_179 = arith.cmpi ne, %add3A_97, %add3A_117 : i32
        %or3A_180 = arith.constant false
        %or3A_181 = arith.ori %or3A_180, %ne3A_179 : i1
        %or3A_182 = arith.constant false
        %or3A_183 = arith.ori %or3A_181, %or3A_182 : i1
        %or3A_184 = arith.ori %or3A_183, %eq3A_95 : i1
        %convert_element_type3A_185 = arith.extui %or3A_184 : i1 to i32
        %cond3A_186 = arith.constant 0 : i32
        %cond3A_187 = arith.cmpi ne, %convert_element_type3A_185, %cond3A_186 : i32
        scf.if %cond3A_187 {
        } else {
        }
        %and3A_188 = arith.constant false
        %and3A_189 = arith.andi %or3A_184, %and3A_188 : i1
        %ne3A_190 = arith.cmpi ne, %add3A_97, %add3A_117 : i32
        %or3A_191 = arith.constant false
        %or3A_192 = arith.ori %or3A_191, %ne3A_190 : i1
        %or3A_193 = arith.ori %or3A_192, %eq3A_95 : i1
        %convert_element_type3A_194 = arith.extui %or3A_193 : i1 to i32
        %cond3A_195 = arith.constant 0 : i32
        %cond3A_196 = arith.cmpi ne, %convert_element_type3A_194, %cond3A_195 : i32
        scf.if %cond3A_196 {
        } else {
        }
        %and3A_197 = arith.constant false
        %and3A_198 = arith.andi %or3A_193, %and3A_197 : i1
        %ne3A_199 = arith.cmpi ne, %add3A_97, %add3A_107 : i32
        %or3A_200 = arith.constant false
        %or3A_201 = arith.ori %or3A_200, %ne3A_199 : i1
        %or3A_202 = arith.constant false
        %or3A_203 = arith.ori %or3A_201, %or3A_202 : i1
        %not3A_204 = arith.constant true
        %not3A_205 = arith.xori %eq3A_93, %not3A_204 : i1
        %and3A_206 = arith.andi %or3A_203, %not3A_205 : i1
        %convert_element_type3A_207 = arith.extui %and3A_206 : i1 to i32
        %cond3A_208 = arith.constant 0 : i32
        %cond3A_209 = arith.cmpi ne, %convert_element_type3A_207, %cond3A_208 : i32
        scf.if %cond3A_209 {
        } else {
        }
        %and3A_210 = arith.constant false
        %and3A_211 = arith.andi %and3A_206, %and3A_210 : i1
        %ne3A_212 = arith.cmpi ne, %add3A_97, %add3A_107 : i32
        %or3A_213 = arith.constant false
        %or3A_214 = arith.ori %or3A_213, %ne3A_212 : i1
        %not3A_215 = arith.constant true
        %not3A_216 = arith.xori %eq3A_93, %not3A_215 : i1
        %and3A_217 = arith.andi %or3A_214, %not3A_216 : i1
        %convert_element_type3A_218 = arith.extui %and3A_217 : i1 to i32
        %cond3A_219 = arith.constant 0 : i32
        %cond3A_220 = arith.cmpi ne, %convert_element_type3A_218, %cond3A_219 : i32
        scf.if %cond3A_220 {
        } else {
        }
        %and3A_221 = arith.constant false
        %and3A_222 = arith.andi %and3A_217, %and3A_221 : i1
        %ne3A_223 = arith.cmpi ne, %add3A_97, %add3A_117 : i32
        %or3A_224 = arith.constant false
        %or3A_225 = arith.ori %or3A_224, %ne3A_223 : i1
        %or3A_226 = arith.constant false
        %or3A_227 = arith.ori %or3A_225, %or3A_226 : i1
        %or3A_228 = arith.ori %or3A_227, %eq3A_95 : i1
        %add3A_229 = arith.constant 1 : i32
        %add3A_230 = arith.addi %scan3A, %add3A_229 : i32
        %select_n3A_231 = arith.select %or3A_228, %add3A_230, %scan3A : i32
        %ne3A_232 = arith.cmpi ne, %add3A_97, %add3A_117 : i32
        %or3A_233 = arith.constant false
        %or3A_234 = arith.ori %or3A_233, %ne3A_232 : i1
        %or3A_235 = arith.ori %or3A_234, %eq3A_95 : i1
        %add3A_236 = arith.constant 1 : i32
        %add3A_237 = arith.addi %scan3A_89, %add3A_236 : i32
        %select_n3A_238 = arith.select %or3A_235, %add3A_237, %scan3A_89 : i32
        %select_n3A_239 = arith.constant true
        %select_n3A_240 = arith.constant 0 : i32
        %select_n3A_241 = arith.constant 1 : i32
        %select_n3A_242 = arith.select %select_n3A_239, %select_n3A_241, %select_n3A_240 : i32
        %eq3A_243 = arith.constant 1 : i32
        %eq3A_244 = arith.cmpi eq, %select_n3A_242, %eq3A_243 : i32
        %select_n3A_245 = arith.constant 0 : i32
        %select_n3A_246 = arith.select %eq3A_244, %select_n3A_245, %select_n3A_242 : i32
        %scan3A_247 = arith.constant 0 : i32
        %scan3A_248 = arith.constant 1 : i32
        %sub3A = arith.constant 1 : i32
        %sub3A_249 = arith.subi %scan3A_247, %sub3A : i32
        %select_n3A_250 = arith.constant true
        %select_n3A_251 = arith.select %select_n3A_250, %sub3A_249, %scan3A_247 : i32
        %eq3A_252 = arith.constant -1 : i32
        %eq3A_253 = arith.cmpi eq, %select_n3A_251, %eq3A_252 : i32
        %select_n3A_254 = arith.constant 0 : i32
        %select_n3A_255 = arith.select %eq3A_253, %select_n3A_254, %select_n3A_251 : i32
        %add3A_256 = arith.constant 0 : i32
        %add3A_257 = arith.addi %add3A_256, %mul3A_7 : i32
        %select_n3A_258 = arith.constant true
        %select_n3A_259 = arith.constant 0 : i32
        %select_n3A_260 = arith.constant -1 : i32
        %select_n3A_261 = arith.select %select_n3A_258, %select_n3A_260, %select_n3A_259 : i32
        %eq3A_262 = arith.constant -1 : i32
        %eq3A_263 = arith.cmpi eq, %select_n3A_261, %eq3A_262 : i32
        %select_n3A_264 = arith.constant 0 : i32
        %select_n3A_265 = arith.select %eq3A_263, %select_n3A_264, %select_n3A_261 : i32
        %add3A_266 = arith.constant 0 : i32
        %add3A_267 = arith.addi %add3A_266, %mul3A_7 : i32
        %select_n3A_268 = arith.constant true
        %select_n3A_269 = arith.constant 0 : i32
        %select_n3A_270 = arith.constant 1 : i32
        %select_n3A_271 = arith.select %select_n3A_268, %select_n3A_270, %select_n3A_269 : i32
        %eq3A_272 = arith.constant 1 : i32
        %eq3A_273 = arith.cmpi eq, %select_n3A_271, %eq3A_272 : i32
        %select_n3A_274 = arith.constant 0 : i32
        %select_n3A_275 = arith.select %eq3A_273, %select_n3A_274, %select_n3A_271 : i32
        %add3A_276 = arith.constant 0 : i32
        %add3A_277 = arith.addi %add3A_276, %mul3A_7 : i32
        %select_n3A_278 = arith.constant true
        %select_n3A_279 = arith.constant 0 : i32
        %select_n3A_280 = arith.constant 1 : i32
        %select_n3A_281 = arith.select %select_n3A_278, %select_n3A_280, %select_n3A_279 : i32
        %eq3A_282 = arith.constant 1 : i32
        %eq3A_283 = arith.cmpi eq, %select_n3A_281, %eq3A_282 : i32
        %select_n3A_284 = arith.constant 0 : i32
        %select_n3A_285 = arith.select %eq3A_283, %select_n3A_284, %select_n3A_281 : i32
        %add3A_286 = arith.constant 0 : i32
        %add3A_287 = arith.addi %add3A_286, %mul3A_7 : i32
        tpu.yield
      }) : () -> ()
    } else {
    }
    %eq3A_2 = arith.constant 1 : i32
    %eq3A_3 = arith.cmpi eq, %arg0, %eq3A_2 : i32
    %convert_element_type3A_4 = arith.extui %eq3A_3 : i1 to i32
    %cond3A_5 = arith.constant 0 : i32
    %cond3A_6 = arith.cmpi ne, %convert_element_type3A_4, %cond3A_5 : i32
    scf.if %cond3A_6 {
      %mul3A = arith.constant 1 : i32
      %mul3A_7 = arith.muli %arg1, %mul3A : i32
      "tpu.region"() ({
        %run_scoped3A = memref.alloca() : memref<2x128x384xf32, #tpu.memory_space<vmem>>
        %run_scoped3A_8 = tpu.sem_alloc : memref<2x!tpu.dma_semaphore, #tpu.memory_space<semaphore_mem>>
        %run_scoped3A_9 = memref.alloca() : memref<2x2x128xi32, #tpu.memory_space<vmem>>
        %run_scoped3A_10 = tpu.sem_alloc : memref<2x!tpu.dma_semaphore, #tpu.memory_space<semaphore_mem>>
        %add3A = arith.constant 0 : i32
        %add3A_11 = arith.addi %add3A, %mul3A_7 : i32
        %select_n3A = arith.constant true
        %select_n3A_12 = arith.constant 0 : i32
        %select_n3A_13 = arith.constant -1 : i32
        %select_n3A_14 = arith.select %select_n3A, %select_n3A_13, %select_n3A_12 : i32
        %eq3A_15 = arith.constant -1 : i32
        %eq3A_16 = arith.cmpi eq, %select_n3A_14, %eq3A_15 : i32
        %select_n3A_17 = arith.constant 0 : i32
        %select_n3A_18 = arith.select %eq3A_16, %select_n3A_17, %select_n3A_14 : i32
        %add3A_19 = arith.constant 0 : i32
        %add3A_20 = arith.addi %add3A_19, %mul3A_7 : i32
        %select_n3A_21 = arith.constant true
        %select_n3A_22 = arith.constant 0 : i32
        %select_n3A_23 = arith.constant 1 : i32
        %select_n3A_24 = arith.select %select_n3A_21, %select_n3A_23, %select_n3A_22 : i32
        %eq3A_25 = arith.constant 1 : i32
        %eq3A_26 = arith.cmpi eq, %select_n3A_24, %eq3A_25 : i32
        %select_n3A_27 = arith.constant 0 : i32
        %select_n3A_28 = arith.select %eq3A_26, %select_n3A_27, %select_n3A_24 : i32
        %add3A_29 = arith.constant 0 : i32
        %add3A_30 = arith.addi %add3A_29, %mul3A_7 : i32
        %select_n3A_31 = arith.constant true
        %select_n3A_32 = arith.constant 0 : i32
        %select_n3A_33 = arith.constant 1 : i32
        %select_n3A_34 = arith.select %select_n3A_31, %select_n3A_33, %select_n3A_32 : i32
        %eq3A_35 = arith.constant 1 : i32
        %eq3A_36 = arith.cmpi eq, %select_n3A_34, %eq3A_35 : i32
        %select_n3A_37 = arith.constant 0 : i32
        %select_n3A_38 = arith.select %eq3A_36, %select_n3A_37, %select_n3A_34 : i32
        %add3A_39 = arith.constant 0 : i32
        %add3A_40 = arith.addi %add3A_39, %mul3A_7 : i32
        "tpu.trace_start"() <{level = 10 : i32, message = "ep_initialize_0"}> : () -> ()
        %rem3A = arith.constant 0 : i32
        %rem3A_41 = arith.constant 2 : i32
        %rem3A_42 = arith.remui %rem3A, %rem3A_41 : i32
        %mul3A_43 = arith.constant 128 : i32
        %mul3A_44 = arith.muli %mul3A_43, %add3A_11 : i32
        %dma_start3A = arith.constant 0 : i32
        %dma_start3A_45 = arith.constant 0 : i32
        %dma_start3A_46 = tpu.memref_slice %run_scoped3A[%rem3A_42, %dma_start3A, %dma_start3A_45] : memref<2x128x384xf32, #tpu.memory_space<vmem>> -> memref<1x128x384xf32, #tpu.memory_space<vmem>>
        %dma_start3A_47 = tpu.memref_squeeze %dma_start3A_46 : memref<1x128x384xf32, #tpu.memory_space<vmem>> -> memref<128x384xf32, #tpu.memory_space<vmem>>
        %dma_start3A_48 = arith.constant 384 : i32
        %dma_start3A_49 = tpu.memref_slice %arg2[%mul3A_44, %dma_start3A_48] : memref<2048x768xf32, #tpu.memory_space<hbm>> -> memref<128x384xf32, #tpu.memory_space<hbm>>
        %dma_start3A_50 = tpu.memref_slice %run_scoped3A_8[%rem3A_42] : memref<2x!tpu.dma_semaphore, #tpu.memory_space<semaphore_mem>> -> memref<1x!tpu.dma_semaphore, #tpu.memory_space<semaphore_mem>>
        %dma_start3A_51 = tpu.memref_squeeze %dma_start3A_50 : memref<1x!tpu.dma_semaphore, #tpu.memory_space<semaphore_mem>> -> memref<!tpu.dma_semaphore, #tpu.memory_space<semaphore_mem>>
        %dma_start3A_52 = arith.constant 0 : i32
        %dma_start3A_53 = arith.constant 0 : i32
        %dma_start3A_54 = tpu.memref_slice %run_scoped3A[%rem3A_42, %dma_start3A_52, %dma_start3A_53] : memref<2x128x384xf32, #tpu.memory_space<vmem>> -> memref<1x128x384xf32, #tpu.memory_space<vmem>>
        %dma_start3A_55 = tpu.memref_squeeze %dma_start3A_54 : memref<1x128x384xf32, #tpu.memory_space<vmem>> -> memref<128x384xf32, #tpu.memory_space<vmem>>
        %dma_start3A_56 = arith.constant 384 : i32
        %dma_start3A_57 = tpu.memref_slice %arg2[%mul3A_44, %dma_start3A_56] : memref<2048x768xf32, #tpu.memory_space<hbm>> -> memref<128x384xf32, #tpu.memory_space<hbm>>
        tpu.enqueue_dma source(%dma_start3A_57 : memref<128x384xf32, #tpu.memory_space<hbm>>) target(%dma_start3A_55 : memref<128x384xf32, #tpu.memory_space<vmem>>) target_semaphore(%dma_start3A_51 : memref<!tpu.dma_semaphore, #tpu.memory_space<semaphore_mem>>)
        %add3A_58 = arith.constant 0 : i32
        %add3A_59 = arith.constant 1 : i32
        %add3A_60 = arith.addi %add3A_58, %add3A_59 : i32
        %select_n3A_61 = arith.constant true
        %select_n3A_62 = arith.constant 0 : i32
        %select_n3A_63 = arith.select %select_n3A_61, %add3A_60, %select_n3A_62 : i32
        %rem3A_64 = arith.constant 0 : i32
        %rem3A_65 = arith.constant 2 : i32
        %rem3A_66 = arith.remui %rem3A_64, %rem3A_65 : i32
        %mul3A_67 = arith.constant 128 : i32
        %mul3A_68 = arith.muli %mul3A_67, %add3A_11 : i32
        %dma_start3A_69 = arith.constant 0 : i32
        %dma_start3A_70 = arith.constant 0 : i32
        %dma_start3A_71 = tpu.memref_slice %run_scoped3A_9[%rem3A_66, %dma_start3A_69, %dma_start3A_70] : memref<2x2x128xi32, #tpu.memory_space<vmem>> -> memref<1x2x128xi32, #tpu.memory_space<vmem>>
        %dma_start3A_72 = tpu.memref_squeeze %dma_start3A_71 : memref<1x2x128xi32, #tpu.memory_space<vmem>> -> memref<2x128xi32, #tpu.memory_space<vmem>>
        %dma_start3A_73 = arith.constant 0 : i32
        %dma_start3A_74 = tpu.memref_slice %arg3[%dma_start3A_73, %mul3A_68] : memref<2x2048xi32, #tpu.memory_space<hbm>> -> memref<2x128xi32, #tpu.memory_space<hbm>>
        %dma_start3A_75 = tpu.memref_slice %run_scoped3A_10[%rem3A_66] : memref<2x!tpu.dma_semaphore, #tpu.memory_space<semaphore_mem>> -> memref<1x!tpu.dma_semaphore, #tpu.memory_space<semaphore_mem>>
        %dma_start3A_76 = tpu.memref_squeeze %dma_start3A_75 : memref<1x!tpu.dma_semaphore, #tpu.memory_space<semaphore_mem>> -> memref<!tpu.dma_semaphore, #tpu.memory_space<semaphore_mem>>
        %dma_start3A_77 = arith.constant 0 : i32
        %dma_start3A_78 = arith.constant 0 : i32
        %dma_start3A_79 = tpu.memref_slice %run_scoped3A_9[%rem3A_66, %dma_start3A_77, %dma_start3A_78] : memref<2x2x128xi32, #tpu.memory_space<vmem>> -> memref<1x2x128xi32, #tpu.memory_space<vmem>>
        %dma_start3A_80 = tpu.memref_squeeze %dma_start3A_79 : memref<1x2x128xi32, #tpu.memory_space<vmem>> -> memref<2x128xi32, #tpu.memory_space<vmem>>
        %dma_start3A_81 = arith.constant 0 : i32
        %dma_start3A_82 = tpu.memref_slice %arg3[%dma_start3A_81, %mul3A_68] : memref<2x2048xi32, #tpu.memory_space<hbm>> -> memref<2x128xi32, #tpu.memory_space<hbm>>
        tpu.enqueue_dma source(%dma_start3A_82 : memref<2x128xi32, #tpu.memory_space<hbm>>) target(%dma_start3A_80 : memref<2x128xi32, #tpu.memory_space<vmem>>) target_semaphore(%dma_start3A_76 : memref<!tpu.dma_semaphore, #tpu.memory_space<semaphore_mem>>)
        %add3A_83 = arith.constant 0 : i32
        %add3A_84 = arith.constant 1 : i32
        %add3A_85 = arith.addi %add3A_83, %add3A_84 : i32
        %select_n3A_86 = arith.constant true
        %select_n3A_87 = arith.constant 0 : i32
        %select_n3A_88 = arith.select %select_n3A_86, %add3A_85, %select_n3A_87 : i32
        "tpu.trace_stop"() : () -> ()
        %scan3A = arith.constant 0 : i32
        %scan3A_89 = arith.constant 0 : i32
        %scan3A_90 = arith.constant 0 : i32
        %scan3A_91 = arith.constant 0 : i32
        %eq3A_92 = arith.constant 0 : i32
        %eq3A_93 = arith.cmpi eq, %scan3A_91, %eq3A_92 : i32
        %eq3A_94 = arith.constant 0 : i32
        %eq3A_95 = arith.cmpi eq, %scan3A_91, %eq3A_94 : i32
        %add3A_96 = arith.constant 0 : i32
        %add3A_97 = arith.addi %add3A_96, %mul3A_7 : i32
        %select_n3A_98 = arith.constant true
        %select_n3A_99 = arith.constant 0 : i32
        %select_n3A_100 = arith.constant -1 : i32
        %select_n3A_101 = arith.select %select_n3A_98, %select_n3A_100, %select_n3A_99 : i32
        %eq3A_102 = arith.constant -1 : i32
        %eq3A_103 = arith.cmpi eq, %select_n3A_101, %eq3A_102 : i32
        %select_n3A_104 = arith.constant 0 : i32
        %select_n3A_105 = arith.select %eq3A_103, %select_n3A_104, %select_n3A_101 : i32
        %add3A_106 = arith.constant 0 : i32
        %add3A_107 = arith.addi %add3A_106, %mul3A_7 : i32
        %select_n3A_108 = arith.constant true
        %select_n3A_109 = arith.constant 0 : i32
        %select_n3A_110 = arith.constant 1 : i32
        %select_n3A_111 = arith.select %select_n3A_108, %select_n3A_110, %select_n3A_109 : i32
        %eq3A_112 = arith.constant 1 : i32
        %eq3A_113 = arith.cmpi eq, %select_n3A_111, %eq3A_112 : i32
        %select_n3A_114 = arith.constant 0 : i32
        %select_n3A_115 = arith.select %eq3A_113, %select_n3A_114, %select_n3A_111 : i32
        %add3A_116 = arith.constant 0 : i32
        %add3A_117 = arith.addi %add3A_116, %mul3A_7 : i32
        %select_n3A_118 = arith.constant true
        %select_n3A_119 = arith.constant 0 : i32
        %select_n3A_120 = arith.constant 1 : i32
        %select_n3A_121 = arith.select %select_n3A_118, %select_n3A_120, %select_n3A_119 : i32
        %eq3A_122 = arith.constant 1 : i32
        %eq3A_123 = arith.cmpi eq, %select_n3A_121, %eq3A_122 : i32
        %select_n3A_124 = arith.constant 0 : i32
        %select_n3A_125 = arith.select %eq3A_123, %select_n3A_124, %select_n3A_121 : i32
        %add3A_126 = arith.constant 0 : i32
        %add3A_127 = arith.addi %add3A_126, %mul3A_7 : i32
        %ne3A = arith.cmpi ne, %add3A_97, %add3A_117 : i32
        %or3A = arith.constant false
        %or3A_128 = arith.ori %or3A, %ne3A : i1
        %or3A_129 = arith.constant false
        %or3A_130 = arith.ori %or3A_128, %or3A_129 : i1
        %ge3A = arith.constant 0 : i32
        %ge3A_131 = arith.cmpi sge, %scan3A_91, %ge3A : i32
        %not3A = arith.constant true
        %not3A_132 = arith.xori %ge3A_131, %not3A : i1
        %and3A = arith.andi %or3A_130, %not3A_132 : i1
        %convert_element_type3A_133 = arith.extui %and3A : i1 to i32
        %cond3A_134 = arith.constant 0 : i32
        %cond3A_135 = arith.cmpi ne, %convert_element_type3A_133, %cond3A_134 : i32
        scf.if %cond3A_135 {
          "tpu.trace_start"() <{level = 10 : i32, message = "ep_copy_in"}> : () -> ()
          %rem3A_288 = arith.constant 2 : i32
          %rem3A_289 = arith.remui %select_n3A_63, %rem3A_288 : i32
          %mul3A_290 = arith.constant 128 : i32
          %mul3A_291 = arith.muli %mul3A_290, %add3A_117 : i32
          %dma_start3A_292 = arith.constant 0 : i32
          %dma_start3A_293 = arith.constant 0 : i32
          %dma_start3A_294 = tpu.memref_slice %run_scoped3A[%rem3A_289, %dma_start3A_292, %dma_start3A_293] : memref<2x128x384xf32, #tpu.memory_space<vmem>> -> memref<1x128x384xf32, #tpu.memory_space<vmem>>
          %dma_start3A_295 = tpu.memref_squeeze %dma_start3A_294 : memref<1x128x384xf32, #tpu.memory_space<vmem>> -> memref<128x384xf32, #tpu.memory_space<vmem>>
          %dma_start3A_296 = arith.constant 384 : i32
          %dma_start3A_297 = tpu.memref_slice %arg2[%mul3A_291, %dma_start3A_296] : memref<2048x768xf32, #tpu.memory_space<hbm>> -> memref<128x384xf32, #tpu.memory_space<hbm>>
          %dma_start3A_298 = tpu.memref_slice %run_scoped3A_8[%rem3A_289] : memref<2x!tpu.dma_semaphore, #tpu.memory_space<semaphore_mem>> -> memref<1x!tpu.dma_semaphore, #tpu.memory_space<semaphore_mem>>
          %dma_start3A_299 = tpu.memref_squeeze %dma_start3A_298 : memref<1x!tpu.dma_semaphore, #tpu.memory_space<semaphore_mem>> -> memref<!tpu.dma_semaphore, #tpu.memory_space<semaphore_mem>>
          %dma_start3A_300 = arith.constant 0 : i32
          %dma_start3A_301 = arith.constant 0 : i32
          %dma_start3A_302 = tpu.memref_slice %run_scoped3A[%rem3A_289, %dma_start3A_300, %dma_start3A_301] : memref<2x128x384xf32, #tpu.memory_space<vmem>> -> memref<1x128x384xf32, #tpu.memory_space<vmem>>
          %dma_start3A_303 = tpu.memref_squeeze %dma_start3A_302 : memref<1x128x384xf32, #tpu.memory_space<vmem>> -> memref<128x384xf32, #tpu.memory_space<vmem>>
          %dma_start3A_304 = arith.constant 384 : i32
          %dma_start3A_305 = tpu.memref_slice %arg2[%mul3A_291, %dma_start3A_304] : memref<2048x768xf32, #tpu.memory_space<hbm>> -> memref<128x384xf32, #tpu.memory_space<hbm>>
          tpu.enqueue_dma source(%dma_start3A_305 : memref<128x384xf32, #tpu.memory_space<hbm>>) target(%dma_start3A_303 : memref<128x384xf32, #tpu.memory_space<vmem>>) target_semaphore(%dma_start3A_299 : memref<!tpu.dma_semaphore, #tpu.memory_space<semaphore_mem>>)
          "tpu.trace_stop"() : () -> ()
        } else {
        }
        %and3A_136 = arith.constant true
        %and3A_137 = arith.andi %and3A, %and3A_136 : i1
        %add3A_138 = arith.constant 1 : i32
        %add3A_139 = arith.addi %select_n3A_63, %add3A_138 : i32
        %select_n3A_140 = arith.select %and3A_137, %add3A_139, %select_n3A_63 : i32
        %ne3A_141 = arith.cmpi ne, %add3A_97, %add3A_117 : i32
        %or3A_142 = arith.constant false
        %or3A_143 = arith.ori %or3A_142, %ne3A_141 : i1
        %ge3A_144 = arith.constant 0 : i32
        %ge3A_145 = arith.cmpi sge, %scan3A_91, %ge3A_144 : i32
        %not3A_146 = arith.constant true
        %not3A_147 = arith.xori %ge3A_145, %not3A_146 : i1
        %and3A_148 = arith.andi %or3A_143, %not3A_147 : i1
        %convert_element_type3A_149 = arith.extui %and3A_148 : i1 to i32
        %cond3A_150 = arith.constant 0 : i32
        %cond3A_151 = arith.cmpi ne, %convert_element_type3A_149, %cond3A_150 : i32
        scf.if %cond3A_151 {
          "tpu.trace_start"() <{level = 10 : i32, message = "ep_copy_in"}> : () -> ()
          %rem3A_288 = arith.constant 2 : i32
          %rem3A_289 = arith.remui %select_n3A_88, %rem3A_288 : i32
          %mul3A_290 = arith.constant 128 : i32
          %mul3A_291 = arith.muli %mul3A_290, %add3A_117 : i32
          %dma_start3A_292 = arith.constant 0 : i32
          %dma_start3A_293 = arith.constant 0 : i32
          %dma_start3A_294 = tpu.memref_slice %run_scoped3A_9[%rem3A_289, %dma_start3A_292, %dma_start3A_293] : memref<2x2x128xi32, #tpu.memory_space<vmem>> -> memref<1x2x128xi32, #tpu.memory_space<vmem>>
          %dma_start3A_295 = tpu.memref_squeeze %dma_start3A_294 : memref<1x2x128xi32, #tpu.memory_space<vmem>> -> memref<2x128xi32, #tpu.memory_space<vmem>>
          %dma_start3A_296 = arith.constant 0 : i32
          %dma_start3A_297 = tpu.memref_slice %arg3[%dma_start3A_296, %mul3A_291] : memref<2x2048xi32, #tpu.memory_space<hbm>> -> memref<2x128xi32, #tpu.memory_space<hbm>>
          %dma_start3A_298 = tpu.memref_slice %run_scoped3A_10[%rem3A_289] : memref<2x!tpu.dma_semaphore, #tpu.memory_space<semaphore_mem>> -> memref<1x!tpu.dma_semaphore, #tpu.memory_space<semaphore_mem>>
          %dma_start3A_299 = tpu.memref_squeeze %dma_start3A_298 : memref<1x!tpu.dma_semaphore, #tpu.memory_space<semaphore_mem>> -> memref<!tpu.dma_semaphore, #tpu.memory_space<semaphore_mem>>
          %dma_start3A_300 = arith.constant 0 : i32
          %dma_start3A_301 = arith.constant 0 : i32
          %dma_start3A_302 = tpu.memref_slice %run_scoped3A_9[%rem3A_289, %dma_start3A_300, %dma_start3A_301] : memref<2x2x128xi32, #tpu.memory_space<vmem>> -> memref<1x2x128xi32, #tpu.memory_space<vmem>>
          %dma_start3A_303 = tpu.memref_squeeze %dma_start3A_302 : memref<1x2x128xi32, #tpu.memory_space<vmem>> -> memref<2x128xi32, #tpu.memory_space<vmem>>
          %dma_start3A_304 = arith.constant 0 : i32
          %dma_start3A_305 = tpu.memref_slice %arg3[%dma_start3A_304, %mul3A_291] : memref<2x2048xi32, #tpu.memory_space<hbm>> -> memref<2x128xi32, #tpu.memory_space<hbm>>
          tpu.enqueue_dma source(%dma_start3A_305 : memref<2x128xi32, #tpu.memory_space<hbm>>) target(%dma_start3A_303 : memref<2x128xi32, #tpu.memory_space<vmem>>) target_semaphore(%dma_start3A_299 : memref<!tpu.dma_semaphore, #tpu.memory_space<semaphore_mem>>)
          "tpu.trace_stop"() : () -> ()
        } else {
        }
        %and3A_152 = arith.constant true
        %and3A_153 = arith.andi %and3A_148, %and3A_152 : i1
        %add3A_154 = arith.constant 1 : i32
        %add3A_155 = arith.addi %select_n3A_88, %add3A_154 : i32
        %select_n3A_156 = arith.select %and3A_153, %add3A_155, %select_n3A_88 : i32
        %ne3A_157 = arith.cmpi ne, %add3A_97, %add3A_107 : i32
        %or3A_158 = arith.constant false
        %or3A_159 = arith.ori %or3A_158, %ne3A_157 : i1
        %or3A_160 = arith.constant false
        %or3A_161 = arith.ori %or3A_159, %or3A_160 : i1
        %or3A_162 = arith.ori %or3A_161, %eq3A_93 : i1
        %convert_element_type3A_163 = arith.extui %or3A_162 : i1 to i32
        %cond3A_164 = arith.constant 0 : i32
        %cond3A_165 = arith.cmpi ne, %convert_element_type3A_163, %cond3A_164 : i32
        scf.if %cond3A_165 {
          "tpu.trace_start"() <{level = 10 : i32, message = "ep_wait_in"}> : () -> ()
          %mul3A_288 = arith.constant 128 : i32
          %mul3A_289 = arith.muli %mul3A_288, %add3A_97 : i32
          %rem3A_290 = arith.constant 2 : i32
          %rem3A_291 = arith.remui %scan3A, %rem3A_290 : i32
          %dma_wait3A = arith.constant 0 : i32
          %dma_wait3A_292 = arith.constant 0 : i32
          %dma_wait3A_293 = tpu.memref_slice %run_scoped3A[%rem3A_291, %dma_wait3A, %dma_wait3A_292] : memref<2x128x384xf32, #tpu.memory_space<vmem>> -> memref<1x128x384xf32, #tpu.memory_space<vmem>>
          %dma_wait3A_294 = tpu.memref_squeeze %dma_wait3A_293 : memref<1x128x384xf32, #tpu.memory_space<vmem>> -> memref<128x384xf32, #tpu.memory_space<vmem>>
          %dma_wait3A_295 = arith.constant 384 : i32
          %dma_wait3A_296 = tpu.memref_slice %arg2[%mul3A_289, %dma_wait3A_295] : memref<2048x768xf32, #tpu.memory_space<hbm>> -> memref<128x384xf32, #tpu.memory_space<hbm>>
          %dma_wait3A_297 = tpu.memref_slice %run_scoped3A_8[%rem3A_291] : memref<2x!tpu.dma_semaphore, #tpu.memory_space<semaphore_mem>> -> memref<1x!tpu.dma_semaphore, #tpu.memory_space<semaphore_mem>>
          %dma_wait3A_298 = tpu.memref_squeeze %dma_wait3A_297 : memref<1x!tpu.dma_semaphore, #tpu.memory_space<semaphore_mem>> -> memref<!tpu.dma_semaphore, #tpu.memory_space<semaphore_mem>>
          %dma_wait3A_299 = arith.constant 0 : i32
          %dma_wait3A_300 = arith.constant 0 : i32
          %dma_wait3A_301 = tpu.memref_slice %run_scoped3A[%rem3A_291, %dma_wait3A_299, %dma_wait3A_300] : memref<2x128x384xf32, #tpu.memory_space<vmem>> -> memref<1x128x384xf32, #tpu.memory_space<vmem>>
          %dma_wait3A_302 = tpu.memref_squeeze %dma_wait3A_301 : memref<1x128x384xf32, #tpu.memory_space<vmem>> -> memref<128x384xf32, #tpu.memory_space<vmem>>
          %dma_wait3A_303 = arith.constant 384 : i32
          %dma_wait3A_304 = tpu.memref_slice %arg2[%mul3A_289, %dma_wait3A_303] : memref<2048x768xf32, #tpu.memory_space<hbm>> -> memref<128x384xf32, #tpu.memory_space<hbm>>
          tpu.wait_dma2 semaphore(%dma_wait3A_298 : memref<!tpu.dma_semaphore, #tpu.memory_space<semaphore_mem>>) src(%dma_wait3A_304 : memref<128x384xf32, #tpu.memory_space<hbm>>) dst(%dma_wait3A_302 : memref<128x384xf32, #tpu.memory_space<vmem>>)
          "tpu.trace_stop"() : () -> ()
        } else {
        }
        %ne3A_166 = arith.cmpi ne, %add3A_97, %add3A_107 : i32
        %or3A_167 = arith.constant false
        %or3A_168 = arith.ori %or3A_167, %ne3A_166 : i1
        %or3A_169 = arith.ori %or3A_168, %eq3A_93 : i1
        %convert_element_type3A_170 = arith.extui %or3A_169 : i1 to i32
        %cond3A_171 = arith.constant 0 : i32
        %cond3A_172 = arith.cmpi ne, %convert_element_type3A_170, %cond3A_171 : i32
        scf.if %cond3A_172 {
          "tpu.trace_start"() <{level = 10 : i32, message = "ep_wait_in"}> : () -> ()
          %mul3A_288 = arith.constant 128 : i32
          %mul3A_289 = arith.muli %mul3A_288, %add3A_97 : i32
          %rem3A_290 = arith.constant 2 : i32
          %rem3A_291 = arith.remui %scan3A_89, %rem3A_290 : i32
          %dma_wait3A = arith.constant 0 : i32
          %dma_wait3A_292 = arith.constant 0 : i32
          %dma_wait3A_293 = tpu.memref_slice %run_scoped3A_9[%rem3A_291, %dma_wait3A, %dma_wait3A_292] : memref<2x2x128xi32, #tpu.memory_space<vmem>> -> memref<1x2x128xi32, #tpu.memory_space<vmem>>
          %dma_wait3A_294 = tpu.memref_squeeze %dma_wait3A_293 : memref<1x2x128xi32, #tpu.memory_space<vmem>> -> memref<2x128xi32, #tpu.memory_space<vmem>>
          %dma_wait3A_295 = arith.constant 0 : i32
          %dma_wait3A_296 = tpu.memref_slice %arg3[%dma_wait3A_295, %mul3A_289] : memref<2x2048xi32, #tpu.memory_space<hbm>> -> memref<2x128xi32, #tpu.memory_space<hbm>>
          %dma_wait3A_297 = tpu.memref_slice %run_scoped3A_10[%rem3A_291] : memref<2x!tpu.dma_semaphore, #tpu.memory_space<semaphore_mem>> -> memref<1x!tpu.dma_semaphore, #tpu.memory_space<semaphore_mem>>
          %dma_wait3A_298 = tpu.memref_squeeze %dma_wait3A_297 : memref<1x!tpu.dma_semaphore, #tpu.memory_space<semaphore_mem>> -> memref<!tpu.dma_semaphore, #tpu.memory_space<semaphore_mem>>
          %dma_wait3A_299 = arith.constant 0 : i32
          %dma_wait3A_300 = arith.constant 0 : i32
          %dma_wait3A_301 = tpu.memref_slice %run_scoped3A_9[%rem3A_291, %dma_wait3A_299, %dma_wait3A_300] : memref<2x2x128xi32, #tpu.memory_space<vmem>> -> memref<1x2x128xi32, #tpu.memory_space<vmem>>
          %dma_wait3A_302 = tpu.memref_squeeze %dma_wait3A_301 : memref<1x2x128xi32, #tpu.memory_space<vmem>> -> memref<2x128xi32, #tpu.memory_space<vmem>>
          %dma_wait3A_303 = arith.constant 0 : i32
          %dma_wait3A_304 = tpu.memref_slice %arg3[%dma_wait3A_303, %mul3A_289] : memref<2x2048xi32, #tpu.memory_space<hbm>> -> memref<2x128xi32, #tpu.memory_space<hbm>>
          tpu.wait_dma2 semaphore(%dma_wait3A_298 : memref<!tpu.dma_semaphore, #tpu.memory_space<semaphore_mem>>) src(%dma_wait3A_304 : memref<2x128xi32, #tpu.memory_space<hbm>>) dst(%dma_wait3A_302 : memref<2x128xi32, #tpu.memory_space<vmem>>)
          "tpu.trace_stop"() : () -> ()
        } else {
        }
        %rem3A_173 = arith.constant 2 : i32
        %rem3A_174 = arith.remui %scan3A, %rem3A_173 : i32
        %rem3A_175 = arith.constant 2 : i32
        %rem3A_176 = arith.remui %scan3A_89, %rem3A_175 : i32
        %run_scoped3A_177 = arith.constant 0 : i32
        "tpu.trace_start"() <{level = 10 : i32, message = "ep_run_kernel"}> : () -> ()
        "tpu.region"() ({
          %run_scoped3A_288 = tpu.sem_alloc : memref<!tpu.dma_semaphore, #tpu.memory_space<semaphore_mem>>
          %dma_start3A_289 = arith.constant 0 : i32
          %dma_start3A_290 = arith.constant 0 : i32
          %dma_start3A_291 = tpu.memref_slice %run_scoped3A[%rem3A_174, %dma_start3A_289, %dma_start3A_290] : memref<2x128x384xf32, #tpu.memory_space<vmem>> -> memref<1x128x384xf32, #tpu.memory_space<vmem>>
          %dma_start3A_292 = tpu.memref_squeeze %dma_start3A_291 : memref<1x128x384xf32, #tpu.memory_space<vmem>> -> memref<128x384xf32, #tpu.memory_space<vmem>>
          %dma_start3A_293 = arith.constant 0 : i32
          %dma_start3A_294 = arith.constant 0 : i32
          %dma_start3A_295 = tpu.memref_slice %run_scoped3A_9[%rem3A_176, %dma_start3A_293, %dma_start3A_294] : memref<2x2x128xi32, #tpu.memory_space<vmem>> -> memref<1x2x128xi32, #tpu.memory_space<vmem>>
          %dma_start3A_296 = tpu.memref_squeeze %dma_start3A_295 : memref<1x2x128xi32, #tpu.memory_space<vmem>> -> memref<2x128xi32, #tpu.memory_space<vmem>>
          %dma_start3A_297 = arith.constant 0 : i32
          %dma_start3A_298 = tpu.memref_slice %dma_start3A_296[%run_scoped3A_177, %dma_start3A_297] : memref<2x128xi32, #tpu.memory_space<vmem>> -> memref<1x128xi32, #tpu.memory_space<vmem>>
          %dma_start3A_299 = tpu.memref_squeeze %dma_start3A_298 : memref<1x128xi32, #tpu.memory_space<vmem>> -> memref<128xi32, #tpu.memory_space<vmem>>
          %dma_start3A_300 = arith.constant 0 : i32
          %dma_start3A_301 = arith.constant 0 : i32
          %dma_start3A_302 = tpu.memref_slice %arg5[%dma_start3A_300, %dma_start3A_301] : memref<6144x384xf32, #tpu.memory_space<hbm>> -> memref<6144x384xf32, #tpu.memory_space<hbm>>
          tpu.enqueue_indirect_dma source(%dma_start3A_292 : memref<128x384xf32, #tpu.memory_space<vmem>>) target(%dma_start3A_302 : memref<6144x384xf32, #tpu.memory_space<hbm>>) offsets(%dma_start3A_299 : memref<128xi32, #tpu.memory_space<vmem>>) semaphore(%run_scoped3A_288 : memref<!tpu.dma_semaphore, #tpu.memory_space<semaphore_mem>>)
          %dma_wait3A = arith.constant 0 : i32
          %dma_wait3A_303 = arith.constant 0 : i32
          %dma_wait3A_304 = tpu.memref_slice %run_scoped3A[%rem3A_174, %dma_wait3A, %dma_wait3A_303] : memref<2x128x384xf32, #tpu.memory_space<vmem>> -> memref<1x128x384xf32, #tpu.memory_space<vmem>>
          %dma_wait3A_305 = tpu.memref_squeeze %dma_wait3A_304 : memref<1x128x384xf32, #tpu.memory_space<vmem>> -> memref<128x384xf32, #tpu.memory_space<vmem>>
          %dma_wait3A_306 = arith.constant 0 : i32
          %dma_wait3A_307 = arith.constant 0 : i32
          %dma_wait3A_308 = tpu.memref_slice %run_scoped3A_9[%rem3A_176, %dma_wait3A_306, %dma_wait3A_307] : memref<2x2x128xi32, #tpu.memory_space<vmem>> -> memref<1x2x128xi32, #tpu.memory_space<vmem>>
          %dma_wait3A_309 = tpu.memref_squeeze %dma_wait3A_308 : memref<1x2x128xi32, #tpu.memory_space<vmem>> -> memref<2x128xi32, #tpu.memory_space<vmem>>
          %dma_wait3A_310 = arith.constant 0 : i32
          %dma_wait3A_311 = tpu.memref_slice %dma_wait3A_309[%run_scoped3A_177, %dma_wait3A_310] : memref<2x128xi32, #tpu.memory_space<vmem>> -> memref<1x128xi32, #tpu.memory_space<vmem>>
          %dma_wait3A_312 = tpu.memref_squeeze %dma_wait3A_311 : memref<1x128xi32, #tpu.memory_space<vmem>> -> memref<128xi32, #tpu.memory_space<vmem>>
          %dma_wait3A_313 = arith.constant 0 : i32
          %dma_wait3A_314 = arith.constant 0 : i32
          %dma_wait3A_315 = tpu.memref_slice %arg5[%dma_wait3A_313, %dma_wait3A_314] : memref<6144x384xf32, #tpu.memory_space<hbm>> -> memref<6144x384xf32, #tpu.memory_space<hbm>>
          tpu.wait_indirect_dma semaphore(%run_scoped3A_288 : memref<!tpu.dma_semaphore, #tpu.memory_space<semaphore_mem>>) src(%dma_wait3A_305 : memref<128x384xf32, #tpu.memory_space<vmem>>) dst(%dma_wait3A_315 : memref<6144x384xf32, #tpu.memory_space<hbm>>)
          tpu.yield
        }) : () -> ()
        %run_scoped3A_178 = arith.constant 1 : i32
        "tpu.region"() ({
          %run_scoped3A_288 = tpu.sem_alloc : memref<!tpu.dma_semaphore, #tpu.memory_space<semaphore_mem>>
          %dma_start3A_289 = arith.constant 0 : i32
          %dma_start3A_290 = arith.constant 0 : i32
          %dma_start3A_291 = tpu.memref_slice %run_scoped3A[%rem3A_174, %dma_start3A_289, %dma_start3A_290] : memref<2x128x384xf32, #tpu.memory_space<vmem>> -> memref<1x128x384xf32, #tpu.memory_space<vmem>>
          %dma_start3A_292 = tpu.memref_squeeze %dma_start3A_291 : memref<1x128x384xf32, #tpu.memory_space<vmem>> -> memref<128x384xf32, #tpu.memory_space<vmem>>
          %dma_start3A_293 = arith.constant 0 : i32
          %dma_start3A_294 = arith.constant 0 : i32
          %dma_start3A_295 = tpu.memref_slice %run_scoped3A_9[%rem3A_176, %dma_start3A_293, %dma_start3A_294] : memref<2x2x128xi32, #tpu.memory_space<vmem>> -> memref<1x2x128xi32, #tpu.memory_space<vmem>>
          %dma_start3A_296 = tpu.memref_squeeze %dma_start3A_295 : memref<1x2x128xi32, #tpu.memory_space<vmem>> -> memref<2x128xi32, #tpu.memory_space<vmem>>
          %dma_start3A_297 = arith.constant 0 : i32
          %dma_start3A_298 = tpu.memref_slice %dma_start3A_296[%run_scoped3A_178, %dma_start3A_297] : memref<2x128xi32, #tpu.memory_space<vmem>> -> memref<1x128xi32, #tpu.memory_space<vmem>>
          %dma_start3A_299 = tpu.memref_squeeze %dma_start3A_298 : memref<1x128xi32, #tpu.memory_space<vmem>> -> memref<128xi32, #tpu.memory_space<vmem>>
          %dma_start3A_300 = arith.constant 0 : i32
          %dma_start3A_301 = arith.constant 0 : i32
          %dma_start3A_302 = tpu.memref_slice %arg5[%dma_start3A_300, %dma_start3A_301] : memref<6144x384xf32, #tpu.memory_space<hbm>> -> memref<6144x384xf32, #tpu.memory_space<hbm>>
          tpu.enqueue_indirect_dma source(%dma_start3A_292 : memref<128x384xf32, #tpu.memory_space<vmem>>) target(%dma_start3A_302 : memref<6144x384xf32, #tpu.memory_space<hbm>>) offsets(%dma_start3A_299 : memref<128xi32, #tpu.memory_space<vmem>>) semaphore(%run_scoped3A_288 : memref<!tpu.dma_semaphore, #tpu.memory_space<semaphore_mem>>)
          %dma_wait3A = arith.constant 0 : i32
          %dma_wait3A_303 = arith.constant 0 : i32
          %dma_wait3A_304 = tpu.memref_slice %run_scoped3A[%rem3A_174, %dma_wait3A, %dma_wait3A_303] : memref<2x128x384xf32, #tpu.memory_space<vmem>> -> memref<1x128x384xf32, #tpu.memory_space<vmem>>
          %dma_wait3A_305 = tpu.memref_squeeze %dma_wait3A_304 : memref<1x128x384xf32, #tpu.memory_space<vmem>> -> memref<128x384xf32, #tpu.memory_space<vmem>>
          %dma_wait3A_306 = arith.constant 0 : i32
          %dma_wait3A_307 = arith.constant 0 : i32
          %dma_wait3A_308 = tpu.memref_slice %run_scoped3A_9[%rem3A_176, %dma_wait3A_306, %dma_wait3A_307] : memref<2x2x128xi32, #tpu.memory_space<vmem>> -> memref<1x2x128xi32, #tpu.memory_space<vmem>>
          %dma_wait3A_309 = tpu.memref_squeeze %dma_wait3A_308 : memref<1x2x128xi32, #tpu.memory_space<vmem>> -> memref<2x128xi32, #tpu.memory_space<vmem>>
          %dma_wait3A_310 = arith.constant 0 : i32
          %dma_wait3A_311 = tpu.memref_slice %dma_wait3A_309[%run_scoped3A_178, %dma_wait3A_310] : memref<2x128xi32, #tpu.memory_space<vmem>> -> memref<1x128xi32, #tpu.memory_space<vmem>>
          %dma_wait3A_312 = tpu.memref_squeeze %dma_wait3A_311 : memref<1x128xi32, #tpu.memory_space<vmem>> -> memref<128xi32, #tpu.memory_space<vmem>>
          %dma_wait3A_313 = arith.constant 0 : i32
          %dma_wait3A_314 = arith.constant 0 : i32
          %dma_wait3A_315 = tpu.memref_slice %arg5[%dma_wait3A_313, %dma_wait3A_314] : memref<6144x384xf32, #tpu.memory_space<hbm>> -> memref<6144x384xf32, #tpu.memory_space<hbm>>
          tpu.wait_indirect_dma semaphore(%run_scoped3A_288 : memref<!tpu.dma_semaphore, #tpu.memory_space<semaphore_mem>>) src(%dma_wait3A_305 : memref<128x384xf32, #tpu.memory_space<vmem>>) dst(%dma_wait3A_315 : memref<6144x384xf32, #tpu.memory_space<hbm>>)
          tpu.yield
        }) : () -> ()
        "tpu.trace_stop"() : () -> ()
        %ne3A_179 = arith.cmpi ne, %add3A_97, %add3A_117 : i32
        %or3A_180 = arith.constant false
        %or3A_181 = arith.ori %or3A_180, %ne3A_179 : i1
        %or3A_182 = arith.constant false
        %or3A_183 = arith.ori %or3A_181, %or3A_182 : i1
        %or3A_184 = arith.ori %or3A_183, %eq3A_95 : i1
        %convert_element_type3A_185 = arith.extui %or3A_184 : i1 to i32
        %cond3A_186 = arith.constant 0 : i32
        %cond3A_187 = arith.cmpi ne, %convert_element_type3A_185, %cond3A_186 : i32
        scf.if %cond3A_187 {
        } else {
        }
        %and3A_188 = arith.constant false
        %and3A_189 = arith.andi %or3A_184, %and3A_188 : i1
        %ne3A_190 = arith.cmpi ne, %add3A_97, %add3A_117 : i32
        %or3A_191 = arith.constant false
        %or3A_192 = arith.ori %or3A_191, %ne3A_190 : i1
        %or3A_193 = arith.ori %or3A_192, %eq3A_95 : i1
        %convert_element_type3A_194 = arith.extui %or3A_193 : i1 to i32
        %cond3A_195 = arith.constant 0 : i32
        %cond3A_196 = arith.cmpi ne, %convert_element_type3A_194, %cond3A_195 : i32
        scf.if %cond3A_196 {
        } else {
        }
        %and3A_197 = arith.constant false
        %and3A_198 = arith.andi %or3A_193, %and3A_197 : i1
        %ne3A_199 = arith.cmpi ne, %add3A_97, %add3A_107 : i32
        %or3A_200 = arith.constant false
        %or3A_201 = arith.ori %or3A_200, %ne3A_199 : i1
        %or3A_202 = arith.constant false
        %or3A_203 = arith.ori %or3A_201, %or3A_202 : i1
        %not3A_204 = arith.constant true
        %not3A_205 = arith.xori %eq3A_93, %not3A_204 : i1
        %and3A_206 = arith.andi %or3A_203, %not3A_205 : i1
        %convert_element_type3A_207 = arith.extui %and3A_206 : i1 to i32
        %cond3A_208 = arith.constant 0 : i32
        %cond3A_209 = arith.cmpi ne, %convert_element_type3A_207, %cond3A_208 : i32
        scf.if %cond3A_209 {
        } else {
        }
        %and3A_210 = arith.constant false
        %and3A_211 = arith.andi %and3A_206, %and3A_210 : i1
        %ne3A_212 = arith.cmpi ne, %add3A_97, %add3A_107 : i32
        %or3A_213 = arith.constant false
        %or3A_214 = arith.ori %or3A_213, %ne3A_212 : i1
        %not3A_215 = arith.constant true
        %not3A_216 = arith.xori %eq3A_93, %not3A_215 : i1
        %and3A_217 = arith.andi %or3A_214, %not3A_216 : i1
        %convert_element_type3A_218 = arith.extui %and3A_217 : i1 to i32
        %cond3A_219 = arith.constant 0 : i32
        %cond3A_220 = arith.cmpi ne, %convert_element_type3A_218, %cond3A_219 : i32
        scf.if %cond3A_220 {
        } else {
        }
        %and3A_221 = arith.constant false
        %and3A_222 = arith.andi %and3A_217, %and3A_221 : i1
        %ne3A_223 = arith.cmpi ne, %add3A_97, %add3A_117 : i32
        %or3A_224 = arith.constant false
        %or3A_225 = arith.ori %or3A_224, %ne3A_223 : i1
        %or3A_226 = arith.constant false
        %or3A_227 = arith.ori %or3A_225, %or3A_226 : i1
        %or3A_228 = arith.ori %or3A_227, %eq3A_95 : i1
        %add3A_229 = arith.constant 1 : i32
        %add3A_230 = arith.addi %scan3A, %add3A_229 : i32
        %select_n3A_231 = arith.select %or3A_228, %add3A_230, %scan3A : i32
        %ne3A_232 = arith.cmpi ne, %add3A_97, %add3A_117 : i32
        %or3A_233 = arith.constant false
        %or3A_234 = arith.ori %or3A_233, %ne3A_232 : i1
        %or3A_235 = arith.ori %or3A_234, %eq3A_95 : i1
        %add3A_236 = arith.constant 1 : i32
        %add3A_237 = arith.addi %scan3A_89, %add3A_236 : i32
        %select_n3A_238 = arith.select %or3A_235, %add3A_237, %scan3A_89 : i32
        %select_n3A_239 = arith.constant true
        %select_n3A_240 = arith.constant 0 : i32
        %select_n3A_241 = arith.constant 1 : i32
        %select_n3A_242 = arith.select %select_n3A_239, %select_n3A_241, %select_n3A_240 : i32
        %eq3A_243 = arith.constant 1 : i32
        %eq3A_244 = arith.cmpi eq, %select_n3A_242, %eq3A_243 : i32
        %select_n3A_245 = arith.constant 0 : i32
        %select_n3A_246 = arith.select %eq3A_244, %select_n3A_245, %select_n3A_242 : i32
        %scan3A_247 = arith.constant 0 : i32
        %scan3A_248 = arith.constant 1 : i32
        %sub3A = arith.constant 1 : i32
        %sub3A_249 = arith.subi %scan3A_247, %sub3A : i32
        %select_n3A_250 = arith.constant true
        %select_n3A_251 = arith.select %select_n3A_250, %sub3A_249, %scan3A_247 : i32
        %eq3A_252 = arith.constant -1 : i32
        %eq3A_253 = arith.cmpi eq, %select_n3A_251, %eq3A_252 : i32
        %select_n3A_254 = arith.constant 0 : i32
        %select_n3A_255 = arith.select %eq3A_253, %select_n3A_254, %select_n3A_251 : i32
        %add3A_256 = arith.constant 0 : i32
        %add3A_257 = arith.addi %add3A_256, %mul3A_7 : i32
        %select_n3A_258 = arith.constant true
        %select_n3A_259 = arith.constant 0 : i32
        %select_n3A_260 = arith.constant -1 : i32
        %select_n3A_261 = arith.select %select_n3A_258, %select_n3A_260, %select_n3A_259 : i32
        %eq3A_262 = arith.constant -1 : i32
        %eq3A_263 = arith.cmpi eq, %select_n3A_261, %eq3A_262 : i32
        %select_n3A_264 = arith.constant 0 : i32
        %select_n3A_265 = arith.select %eq3A_263, %select_n3A_264, %select_n3A_261 : i32
        %add3A_266 = arith.constant 0 : i32
        %add3A_267 = arith.addi %add3A_266, %mul3A_7 : i32
        %select_n3A_268 = arith.constant true
        %select_n3A_269 = arith.constant 0 : i32
        %select_n3A_270 = arith.constant 1 : i32
        %select_n3A_271 = arith.select %select_n3A_268, %select_n3A_270, %select_n3A_269 : i32
        %eq3A_272 = arith.constant 1 : i32
        %eq3A_273 = arith.cmpi eq, %select_n3A_271, %eq3A_272 : i32
        %select_n3A_274 = arith.constant 0 : i32
        %select_n3A_275 = arith.select %eq3A_273, %select_n3A_274, %select_n3A_271 : i32
        %add3A_276 = arith.constant 0 : i32
        %add3A_277 = arith.addi %add3A_276, %mul3A_7 : i32
        %select_n3A_278 = arith.constant true
        %select_n3A_279 = arith.constant 0 : i32
        %select_n3A_280 = arith.constant 1 : i32
        %select_n3A_281 = arith.select %select_n3A_278, %select_n3A_280, %select_n3A_279 : i32
        %eq3A_282 = arith.constant 1 : i32
        %eq3A_283 = arith.cmpi eq, %select_n3A_281, %eq3A_282 : i32
        %select_n3A_284 = arith.constant 0 : i32
        %select_n3A_285 = arith.select %eq3A_283, %select_n3A_284, %select_n3A_281 : i32
        %add3A_286 = arith.constant 0 : i32
        %add3A_287 = arith.addi %add3A_286, %mul3A_7 : i32
        tpu.yield
      }) : () -> ()
    } else {
    }
    return
  }
}

#map = affine_map<(d0, d1) -> (0, 0)>
#map1 = affine_map<(d0, d1) -> (0, 0, 0)>
module attributes {stable_mosaic.version = 14 : i64} {
  func.func @gather_kernel(%arg0: i32, %arg1: i32, %arg2: memref<6144x384xf32, #tpu.memory_space<hbm>>, %arg3: memref<6144x384xf32, #tpu.memory_space<hbm>>, %arg4: memref<2x2048xi32, #tpu.memory_space<hbm>>, %arg5: memref<2x2048x384xf32, #tpu.memory_space<hbm>>, %arg6: memref<2x2048x384xf32, #tpu.memory_space<hbm>>) attributes {dimension_semantics = [#tpu.dimension_semantics<core_parallel>, #tpu.dimension_semantics<subcore_parallel>], iteration_bounds = array<i64: 2, 16>, scalar_prefetch = 0 : i64, scratch_operands = 0 : i64, tpu.core_type = #tpu.core_type<sc_vector_subcore>, window_params = [{transform_indices = #map}, {transform_indices = #map}, {transform_indices = #map}, {transform_indices = #map1}, {transform_indices = #map1}]} {
    %eq3A = arith.constant 0 : i32
    %eq3A_0 = arith.cmpi eq, %arg0, %eq3A : i32
    %convert_element_type3A = arith.extui %eq3A_0 : i1 to i32
    %cond3A = arith.constant 0 : i32
    %cond3A_1 = arith.cmpi ne, %convert_element_type3A, %cond3A : i32
    scf.if %cond3A_1 {
      %mul3A = arith.constant 2 : i32
      %mul3A_7 = arith.muli %arg1, %mul3A : i32
      "tpu.region"() ({
        %run_scoped3A = memref.alloca() : memref<2x1x128xi32, #tpu.memory_space<vmem>>
        %run_scoped3A_8 = tpu.sem_alloc : memref<2x!tpu.dma_semaphore, #tpu.memory_space<semaphore_mem>>
        %run_scoped3A_9 = memref.alloca() : memref<2x1x128x384xf32, #tpu.memory_space<vmem>>
        %run_scoped3A_10 = tpu.sem_alloc : memref<2x!tpu.dma_semaphore, #tpu.memory_space<semaphore_mem>>
        %add3A = arith.constant 0 : i32
        %add3A_11 = arith.addi %add3A, %mul3A_7 : i32
        %select_n3A = arith.constant true
        %select_n3A_12 = arith.constant 0 : i32
        %select_n3A_13 = arith.constant -1 : i32
        %select_n3A_14 = arith.select %select_n3A, %select_n3A_13, %select_n3A_12 : i32
        %eq3A_15 = arith.constant -1 : i32
        %eq3A_16 = arith.cmpi eq, %select_n3A_14, %eq3A_15 : i32
        %select_n3A_17 = arith.constant 1 : i32
        %select_n3A_18 = arith.select %eq3A_16, %select_n3A_17, %select_n3A_14 : i32
        %add3A_19 = arith.addi %select_n3A_18, %mul3A_7 : i32
        %select_n3A_20 = arith.constant true
        %select_n3A_21 = arith.constant 0 : i32
        %select_n3A_22 = arith.constant 1 : i32
        %select_n3A_23 = arith.select %select_n3A_20, %select_n3A_22, %select_n3A_21 : i32
        %eq3A_24 = arith.constant 2 : i32
        %eq3A_25 = arith.cmpi eq, %select_n3A_23, %eq3A_24 : i32
        %select_n3A_26 = arith.constant 0 : i32
        %select_n3A_27 = arith.select %eq3A_25, %select_n3A_26, %select_n3A_23 : i32
        %add3A_28 = arith.addi %select_n3A_27, %mul3A_7 : i32
        %add3A_29 = arith.constant 1 : i32
        %add3A_30 = arith.addi %select_n3A_27, %add3A_29 : i32
        %select_n3A_31 = arith.constant true
        %select_n3A_32 = arith.select %select_n3A_31, %add3A_30, %select_n3A_27 : i32
        %eq3A_33 = arith.constant 2 : i32
        %eq3A_34 = arith.cmpi eq, %select_n3A_32, %eq3A_33 : i32
        %select_n3A_35 = arith.constant 0 : i32
        %select_n3A_36 = arith.select %eq3A_34, %select_n3A_35, %select_n3A_32 : i32
        %add3A_37 = arith.addi %select_n3A_36, %mul3A_7 : i32
        "tpu.trace_start"() <{level = 10 : i32, message = "ep_initialize_0"}> : () -> ()
        %rem3A = arith.constant 0 : i32
        %rem3A_38 = arith.constant 2 : i32
        %rem3A_39 = arith.remui %rem3A, %rem3A_38 : i32
        %div3A = arith.constant 16 : i32
        %div3A_40 = arith.divsi %add3A_11, %div3A : i32
        %rem3A_41 = arith.constant 16 : i32
        %rem3A_42 = arith.remsi %add3A_11, %rem3A_41 : i32
        %mul3A_43 = arith.constant 1 : i32
        %mul3A_44 = arith.muli %mul3A_43, %div3A_40 : i32
        %mul3A_45 = arith.constant 128 : i32
        %mul3A_46 = arith.muli %mul3A_45, %rem3A_42 : i32
        %dma_start3A = arith.constant 0 : i32
        %dma_start3A_47 = arith.constant 0 : i32
        %dma_start3A_48 = tpu.memref_slice %run_scoped3A[%rem3A_39, %dma_start3A, %dma_start3A_47] : memref<2x1x128xi32, #tpu.memory_space<vmem>> -> memref<1x1x128xi32, #tpu.memory_space<vmem>>
        %dma_start3A_49 = tpu.memref_squeeze %dma_start3A_48 : memref<1x1x128xi32, #tpu.memory_space<vmem>> -> memref<1x128xi32, #tpu.memory_space<vmem>>
        %dma_start3A_50 = tpu.memref_slice %arg4[%mul3A_44, %mul3A_46] : memref<2x2048xi32, #tpu.memory_space<hbm>> -> memref<1x128xi32, #tpu.memory_space<hbm>>
        %dma_start3A_51 = tpu.memref_slice %run_scoped3A_8[%rem3A_39] : memref<2x!tpu.dma_semaphore, #tpu.memory_space<semaphore_mem>> -> memref<1x!tpu.dma_semaphore, #tpu.memory_space<semaphore_mem>>
        %dma_start3A_52 = tpu.memref_squeeze %dma_start3A_51 : memref<1x!tpu.dma_semaphore, #tpu.memory_space<semaphore_mem>> -> memref<!tpu.dma_semaphore, #tpu.memory_space<semaphore_mem>>
        %dma_start3A_53 = arith.constant 0 : i32
        %dma_start3A_54 = arith.constant 0 : i32
        %dma_start3A_55 = tpu.memref_slice %run_scoped3A[%rem3A_39, %dma_start3A_53, %dma_start3A_54] : memref<2x1x128xi32, #tpu.memory_space<vmem>> -> memref<1x1x128xi32, #tpu.memory_space<vmem>>
        %dma_start3A_56 = tpu.memref_squeeze %dma_start3A_55 : memref<1x1x128xi32, #tpu.memory_space<vmem>> -> memref<1x128xi32, #tpu.memory_space<vmem>>
        %dma_start3A_57 = tpu.memref_slice %arg4[%mul3A_44, %mul3A_46] : memref<2x2048xi32, #tpu.memory_space<hbm>> -> memref<1x128xi32, #tpu.memory_space<hbm>>
        tpu.enqueue_dma source(%dma_start3A_57 : memref<1x128xi32, #tpu.memory_space<hbm>>) target(%dma_start3A_56 : memref<1x128xi32, #tpu.memory_space<vmem>>) target_semaphore(%dma_start3A_52 : memref<!tpu.dma_semaphore, #tpu.memory_space<semaphore_mem>>)
        %add3A_58 = arith.constant 0 : i32
        %add3A_59 = arith.constant 1 : i32
        %add3A_60 = arith.addi %add3A_58, %add3A_59 : i32
        %select_n3A_61 = arith.constant true
        %select_n3A_62 = arith.constant 0 : i32
        %select_n3A_63 = arith.select %select_n3A_61, %add3A_60, %select_n3A_62 : i32
        "tpu.trace_stop"() : () -> ()
        %scan3A = arith.constant 0 : i32
        %scan3A_64 = arith.constant 0 : i32
        %scan3A_65 = arith.constant 0 : i32
        %scan3A_66 = arith.constant 0 : i32
        %scan3A_67 = arith.constant 0 : i32
        %scan3A_68 = arith.constant 2 : i32
        %scan3A_69 = arith.addi %scan3A_67, %scan3A_68 : i32
        %scan3A_70 = arith.constant 1 : i32
        %scan3A_71:5 = scf.for %scan3A_133 = %scan3A_67 to %scan3A_69 step %scan3A_70 iter_args(%scan3A_134 = %select_n3A_63, %scan3A_135 = %scan3A, %scan3A_136 = %scan3A_64, %scan3A_137 = %scan3A_65, %scan3A_138 = %scan3A_66) -> (i32, i32, i32, i32, i32)  : i32 {
          %eq3A_139 = arith.constant 0 : i32
          %eq3A_140 = arith.cmpi eq, %scan3A_133, %eq3A_139 : i32
          %eq3A_141 = arith.constant 1 : i32
          %eq3A_142 = arith.cmpi eq, %scan3A_133, %eq3A_141 : i32
          %add3A_143 = arith.addi %scan3A_138, %mul3A_7 : i32
          %sub3A_144 = arith.constant 1 : i32
          %sub3A_145 = arith.subi %scan3A_138, %sub3A_144 : i32
          %select_n3A_146 = arith.constant true
          %select_n3A_147 = arith.select %select_n3A_146, %sub3A_145, %scan3A_138 : i32
          %eq3A_148 = arith.constant -1 : i32
          %eq3A_149 = arith.cmpi eq, %select_n3A_147, %eq3A_148 : i32
          %select_n3A_150 = arith.constant 1 : i32
          %select_n3A_151 = arith.select %eq3A_149, %select_n3A_150, %select_n3A_147 : i32
          %add3A_152 = arith.addi %select_n3A_151, %mul3A_7 : i32
          %add3A_153 = arith.constant 1 : i32
          %add3A_154 = arith.addi %scan3A_138, %add3A_153 : i32
          %select_n3A_155 = arith.constant true
          %select_n3A_156 = arith.select %select_n3A_155, %add3A_154, %scan3A_138 : i32
          %eq3A_157 = arith.constant 2 : i32
          %eq3A_158 = arith.cmpi eq, %select_n3A_156, %eq3A_157 : i32
          %select_n3A_159 = arith.constant 0 : i32
          %select_n3A_160 = arith.select %eq3A_158, %select_n3A_159, %select_n3A_156 : i32
          %add3A_161 = arith.addi %select_n3A_160, %mul3A_7 : i32
          %add3A_162 = arith.constant 1 : i32
          %add3A_163 = arith.addi %select_n3A_160, %add3A_162 : i32
          %select_n3A_164 = arith.constant true
          %select_n3A_165 = arith.select %select_n3A_164, %add3A_163, %select_n3A_160 : i32
          %eq3A_166 = arith.constant 2 : i32
          %eq3A_167 = arith.cmpi eq, %select_n3A_165, %eq3A_166 : i32
          %select_n3A_168 = arith.constant 0 : i32
          %select_n3A_169 = arith.select %eq3A_167, %select_n3A_168, %select_n3A_165 : i32
          %add3A_170 = arith.addi %select_n3A_169, %mul3A_7 : i32
          %div3A_171 = arith.constant 16 : i32
          %div3A_172 = arith.divsi %add3A_143, %div3A_171 : i32
          %rem3A_173 = arith.constant 16 : i32
          %rem3A_174 = arith.remsi %add3A_143, %rem3A_173 : i32
          %div3A_175 = arith.constant 16 : i32
          %div3A_176 = arith.divsi %add3A_161, %div3A_175 : i32
          %rem3A_177 = arith.constant 16 : i32
          %rem3A_178 = arith.remsi %add3A_161, %rem3A_177 : i32
          %ne3A = arith.cmpi ne, %div3A_172, %div3A_176 : i32
          %ne3A_179 = arith.cmpi ne, %rem3A_174, %rem3A_178 : i32
          %or3A = arith.constant false
          %or3A_180 = arith.ori %or3A, %ne3A : i1
          %or3A_181 = arith.ori %or3A_180, %ne3A_179 : i1
          %ge3A = arith.constant 1 : i32
          %ge3A_182 = arith.cmpi sge, %scan3A_133, %ge3A : i32
          %not3A = arith.constant true
          %not3A_183 = arith.xori %ge3A_182, %not3A : i1
          %and3A = arith.andi %or3A_181, %not3A_183 : i1
          %convert_element_type3A_184 = arith.extui %and3A : i1 to i32
          %cond3A_185 = arith.constant 0 : i32
          %cond3A_186 = arith.cmpi ne, %convert_element_type3A_184, %cond3A_185 : i32
          scf.if %cond3A_186 {
            "tpu.trace_start"() <{level = 10 : i32, message = "ep_copy_in"}> : () -> ()
            %rem3A_369 = arith.constant 2 : i32
            %rem3A_370 = arith.remui %scan3A_134, %rem3A_369 : i32
            %div3A_371 = arith.constant 16 : i32
            %div3A_372 = arith.divsi %add3A_161, %div3A_371 : i32
            %rem3A_373 = arith.constant 16 : i32
            %rem3A_374 = arith.remsi %add3A_161, %rem3A_373 : i32
            %mul3A_375 = arith.constant 1 : i32
            %mul3A_376 = arith.muli %mul3A_375, %div3A_372 : i32
            %mul3A_377 = arith.constant 128 : i32
            %mul3A_378 = arith.muli %mul3A_377, %rem3A_374 : i32
            %dma_start3A_379 = arith.constant 0 : i32
            %dma_start3A_380 = arith.constant 0 : i32
            %dma_start3A_381 = tpu.memref_slice %run_scoped3A[%rem3A_370, %dma_start3A_379, %dma_start3A_380] : memref<2x1x128xi32, #tpu.memory_space<vmem>> -> memref<1x1x128xi32, #tpu.memory_space<vmem>>
            %dma_start3A_382 = tpu.memref_squeeze %dma_start3A_381 : memref<1x1x128xi32, #tpu.memory_space<vmem>> -> memref<1x128xi32, #tpu.memory_space<vmem>>
            %dma_start3A_383 = tpu.memref_slice %arg4[%mul3A_376, %mul3A_378] : memref<2x2048xi32, #tpu.memory_space<hbm>> -> memref<1x128xi32, #tpu.memory_space<hbm>>
            %dma_start3A_384 = tpu.memref_slice %run_scoped3A_8[%rem3A_370] : memref<2x!tpu.dma_semaphore, #tpu.memory_space<semaphore_mem>> -> memref<1x!tpu.dma_semaphore, #tpu.memory_space<semaphore_mem>>
            %dma_start3A_385 = tpu.memref_squeeze %dma_start3A_384 : memref<1x!tpu.dma_semaphore, #tpu.memory_space<semaphore_mem>> -> memref<!tpu.dma_semaphore, #tpu.memory_space<semaphore_mem>>
            %dma_start3A_386 = arith.constant 0 : i32
            %dma_start3A_387 = arith.constant 0 : i32
            %dma_start3A_388 = tpu.memref_slice %run_scoped3A[%rem3A_370, %dma_start3A_386, %dma_start3A_387] : memref<2x1x128xi32, #tpu.memory_space<vmem>> -> memref<1x1x128xi32, #tpu.memory_space<vmem>>
            %dma_start3A_389 = tpu.memref_squeeze %dma_start3A_388 : memref<1x1x128xi32, #tpu.memory_space<vmem>> -> memref<1x128xi32, #tpu.memory_space<vmem>>
            %dma_start3A_390 = tpu.memref_slice %arg4[%mul3A_376, %mul3A_378] : memref<2x2048xi32, #tpu.memory_space<hbm>> -> memref<1x128xi32, #tpu.memory_space<hbm>>
            tpu.enqueue_dma source(%dma_start3A_390 : memref<1x128xi32, #tpu.memory_space<hbm>>) target(%dma_start3A_389 : memref<1x128xi32, #tpu.memory_space<vmem>>) target_semaphore(%dma_start3A_385 : memref<!tpu.dma_semaphore, #tpu.memory_space<semaphore_mem>>)
            "tpu.trace_stop"() : () -> ()
          } else {
          }
          %and3A_187 = arith.constant true
          %and3A_188 = arith.andi %and3A, %and3A_187 : i1
          %add3A_189 = arith.constant 1 : i32
          %add3A_190 = arith.addi %scan3A_134, %add3A_189 : i32
          %select_n3A_191 = arith.select %and3A_188, %add3A_190, %scan3A_134 : i32
          %div3A_192 = arith.constant 16 : i32
          %div3A_193 = arith.divsi %add3A_143, %div3A_192 : i32
          %rem3A_194 = arith.constant 16 : i32
          %rem3A_195 = arith.remsi %add3A_143, %rem3A_194 : i32
          %div3A_196 = arith.constant 16 : i32
          %div3A_197 = arith.divsi %add3A_161, %div3A_196 : i32
          %rem3A_198 = arith.constant 16 : i32
          %rem3A_199 = arith.remsi %add3A_161, %rem3A_198 : i32
          %ne3A_200 = arith.cmpi ne, %div3A_193, %div3A_197 : i32
          %ne3A_201 = arith.cmpi ne, %rem3A_195, %rem3A_199 : i32
          %or3A_202 = arith.constant false
          %or3A_203 = arith.ori %or3A_202, %ne3A_200 : i1
          %or3A_204 = arith.ori %or3A_203, %ne3A_201 : i1
          %or3A_205 = arith.constant false
          %or3A_206 = arith.ori %or3A_204, %or3A_205 : i1
          %ge3A_207 = arith.constant 1 : i32
          %ge3A_208 = arith.cmpi sge, %scan3A_133, %ge3A_207 : i32
          %not3A_209 = arith.constant true
          %not3A_210 = arith.xori %ge3A_208, %not3A_209 : i1
          %and3A_211 = arith.andi %or3A_206, %not3A_210 : i1
          %div3A_212 = arith.constant 16 : i32
          %div3A_213 = arith.divsi %add3A_143, %div3A_212 : i32
          %rem3A_214 = arith.constant 16 : i32
          %rem3A_215 = arith.remsi %add3A_143, %rem3A_214 : i32
          %div3A_216 = arith.constant 16 : i32
          %div3A_217 = arith.divsi %add3A_152, %div3A_216 : i32
          %rem3A_218 = arith.constant 16 : i32
          %rem3A_219 = arith.remsi %add3A_152, %rem3A_218 : i32
          %ne3A_220 = arith.cmpi ne, %div3A_213, %div3A_217 : i32
          %ne3A_221 = arith.cmpi ne, %rem3A_215, %rem3A_219 : i32
          %or3A_222 = arith.constant false
          %or3A_223 = arith.ori %or3A_222, %ne3A_220 : i1
          %or3A_224 = arith.ori %or3A_223, %ne3A_221 : i1
          %or3A_225 = arith.ori %or3A_224, %eq3A_140 : i1
          %convert_element_type3A_226 = arith.extui %or3A_225 : i1 to i32
          %cond3A_227 = arith.constant 0 : i32
          %cond3A_228 = arith.cmpi ne, %convert_element_type3A_226, %cond3A_227 : i32
          scf.if %cond3A_228 {
            "tpu.trace_start"() <{level = 10 : i32, message = "ep_wait_in"}> : () -> ()
            %div3A_369 = arith.constant 16 : i32
            %div3A_370 = arith.divsi %add3A_143, %div3A_369 : i32
            %rem3A_371 = arith.constant 16 : i32
            %rem3A_372 = arith.remsi %add3A_143, %rem3A_371 : i32
            %mul3A_373 = arith.constant 1 : i32
            %mul3A_374 = arith.muli %mul3A_373, %div3A_370 : i32
            %mul3A_375 = arith.constant 128 : i32
            %mul3A_376 = arith.muli %mul3A_375, %rem3A_372 : i32
            %rem3A_377 = arith.constant 2 : i32
            %rem3A_378 = arith.remui %scan3A_135, %rem3A_377 : i32
            %dma_wait3A_379 = arith.constant 0 : i32
            %dma_wait3A_380 = arith.constant 0 : i32
            %dma_wait3A_381 = tpu.memref_slice %run_scoped3A[%rem3A_378, %dma_wait3A_379, %dma_wait3A_380] : memref<2x1x128xi32, #tpu.memory_space<vmem>> -> memref<1x1x128xi32, #tpu.memory_space<vmem>>
            %dma_wait3A_382 = tpu.memref_squeeze %dma_wait3A_381 : memref<1x1x128xi32, #tpu.memory_space<vmem>> -> memref<1x128xi32, #tpu.memory_space<vmem>>
            %dma_wait3A_383 = tpu.memref_slice %arg4[%mul3A_374, %mul3A_376] : memref<2x2048xi32, #tpu.memory_space<hbm>> -> memref<1x128xi32, #tpu.memory_space<hbm>>
            %dma_wait3A_384 = tpu.memref_slice %run_scoped3A_8[%rem3A_378] : memref<2x!tpu.dma_semaphore, #tpu.memory_space<semaphore_mem>> -> memref<1x!tpu.dma_semaphore, #tpu.memory_space<semaphore_mem>>
            %dma_wait3A_385 = tpu.memref_squeeze %dma_wait3A_384 : memref<1x!tpu.dma_semaphore, #tpu.memory_space<semaphore_mem>> -> memref<!tpu.dma_semaphore, #tpu.memory_space<semaphore_mem>>
            %dma_wait3A_386 = arith.constant 0 : i32
            %dma_wait3A_387 = arith.constant 0 : i32
            %dma_wait3A_388 = tpu.memref_slice %run_scoped3A[%rem3A_378, %dma_wait3A_386, %dma_wait3A_387] : memref<2x1x128xi32, #tpu.memory_space<vmem>> -> memref<1x1x128xi32, #tpu.memory_space<vmem>>
            %dma_wait3A_389 = tpu.memref_squeeze %dma_wait3A_388 : memref<1x1x128xi32, #tpu.memory_space<vmem>> -> memref<1x128xi32, #tpu.memory_space<vmem>>
            %dma_wait3A_390 = tpu.memref_slice %arg4[%mul3A_374, %mul3A_376] : memref<2x2048xi32, #tpu.memory_space<hbm>> -> memref<1x128xi32, #tpu.memory_space<hbm>>
            tpu.wait_dma2 semaphore(%dma_wait3A_385 : memref<!tpu.dma_semaphore, #tpu.memory_space<semaphore_mem>>) src(%dma_wait3A_390 : memref<1x128xi32, #tpu.memory_space<hbm>>) dst(%dma_wait3A_389 : memref<1x128xi32, #tpu.memory_space<vmem>>)
            "tpu.trace_stop"() : () -> ()
          } else {
          }
          %div3A_229 = arith.constant 16 : i32
          %div3A_230 = arith.divsi %add3A_143, %div3A_229 : i32
          %rem3A_231 = arith.constant 16 : i32
          %rem3A_232 = arith.remsi %add3A_143, %rem3A_231 : i32
          %div3A_233 = arith.constant 16 : i32
          %div3A_234 = arith.divsi %add3A_152, %div3A_233 : i32
          %rem3A_235 = arith.constant 16 : i32
          %rem3A_236 = arith.remsi %add3A_152, %rem3A_235 : i32
          %ne3A_237 = arith.cmpi ne, %div3A_230, %div3A_234 : i32
          %ne3A_238 = arith.cmpi ne, %rem3A_232, %rem3A_236 : i32
          %or3A_239 = arith.constant false
          %or3A_240 = arith.ori %or3A_239, %ne3A_237 : i1
          %or3A_241 = arith.ori %or3A_240, %ne3A_238 : i1
          %or3A_242 = arith.constant false
          %or3A_243 = arith.ori %or3A_241, %or3A_242 : i1
          %or3A_244 = arith.ori %or3A_243, %eq3A_140 : i1
          %convert_element_type3A_245 = arith.extui %or3A_244 : i1 to i32
          %cond3A_246 = arith.constant 0 : i32
          %cond3A_247 = arith.cmpi ne, %convert_element_type3A_245, %cond3A_246 : i32
          scf.if %cond3A_247 {
          } else {
          }
          %rem3A_248 = arith.constant 2 : i32
          %rem3A_249 = arith.remui %scan3A_135, %rem3A_248 : i32
          %rem3A_250 = arith.constant 2 : i32
          %rem3A_251 = arith.remui %scan3A_136, %rem3A_250 : i32
          %run_scoped3A_252 = arith.constant 0 : i32
          %run_scoped3A_253 = arith.constant 0 : i32
          "tpu.trace_start"() <{level = 10 : i32, message = "ep_run_kernel"}> : () -> ()
          "tpu.region"() ({
            %run_scoped3A_369 = tpu.sem_alloc : memref<!tpu.dma_semaphore, #tpu.memory_space<semaphore_mem>>
            %dma_start3A_370 = arith.constant 0 : i32
            %dma_start3A_371 = arith.constant 0 : i32
            %dma_start3A_372 = arith.constant 0 : i32
            %dma_start3A_373 = tpu.memref_slice %run_scoped3A_9[%rem3A_251, %dma_start3A_370, %dma_start3A_371, %dma_start3A_372] : memref<2x1x128x384xf32, #tpu.memory_space<vmem>> -> memref<1x1x128x384xf32, #tpu.memory_space<vmem>>
            %dma_start3A_374 = tpu.memref_squeeze %dma_start3A_373 : memref<1x1x128x384xf32, #tpu.memory_space<vmem>> -> memref<1x128x384xf32, #tpu.memory_space<vmem>>
            %dma_start3A_375 = arith.constant 0 : i32
            %dma_start3A_376 = arith.constant 0 : i32
            %dma_start3A_377 = tpu.memref_slice %dma_start3A_374[%run_scoped3A_253, %dma_start3A_375, %dma_start3A_376] : memref<1x128x384xf32, #tpu.memory_space<vmem>> -> memref<1x128x384xf32, #tpu.memory_space<vmem>>
            %dma_start3A_378 = tpu.memref_squeeze %dma_start3A_377 : memref<1x128x384xf32, #tpu.memory_space<vmem>> -> memref<128x384xf32, #tpu.memory_space<vmem>>
            %dma_start3A_379 = arith.constant 0 : i32
            %dma_start3A_380 = arith.constant 0 : i32
            %dma_start3A_381 = tpu.memref_slice %run_scoped3A[%rem3A_249, %dma_start3A_379, %dma_start3A_380] : memref<2x1x128xi32, #tpu.memory_space<vmem>> -> memref<1x1x128xi32, #tpu.memory_space<vmem>>
            %dma_start3A_382 = tpu.memref_squeeze %dma_start3A_381 : memref<1x1x128xi32, #tpu.memory_space<vmem>> -> memref<1x128xi32, #tpu.memory_space<vmem>>
            %dma_start3A_383 = arith.constant 0 : i32
            %dma_start3A_384 = tpu.memref_slice %dma_start3A_382[%run_scoped3A_252, %dma_start3A_383] : memref<1x128xi32, #tpu.memory_space<vmem>> -> memref<1x128xi32, #tpu.memory_space<vmem>>
            %dma_start3A_385 = tpu.memref_squeeze %dma_start3A_384 : memref<1x128xi32, #tpu.memory_space<vmem>> -> memref<128xi32, #tpu.memory_space<vmem>>
            %dma_start3A_386 = arith.constant 0 : i32
            %dma_start3A_387 = arith.constant 0 : i32
            %dma_start3A_388 = tpu.memref_slice %arg2[%dma_start3A_386, %dma_start3A_387] : memref<6144x384xf32, #tpu.memory_space<hbm>> -> memref<6144x384xf32, #tpu.memory_space<hbm>>
            tpu.enqueue_indirect_dma source(%dma_start3A_388 : memref<6144x384xf32, #tpu.memory_space<hbm>>) target(%dma_start3A_378 : memref<128x384xf32, #tpu.memory_space<vmem>>) offsets(%dma_start3A_385 : memref<128xi32, #tpu.memory_space<vmem>>) semaphore(%run_scoped3A_369 : memref<!tpu.dma_semaphore, #tpu.memory_space<semaphore_mem>>)
            %dma_wait3A_389 = arith.constant 0 : i32
            %dma_wait3A_390 = arith.constant 0 : i32
            %dma_wait3A_391 = arith.constant 0 : i32
            %dma_wait3A_392 = tpu.memref_slice %run_scoped3A_9[%rem3A_251, %dma_wait3A_389, %dma_wait3A_390, %dma_wait3A_391] : memref<2x1x128x384xf32, #tpu.memory_space<vmem>> -> memref<1x1x128x384xf32, #tpu.memory_space<vmem>>
            %dma_wait3A_393 = tpu.memref_squeeze %dma_wait3A_392 : memref<1x1x128x384xf32, #tpu.memory_space<vmem>> -> memref<1x128x384xf32, #tpu.memory_space<vmem>>
            %dma_wait3A_394 = arith.constant 0 : i32
            %dma_wait3A_395 = arith.constant 0 : i32
            %dma_wait3A_396 = tpu.memref_slice %dma_wait3A_393[%run_scoped3A_253, %dma_wait3A_394, %dma_wait3A_395] : memref<1x128x384xf32, #tpu.memory_space<vmem>> -> memref<1x128x384xf32, #tpu.memory_space<vmem>>
            %dma_wait3A_397 = tpu.memref_squeeze %dma_wait3A_396 : memref<1x128x384xf32, #tpu.memory_space<vmem>> -> memref<128x384xf32, #tpu.memory_space<vmem>>
            %dma_wait3A_398 = arith.constant 0 : i32
            %dma_wait3A_399 = arith.constant 0 : i32
            %dma_wait3A_400 = tpu.memref_slice %run_scoped3A[%rem3A_249, %dma_wait3A_398, %dma_wait3A_399] : memref<2x1x128xi32, #tpu.memory_space<vmem>> -> memref<1x1x128xi32, #tpu.memory_space<vmem>>
            %dma_wait3A_401 = tpu.memref_squeeze %dma_wait3A_400 : memref<1x1x128xi32, #tpu.memory_space<vmem>> -> memref<1x128xi32, #tpu.memory_space<vmem>>
            %dma_wait3A_402 = arith.constant 0 : i32
            %dma_wait3A_403 = tpu.memref_slice %dma_wait3A_401[%run_scoped3A_252, %dma_wait3A_402] : memref<1x128xi32, #tpu.memory_space<vmem>> -> memref<1x128xi32, #tpu.memory_space<vmem>>
            %dma_wait3A_404 = tpu.memref_squeeze %dma_wait3A_403 : memref<1x128xi32, #tpu.memory_space<vmem>> -> memref<128xi32, #tpu.memory_space<vmem>>
            %dma_wait3A_405 = arith.constant 0 : i32
            %dma_wait3A_406 = arith.constant 0 : i32
            %dma_wait3A_407 = tpu.memref_slice %arg2[%dma_wait3A_405, %dma_wait3A_406] : memref<6144x384xf32, #tpu.memory_space<hbm>> -> memref<6144x384xf32, #tpu.memory_space<hbm>>
            tpu.wait_indirect_dma semaphore(%run_scoped3A_369 : memref<!tpu.dma_semaphore, #tpu.memory_space<semaphore_mem>>) src(%dma_wait3A_407 : memref<6144x384xf32, #tpu.memory_space<hbm>>) dst(%dma_wait3A_397 : memref<128x384xf32, #tpu.memory_space<vmem>>)
            tpu.yield
          }) : () -> ()
          "tpu.trace_stop"() : () -> ()
          %div3A_254 = arith.constant 16 : i32
          %div3A_255 = arith.divsi %add3A_143, %div3A_254 : i32
          %rem3A_256 = arith.constant 16 : i32
          %rem3A_257 = arith.remsi %add3A_143, %rem3A_256 : i32
          %div3A_258 = arith.constant 16 : i32
          %div3A_259 = arith.divsi %add3A_161, %div3A_258 : i32
          %rem3A_260 = arith.constant 16 : i32
          %rem3A_261 = arith.remsi %add3A_161, %rem3A_260 : i32
          %ne3A_262 = arith.cmpi ne, %div3A_255, %div3A_259 : i32
          %ne3A_263 = arith.cmpi ne, %rem3A_257, %rem3A_261 : i32
          %or3A_264 = arith.constant false
          %or3A_265 = arith.ori %or3A_264, %ne3A_262 : i1
          %or3A_266 = arith.ori %or3A_265, %ne3A_263 : i1
          %or3A_267 = arith.ori %or3A_266, %eq3A_142 : i1
          %convert_element_type3A_268 = arith.extui %or3A_267 : i1 to i32
          %cond3A_269 = arith.constant 0 : i32
          %cond3A_270 = arith.cmpi ne, %convert_element_type3A_268, %cond3A_269 : i32
          scf.if %cond3A_270 {
          } else {
          }
          %and3A_271 = arith.constant false
          %and3A_272 = arith.andi %or3A_267, %and3A_271 : i1
          %div3A_273 = arith.constant 16 : i32
          %div3A_274 = arith.divsi %add3A_143, %div3A_273 : i32
          %rem3A_275 = arith.constant 16 : i32
          %rem3A_276 = arith.remsi %add3A_143, %rem3A_275 : i32
          %div3A_277 = arith.constant 16 : i32
          %div3A_278 = arith.divsi %add3A_161, %div3A_277 : i32
          %rem3A_279 = arith.constant 16 : i32
          %rem3A_280 = arith.remsi %add3A_161, %rem3A_279 : i32
          %ne3A_281 = arith.cmpi ne, %div3A_274, %div3A_278 : i32
          %ne3A_282 = arith.cmpi ne, %rem3A_276, %rem3A_280 : i32
          %or3A_283 = arith.constant false
          %or3A_284 = arith.ori %or3A_283, %ne3A_281 : i1
          %or3A_285 = arith.ori %or3A_284, %ne3A_282 : i1
          %or3A_286 = arith.constant false
          %or3A_287 = arith.ori %or3A_285, %or3A_286 : i1
          %or3A_288 = arith.ori %or3A_287, %eq3A_142 : i1
          %convert_element_type3A_289 = arith.extui %or3A_288 : i1 to i32
          %cond3A_290 = arith.constant 0 : i32
          %cond3A_291 = arith.cmpi ne, %convert_element_type3A_289, %cond3A_290 : i32
          scf.if %cond3A_291 {
            "tpu.trace_start"() <{level = 10 : i32, message = "ep_copy_out"}> : () -> ()
            %rem3A_369 = arith.constant 2 : i32
            %rem3A_370 = arith.remui %scan3A_136, %rem3A_369 : i32
            %div3A_371 = arith.constant 16 : i32
            %div3A_372 = arith.divsi %add3A_143, %div3A_371 : i32
            %rem3A_373 = arith.constant 16 : i32
            %rem3A_374 = arith.remsi %add3A_143, %rem3A_373 : i32
            %mul3A_375 = arith.constant 1 : i32
            %mul3A_376 = arith.muli %mul3A_375, %div3A_372 : i32
            %mul3A_377 = arith.constant 128 : i32
            %mul3A_378 = arith.muli %mul3A_377, %rem3A_374 : i32
            %dma_start3A_379 = arith.constant 0 : i32
            %dma_start3A_380 = arith.constant 0 : i32
            %dma_start3A_381 = arith.constant 0 : i32
            %dma_start3A_382 = tpu.memref_slice %run_scoped3A_9[%rem3A_370, %dma_start3A_379, %dma_start3A_380, %dma_start3A_381] : memref<2x1x128x384xf32, #tpu.memory_space<vmem>> -> memref<1x1x128x384xf32, #tpu.memory_space<vmem>>
            %dma_start3A_383 = tpu.memref_squeeze %dma_start3A_382 : memref<1x1x128x384xf32, #tpu.memory_space<vmem>> -> memref<1x128x384xf32, #tpu.memory_space<vmem>>
            %dma_start3A_384 = arith.constant 0 : i32
            %dma_start3A_385 = tpu.memref_slice %arg5[%mul3A_376, %mul3A_378, %dma_start3A_384] : memref<2x2048x384xf32, #tpu.memory_space<hbm>> -> memref<1x128x384xf32, #tpu.memory_space<hbm>>
            %dma_start3A_386 = tpu.memref_slice %run_scoped3A_10[%rem3A_370] : memref<2x!tpu.dma_semaphore, #tpu.memory_space<semaphore_mem>> -> memref<1x!tpu.dma_semaphore, #tpu.memory_space<semaphore_mem>>
            %dma_start3A_387 = tpu.memref_squeeze %dma_start3A_386 : memref<1x!tpu.dma_semaphore, #tpu.memory_space<semaphore_mem>> -> memref<!tpu.dma_semaphore, #tpu.memory_space<semaphore_mem>>
            %dma_start3A_388 = arith.constant 0 : i32
            %dma_start3A_389 = tpu.memref_slice %arg5[%mul3A_376, %mul3A_378, %dma_start3A_388] : memref<2x2048x384xf32, #tpu.memory_space<hbm>> -> memref<1x128x384xf32, #tpu.memory_space<hbm>>
            %dma_start3A_390 = arith.constant 0 : i32
            %dma_start3A_391 = arith.constant 0 : i32
            %dma_start3A_392 = arith.constant 0 : i32
            %dma_start3A_393 = tpu.memref_slice %run_scoped3A_9[%rem3A_370, %dma_start3A_390, %dma_start3A_391, %dma_start3A_392] : memref<2x1x128x384xf32, #tpu.memory_space<vmem>> -> memref<1x1x128x384xf32, #tpu.memory_space<vmem>>
            %dma_start3A_394 = tpu.memref_squeeze %dma_start3A_393 : memref<1x1x128x384xf32, #tpu.memory_space<vmem>> -> memref<1x128x384xf32, #tpu.memory_space<vmem>>
            tpu.enqueue_dma source(%dma_start3A_394 : memref<1x128x384xf32, #tpu.memory_space<vmem>>) target(%dma_start3A_389 : memref<1x128x384xf32, #tpu.memory_space<hbm>>) target_semaphore(%dma_start3A_387 : memref<!tpu.dma_semaphore, #tpu.memory_space<semaphore_mem>>)
            "tpu.trace_stop"() : () -> ()
          } else {
          }
          %and3A_292 = arith.constant true
          %and3A_293 = arith.andi %or3A_288, %and3A_292 : i1
          %add3A_294 = arith.constant 1 : i32
          %add3A_295 = arith.addi %scan3A_136, %add3A_294 : i32
          %select_n3A_296 = arith.select %and3A_293, %add3A_295, %scan3A_136 : i32
          %div3A_297 = arith.constant 16 : i32
          %div3A_298 = arith.divsi %add3A_143, %div3A_297 : i32
          %rem3A_299 = arith.constant 16 : i32
          %rem3A_300 = arith.remsi %add3A_143, %rem3A_299 : i32
          %div3A_301 = arith.constant 16 : i32
          %div3A_302 = arith.divsi %add3A_152, %div3A_301 : i32
          %rem3A_303 = arith.constant 16 : i32
          %rem3A_304 = arith.remsi %add3A_152, %rem3A_303 : i32
          %ne3A_305 = arith.cmpi ne, %div3A_298, %div3A_302 : i32
          %ne3A_306 = arith.cmpi ne, %rem3A_300, %rem3A_304 : i32
          %or3A_307 = arith.constant false
          %or3A_308 = arith.ori %or3A_307, %ne3A_305 : i1
          %or3A_309 = arith.ori %or3A_308, %ne3A_306 : i1
          %not3A_310 = arith.constant true
          %not3A_311 = arith.xori %eq3A_140, %not3A_310 : i1
          %and3A_312 = arith.andi %or3A_309, %not3A_311 : i1
          %convert_element_type3A_313 = arith.extui %and3A_312 : i1 to i32
          %cond3A_314 = arith.constant 0 : i32
          %cond3A_315 = arith.cmpi ne, %convert_element_type3A_313, %cond3A_314 : i32
          scf.if %cond3A_315 {
          } else {
          }
          %and3A_316 = arith.constant false
          %and3A_317 = arith.andi %and3A_312, %and3A_316 : i1
          %div3A_318 = arith.constant 16 : i32
          %div3A_319 = arith.divsi %add3A_143, %div3A_318 : i32
          %rem3A_320 = arith.constant 16 : i32
          %rem3A_321 = arith.remsi %add3A_143, %rem3A_320 : i32
          %div3A_322 = arith.constant 16 : i32
          %div3A_323 = arith.divsi %add3A_152, %div3A_322 : i32
          %rem3A_324 = arith.constant 16 : i32
          %rem3A_325 = arith.remsi %add3A_152, %rem3A_324 : i32
          %ne3A_326 = arith.cmpi ne, %div3A_319, %div3A_323 : i32
          %ne3A_327 = arith.cmpi ne, %rem3A_321, %rem3A_325 : i32
          %or3A_328 = arith.constant false
          %or3A_329 = arith.ori %or3A_328, %ne3A_326 : i1
          %or3A_330 = arith.ori %or3A_329, %ne3A_327 : i1
          %or3A_331 = arith.constant false
          %or3A_332 = arith.ori %or3A_330, %or3A_331 : i1
          %not3A_333 = arith.constant true
          %not3A_334 = arith.xori %eq3A_140, %not3A_333 : i1
          %and3A_335 = arith.andi %or3A_332, %not3A_334 : i1
          %convert_element_type3A_336 = arith.extui %and3A_335 : i1 to i32
          %cond3A_337 = arith.constant 0 : i32
          %cond3A_338 = arith.cmpi ne, %convert_element_type3A_336, %cond3A_337 : i32
          scf.if %cond3A_338 {
            "tpu.trace_start"() <{level = 10 : i32, message = "ep_wait_out"}> : () -> ()
            %rem3A_369 = arith.constant 2 : i32
            %rem3A_370 = arith.remui %scan3A_137, %rem3A_369 : i32
            %div3A_371 = arith.constant 16 : i32
            %div3A_372 = arith.divsi %add3A_152, %div3A_371 : i32
            %rem3A_373 = arith.constant 16 : i32
            %rem3A_374 = arith.remsi %add3A_152, %rem3A_373 : i32
            %mul3A_375 = arith.constant 1 : i32
            %mul3A_376 = arith.muli %mul3A_375, %div3A_372 : i32
            %mul3A_377 = arith.constant 128 : i32
            %mul3A_378 = arith.muli %mul3A_377, %rem3A_374 : i32
            %dma_wait3A_379 = arith.constant 0 : i32
            %dma_wait3A_380 = arith.constant 0 : i32
            %dma_wait3A_381 = arith.constant 0 : i32
            %dma_wait3A_382 = tpu.memref_slice %run_scoped3A_9[%rem3A_370, %dma_wait3A_379, %dma_wait3A_380, %dma_wait3A_381] : memref<2x1x128x384xf32, #tpu.memory_space<vmem>> -> memref<1x1x128x384xf32, #tpu.memory_space<vmem>>
            %dma_wait3A_383 = tpu.memref_squeeze %dma_wait3A_382 : memref<1x1x128x384xf32, #tpu.memory_space<vmem>> -> memref<1x128x384xf32, #tpu.memory_space<vmem>>
            %dma_wait3A_384 = arith.constant 0 : i32
            %dma_wait3A_385 = tpu.memref_slice %arg5[%mul3A_376, %mul3A_378, %dma_wait3A_384] : memref<2x2048x384xf32, #tpu.memory_space<hbm>> -> memref<1x128x384xf32, #tpu.memory_space<hbm>>
            %dma_wait3A_386 = tpu.memref_slice %run_scoped3A_10[%rem3A_370] : memref<2x!tpu.dma_semaphore, #tpu.memory_space<semaphore_mem>> -> memref<1x!tpu.dma_semaphore, #tpu.memory_space<semaphore_mem>>
            %dma_wait3A_387 = tpu.memref_squeeze %dma_wait3A_386 : memref<1x!tpu.dma_semaphore, #tpu.memory_space<semaphore_mem>> -> memref<!tpu.dma_semaphore, #tpu.memory_space<semaphore_mem>>
            %dma_wait3A_388 = arith.constant 0 : i32
            %dma_wait3A_389 = tpu.memref_slice %arg5[%mul3A_376, %mul3A_378, %dma_wait3A_388] : memref<2x2048x384xf32, #tpu.memory_space<hbm>> -> memref<1x128x384xf32, #tpu.memory_space<hbm>>
            %dma_wait3A_390 = arith.constant 0 : i32
            %dma_wait3A_391 = arith.constant 0 : i32
            %dma_wait3A_392 = arith.constant 0 : i32
            %dma_wait3A_393 = tpu.memref_slice %run_scoped3A_9[%rem3A_370, %dma_wait3A_390, %dma_wait3A_391, %dma_wait3A_392] : memref<2x1x128x384xf32, #tpu.memory_space<vmem>> -> memref<1x1x128x384xf32, #tpu.memory_space<vmem>>
            %dma_wait3A_394 = tpu.memref_squeeze %dma_wait3A_393 : memref<1x1x128x384xf32, #tpu.memory_space<vmem>> -> memref<1x128x384xf32, #tpu.memory_space<vmem>>
            tpu.wait_dma2 semaphore(%dma_wait3A_387 : memref<!tpu.dma_semaphore, #tpu.memory_space<semaphore_mem>>) src(%dma_wait3A_394 : memref<1x128x384xf32, #tpu.memory_space<vmem>>) dst(%dma_wait3A_389 : memref<1x128x384xf32, #tpu.memory_space<hbm>>)
            "tpu.trace_stop"() : () -> ()
          } else {
          }
          %and3A_339 = arith.constant true
          %and3A_340 = arith.andi %and3A_335, %and3A_339 : i1
          %add3A_341 = arith.constant 1 : i32
          %add3A_342 = arith.addi %scan3A_137, %add3A_341 : i32
          %select_n3A_343 = arith.select %and3A_340, %add3A_342, %scan3A_137 : i32
          %div3A_344 = arith.constant 16 : i32
          %div3A_345 = arith.divsi %add3A_143, %div3A_344 : i32
          %rem3A_346 = arith.constant 16 : i32
          %rem3A_347 = arith.remsi %add3A_143, %rem3A_346 : i32
          %div3A_348 = arith.constant 16 : i32
          %div3A_349 = arith.divsi %add3A_161, %div3A_348 : i32
          %rem3A_350 = arith.constant 16 : i32
          %rem3A_351 = arith.remsi %add3A_161, %rem3A_350 : i32
          %ne3A_352 = arith.cmpi ne, %div3A_345, %div3A_349 : i32
          %ne3A_353 = arith.cmpi ne, %rem3A_347, %rem3A_351 : i32
          %or3A_354 = arith.constant false
          %or3A_355 = arith.ori %or3A_354, %ne3A_352 : i1
          %or3A_356 = arith.ori %or3A_355, %ne3A_353 : i1
          %or3A_357 = arith.ori %or3A_356, %eq3A_142 : i1
          %add3A_358 = arith.constant 1 : i32
          %add3A_359 = arith.addi %scan3A_135, %add3A_358 : i32
          %select_n3A_360 = arith.select %or3A_357, %add3A_359, %scan3A_135 : i32
          %add3A_361 = arith.constant 1 : i32
          %add3A_362 = arith.addi %scan3A_138, %add3A_361 : i32
          %select_n3A_363 = arith.constant true
          %select_n3A_364 = arith.select %select_n3A_363, %add3A_362, %scan3A_138 : i32
          %eq3A_365 = arith.constant 2 : i32
          %eq3A_366 = arith.cmpi eq, %select_n3A_364, %eq3A_365 : i32
          %select_n3A_367 = arith.constant 0 : i32
          %select_n3A_368 = arith.select %eq3A_366, %select_n3A_367, %select_n3A_364 : i32
          scf.yield %select_n3A_191, %select_n3A_360, %select_n3A_296, %select_n3A_343, %select_n3A_368 : i32, i32, i32, i32, i32
        }
        %scan3A_72 = arith.constant 2 : i32
        %sub3A = arith.constant 1 : i32
        %sub3A_73 = arith.subi %scan3A_71#4, %sub3A : i32
        %select_n3A_74 = arith.constant true
        %select_n3A_75 = arith.select %select_n3A_74, %sub3A_73, %scan3A_71#4 : i32
        %eq3A_76 = arith.constant -1 : i32
        %eq3A_77 = arith.cmpi eq, %select_n3A_75, %eq3A_76 : i32
        %select_n3A_78 = arith.constant 1 : i32
        %select_n3A_79 = arith.select %eq3A_77, %select_n3A_78, %select_n3A_75 : i32
        %add3A_80 = arith.addi %select_n3A_79, %mul3A_7 : i32
        %sub3A_81 = arith.constant 1 : i32
        %sub3A_82 = arith.subi %select_n3A_79, %sub3A_81 : i32
        %select_n3A_83 = arith.constant true
        %select_n3A_84 = arith.select %select_n3A_83, %sub3A_82, %select_n3A_79 : i32
        %eq3A_85 = arith.constant -1 : i32
        %eq3A_86 = arith.cmpi eq, %select_n3A_84, %eq3A_85 : i32
        %select_n3A_87 = arith.constant 1 : i32
        %select_n3A_88 = arith.select %eq3A_86, %select_n3A_87, %select_n3A_84 : i32
        %add3A_89 = arith.addi %select_n3A_88, %mul3A_7 : i32
        %add3A_90 = arith.constant 1 : i32
        %add3A_91 = arith.addi %select_n3A_79, %add3A_90 : i32
        %select_n3A_92 = arith.constant true
        %select_n3A_93 = arith.select %select_n3A_92, %add3A_91, %select_n3A_79 : i32
        %eq3A_94 = arith.constant 2 : i32
        %eq3A_95 = arith.cmpi eq, %select_n3A_93, %eq3A_94 : i32
        %select_n3A_96 = arith.constant 0 : i32
        %select_n3A_97 = arith.select %eq3A_95, %select_n3A_96, %select_n3A_93 : i32
        %add3A_98 = arith.addi %select_n3A_97, %mul3A_7 : i32
        %add3A_99 = arith.constant 1 : i32
        %add3A_100 = arith.addi %select_n3A_97, %add3A_99 : i32
        %select_n3A_101 = arith.constant true
        %select_n3A_102 = arith.select %select_n3A_101, %add3A_100, %select_n3A_97 : i32
        %eq3A_103 = arith.constant 2 : i32
        %eq3A_104 = arith.cmpi eq, %select_n3A_102, %eq3A_103 : i32
        %select_n3A_105 = arith.constant 0 : i32
        %select_n3A_106 = arith.select %eq3A_104, %select_n3A_105, %select_n3A_102 : i32
        %add3A_107 = arith.addi %select_n3A_106, %mul3A_7 : i32
        "tpu.trace_start"() <{level = 10 : i32, message = "ep_finalize"}> : () -> ()
        %rem3A_108 = arith.constant 2 : i32
        %rem3A_109 = arith.remui %scan3A_71#3, %rem3A_108 : i32
        %div3A_110 = arith.constant 16 : i32
        %div3A_111 = arith.divsi %add3A_80, %div3A_110 : i32
        %rem3A_112 = arith.constant 16 : i32
        %rem3A_113 = arith.remsi %add3A_80, %rem3A_112 : i32
        %mul3A_114 = arith.constant 1 : i32
        %mul3A_115 = arith.muli %mul3A_114, %div3A_111 : i32
        %mul3A_116 = arith.constant 128 : i32
        %mul3A_117 = arith.muli %mul3A_116, %rem3A_113 : i32
        %dma_wait3A = arith.constant 0 : i32
        %dma_wait3A_118 = arith.constant 0 : i32
        %dma_wait3A_119 = arith.constant 0 : i32
        %dma_wait3A_120 = tpu.memref_slice %run_scoped3A_9[%rem3A_109, %dma_wait3A, %dma_wait3A_118, %dma_wait3A_119] : memref<2x1x128x384xf32, #tpu.memory_space<vmem>> -> memref<1x1x128x384xf32, #tpu.memory_space<vmem>>
        %dma_wait3A_121 = tpu.memref_squeeze %dma_wait3A_120 : memref<1x1x128x384xf32, #tpu.memory_space<vmem>> -> memref<1x128x384xf32, #tpu.memory_space<vmem>>
        %dma_wait3A_122 = arith.constant 0 : i32
        %dma_wait3A_123 = tpu.memref_slice %arg5[%mul3A_115, %mul3A_117, %dma_wait3A_122] : memref<2x2048x384xf32, #tpu.memory_space<hbm>> -> memref<1x128x384xf32, #tpu.memory_space<hbm>>
        %dma_wait3A_124 = tpu.memref_slice %run_scoped3A_10[%rem3A_109] : memref<2x!tpu.dma_semaphore, #tpu.memory_space<semaphore_mem>> -> memref<1x!tpu.dma_semaphore, #tpu.memory_space<semaphore_mem>>
        %dma_wait3A_125 = tpu.memref_squeeze %dma_wait3A_124 : memref<1x!tpu.dma_semaphore, #tpu.memory_space<semaphore_mem>> -> memref<!tpu.dma_semaphore, #tpu.memory_space<semaphore_mem>>
        %dma_wait3A_126 = arith.constant 0 : i32
        %dma_wait3A_127 = tpu.memref_slice %arg5[%mul3A_115, %mul3A_117, %dma_wait3A_126] : memref<2x2048x384xf32, #tpu.memory_space<hbm>> -> memref<1x128x384xf32, #tpu.memory_space<hbm>>
        %dma_wait3A_128 = arith.constant 0 : i32
        %dma_wait3A_129 = arith.constant 0 : i32
        %dma_wait3A_130 = arith.constant 0 : i32
        %dma_wait3A_131 = tpu.memref_slice %run_scoped3A_9[%rem3A_109, %dma_wait3A_128, %dma_wait3A_129, %dma_wait3A_130] : memref<2x1x128x384xf32, #tpu.memory_space<vmem>> -> memref<1x1x128x384xf32, #tpu.memory_space<vmem>>
        %dma_wait3A_132 = tpu.memref_squeeze %dma_wait3A_131 : memref<1x1x128x384xf32, #tpu.memory_space<vmem>> -> memref<1x128x384xf32, #tpu.memory_space<vmem>>
        tpu.wait_dma2 semaphore(%dma_wait3A_125 : memref<!tpu.dma_semaphore, #tpu.memory_space<semaphore_mem>>) src(%dma_wait3A_132 : memref<1x128x384xf32, #tpu.memory_space<vmem>>) dst(%dma_wait3A_127 : memref<1x128x384xf32, #tpu.memory_space<hbm>>)
        "tpu.trace_stop"() : () -> ()
        tpu.yield
      }) : () -> ()
    } else {
    }
    %eq3A_2 = arith.constant 1 : i32
    %eq3A_3 = arith.cmpi eq, %arg0, %eq3A_2 : i32
    %convert_element_type3A_4 = arith.extui %eq3A_3 : i1 to i32
    %cond3A_5 = arith.constant 0 : i32
    %cond3A_6 = arith.cmpi ne, %convert_element_type3A_4, %cond3A_5 : i32
    scf.if %cond3A_6 {
      %mul3A = arith.constant 2 : i32
      %mul3A_7 = arith.muli %arg1, %mul3A : i32
      "tpu.region"() ({
        %run_scoped3A = memref.alloca() : memref<2x1x128xi32, #tpu.memory_space<vmem>>
        %run_scoped3A_8 = tpu.sem_alloc : memref<2x!tpu.dma_semaphore, #tpu.memory_space<semaphore_mem>>
        %run_scoped3A_9 = memref.alloca() : memref<2x1x128x384xf32, #tpu.memory_space<vmem>>
        %run_scoped3A_10 = tpu.sem_alloc : memref<2x!tpu.dma_semaphore, #tpu.memory_space<semaphore_mem>>
        %add3A = arith.constant 0 : i32
        %add3A_11 = arith.addi %add3A, %mul3A_7 : i32
        %select_n3A = arith.constant true
        %select_n3A_12 = arith.constant 0 : i32
        %select_n3A_13 = arith.constant -1 : i32
        %select_n3A_14 = arith.select %select_n3A, %select_n3A_13, %select_n3A_12 : i32
        %eq3A_15 = arith.constant -1 : i32
        %eq3A_16 = arith.cmpi eq, %select_n3A_14, %eq3A_15 : i32
        %select_n3A_17 = arith.constant 1 : i32
        %select_n3A_18 = arith.select %eq3A_16, %select_n3A_17, %select_n3A_14 : i32
        %add3A_19 = arith.addi %select_n3A_18, %mul3A_7 : i32
        %select_n3A_20 = arith.constant true
        %select_n3A_21 = arith.constant 0 : i32
        %select_n3A_22 = arith.constant 1 : i32
        %select_n3A_23 = arith.select %select_n3A_20, %select_n3A_22, %select_n3A_21 : i32
        %eq3A_24 = arith.constant 2 : i32
        %eq3A_25 = arith.cmpi eq, %select_n3A_23, %eq3A_24 : i32
        %select_n3A_26 = arith.constant 0 : i32
        %select_n3A_27 = arith.select %eq3A_25, %select_n3A_26, %select_n3A_23 : i32
        %add3A_28 = arith.addi %select_n3A_27, %mul3A_7 : i32
        %add3A_29 = arith.constant 1 : i32
        %add3A_30 = arith.addi %select_n3A_27, %add3A_29 : i32
        %select_n3A_31 = arith.constant true
        %select_n3A_32 = arith.select %select_n3A_31, %add3A_30, %select_n3A_27 : i32
        %eq3A_33 = arith.constant 2 : i32
        %eq3A_34 = arith.cmpi eq, %select_n3A_32, %eq3A_33 : i32
        %select_n3A_35 = arith.constant 0 : i32
        %select_n3A_36 = arith.select %eq3A_34, %select_n3A_35, %select_n3A_32 : i32
        %add3A_37 = arith.addi %select_n3A_36, %mul3A_7 : i32
        "tpu.trace_start"() <{level = 10 : i32, message = "ep_initialize_0"}> : () -> ()
        %rem3A = arith.constant 0 : i32
        %rem3A_38 = arith.constant 2 : i32
        %rem3A_39 = arith.remui %rem3A, %rem3A_38 : i32
        %div3A = arith.constant 16 : i32
        %div3A_40 = arith.divsi %add3A_11, %div3A : i32
        %rem3A_41 = arith.constant 16 : i32
        %rem3A_42 = arith.remsi %add3A_11, %rem3A_41 : i32
        %mul3A_43 = arith.constant 1 : i32
        %mul3A_44 = arith.muli %mul3A_43, %div3A_40 : i32
        %mul3A_45 = arith.constant 128 : i32
        %mul3A_46 = arith.muli %mul3A_45, %rem3A_42 : i32
        %dma_start3A = arith.constant 0 : i32
        %dma_start3A_47 = arith.constant 0 : i32
        %dma_start3A_48 = tpu.memref_slice %run_scoped3A[%rem3A_39, %dma_start3A, %dma_start3A_47] : memref<2x1x128xi32, #tpu.memory_space<vmem>> -> memref<1x1x128xi32, #tpu.memory_space<vmem>>
        %dma_start3A_49 = tpu.memref_squeeze %dma_start3A_48 : memref<1x1x128xi32, #tpu.memory_space<vmem>> -> memref<1x128xi32, #tpu.memory_space<vmem>>
        %dma_start3A_50 = tpu.memref_slice %arg4[%mul3A_44, %mul3A_46] : memref<2x2048xi32, #tpu.memory_space<hbm>> -> memref<1x128xi32, #tpu.memory_space<hbm>>
        %dma_start3A_51 = tpu.memref_slice %run_scoped3A_8[%rem3A_39] : memref<2x!tpu.dma_semaphore, #tpu.memory_space<semaphore_mem>> -> memref<1x!tpu.dma_semaphore, #tpu.memory_space<semaphore_mem>>
        %dma_start3A_52 = tpu.memref_squeeze %dma_start3A_51 : memref<1x!tpu.dma_semaphore, #tpu.memory_space<semaphore_mem>> -> memref<!tpu.dma_semaphore, #tpu.memory_space<semaphore_mem>>
        %dma_start3A_53 = arith.constant 0 : i32
        %dma_start3A_54 = arith.constant 0 : i32
        %dma_start3A_55 = tpu.memref_slice %run_scoped3A[%rem3A_39, %dma_start3A_53, %dma_start3A_54] : memref<2x1x128xi32, #tpu.memory_space<vmem>> -> memref<1x1x128xi32, #tpu.memory_space<vmem>>
        %dma_start3A_56 = tpu.memref_squeeze %dma_start3A_55 : memref<1x1x128xi32, #tpu.memory_space<vmem>> -> memref<1x128xi32, #tpu.memory_space<vmem>>
        %dma_start3A_57 = tpu.memref_slice %arg4[%mul3A_44, %mul3A_46] : memref<2x2048xi32, #tpu.memory_space<hbm>> -> memref<1x128xi32, #tpu.memory_space<hbm>>
        tpu.enqueue_dma source(%dma_start3A_57 : memref<1x128xi32, #tpu.memory_space<hbm>>) target(%dma_start3A_56 : memref<1x128xi32, #tpu.memory_space<vmem>>) target_semaphore(%dma_start3A_52 : memref<!tpu.dma_semaphore, #tpu.memory_space<semaphore_mem>>)
        %add3A_58 = arith.constant 0 : i32
        %add3A_59 = arith.constant 1 : i32
        %add3A_60 = arith.addi %add3A_58, %add3A_59 : i32
        %select_n3A_61 = arith.constant true
        %select_n3A_62 = arith.constant 0 : i32
        %select_n3A_63 = arith.select %select_n3A_61, %add3A_60, %select_n3A_62 : i32
        "tpu.trace_stop"() : () -> ()
        %scan3A = arith.constant 0 : i32
        %scan3A_64 = arith.constant 0 : i32
        %scan3A_65 = arith.constant 0 : i32
        %scan3A_66 = arith.constant 0 : i32
        %scan3A_67 = arith.constant 0 : i32
        %scan3A_68 = arith.constant 2 : i32
        %scan3A_69 = arith.addi %scan3A_67, %scan3A_68 : i32
        %scan3A_70 = arith.constant 1 : i32
        %scan3A_71:5 = scf.for %scan3A_133 = %scan3A_67 to %scan3A_69 step %scan3A_70 iter_args(%scan3A_134 = %select_n3A_63, %scan3A_135 = %scan3A, %scan3A_136 = %scan3A_64, %scan3A_137 = %scan3A_65, %scan3A_138 = %scan3A_66) -> (i32, i32, i32, i32, i32)  : i32 {
          %eq3A_139 = arith.constant 0 : i32
          %eq3A_140 = arith.cmpi eq, %scan3A_133, %eq3A_139 : i32
          %eq3A_141 = arith.constant 1 : i32
          %eq3A_142 = arith.cmpi eq, %scan3A_133, %eq3A_141 : i32
          %add3A_143 = arith.addi %scan3A_138, %mul3A_7 : i32
          %sub3A_144 = arith.constant 1 : i32
          %sub3A_145 = arith.subi %scan3A_138, %sub3A_144 : i32
          %select_n3A_146 = arith.constant true
          %select_n3A_147 = arith.select %select_n3A_146, %sub3A_145, %scan3A_138 : i32
          %eq3A_148 = arith.constant -1 : i32
          %eq3A_149 = arith.cmpi eq, %select_n3A_147, %eq3A_148 : i32
          %select_n3A_150 = arith.constant 1 : i32
          %select_n3A_151 = arith.select %eq3A_149, %select_n3A_150, %select_n3A_147 : i32
          %add3A_152 = arith.addi %select_n3A_151, %mul3A_7 : i32
          %add3A_153 = arith.constant 1 : i32
          %add3A_154 = arith.addi %scan3A_138, %add3A_153 : i32
          %select_n3A_155 = arith.constant true
          %select_n3A_156 = arith.select %select_n3A_155, %add3A_154, %scan3A_138 : i32
          %eq3A_157 = arith.constant 2 : i32
          %eq3A_158 = arith.cmpi eq, %select_n3A_156, %eq3A_157 : i32
          %select_n3A_159 = arith.constant 0 : i32
          %select_n3A_160 = arith.select %eq3A_158, %select_n3A_159, %select_n3A_156 : i32
          %add3A_161 = arith.addi %select_n3A_160, %mul3A_7 : i32
          %add3A_162 = arith.constant 1 : i32
          %add3A_163 = arith.addi %select_n3A_160, %add3A_162 : i32
          %select_n3A_164 = arith.constant true
          %select_n3A_165 = arith.select %select_n3A_164, %add3A_163, %select_n3A_160 : i32
          %eq3A_166 = arith.constant 2 : i32
          %eq3A_167 = arith.cmpi eq, %select_n3A_165, %eq3A_166 : i32
          %select_n3A_168 = arith.constant 0 : i32
          %select_n3A_169 = arith.select %eq3A_167, %select_n3A_168, %select_n3A_165 : i32
          %add3A_170 = arith.addi %select_n3A_169, %mul3A_7 : i32
          %div3A_171 = arith.constant 16 : i32
          %div3A_172 = arith.divsi %add3A_143, %div3A_171 : i32
          %rem3A_173 = arith.constant 16 : i32
          %rem3A_174 = arith.remsi %add3A_143, %rem3A_173 : i32
          %div3A_175 = arith.constant 16 : i32
          %div3A_176 = arith.divsi %add3A_161, %div3A_175 : i32
          %rem3A_177 = arith.constant 16 : i32
          %rem3A_178 = arith.remsi %add3A_161, %rem3A_177 : i32
          %ne3A = arith.cmpi ne, %div3A_172, %div3A_176 : i32
          %ne3A_179 = arith.cmpi ne, %rem3A_174, %rem3A_178 : i32
          %or3A = arith.constant false
          %or3A_180 = arith.ori %or3A, %ne3A : i1
          %or3A_181 = arith.ori %or3A_180, %ne3A_179 : i1
          %ge3A = arith.constant 1 : i32
          %ge3A_182 = arith.cmpi sge, %scan3A_133, %ge3A : i32
          %not3A = arith.constant true
          %not3A_183 = arith.xori %ge3A_182, %not3A : i1
          %and3A = arith.andi %or3A_181, %not3A_183 : i1
          %convert_element_type3A_184 = arith.extui %and3A : i1 to i32
          %cond3A_185 = arith.constant 0 : i32
          %cond3A_186 = arith.cmpi ne, %convert_element_type3A_184, %cond3A_185 : i32
          scf.if %cond3A_186 {
            "tpu.trace_start"() <{level = 10 : i32, message = "ep_copy_in"}> : () -> ()
            %rem3A_369 = arith.constant 2 : i32
            %rem3A_370 = arith.remui %scan3A_134, %rem3A_369 : i32
            %div3A_371 = arith.constant 16 : i32
            %div3A_372 = arith.divsi %add3A_161, %div3A_371 : i32
            %rem3A_373 = arith.constant 16 : i32
            %rem3A_374 = arith.remsi %add3A_161, %rem3A_373 : i32
            %mul3A_375 = arith.constant 1 : i32
            %mul3A_376 = arith.muli %mul3A_375, %div3A_372 : i32
            %mul3A_377 = arith.constant 128 : i32
            %mul3A_378 = arith.muli %mul3A_377, %rem3A_374 : i32
            %dma_start3A_379 = arith.constant 0 : i32
            %dma_start3A_380 = arith.constant 0 : i32
            %dma_start3A_381 = tpu.memref_slice %run_scoped3A[%rem3A_370, %dma_start3A_379, %dma_start3A_380] : memref<2x1x128xi32, #tpu.memory_space<vmem>> -> memref<1x1x128xi32, #tpu.memory_space<vmem>>
            %dma_start3A_382 = tpu.memref_squeeze %dma_start3A_381 : memref<1x1x128xi32, #tpu.memory_space<vmem>> -> memref<1x128xi32, #tpu.memory_space<vmem>>
            %dma_start3A_383 = tpu.memref_slice %arg4[%mul3A_376, %mul3A_378] : memref<2x2048xi32, #tpu.memory_space<hbm>> -> memref<1x128xi32, #tpu.memory_space<hbm>>
            %dma_start3A_384 = tpu.memref_slice %run_scoped3A_8[%rem3A_370] : memref<2x!tpu.dma_semaphore, #tpu.memory_space<semaphore_mem>> -> memref<1x!tpu.dma_semaphore, #tpu.memory_space<semaphore_mem>>
            %dma_start3A_385 = tpu.memref_squeeze %dma_start3A_384 : memref<1x!tpu.dma_semaphore, #tpu.memory_space<semaphore_mem>> -> memref<!tpu.dma_semaphore, #tpu.memory_space<semaphore_mem>>
            %dma_start3A_386 = arith.constant 0 : i32
            %dma_start3A_387 = arith.constant 0 : i32
            %dma_start3A_388 = tpu.memref_slice %run_scoped3A[%rem3A_370, %dma_start3A_386, %dma_start3A_387] : memref<2x1x128xi32, #tpu.memory_space<vmem>> -> memref<1x1x128xi32, #tpu.memory_space<vmem>>
            %dma_start3A_389 = tpu.memref_squeeze %dma_start3A_388 : memref<1x1x128xi32, #tpu.memory_space<vmem>> -> memref<1x128xi32, #tpu.memory_space<vmem>>
            %dma_start3A_390 = tpu.memref_slice %arg4[%mul3A_376, %mul3A_378] : memref<2x2048xi32, #tpu.memory_space<hbm>> -> memref<1x128xi32, #tpu.memory_space<hbm>>
            tpu.enqueue_dma source(%dma_start3A_390 : memref<1x128xi32, #tpu.memory_space<hbm>>) target(%dma_start3A_389 : memref<1x128xi32, #tpu.memory_space<vmem>>) target_semaphore(%dma_start3A_385 : memref<!tpu.dma_semaphore, #tpu.memory_space<semaphore_mem>>)
            "tpu.trace_stop"() : () -> ()
          } else {
          }
          %and3A_187 = arith.constant true
          %and3A_188 = arith.andi %and3A, %and3A_187 : i1
          %add3A_189 = arith.constant 1 : i32
          %add3A_190 = arith.addi %scan3A_134, %add3A_189 : i32
          %select_n3A_191 = arith.select %and3A_188, %add3A_190, %scan3A_134 : i32
          %div3A_192 = arith.constant 16 : i32
          %div3A_193 = arith.divsi %add3A_143, %div3A_192 : i32
          %rem3A_194 = arith.constant 16 : i32
          %rem3A_195 = arith.remsi %add3A_143, %rem3A_194 : i32
          %div3A_196 = arith.constant 16 : i32
          %div3A_197 = arith.divsi %add3A_161, %div3A_196 : i32
          %rem3A_198 = arith.constant 16 : i32
          %rem3A_199 = arith.remsi %add3A_161, %rem3A_198 : i32
          %ne3A_200 = arith.cmpi ne, %div3A_193, %div3A_197 : i32
          %ne3A_201 = arith.cmpi ne, %rem3A_195, %rem3A_199 : i32
          %or3A_202 = arith.constant false
          %or3A_203 = arith.ori %or3A_202, %ne3A_200 : i1
          %or3A_204 = arith.ori %or3A_203, %ne3A_201 : i1
          %or3A_205 = arith.constant false
          %or3A_206 = arith.ori %or3A_204, %or3A_205 : i1
          %ge3A_207 = arith.constant 1 : i32
          %ge3A_208 = arith.cmpi sge, %scan3A_133, %ge3A_207 : i32
          %not3A_209 = arith.constant true
          %not3A_210 = arith.xori %ge3A_208, %not3A_209 : i1
          %and3A_211 = arith.andi %or3A_206, %not3A_210 : i1
          %div3A_212 = arith.constant 16 : i32
          %div3A_213 = arith.divsi %add3A_143, %div3A_212 : i32
          %rem3A_214 = arith.constant 16 : i32
          %rem3A_215 = arith.remsi %add3A_143, %rem3A_214 : i32
          %div3A_216 = arith.constant 16 : i32
          %div3A_217 = arith.divsi %add3A_152, %div3A_216 : i32
          %rem3A_218 = arith.constant 16 : i32
          %rem3A_219 = arith.remsi %add3A_152, %rem3A_218 : i32
          %ne3A_220 = arith.cmpi ne, %div3A_213, %div3A_217 : i32
          %ne3A_221 = arith.cmpi ne, %rem3A_215, %rem3A_219 : i32
          %or3A_222 = arith.constant false
          %or3A_223 = arith.ori %or3A_222, %ne3A_220 : i1
          %or3A_224 = arith.ori %or3A_223, %ne3A_221 : i1
          %or3A_225 = arith.ori %or3A_224, %eq3A_140 : i1
          %convert_element_type3A_226 = arith.extui %or3A_225 : i1 to i32
          %cond3A_227 = arith.constant 0 : i32
          %cond3A_228 = arith.cmpi ne, %convert_element_type3A_226, %cond3A_227 : i32
          scf.if %cond3A_228 {
            "tpu.trace_start"() <{level = 10 : i32, message = "ep_wait_in"}> : () -> ()
            %div3A_369 = arith.constant 16 : i32
            %div3A_370 = arith.divsi %add3A_143, %div3A_369 : i32
            %rem3A_371 = arith.constant 16 : i32
            %rem3A_372 = arith.remsi %add3A_143, %rem3A_371 : i32
            %mul3A_373 = arith.constant 1 : i32
            %mul3A_374 = arith.muli %mul3A_373, %div3A_370 : i32
            %mul3A_375 = arith.constant 128 : i32
            %mul3A_376 = arith.muli %mul3A_375, %rem3A_372 : i32
            %rem3A_377 = arith.constant 2 : i32
            %rem3A_378 = arith.remui %scan3A_135, %rem3A_377 : i32
            %dma_wait3A_379 = arith.constant 0 : i32
            %dma_wait3A_380 = arith.constant 0 : i32
            %dma_wait3A_381 = tpu.memref_slice %run_scoped3A[%rem3A_378, %dma_wait3A_379, %dma_wait3A_380] : memref<2x1x128xi32, #tpu.memory_space<vmem>> -> memref<1x1x128xi32, #tpu.memory_space<vmem>>
            %dma_wait3A_382 = tpu.memref_squeeze %dma_wait3A_381 : memref<1x1x128xi32, #tpu.memory_space<vmem>> -> memref<1x128xi32, #tpu.memory_space<vmem>>
            %dma_wait3A_383 = tpu.memref_slice %arg4[%mul3A_374, %mul3A_376] : memref<2x2048xi32, #tpu.memory_space<hbm>> -> memref<1x128xi32, #tpu.memory_space<hbm>>
            %dma_wait3A_384 = tpu.memref_slice %run_scoped3A_8[%rem3A_378] : memref<2x!tpu.dma_semaphore, #tpu.memory_space<semaphore_mem>> -> memref<1x!tpu.dma_semaphore, #tpu.memory_space<semaphore_mem>>
            %dma_wait3A_385 = tpu.memref_squeeze %dma_wait3A_384 : memref<1x!tpu.dma_semaphore, #tpu.memory_space<semaphore_mem>> -> memref<!tpu.dma_semaphore, #tpu.memory_space<semaphore_mem>>
            %dma_wait3A_386 = arith.constant 0 : i32
            %dma_wait3A_387 = arith.constant 0 : i32
            %dma_wait3A_388 = tpu.memref_slice %run_scoped3A[%rem3A_378, %dma_wait3A_386, %dma_wait3A_387] : memref<2x1x128xi32, #tpu.memory_space<vmem>> -> memref<1x1x128xi32, #tpu.memory_space<vmem>>
            %dma_wait3A_389 = tpu.memref_squeeze %dma_wait3A_388 : memref<1x1x128xi32, #tpu.memory_space<vmem>> -> memref<1x128xi32, #tpu.memory_space<vmem>>
            %dma_wait3A_390 = tpu.memref_slice %arg4[%mul3A_374, %mul3A_376] : memref<2x2048xi32, #tpu.memory_space<hbm>> -> memref<1x128xi32, #tpu.memory_space<hbm>>
            tpu.wait_dma2 semaphore(%dma_wait3A_385 : memref<!tpu.dma_semaphore, #tpu.memory_space<semaphore_mem>>) src(%dma_wait3A_390 : memref<1x128xi32, #tpu.memory_space<hbm>>) dst(%dma_wait3A_389 : memref<1x128xi32, #tpu.memory_space<vmem>>)
            "tpu.trace_stop"() : () -> ()
          } else {
          }
          %div3A_229 = arith.constant 16 : i32
          %div3A_230 = arith.divsi %add3A_143, %div3A_229 : i32
          %rem3A_231 = arith.constant 16 : i32
          %rem3A_232 = arith.remsi %add3A_143, %rem3A_231 : i32
          %div3A_233 = arith.constant 16 : i32
          %div3A_234 = arith.divsi %add3A_152, %div3A_233 : i32
          %rem3A_235 = arith.constant 16 : i32
          %rem3A_236 = arith.remsi %add3A_152, %rem3A_235 : i32
          %ne3A_237 = arith.cmpi ne, %div3A_230, %div3A_234 : i32
          %ne3A_238 = arith.cmpi ne, %rem3A_232, %rem3A_236 : i32
          %or3A_239 = arith.constant false
          %or3A_240 = arith.ori %or3A_239, %ne3A_237 : i1
          %or3A_241 = arith.ori %or3A_240, %ne3A_238 : i1
          %or3A_242 = arith.constant false
          %or3A_243 = arith.ori %or3A_241, %or3A_242 : i1
          %or3A_244 = arith.ori %or3A_243, %eq3A_140 : i1
          %convert_element_type3A_245 = arith.extui %or3A_244 : i1 to i32
          %cond3A_246 = arith.constant 0 : i32
          %cond3A_247 = arith.cmpi ne, %convert_element_type3A_245, %cond3A_246 : i32
          scf.if %cond3A_247 {
          } else {
          }
          %rem3A_248 = arith.constant 2 : i32
          %rem3A_249 = arith.remui %scan3A_135, %rem3A_248 : i32
          %rem3A_250 = arith.constant 2 : i32
          %rem3A_251 = arith.remui %scan3A_136, %rem3A_250 : i32
          %run_scoped3A_252 = arith.constant 0 : i32
          %run_scoped3A_253 = arith.constant 0 : i32
          "tpu.trace_start"() <{level = 10 : i32, message = "ep_run_kernel"}> : () -> ()
          "tpu.region"() ({
            %run_scoped3A_369 = tpu.sem_alloc : memref<!tpu.dma_semaphore, #tpu.memory_space<semaphore_mem>>
            %dma_start3A_370 = arith.constant 0 : i32
            %dma_start3A_371 = arith.constant 0 : i32
            %dma_start3A_372 = arith.constant 0 : i32
            %dma_start3A_373 = tpu.memref_slice %run_scoped3A_9[%rem3A_251, %dma_start3A_370, %dma_start3A_371, %dma_start3A_372] : memref<2x1x128x384xf32, #tpu.memory_space<vmem>> -> memref<1x1x128x384xf32, #tpu.memory_space<vmem>>
            %dma_start3A_374 = tpu.memref_squeeze %dma_start3A_373 : memref<1x1x128x384xf32, #tpu.memory_space<vmem>> -> memref<1x128x384xf32, #tpu.memory_space<vmem>>
            %dma_start3A_375 = arith.constant 0 : i32
            %dma_start3A_376 = arith.constant 0 : i32
            %dma_start3A_377 = tpu.memref_slice %dma_start3A_374[%run_scoped3A_253, %dma_start3A_375, %dma_start3A_376] : memref<1x128x384xf32, #tpu.memory_space<vmem>> -> memref<1x128x384xf32, #tpu.memory_space<vmem>>
            %dma_start3A_378 = tpu.memref_squeeze %dma_start3A_377 : memref<1x128x384xf32, #tpu.memory_space<vmem>> -> memref<128x384xf32, #tpu.memory_space<vmem>>
            %dma_start3A_379 = arith.constant 0 : i32
            %dma_start3A_380 = arith.constant 0 : i32
            %dma_start3A_381 = tpu.memref_slice %run_scoped3A[%rem3A_249, %dma_start3A_379, %dma_start3A_380] : memref<2x1x128xi32, #tpu.memory_space<vmem>> -> memref<1x1x128xi32, #tpu.memory_space<vmem>>
            %dma_start3A_382 = tpu.memref_squeeze %dma_start3A_381 : memref<1x1x128xi32, #tpu.memory_space<vmem>> -> memref<1x128xi32, #tpu.memory_space<vmem>>
            %dma_start3A_383 = arith.constant 0 : i32
            %dma_start3A_384 = tpu.memref_slice %dma_start3A_382[%run_scoped3A_252, %dma_start3A_383] : memref<1x128xi32, #tpu.memory_space<vmem>> -> memref<1x128xi32, #tpu.memory_space<vmem>>
            %dma_start3A_385 = tpu.memref_squeeze %dma_start3A_384 : memref<1x128xi32, #tpu.memory_space<vmem>> -> memref<128xi32, #tpu.memory_space<vmem>>
            %dma_start3A_386 = arith.constant 0 : i32
            %dma_start3A_387 = arith.constant 0 : i32
            %dma_start3A_388 = tpu.memref_slice %arg3[%dma_start3A_386, %dma_start3A_387] : memref<6144x384xf32, #tpu.memory_space<hbm>> -> memref<6144x384xf32, #tpu.memory_space<hbm>>
            tpu.enqueue_indirect_dma source(%dma_start3A_388 : memref<6144x384xf32, #tpu.memory_space<hbm>>) target(%dma_start3A_378 : memref<128x384xf32, #tpu.memory_space<vmem>>) offsets(%dma_start3A_385 : memref<128xi32, #tpu.memory_space<vmem>>) semaphore(%run_scoped3A_369 : memref<!tpu.dma_semaphore, #tpu.memory_space<semaphore_mem>>)
            %dma_wait3A_389 = arith.constant 0 : i32
            %dma_wait3A_390 = arith.constant 0 : i32
            %dma_wait3A_391 = arith.constant 0 : i32
            %dma_wait3A_392 = tpu.memref_slice %run_scoped3A_9[%rem3A_251, %dma_wait3A_389, %dma_wait3A_390, %dma_wait3A_391] : memref<2x1x128x384xf32, #tpu.memory_space<vmem>> -> memref<1x1x128x384xf32, #tpu.memory_space<vmem>>
            %dma_wait3A_393 = tpu.memref_squeeze %dma_wait3A_392 : memref<1x1x128x384xf32, #tpu.memory_space<vmem>> -> memref<1x128x384xf32, #tpu.memory_space<vmem>>
            %dma_wait3A_394 = arith.constant 0 : i32
            %dma_wait3A_395 = arith.constant 0 : i32
            %dma_wait3A_396 = tpu.memref_slice %dma_wait3A_393[%run_scoped3A_253, %dma_wait3A_394, %dma_wait3A_395] : memref<1x128x384xf32, #tpu.memory_space<vmem>> -> memref<1x128x384xf32, #tpu.memory_space<vmem>>
            %dma_wait3A_397 = tpu.memref_squeeze %dma_wait3A_396 : memref<1x128x384xf32, #tpu.memory_space<vmem>> -> memref<128x384xf32, #tpu.memory_space<vmem>>
            %dma_wait3A_398 = arith.constant 0 : i32
            %dma_wait3A_399 = arith.constant 0 : i32
            %dma_wait3A_400 = tpu.memref_slice %run_scoped3A[%rem3A_249, %dma_wait3A_398, %dma_wait3A_399] : memref<2x1x128xi32, #tpu.memory_space<vmem>> -> memref<1x1x128xi32, #tpu.memory_space<vmem>>
            %dma_wait3A_401 = tpu.memref_squeeze %dma_wait3A_400 : memref<1x1x128xi32, #tpu.memory_space<vmem>> -> memref<1x128xi32, #tpu.memory_space<vmem>>
            %dma_wait3A_402 = arith.constant 0 : i32
            %dma_wait3A_403 = tpu.memref_slice %dma_wait3A_401[%run_scoped3A_252, %dma_wait3A_402] : memref<1x128xi32, #tpu.memory_space<vmem>> -> memref<1x128xi32, #tpu.memory_space<vmem>>
            %dma_wait3A_404 = tpu.memref_squeeze %dma_wait3A_403 : memref<1x128xi32, #tpu.memory_space<vmem>> -> memref<128xi32, #tpu.memory_space<vmem>>
            %dma_wait3A_405 = arith.constant 0 : i32
            %dma_wait3A_406 = arith.constant 0 : i32
            %dma_wait3A_407 = tpu.memref_slice %arg3[%dma_wait3A_405, %dma_wait3A_406] : memref<6144x384xf32, #tpu.memory_space<hbm>> -> memref<6144x384xf32, #tpu.memory_space<hbm>>
            tpu.wait_indirect_dma semaphore(%run_scoped3A_369 : memref<!tpu.dma_semaphore, #tpu.memory_space<semaphore_mem>>) src(%dma_wait3A_407 : memref<6144x384xf32, #tpu.memory_space<hbm>>) dst(%dma_wait3A_397 : memref<128x384xf32, #tpu.memory_space<vmem>>)
            tpu.yield
          }) : () -> ()
          "tpu.trace_stop"() : () -> ()
          %div3A_254 = arith.constant 16 : i32
          %div3A_255 = arith.divsi %add3A_143, %div3A_254 : i32
          %rem3A_256 = arith.constant 16 : i32
          %rem3A_257 = arith.remsi %add3A_143, %rem3A_256 : i32
          %div3A_258 = arith.constant 16 : i32
          %div3A_259 = arith.divsi %add3A_161, %div3A_258 : i32
          %rem3A_260 = arith.constant 16 : i32
          %rem3A_261 = arith.remsi %add3A_161, %rem3A_260 : i32
          %ne3A_262 = arith.cmpi ne, %div3A_255, %div3A_259 : i32
          %ne3A_263 = arith.cmpi ne, %rem3A_257, %rem3A_261 : i32
          %or3A_264 = arith.constant false
          %or3A_265 = arith.ori %or3A_264, %ne3A_262 : i1
          %or3A_266 = arith.ori %or3A_265, %ne3A_263 : i1
          %or3A_267 = arith.ori %or3A_266, %eq3A_142 : i1
          %convert_element_type3A_268 = arith.extui %or3A_267 : i1 to i32
          %cond3A_269 = arith.constant 0 : i32
          %cond3A_270 = arith.cmpi ne, %convert_element_type3A_268, %cond3A_269 : i32
          scf.if %cond3A_270 {
          } else {
          }
          %and3A_271 = arith.constant false
          %and3A_272 = arith.andi %or3A_267, %and3A_271 : i1
          %div3A_273 = arith.constant 16 : i32
          %div3A_274 = arith.divsi %add3A_143, %div3A_273 : i32
          %rem3A_275 = arith.constant 16 : i32
          %rem3A_276 = arith.remsi %add3A_143, %rem3A_275 : i32
          %div3A_277 = arith.constant 16 : i32
          %div3A_278 = arith.divsi %add3A_161, %div3A_277 : i32
          %rem3A_279 = arith.constant 16 : i32
          %rem3A_280 = arith.remsi %add3A_161, %rem3A_279 : i32
          %ne3A_281 = arith.cmpi ne, %div3A_274, %div3A_278 : i32
          %ne3A_282 = arith.cmpi ne, %rem3A_276, %rem3A_280 : i32
          %or3A_283 = arith.constant false
          %or3A_284 = arith.ori %or3A_283, %ne3A_281 : i1
          %or3A_285 = arith.ori %or3A_284, %ne3A_282 : i1
          %or3A_286 = arith.constant false
          %or3A_287 = arith.ori %or3A_285, %or3A_286 : i1
          %or3A_288 = arith.ori %or3A_287, %eq3A_142 : i1
          %convert_element_type3A_289 = arith.extui %or3A_288 : i1 to i32
          %cond3A_290 = arith.constant 0 : i32
          %cond3A_291 = arith.cmpi ne, %convert_element_type3A_289, %cond3A_290 : i32
          scf.if %cond3A_291 {
            "tpu.trace_start"() <{level = 10 : i32, message = "ep_copy_out"}> : () -> ()
            %rem3A_369 = arith.constant 2 : i32
            %rem3A_370 = arith.remui %scan3A_136, %rem3A_369 : i32
            %div3A_371 = arith.constant 16 : i32
            %div3A_372 = arith.divsi %add3A_143, %div3A_371 : i32
            %rem3A_373 = arith.constant 16 : i32
            %rem3A_374 = arith.remsi %add3A_143, %rem3A_373 : i32
            %mul3A_375 = arith.constant 1 : i32
            %mul3A_376 = arith.muli %mul3A_375, %div3A_372 : i32
            %mul3A_377 = arith.constant 128 : i32
            %mul3A_378 = arith.muli %mul3A_377, %rem3A_374 : i32
            %dma_start3A_379 = arith.constant 0 : i32
            %dma_start3A_380 = arith.constant 0 : i32
            %dma_start3A_381 = arith.constant 0 : i32
            %dma_start3A_382 = tpu.memref_slice %run_scoped3A_9[%rem3A_370, %dma_start3A_379, %dma_start3A_380, %dma_start3A_381] : memref<2x1x128x384xf32, #tpu.memory_space<vmem>> -> memref<1x1x128x384xf32, #tpu.memory_space<vmem>>
            %dma_start3A_383 = tpu.memref_squeeze %dma_start3A_382 : memref<1x1x128x384xf32, #tpu.memory_space<vmem>> -> memref<1x128x384xf32, #tpu.memory_space<vmem>>
            %dma_start3A_384 = arith.constant 0 : i32
            %dma_start3A_385 = tpu.memref_slice %arg6[%mul3A_376, %mul3A_378, %dma_start3A_384] : memref<2x2048x384xf32, #tpu.memory_space<hbm>> -> memref<1x128x384xf32, #tpu.memory_space<hbm>>
            %dma_start3A_386 = tpu.memref_slice %run_scoped3A_10[%rem3A_370] : memref<2x!tpu.dma_semaphore, #tpu.memory_space<semaphore_mem>> -> memref<1x!tpu.dma_semaphore, #tpu.memory_space<semaphore_mem>>
            %dma_start3A_387 = tpu.memref_squeeze %dma_start3A_386 : memref<1x!tpu.dma_semaphore, #tpu.memory_space<semaphore_mem>> -> memref<!tpu.dma_semaphore, #tpu.memory_space<semaphore_mem>>
            %dma_start3A_388 = arith.constant 0 : i32
            %dma_start3A_389 = tpu.memref_slice %arg6[%mul3A_376, %mul3A_378, %dma_start3A_388] : memref<2x2048x384xf32, #tpu.memory_space<hbm>> -> memref<1x128x384xf32, #tpu.memory_space<hbm>>
            %dma_start3A_390 = arith.constant 0 : i32
            %dma_start3A_391 = arith.constant 0 : i32
            %dma_start3A_392 = arith.constant 0 : i32
            %dma_start3A_393 = tpu.memref_slice %run_scoped3A_9[%rem3A_370, %dma_start3A_390, %dma_start3A_391, %dma_start3A_392] : memref<2x1x128x384xf32, #tpu.memory_space<vmem>> -> memref<1x1x128x384xf32, #tpu.memory_space<vmem>>
            %dma_start3A_394 = tpu.memref_squeeze %dma_start3A_393 : memref<1x1x128x384xf32, #tpu.memory_space<vmem>> -> memref<1x128x384xf32, #tpu.memory_space<vmem>>
            tpu.enqueue_dma source(%dma_start3A_394 : memref<1x128x384xf32, #tpu.memory_space<vmem>>) target(%dma_start3A_389 : memref<1x128x384xf32, #tpu.memory_space<hbm>>) target_semaphore(%dma_start3A_387 : memref<!tpu.dma_semaphore, #tpu.memory_space<semaphore_mem>>)
            "tpu.trace_stop"() : () -> ()
          } else {
          }
          %and3A_292 = arith.constant true
          %and3A_293 = arith.andi %or3A_288, %and3A_292 : i1
          %add3A_294 = arith.constant 1 : i32
          %add3A_295 = arith.addi %scan3A_136, %add3A_294 : i32
          %select_n3A_296 = arith.select %and3A_293, %add3A_295, %scan3A_136 : i32
          %div3A_297 = arith.constant 16 : i32
          %div3A_298 = arith.divsi %add3A_143, %div3A_297 : i32
          %rem3A_299 = arith.constant 16 : i32
          %rem3A_300 = arith.remsi %add3A_143, %rem3A_299 : i32
          %div3A_301 = arith.constant 16 : i32
          %div3A_302 = arith.divsi %add3A_152, %div3A_301 : i32
          %rem3A_303 = arith.constant 16 : i32
          %rem3A_304 = arith.remsi %add3A_152, %rem3A_303 : i32
          %ne3A_305 = arith.cmpi ne, %div3A_298, %div3A_302 : i32
          %ne3A_306 = arith.cmpi ne, %rem3A_300, %rem3A_304 : i32
          %or3A_307 = arith.constant false
          %or3A_308 = arith.ori %or3A_307, %ne3A_305 : i1
          %or3A_309 = arith.ori %or3A_308, %ne3A_306 : i1
          %not3A_310 = arith.constant true
          %not3A_311 = arith.xori %eq3A_140, %not3A_310 : i1
          %and3A_312 = arith.andi %or3A_309, %not3A_311 : i1
          %convert_element_type3A_313 = arith.extui %and3A_312 : i1 to i32
          %cond3A_314 = arith.constant 0 : i32
          %cond3A_315 = arith.cmpi ne, %convert_element_type3A_313, %cond3A_314 : i32
          scf.if %cond3A_315 {
          } else {
          }
          %and3A_316 = arith.constant false
          %and3A_317 = arith.andi %and3A_312, %and3A_316 : i1
          %div3A_318 = arith.constant 16 : i32
          %div3A_319 = arith.divsi %add3A_143, %div3A_318 : i32
          %rem3A_320 = arith.constant 16 : i32
          %rem3A_321 = arith.remsi %add3A_143, %rem3A_320 : i32
          %div3A_322 = arith.constant 16 : i32
          %div3A_323 = arith.divsi %add3A_152, %div3A_322 : i32
          %rem3A_324 = arith.constant 16 : i32
          %rem3A_325 = arith.remsi %add3A_152, %rem3A_324 : i32
          %ne3A_326 = arith.cmpi ne, %div3A_319, %div3A_323 : i32
          %ne3A_327 = arith.cmpi ne, %rem3A_321, %rem3A_325 : i32
          %or3A_328 = arith.constant false
          %or3A_329 = arith.ori %or3A_328, %ne3A_326 : i1
          %or3A_330 = arith.ori %or3A_329, %ne3A_327 : i1
          %or3A_331 = arith.constant false
          %or3A_332 = arith.ori %or3A_330, %or3A_331 : i1
          %not3A_333 = arith.constant true
          %not3A_334 = arith.xori %eq3A_140, %not3A_333 : i1
          %and3A_335 = arith.andi %or3A_332, %not3A_334 : i1
          %convert_element_type3A_336 = arith.extui %and3A_335 : i1 to i32
          %cond3A_337 = arith.constant 0 : i32
          %cond3A_338 = arith.cmpi ne, %convert_element_type3A_336, %cond3A_337 : i32
          scf.if %cond3A_338 {
            "tpu.trace_start"() <{level = 10 : i32, message = "ep_wait_out"}> : () -> ()
            %rem3A_369 = arith.constant 2 : i32
            %rem3A_370 = arith.remui %scan3A_137, %rem3A_369 : i32
            %div3A_371 = arith.constant 16 : i32
            %div3A_372 = arith.divsi %add3A_152, %div3A_371 : i32
            %rem3A_373 = arith.constant 16 : i32
            %rem3A_374 = arith.remsi %add3A_152, %rem3A_373 : i32
            %mul3A_375 = arith.constant 1 : i32
            %mul3A_376 = arith.muli %mul3A_375, %div3A_372 : i32
            %mul3A_377 = arith.constant 128 : i32
            %mul3A_378 = arith.muli %mul3A_377, %rem3A_374 : i32
            %dma_wait3A_379 = arith.constant 0 : i32
            %dma_wait3A_380 = arith.constant 0 : i32
            %dma_wait3A_381 = arith.constant 0 : i32
            %dma_wait3A_382 = tpu.memref_slice %run_scoped3A_9[%rem3A_370, %dma_wait3A_379, %dma_wait3A_380, %dma_wait3A_381] : memref<2x1x128x384xf32, #tpu.memory_space<vmem>> -> memref<1x1x128x384xf32, #tpu.memory_space<vmem>>
            %dma_wait3A_383 = tpu.memref_squeeze %dma_wait3A_382 : memref<1x1x128x384xf32, #tpu.memory_space<vmem>> -> memref<1x128x384xf32, #tpu.memory_space<vmem>>
            %dma_wait3A_384 = arith.constant 0 : i32
            %dma_wait3A_385 = tpu.memref_slice %arg6[%mul3A_376, %mul3A_378, %dma_wait3A_384] : memref<2x2048x384xf32, #tpu.memory_space<hbm>> -> memref<1x128x384xf32, #tpu.memory_space<hbm>>
            %dma_wait3A_386 = tpu.memref_slice %run_scoped3A_10[%rem3A_370] : memref<2x!tpu.dma_semaphore, #tpu.memory_space<semaphore_mem>> -> memref<1x!tpu.dma_semaphore, #tpu.memory_space<semaphore_mem>>
            %dma_wait3A_387 = tpu.memref_squeeze %dma_wait3A_386 : memref<1x!tpu.dma_semaphore, #tpu.memory_space<semaphore_mem>> -> memref<!tpu.dma_semaphore, #tpu.memory_space<semaphore_mem>>
            %dma_wait3A_388 = arith.constant 0 : i32
            %dma_wait3A_389 = tpu.memref_slice %arg6[%mul3A_376, %mul3A_378, %dma_wait3A_388] : memref<2x2048x384xf32, #tpu.memory_space<hbm>> -> memref<1x128x384xf32, #tpu.memory_space<hbm>>
            %dma_wait3A_390 = arith.constant 0 : i32
            %dma_wait3A_391 = arith.constant 0 : i32
            %dma_wait3A_392 = arith.constant 0 : i32
            %dma_wait3A_393 = tpu.memref_slice %run_scoped3A_9[%rem3A_370, %dma_wait3A_390, %dma_wait3A_391, %dma_wait3A_392] : memref<2x1x128x384xf32, #tpu.memory_space<vmem>> -> memref<1x1x128x384xf32, #tpu.memory_space<vmem>>
            %dma_wait3A_394 = tpu.memref_squeeze %dma_wait3A_393 : memref<1x1x128x384xf32, #tpu.memory_space<vmem>> -> memref<1x128x384xf32, #tpu.memory_space<vmem>>
            tpu.wait_dma2 semaphore(%dma_wait3A_387 : memref<!tpu.dma_semaphore, #tpu.memory_space<semaphore_mem>>) src(%dma_wait3A_394 : memref<1x128x384xf32, #tpu.memory_space<vmem>>) dst(%dma_wait3A_389 : memref<1x128x384xf32, #tpu.memory_space<hbm>>)
            "tpu.trace_stop"() : () -> ()
          } else {
          }
          %and3A_339 = arith.constant true
          %and3A_340 = arith.andi %and3A_335, %and3A_339 : i1
          %add3A_341 = arith.constant 1 : i32
          %add3A_342 = arith.addi %scan3A_137, %add3A_341 : i32
          %select_n3A_343 = arith.select %and3A_340, %add3A_342, %scan3A_137 : i32
          %div3A_344 = arith.constant 16 : i32
          %div3A_345 = arith.divsi %add3A_143, %div3A_344 : i32
          %rem3A_346 = arith.constant 16 : i32
          %rem3A_347 = arith.remsi %add3A_143, %rem3A_346 : i32
          %div3A_348 = arith.constant 16 : i32
          %div3A_349 = arith.divsi %add3A_161, %div3A_348 : i32
          %rem3A_350 = arith.constant 16 : i32
          %rem3A_351 = arith.remsi %add3A_161, %rem3A_350 : i32
          %ne3A_352 = arith.cmpi ne, %div3A_345, %div3A_349 : i32
          %ne3A_353 = arith.cmpi ne, %rem3A_347, %rem3A_351 : i32
          %or3A_354 = arith.constant false
          %or3A_355 = arith.ori %or3A_354, %ne3A_352 : i1
          %or3A_356 = arith.ori %or3A_355, %ne3A_353 : i1
          %or3A_357 = arith.ori %or3A_356, %eq3A_142 : i1
          %add3A_358 = arith.constant 1 : i32
          %add3A_359 = arith.addi %scan3A_135, %add3A_358 : i32
          %select_n3A_360 = arith.select %or3A_357, %add3A_359, %scan3A_135 : i32
          %add3A_361 = arith.constant 1 : i32
          %add3A_362 = arith.addi %scan3A_138, %add3A_361 : i32
          %select_n3A_363 = arith.constant true
          %select_n3A_364 = arith.select %select_n3A_363, %add3A_362, %scan3A_138 : i32
          %eq3A_365 = arith.constant 2 : i32
          %eq3A_366 = arith.cmpi eq, %select_n3A_364, %eq3A_365 : i32
          %select_n3A_367 = arith.constant 0 : i32
          %select_n3A_368 = arith.select %eq3A_366, %select_n3A_367, %select_n3A_364 : i32
          scf.yield %select_n3A_191, %select_n3A_360, %select_n3A_296, %select_n3A_343, %select_n3A_368 : i32, i32, i32, i32, i32
        }
        %scan3A_72 = arith.constant 2 : i32
        %sub3A = arith.constant 1 : i32
        %sub3A_73 = arith.subi %scan3A_71#4, %sub3A : i32
        %select_n3A_74 = arith.constant true
        %select_n3A_75 = arith.select %select_n3A_74, %sub3A_73, %scan3A_71#4 : i32
        %eq3A_76 = arith.constant -1 : i32
        %eq3A_77 = arith.cmpi eq, %select_n3A_75, %eq3A_76 : i32
        %select_n3A_78 = arith.constant 1 : i32
        %select_n3A_79 = arith.select %eq3A_77, %select_n3A_78, %select_n3A_75 : i32
        %add3A_80 = arith.addi %select_n3A_79, %mul3A_7 : i32
        %sub3A_81 = arith.constant 1 : i32
        %sub3A_82 = arith.subi %select_n3A_79, %sub3A_81 : i32
        %select_n3A_83 = arith.constant true
        %select_n3A_84 = arith.select %select_n3A_83, %sub3A_82, %select_n3A_79 : i32
        %eq3A_85 = arith.constant -1 : i32
        %eq3A_86 = arith.cmpi eq, %select_n3A_84, %eq3A_85 : i32
        %select_n3A_87 = arith.constant 1 : i32
        %select_n3A_88 = arith.select %eq3A_86, %select_n3A_87, %select_n3A_84 : i32
        %add3A_89 = arith.addi %select_n3A_88, %mul3A_7 : i32
        %add3A_90 = arith.constant 1 : i32
        %add3A_91 = arith.addi %select_n3A_79, %add3A_90 : i32
        %select_n3A_92 = arith.constant true
        %select_n3A_93 = arith.select %select_n3A_92, %add3A_91, %select_n3A_79 : i32
        %eq3A_94 = arith.constant 2 : i32
        %eq3A_95 = arith.cmpi eq, %select_n3A_93, %eq3A_94 : i32
        %select_n3A_96 = arith.constant 0 : i32
        %select_n3A_97 = arith.select %eq3A_95, %select_n3A_96, %select_n3A_93 : i32
        %add3A_98 = arith.addi %select_n3A_97, %mul3A_7 : i32
        %add3A_99 = arith.constant 1 : i32
        %add3A_100 = arith.addi %select_n3A_97, %add3A_99 : i32
        %select_n3A_101 = arith.constant true
        %select_n3A_102 = arith.select %select_n3A_101, %add3A_100, %select_n3A_97 : i32
        %eq3A_103 = arith.constant 2 : i32
        %eq3A_104 = arith.cmpi eq, %select_n3A_102, %eq3A_103 : i32
        %select_n3A_105 = arith.constant 0 : i32
        %select_n3A_106 = arith.select %eq3A_104, %select_n3A_105, %select_n3A_102 : i32
        %add3A_107 = arith.addi %select_n3A_106, %mul3A_7 : i32
        "tpu.trace_start"() <{level = 10 : i32, message = "ep_finalize"}> : () -> ()
        %rem3A_108 = arith.constant 2 : i32
        %rem3A_109 = arith.remui %scan3A_71#3, %rem3A_108 : i32
        %div3A_110 = arith.constant 16 : i32
        %div3A_111 = arith.divsi %add3A_80, %div3A_110 : i32
        %rem3A_112 = arith.constant 16 : i32
        %rem3A_113 = arith.remsi %add3A_80, %rem3A_112 : i32
        %mul3A_114 = arith.constant 1 : i32
        %mul3A_115 = arith.muli %mul3A_114, %div3A_111 : i32
        %mul3A_116 = arith.constant 128 : i32
        %mul3A_117 = arith.muli %mul3A_116, %rem3A_113 : i32
        %dma_wait3A = arith.constant 0 : i32
        %dma_wait3A_118 = arith.constant 0 : i32
        %dma_wait3A_119 = arith.constant 0 : i32
        %dma_wait3A_120 = tpu.memref_slice %run_scoped3A_9[%rem3A_109, %dma_wait3A, %dma_wait3A_118, %dma_wait3A_119] : memref<2x1x128x384xf32, #tpu.memory_space<vmem>> -> memref<1x1x128x384xf32, #tpu.memory_space<vmem>>
        %dma_wait3A_121 = tpu.memref_squeeze %dma_wait3A_120 : memref<1x1x128x384xf32, #tpu.memory_space<vmem>> -> memref<1x128x384xf32, #tpu.memory_space<vmem>>
        %dma_wait3A_122 = arith.constant 0 : i32
        %dma_wait3A_123 = tpu.memref_slice %arg6[%mul3A_115, %mul3A_117, %dma_wait3A_122] : memref<2x2048x384xf32, #tpu.memory_space<hbm>> -> memref<1x128x384xf32, #tpu.memory_space<hbm>>
        %dma_wait3A_124 = tpu.memref_slice %run_scoped3A_10[%rem3A_109] : memref<2x!tpu.dma_semaphore, #tpu.memory_space<semaphore_mem>> -> memref<1x!tpu.dma_semaphore, #tpu.memory_space<semaphore_mem>>
        %dma_wait3A_125 = tpu.memref_squeeze %dma_wait3A_124 : memref<1x!tpu.dma_semaphore, #tpu.memory_space<semaphore_mem>> -> memref<!tpu.dma_semaphore, #tpu.memory_space<semaphore_mem>>
        %dma_wait3A_126 = arith.constant 0 : i32
        %dma_wait3A_127 = tpu.memref_slice %arg6[%mul3A_115, %mul3A_117, %dma_wait3A_126] : memref<2x2048x384xf32, #tpu.memory_space<hbm>> -> memref<1x128x384xf32, #tpu.memory_space<hbm>>
        %dma_wait3A_128 = arith.constant 0 : i32
        %dma_wait3A_129 = arith.constant 0 : i32
        %dma_wait3A_130 = arith.constant 0 : i32
        %dma_wait3A_131 = tpu.memref_slice %run_scoped3A_9[%rem3A_109, %dma_wait3A_128, %dma_wait3A_129, %dma_wait3A_130] : memref<2x1x128x384xf32, #tpu.memory_space<vmem>> -> memref<1x1x128x384xf32, #tpu.memory_space<vmem>>
        %dma_wait3A_132 = tpu.memref_squeeze %dma_wait3A_131 : memref<1x1x128x384xf32, #tpu.memory_space<vmem>> -> memref<1x128x384xf32, #tpu.memory_space<vmem>>
        tpu.wait_dma2 semaphore(%dma_wait3A_125 : memref<!tpu.dma_semaphore, #tpu.memory_space<semaphore_mem>>) src(%dma_wait3A_132 : memref<1x128x384xf32, #tpu.memory_space<vmem>>) dst(%dma_wait3A_127 : memref<1x128x384xf32, #tpu.memory_space<hbm>>)
        "tpu.trace_stop"() : () -> ()
        tpu.yield
      }) : () -> ()
    } else {
    }
    return
  }
}

module attributes {stable_mosaic.version = 14 : i64} {
  func.func @_combine_heads_body(%arg0: i32, %arg1: memref<2x512x384xf32, #tpu.memory_space<vmem>>, %arg2: memref<2x512x384xf32, #tpu.memory_space<vmem>>, %arg3: memref<512x2xf32, #tpu.memory_space<vmem>>, %arg4: memref<768x768xf32, #tpu.memory_space<vmem>>, %arg5: memref<1x768xf32, #tpu.memory_space<vmem>>, %arg6: memref<768x128xf32, #tpu.memory_space<vmem>>, %arg7: memref<1x128xf32, #tpu.memory_space<vmem>>, %arg8: memref<768x768xf32, #tpu.memory_space<vmem>>, %arg9: memref<1x768xf32, #tpu.memory_space<vmem>>, %arg10: memref<768x128xf32, #tpu.memory_space<vmem>>, %arg11: memref<1x128xf32, #tpu.memory_space<vmem>>, %arg12: memref<512x128xf32, #tpu.memory_space<vmem>>, %arg13: memref<512x128xf32, #tpu.memory_space<vmem>>) attributes {dimension_semantics = [#tpu.dimension_semantics<arbitrary>], iteration_bounds = array<i64: 4>, scalar_prefetch = 0 : i64, scratch_operands = 0 : i64, tpu.core_type = #tpu.core_type<tc>, window_params = [{transform_indices = @transform_0, window_bounds = array<i64: 2, 512, 384>}, {transform_indices = @transform_1, window_bounds = array<i64: 2, 512, 384>}, {transform_indices = @transform_2, window_bounds = array<i64: 512, 2>}, {pipeline_mode = #tpu.pipeline_mode<synchronous>, transform_indices = @transform_3, window_bounds = array<i64: 768, 768>}, {pipeline_mode = #tpu.pipeline_mode<synchronous>, transform_indices = @transform_4, window_bounds = array<i64: 1, 768>}, {pipeline_mode = #tpu.pipeline_mode<synchronous>, transform_indices = @transform_5, window_bounds = array<i64: 768, 128>}, {pipeline_mode = #tpu.pipeline_mode<synchronous>, transform_indices = @transform_6, window_bounds = array<i64: 1, 128>}, {pipeline_mode = #tpu.pipeline_mode<synchronous>, transform_indices = @transform_7, window_bounds = array<i64: 768, 768>}, {pipeline_mode = #tpu.pipeline_mode<synchronous>, transform_indices = @transform_8, window_bounds = array<i64: 1, 768>}, {pipeline_mode = #tpu.pipeline_mode<synchronous>, transform_indices = @transform_9, window_bounds = array<i64: 768, 128>}, {pipeline_mode = #tpu.pipeline_mode<synchronous>, transform_indices = @transform_10, window_bounds = array<i64: 1, 128>}, {transform_indices = @transform_11, window_bounds = array<i64: 512, 128>}, {transform_indices = @transform_12, window_bounds = array<i64: 512, 128>}]} {
    %get3A = arith.constant 0 : index
    %get3A_0 = arith.constant 0 : index
    %get3A_1 = vector.load %arg3[%get3A, %get3A_0] : memref<512x2xf32, #tpu.memory_space<vmem>>, vector<512x2xf32>
    %get3A_2 = arith.constant 0 : index
    %get3A_3 = arith.constant 0 : index
    %get3A_4 = arith.constant 0 : index
    %get3A_5 = vector.load %arg1[%get3A_2, %get3A_3, %get3A_4] : memref<2x512x384xf32, #tpu.memory_space<vmem>>, vector<1x512x384xf32>
    %get3A_6 = vector.shape_cast %get3A_5 : vector<1x512x384xf32> to vector<512x384xf32>
    %slice3A = vector.extract_strided_slice %get3A_1 {offsets = [0, 0], sizes = [512, 1], strides = [1, 1]} : vector<512x2xf32> to vector<512x1xf32>
    %mul3A = vector.broadcast %slice3A : vector<512x1xf32> to vector<512x384xf32>
    %mul3A_7 = arith.mulf %get3A_6, %mul3A : vector<512x384xf32>
    %get3A_8 = arith.constant 1 : index
    %get3A_9 = arith.constant 0 : index
    %get3A_10 = arith.constant 0 : index
    %get3A_11 = vector.load %arg1[%get3A_8, %get3A_9, %get3A_10] : memref<2x512x384xf32, #tpu.memory_space<vmem>>, vector<1x512x384xf32>
    %get3A_12 = vector.shape_cast %get3A_11 : vector<1x512x384xf32> to vector<512x384xf32>
    %slice3A_13 = vector.extract_strided_slice %get3A_1 {offsets = [0, 1], sizes = [512, 1], strides = [1, 1]} : vector<512x2xf32> to vector<512x1xf32>
    %mul3A_14 = vector.broadcast %slice3A_13 : vector<512x1xf32> to vector<512x384xf32>
    %mul3A_15 = arith.mulf %get3A_12, %mul3A_14 : vector<512x384xf32>
    %add3A = arith.addf %mul3A_7, %mul3A_15 : vector<512x384xf32>
    %get3A_16 = arith.constant 0 : index
    %get3A_17 = arith.constant 0 : index
    %get3A_18 = arith.constant 0 : index
    %get3A_19 = vector.load %arg2[%get3A_16, %get3A_17, %get3A_18] : memref<2x512x384xf32, #tpu.memory_space<vmem>>, vector<1x512x384xf32>
    %get3A_20 = vector.shape_cast %get3A_19 : vector<1x512x384xf32> to vector<512x384xf32>
    %slice3A_21 = vector.extract_strided_slice %get3A_1 {offsets = [0, 0], sizes = [512, 1], strides = [1, 1]} : vector<512x2xf32> to vector<512x1xf32>
    %mul3A_22 = vector.broadcast %slice3A_21 : vector<512x1xf32> to vector<512x384xf32>
    %mul3A_23 = arith.mulf %get3A_20, %mul3A_22 : vector<512x384xf32>
    %get3A_24 = arith.constant 1 : index
    %get3A_25 = arith.constant 0 : index
    %get3A_26 = arith.constant 0 : index
    %get3A_27 = vector.load %arg2[%get3A_24, %get3A_25, %get3A_26] : memref<2x512x384xf32, #tpu.memory_space<vmem>>, vector<1x512x384xf32>
    %get3A_28 = vector.shape_cast %get3A_27 : vector<1x512x384xf32> to vector<512x384xf32>
    %slice3A_29 = vector.extract_strided_slice %get3A_1 {offsets = [0, 1], sizes = [512, 1], strides = [1, 1]} : vector<512x2xf32> to vector<512x1xf32>
    %mul3A_30 = vector.broadcast %slice3A_29 : vector<512x1xf32> to vector<512x384xf32>
    %mul3A_31 = arith.mulf %get3A_28, %mul3A_30 : vector<512x384xf32>
    %add3A_32 = arith.addf %mul3A_23, %mul3A_31 : vector<512x384xf32>
    %get3A_33 = arith.constant 0 : index
    %get3A_34 = arith.constant 0 : index
    %get3A_35 = vector.load %arg4[%get3A_33, %get3A_34] : memref<768x768xf32, #tpu.memory_space<vmem>>, vector<384x768xf32>
    %dot_general3A = arith.constant dense<0.000000e+00> : vector<512x768xf32>
    %dot_general3A_36 = tpu.matmul %add3A, %get3A_35, %dot_general3A {dimension_numbers = #tpu.dot_dimension_numbers<[1], [0], [0], [1], [0, 0, 1, 1], [], []>, transpose_lhs_hint = false} : vector<512x384xf32>, vector<384x768xf32>, vector<512x768xf32> -> vector<512x768xf32>
    %get3A_37 = arith.constant 384 : index
    %get3A_38 = arith.constant 0 : index
    %get3A_39 = vector.load %arg4[%get3A_37, %get3A_38] : memref<768x768xf32, #tpu.memory_space<vmem>>, vector<384x768xf32>
    %dot_general3A_40 = arith.constant dense<0.000000e+00> : vector<512x768xf32>
    %dot_general3A_41 = tpu.matmul %add3A_32, %get3A_39, %dot_general3A_40 {dimension_numbers = #tpu.dot_dimension_numbers<[1], [0], [0], [1], [0, 0, 1, 1], [], []>, transpose_lhs_hint = false} : vector<512x384xf32>, vector<384x768xf32>, vector<512x768xf32> -> vector<512x768xf32>
    %add3A_42 = arith.addf %dot_general3A_36, %dot_general3A_41 : vector<512x768xf32>
    %get3A_43 = arith.constant 0 : index
    %get3A_44 = arith.constant 0 : index
    %get3A_45 = vector.load %arg5[%get3A_43, %get3A_44] : memref<1x768xf32, #tpu.memory_space<vmem>>, vector<1x768xf32>
    %add3A_46 = vector.broadcast %get3A_45 : vector<1x768xf32> to vector<512x768xf32>
    %add3A_47 = arith.addf %add3A_42, %add3A_46 : vector<512x768xf32>
    %max3A = arith.constant 0.000000e+00 : f32
    %max3A_48 = vector.broadcast %max3A : f32 to vector<512x768xf32>
    %max3A_49 = arith.maximumf %add3A_47, %max3A_48 : vector<512x768xf32>
    %get3A_50 = arith.constant 0 : index
    %get3A_51 = arith.constant 0 : index
    %get3A_52 = vector.load %arg6[%get3A_50, %get3A_51] : memref<768x128xf32, #tpu.memory_space<vmem>>, vector<768x128xf32>
    %dot_general3A_53 = arith.constant dense<0.000000e+00> : vector<512x128xf32>
    %dot_general3A_54 = tpu.matmul %max3A_49, %get3A_52, %dot_general3A_53 {dimension_numbers = #tpu.dot_dimension_numbers<[1], [0], [0], [1], [0, 0, 1, 1], [], []>, transpose_lhs_hint = false} : vector<512x768xf32>, vector<768x128xf32>, vector<512x128xf32> -> vector<512x128xf32>
    %get3A_55 = arith.constant 0 : index
    %get3A_56 = arith.constant 0 : index
    %get3A_57 = vector.load %arg7[%get3A_55, %get3A_56] : memref<1x128xf32, #tpu.memory_space<vmem>>, vector<1x128xf32>
    %add3A_58 = vector.broadcast %get3A_57 : vector<1x128xf32> to vector<512x128xf32>
    %add3A_59 = arith.addf %dot_general3A_54, %add3A_58 : vector<512x128xf32>
    %swap3A = arith.constant 0 : index
    %swap3A_60 = arith.constant 0 : index
    %swap3A_61 = vector.load %arg12[%swap3A, %swap3A_60] : memref<512x128xf32, #tpu.memory_space<vmem>>, vector<512x128xf32>
    tpu.vector_store %arg12[%swap3A, %swap3A_60], %add3A_59 {strides = array<i32>} : memref<512x128xf32, #tpu.memory_space<vmem>>, vector<512x128xf32>,
    %get3A_62 = arith.constant 0 : index
    %get3A_63 = arith.constant 0 : index
    %get3A_64 = vector.load %arg8[%get3A_62, %get3A_63] : memref<768x768xf32, #tpu.memory_space<vmem>>, vector<384x768xf32>
    %dot_general3A_65 = arith.constant dense<0.000000e+00> : vector<512x768xf32>
    %dot_general3A_66 = tpu.matmul %add3A, %get3A_64, %dot_general3A_65 {dimension_numbers = #tpu.dot_dimension_numbers<[1], [0], [0], [1], [0, 0, 1, 1], [], []>, transpose_lhs_hint = false} : vector<512x384xf32>, vector<384x768xf32>, vector<512x768xf32> -> vector<512x768xf32>
    %get3A_67 = arith.constant 384 : index
    %get3A_68 = arith.constant 0 : index
    %get3A_69 = vector.load %arg8[%get3A_67, %get3A_68] : memref<768x768xf32, #tpu.memory_space<vmem>>, vector<384x768xf32>
    %dot_general3A_70 = arith.constant dense<0.000000e+00> : vector<512x768xf32>
    %dot_general3A_71 = tpu.matmul %add3A_32, %get3A_69, %dot_general3A_70 {dimension_numbers = #tpu.dot_dimension_numbers<[1], [0], [0], [1], [0, 0, 1, 1], [], []>, transpose_lhs_hint = false} : vector<512x384xf32>, vector<384x768xf32>, vector<512x768xf32> -> vector<512x768xf32>
    %add3A_72 = arith.addf %dot_general3A_66, %dot_general3A_71 : vector<512x768xf32>
    %get3A_73 = arith.constant 0 : index
    %get3A_74 = arith.constant 0 : index
    %get3A_75 = vector.load %arg9[%get3A_73, %get3A_74] : memref<1x768xf32, #tpu.memory_space<vmem>>, vector<1x768xf32>
    %add3A_76 = vector.broadcast %get3A_75 : vector<1x768xf32> to vector<512x768xf32>
    %add3A_77 = arith.addf %add3A_72, %add3A_76 : vector<512x768xf32>
    %max3A_78 = arith.constant 0.000000e+00 : f32
    %max3A_79 = vector.broadcast %max3A_78 : f32 to vector<512x768xf32>
    %max3A_80 = arith.maximumf %add3A_77, %max3A_79 : vector<512x768xf32>
    %get3A_81 = arith.constant 0 : index
    %get3A_82 = arith.constant 0 : index
    %get3A_83 = vector.load %arg10[%get3A_81, %get3A_82] : memref<768x128xf32, #tpu.memory_space<vmem>>, vector<768x128xf32>
    %dot_general3A_84 = arith.constant dense<0.000000e+00> : vector<512x128xf32>
    %dot_general3A_85 = tpu.matmul %max3A_80, %get3A_83, %dot_general3A_84 {dimension_numbers = #tpu.dot_dimension_numbers<[1], [0], [0], [1], [0, 0, 1, 1], [], []>, transpose_lhs_hint = false} : vector<512x768xf32>, vector<768x128xf32>, vector<512x128xf32> -> vector<512x128xf32>
    %get3A_86 = arith.constant 0 : index
    %get3A_87 = arith.constant 0 : index
    %get3A_88 = vector.load %arg11[%get3A_86, %get3A_87] : memref<1x128xf32, #tpu.memory_space<vmem>>, vector<1x128xf32>
    %add3A_89 = vector.broadcast %get3A_88 : vector<1x128xf32> to vector<512x128xf32>
    %add3A_90 = arith.addf %dot_general3A_85, %add3A_89 : vector<512x128xf32>
    %swap3A_91 = arith.constant 0 : index
    %swap3A_92 = arith.constant 0 : index
    %swap3A_93 = vector.load %arg13[%swap3A_91, %swap3A_92] : memref<512x128xf32, #tpu.memory_space<vmem>>, vector<512x128xf32>
    tpu.vector_store %arg13[%swap3A_91, %swap3A_92], %add3A_90 {strides = array<i32>} : memref<512x128xf32, #tpu.memory_space<vmem>>, vector<512x128xf32>,
    return
  }
  func.func @transform_0(%arg0: i32) -> (i32, i32, i32) {
    %c0_i32 = arith.constant 0 : i32
    %c0_i32_0 = arith.constant 0 : i32
    %c0_i32_1 = arith.constant 0 : i32
    return %c0_i32, %arg0, %c0_i32_0 : i32, i32, i32
  }
  func.func @transform_1(%arg0: i32) -> (i32, i32, i32) {
    %c0_i32 = arith.constant 0 : i32
    %c0_i32_0 = arith.constant 0 : i32
    %c0_i32_1 = arith.constant 0 : i32
    return %c0_i32, %arg0, %c0_i32_0 : i32, i32, i32
  }
  func.func @transform_2(%arg0: i32) -> (i32, i32) {
    %c0_i32 = arith.constant 0 : i32
    %c0_i32_0 = arith.constant 0 : i32
    return %arg0, %c0_i32 : i32, i32
  }
  func.func @transform_3(%arg0: i32) -> (i32, i32) {
    %c0_i32 = arith.constant 0 : i32
    %c0_i32_0 = arith.constant 0 : i32
    %c0_i32_1 = arith.constant 0 : i32
    return %c0_i32, %c0_i32_0 : i32, i32
  }
  func.func @transform_4(%arg0: i32) -> (i32, i32) {
    %c0_i32 = arith.constant 0 : i32
    %c0_i32_0 = arith.constant 0 : i32
    %c0_i32_1 = arith.constant 0 : i32
    return %c0_i32, %c0_i32_0 : i32, i32
  }
  func.func @transform_5(%arg0: i32) -> (i32, i32) {
    %c0_i32 = arith.constant 0 : i32
    %c0_i32_0 = arith.constant 0 : i32
    %c0_i32_1 = arith.constant 0 : i32
    return %c0_i32, %c0_i32_0 : i32, i32
  }
  func.func @transform_6(%arg0: i32) -> (i32, i32) {
    %c0_i32 = arith.constant 0 : i32
    %c0_i32_0 = arith.constant 0 : i32
    %c0_i32_1 = arith.constant 0 : i32
    return %c0_i32, %c0_i32_0 : i32, i32
  }
  func.func @transform_7(%arg0: i32) -> (i32, i32) {
    %c0_i32 = arith.constant 0 : i32
    %c0_i32_0 = arith.constant 0 : i32
    %c0_i32_1 = arith.constant 0 : i32
    return %c0_i32, %c0_i32_0 : i32, i32
  }
  func.func @transform_8(%arg0: i32) -> (i32, i32) {
    %c0_i32 = arith.constant 0 : i32
    %c0_i32_0 = arith.constant 0 : i32
    %c0_i32_1 = arith.constant 0 : i32
    return %c0_i32, %c0_i32_0 : i32, i32
  }
  func.func @transform_9(%arg0: i32) -> (i32, i32) {
    %c0_i32 = arith.constant 0 : i32
    %c0_i32_0 = arith.constant 0 : i32
    %c0_i32_1 = arith.constant 0 : i32
    return %c0_i32, %c0_i32_0 : i32, i32
  }
  func.func @transform_10(%arg0: i32) -> (i32, i32) {
    %c0_i32 = arith.constant 0 : i32
    %c0_i32_0 = arith.constant 0 : i32
    %c0_i32_1 = arith.constant 0 : i32
    return %c0_i32, %c0_i32_0 : i32, i32
  }
  func.func @transform_11(%arg0: i32) -> (i32, i32) {
    %c0_i32 = arith.constant 0 : i32
    %c0_i32_0 = arith.constant 0 : i32
    return %arg0, %c0_i32 : i32, i32
  }
  func.func @transform_12(%arg0: i32) -> (i32, i32) {
    %c0_i32 = arith.constant 0 : i32
    %c0_i32_0 = arith.constant 0 : i32
    return %arg0, %c0_i32 : i32, i32
  }
}

module attributes {stable_mosaic.version = 14 : i64} {
  func.func @_expert_body(%arg0: i32, %arg1: memref<64xi32, #tpu.memory_space<smem>>, %arg2: memref<256x384xf32, #tpu.memory_space<vmem>>, %arg3: memref<256x384xf32, #tpu.memory_space<vmem>>, %arg4: memref<1x768x1536xf32, #tpu.memory_space<vmem>>, %arg5: memref<8x1536xf32, #tpu.memory_space<vmem>>, %arg6: memref<1x1536x768xf32, #tpu.memory_space<vmem>>, %arg7: memref<8x768xf32, #tpu.memory_space<vmem>>, %arg8: memref<256x384xf32, #tpu.memory_space<vmem>>, %arg9: memref<256x384xf32, #tpu.memory_space<vmem>>) attributes {dimension_semantics = [#tpu.dimension_semantics<parallel>], iteration_bounds = array<i64: 24>, scalar_prefetch = 1 : i64, scratch_operands = 0 : i64, tpu.core_type = #tpu.core_type<tc>, window_params = [{transform_indices = @transform_0, window_bounds = array<i64: 256, 384>}, {transform_indices = @transform_1, window_bounds = array<i64: 256, 384>}, {transform_indices = @transform_2, window_bounds = array<i64: 1, 768, 1536>}, {pipeline_mode = #tpu.pipeline_mode<synchronous>, transform_indices = @transform_3, window_bounds = array<i64: 8, 1536>}, {transform_indices = @transform_4, window_bounds = array<i64: 1, 1536, 768>}, {pipeline_mode = #tpu.pipeline_mode<synchronous>, transform_indices = @transform_5, window_bounds = array<i64: 8, 768>}, {transform_indices = @transform_6, window_bounds = array<i64: 256, 384>}, {transform_indices = @transform_7, window_bounds = array<i64: 256, 384>}]} {
    %get3A = arith.constant 63 : index
    %get3A_0 = memref.load %arg1[%get3A] : memref<64xi32, #tpu.memory_space<smem>>
    %lt3A = arith.cmpi slt, %arg0, %get3A_0 : i32
    %convert_element_type3A = arith.extui %lt3A : i1 to i32
    %cond3A = arith.constant 0 : i32
    %cond3A_1 = arith.cmpi ne, %convert_element_type3A, %cond3A : i32
    scf.if %cond3A_1 {
      %get3A_2 = arith.index_cast %arg0 : i32 to index
      %get3A_3 = memref.load %arg1[%get3A_2] : memref<64xi32, #tpu.memory_space<smem>>
      %get3A_4 = arith.constant 0 : index
      %get3A_5 = arith.constant 0 : index
      %get3A_6 = arith.constant 0 : index
      %get3A_7 = vector.load %arg4[%get3A_4, %get3A_5, %get3A_6] : memref<1x768x1536xf32, #tpu.memory_space<vmem>>, vector<1x768x1536xf32>
      %get3A_8 = vector.shape_cast %get3A_7 : vector<1x768x1536xf32> to vector<768x1536xf32>
      %get3A_9 = arith.constant 0 : index
      %get3A_10 = arith.constant 0 : index
      %get3A_11 = vector.load %arg2[%get3A_9, %get3A_10] : memref<256x384xf32, #tpu.memory_space<vmem>>, vector<256x384xf32>
      %slice3A = vector.extract_strided_slice %get3A_8 {offsets = [0, 0], sizes = [384, 1536], strides = [1, 1]} : vector<768x1536xf32> to vector<384x1536xf32>
      %dot_general3A = arith.constant dense<0.000000e+00> : vector<256x1536xf32>
      %dot_general3A_12 = tpu.matmul %get3A_11, %slice3A, %dot_general3A {dimension_numbers = #tpu.dot_dimension_numbers<[1], [0], [0], [1], [0, 0, 1, 1], [], []>, transpose_lhs_hint = false} : vector<256x384xf32>, vector<384x1536xf32>, vector<256x1536xf32> -> vector<256x1536xf32>
      %get3A_13 = arith.constant 0 : index
      %get3A_14 = arith.constant 0 : index
      %get3A_15 = vector.load %arg3[%get3A_13, %get3A_14] : memref<256x384xf32, #tpu.memory_space<vmem>>, vector<256x384xf32>
      %slice3A_16 = vector.extract_strided_slice %get3A_8 {offsets = [384, 0], sizes = [384, 1536], strides = [1, 1]} : vector<768x1536xf32> to vector<384x1536xf32>
      %dot_general3A_17 = arith.constant dense<0.000000e+00> : vector<256x1536xf32>
      %dot_general3A_18 = tpu.matmul %get3A_15, %slice3A_16, %dot_general3A_17 {dimension_numbers = #tpu.dot_dimension_numbers<[1], [0], [0], [1], [0, 0, 1, 1], [], []>, transpose_lhs_hint = false} : vector<256x384xf32>, vector<384x1536xf32>, vector<256x1536xf32> -> vector<256x1536xf32>
      %add3A = arith.addf %dot_general3A_12, %dot_general3A_18 : vector<256x1536xf32>
      %get3A_19 = arith.index_cast %get3A_3 : i32 to index
      %get3A_20 = arith.constant 0 : index
      %get3A_21 = vector.load %arg5[%get3A_19, %get3A_20] : memref<8x1536xf32, #tpu.memory_space<vmem>>, vector<1x1536xf32>
      %add3A_22 = vector.broadcast %get3A_21 : vector<1x1536xf32> to vector<256x1536xf32>
      %add3A_23 = arith.addf %add3A, %add3A_22 : vector<256x1536xf32>
      %max3A = arith.constant 0.000000e+00 : f32
      %max3A_24 = vector.broadcast %max3A : f32 to vector<256x1536xf32>
      %max3A_25 = arith.maximumf %add3A_23, %max3A_24 : vector<256x1536xf32>
      %get3A_26 = arith.constant 0 : index
      %get3A_27 = arith.constant 0 : index
      %get3A_28 = arith.constant 0 : index
      %get3A_29 = vector.load %arg6[%get3A_26, %get3A_27, %get3A_28] : memref<1x1536x768xf32, #tpu.memory_space<vmem>>, vector<1x1536x768xf32>
      %get3A_30 = vector.shape_cast %get3A_29 : vector<1x1536x768xf32> to vector<1536x768xf32>
      %dot_general3A_31 = arith.constant dense<0.000000e+00> : vector<256x768xf32>
      %dot_general3A_32 = tpu.matmul %max3A_25, %get3A_30, %dot_general3A_31 {dimension_numbers = #tpu.dot_dimension_numbers<[1], [0], [0], [1], [0, 0, 1, 1], [], []>, transpose_lhs_hint = false} : vector<256x1536xf32>, vector<1536x768xf32>, vector<256x768xf32> -> vector<256x768xf32>
      %get3A_33 = arith.index_cast %get3A_3 : i32 to index
      %get3A_34 = arith.constant 0 : index
      %get3A_35 = vector.load %arg7[%get3A_33, %get3A_34] : memref<8x768xf32, #tpu.memory_space<vmem>>, vector<1x768xf32>
      %add3A_36 = vector.broadcast %get3A_35 : vector<1x768xf32> to vector<256x768xf32>
      %add3A_37 = arith.addf %dot_general3A_32, %add3A_36 : vector<256x768xf32>
      %reduce_max3A = arith.constant dense<0xFF800000> : vector<256xf32>
      %reduce_max3A_38 = vector.multi_reduction <maximumf>, %add3A_37, %reduce_max3A [1] : vector<256x768xf32> to vector<256xf32>
      %broadcast_in_dim3A = vector.shape_cast %reduce_max3A_38 : vector<256xf32> to vector<256x1xf32>
      %sub3A = vector.broadcast %broadcast_in_dim3A : vector<256x1xf32> to vector<256x768xf32>
      %sub3A_39 = arith.subf %add3A_37, %sub3A : vector<256x768xf32>
      %exp3A = math.exp %sub3A_39 : vector<256x768xf32>
      %reduce_sum3A = arith.constant dense<0.000000e+00> : vector<256xf32>
      %reduce_sum3A_40 = vector.multi_reduction <add>, %exp3A, %reduce_sum3A [1] : vector<256x768xf32> to vector<256xf32>
      %broadcast_in_dim3A_41 = vector.shape_cast %reduce_sum3A_40 : vector<256xf32> to vector<256x1xf32>
      %div3A = vector.broadcast %broadcast_in_dim3A_41 : vector<256x1xf32> to vector<256x768xf32>
      %div3A_42 = arith.divf %exp3A, %div3A : vector<256x768xf32>
      %slice3A_43 = vector.extract_strided_slice %div3A_42 {offsets = [0, 0], sizes = [256, 384], strides = [1, 1]} : vector<256x768xf32> to vector<256x384xf32>
      %swap3A = arith.constant 0 : index
      %swap3A_44 = arith.constant 0 : index
      %swap3A_45 = vector.load %arg8[%swap3A, %swap3A_44] : memref<256x384xf32, #tpu.memory_space<vmem>>, vector<256x384xf32>
      tpu.vector_store %arg8[%swap3A, %swap3A_44], %slice3A_43 {strides = array<i32>} : memref<256x384xf32, #tpu.memory_space<vmem>>, vector<256x384xf32>,
      %slice3A_46 = vector.extract_strided_slice %div3A_42 {offsets = [0, 384], sizes = [256, 384], strides = [1, 1]} : vector<256x768xf32> to vector<256x384xf32>
      %swap3A_47 = arith.constant 0 : index
      %swap3A_48 = arith.constant 0 : index
      %swap3A_49 = vector.load %arg9[%swap3A_47, %swap3A_48] : memref<256x384xf32, #tpu.memory_space<vmem>>, vector<256x384xf32>
      tpu.vector_store %arg9[%swap3A_47, %swap3A_48], %slice3A_46 {strides = array<i32>} : memref<256x384xf32, #tpu.memory_space<vmem>>, vector<256x384xf32>,
    } else {
    }
    return
  }
  func.func @transform_0(%arg0: i32, %arg1: memref<64xi32, #tpu.memory_space<smem>>) -> (i32, i32) {
    %c0_i32 = arith.constant 0 : i32
    %c0_i32_0 = arith.constant 0 : i32
    return %arg0, %c0_i32 : i32, i32
  }
  func.func @transform_1(%arg0: i32, %arg1: memref<64xi32, #tpu.memory_space<smem>>) -> (i32, i32) {
    %c0_i32 = arith.constant 0 : i32
    %c0_i32_0 = arith.constant 0 : i32
    return %arg0, %c0_i32 : i32, i32
  }
  func.func @transform_2(%arg0: i32, %arg1: memref<64xi32, #tpu.memory_space<smem>>) -> (i32, i32, i32) {
    %get3A = arith.index_cast %arg0 : i32 to index
    %get3A_0 = memref.load %arg1[%get3A] : memref<64xi32, #tpu.memory_space<smem>>
    %c0_i32 = arith.constant 0 : i32
    %c0_i32_1 = arith.constant 0 : i32
    %c0_i32_2 = arith.constant 0 : i32
    return %get3A_0, %c0_i32, %c0_i32_1 : i32, i32, i32
  }
  func.func @transform_3(%arg0: i32, %arg1: memref<64xi32, #tpu.memory_space<smem>>) -> (i32, i32) {
    %c0_i32 = arith.constant 0 : i32
    %c0_i32_0 = arith.constant 0 : i32
    %c0_i32_1 = arith.constant 0 : i32
    return %c0_i32, %c0_i32_0 : i32, i32
  }
  func.func @transform_4(%arg0: i32, %arg1: memref<64xi32, #tpu.memory_space<smem>>) -> (i32, i32, i32) {
    %get3A = arith.index_cast %arg0 : i32 to index
    %get3A_0 = memref.load %arg1[%get3A] : memref<64xi32, #tpu.memory_space<smem>>
    %c0_i32 = arith.constant 0 : i32
    %c0_i32_1 = arith.constant 0 : i32
    %c0_i32_2 = arith.constant 0 : i32
    return %get3A_0, %c0_i32, %c0_i32_1 : i32, i32, i32
  }
  func.func @transform_5(%arg0: i32, %arg1: memref<64xi32, #tpu.memory_space<smem>>) -> (i32, i32) {
    %c0_i32 = arith.constant 0 : i32
    %c0_i32_0 = arith.constant 0 : i32
    %c0_i32_1 = arith.constant 0 : i32
    return %c0_i32, %c0_i32_0 : i32, i32
  }
  func.func @transform_6(%arg0: i32, %arg1: memref<64xi32, #tpu.memory_space<smem>>) -> (i32, i32) {
    %c0_i32 = arith.constant 0 : i32
    %c0_i32_0 = arith.constant 0 : i32
    return %arg0, %c0_i32 : i32, i32
  }
  func.func @transform_7(%arg0: i32, %arg1: memref<64xi32, #tpu.memory_space<smem>>) -> (i32, i32) {
    %c0_i32 = arith.constant 0 : i32
    %c0_i32_0 = arith.constant 0 : i32
    return %arg0, %c0_i32 : i32, i32
  }
}

module attributes {stable_mosaic.version = 14 : i64} {
  func.func @_gate_route_body(%arg0: memref<2048x768xf32, #tpu.memory_space<vmem>>, %arg1: memref<8x768xf32, #tpu.memory_space<vmem>>, %arg2: memref<2048x2xf32, #tpu.memory_space<vmem>>, %arg3: memref<2x2048xi32, #tpu.memory_space<vmem>>, %arg4: memref<1x64xi32, #tpu.memory_space<vmem>>) attributes {dimension_semantics = [], scalar_prefetch = 0 : i64, scratch_operands = 0 : i64, tpu.core_type = #tpu.core_type<tc>} {
    %get3A = arith.constant 0 : index
    %get3A_0 = arith.constant 0 : index
    %get3A_1 = vector.load %arg1[%get3A, %get3A_0] : memref<8x768xf32, #tpu.memory_space<vmem>>, vector<8x768xf32>
    %get3A_2 = arith.constant 0 : index
    %get3A_3 = arith.constant 0 : index
    %get3A_4 = vector.load %arg0[%get3A_2, %get3A_3] : memref<2048x768xf32, #tpu.memory_space<vmem>>, vector<2048x768xf32>
    %dot_general3A = arith.constant dense<0.000000e+00> : vector<8x2048xf32>
    %dot_general3A_5 = tpu.matmul %get3A_1, %get3A_4, %dot_general3A {dimension_numbers = #tpu.dot_dimension_numbers<[1], [1], [0], [0], [0, 0, 1, 0], [], []>, transpose_lhs_hint = false} : vector<8x768xf32>, vector<2048x768xf32>, vector<8x2048xf32> -> vector<8x2048xf32>
    %broadcast_in_dim3A = arith.constant -1.000000e+30 : f32
    %broadcast_in_dim3A_6 = vector.broadcast %broadcast_in_dim3A : f32 to vector<1x2048xf32>
    %broadcast_in_dim3A_7 = arith.constant 0 : i32
    %broadcast_in_dim3A_8 = vector.broadcast %broadcast_in_dim3A_7 : i32 to vector<1x2048xi32>
    %slice3A = vector.extract_strided_slice %dot_general3A_5 {offsets = [0, 0], sizes = [1, 2048], strides = [1, 1]} : vector<8x2048xf32> to vector<1x2048xf32>
    %gt3A = arith.cmpf ogt, %slice3A, %broadcast_in_dim3A_6 : vector<1x2048xf32>
    %jit3A = arith.constant 0 : i32
    %broadcast_in_dim3A_9 = vector.broadcast %jit3A : i32 to vector<1x2048xi32>
    %select_n3A = arith.select %gt3A, %broadcast_in_dim3A_9, %broadcast_in_dim3A_8 : vector<1x2048xi1>, vector<1x2048xi32>
    %select_n3A_10 = arith.select %gt3A, %slice3A, %broadcast_in_dim3A_6 : vector<1x2048xi1>, vector<1x2048xf32>
    %slice3A_11 = vector.extract_strided_slice %dot_general3A_5 {offsets = [1, 0], sizes = [1, 2048], strides = [1, 1]} : vector<8x2048xf32> to vector<1x2048xf32>
    %gt3A_12 = arith.cmpf ogt, %slice3A_11, %select_n3A_10 : vector<1x2048xf32>
    %jit3A_13 = arith.constant 1 : i32
    %broadcast_in_dim3A_14 = vector.broadcast %jit3A_13 : i32 to vector<1x2048xi32>
    %select_n3A_15 = arith.select %gt3A_12, %broadcast_in_dim3A_14, %select_n3A : vector<1x2048xi1>, vector<1x2048xi32>
    %select_n3A_16 = arith.select %gt3A_12, %slice3A_11, %select_n3A_10 : vector<1x2048xi1>, vector<1x2048xf32>
    %slice3A_17 = vector.extract_strided_slice %dot_general3A_5 {offsets = [2, 0], sizes = [1, 2048], strides = [1, 1]} : vector<8x2048xf32> to vector<1x2048xf32>
    %gt3A_18 = arith.cmpf ogt, %slice3A_17, %select_n3A_16 : vector<1x2048xf32>
    %jit3A_19 = arith.constant 2 : i32
    %broadcast_in_dim3A_20 = vector.broadcast %jit3A_19 : i32 to vector<1x2048xi32>
    %select_n3A_21 = arith.select %gt3A_18, %broadcast_in_dim3A_20, %select_n3A_15 : vector<1x2048xi1>, vector<1x2048xi32>
    %select_n3A_22 = arith.select %gt3A_18, %slice3A_17, %select_n3A_16 : vector<1x2048xi1>, vector<1x2048xf32>
    %slice3A_23 = vector.extract_strided_slice %dot_general3A_5 {offsets = [3, 0], sizes = [1, 2048], strides = [1, 1]} : vector<8x2048xf32> to vector<1x2048xf32>
    %gt3A_24 = arith.cmpf ogt, %slice3A_23, %select_n3A_22 : vector<1x2048xf32>
    %jit3A_25 = arith.constant 3 : i32
    %broadcast_in_dim3A_26 = vector.broadcast %jit3A_25 : i32 to vector<1x2048xi32>
    %select_n3A_27 = arith.select %gt3A_24, %broadcast_in_dim3A_26, %select_n3A_21 : vector<1x2048xi1>, vector<1x2048xi32>
    %select_n3A_28 = arith.select %gt3A_24, %slice3A_23, %select_n3A_22 : vector<1x2048xi1>, vector<1x2048xf32>
    %slice3A_29 = vector.extract_strided_slice %dot_general3A_5 {offsets = [4, 0], sizes = [1, 2048], strides = [1, 1]} : vector<8x2048xf32> to vector<1x2048xf32>
    %gt3A_30 = arith.cmpf ogt, %slice3A_29, %select_n3A_28 : vector<1x2048xf32>
    %jit3A_31 = arith.constant 4 : i32
    %broadcast_in_dim3A_32 = vector.broadcast %jit3A_31 : i32 to vector<1x2048xi32>
    %select_n3A_33 = arith.select %gt3A_30, %broadcast_in_dim3A_32, %select_n3A_27 : vector<1x2048xi1>, vector<1x2048xi32>
    %select_n3A_34 = arith.select %gt3A_30, %slice3A_29, %select_n3A_28 : vector<1x2048xi1>, vector<1x2048xf32>
    %slice3A_35 = vector.extract_strided_slice %dot_general3A_5 {offsets = [5, 0], sizes = [1, 2048], strides = [1, 1]} : vector<8x2048xf32> to vector<1x2048xf32>
    %gt3A_36 = arith.cmpf ogt, %slice3A_35, %select_n3A_34 : vector<1x2048xf32>
    %jit3A_37 = arith.constant 5 : i32
    %broadcast_in_dim3A_38 = vector.broadcast %jit3A_37 : i32 to vector<1x2048xi32>
    %select_n3A_39 = arith.select %gt3A_36, %broadcast_in_dim3A_38, %select_n3A_33 : vector<1x2048xi1>, vector<1x2048xi32>
    %select_n3A_40 = arith.select %gt3A_36, %slice3A_35, %select_n3A_34 : vector<1x2048xi1>, vector<1x2048xf32>
    %slice3A_41 = vector.extract_strided_slice %dot_general3A_5 {offsets = [6, 0], sizes = [1, 2048], strides = [1, 1]} : vector<8x2048xf32> to vector<1x2048xf32>
    %gt3A_42 = arith.cmpf ogt, %slice3A_41, %select_n3A_40 : vector<1x2048xf32>
    %jit3A_43 = arith.constant 6 : i32
    %broadcast_in_dim3A_44 = vector.broadcast %jit3A_43 : i32 to vector<1x2048xi32>
    %select_n3A_45 = arith.select %gt3A_42, %broadcast_in_dim3A_44, %select_n3A_39 : vector<1x2048xi1>, vector<1x2048xi32>
    %select_n3A_46 = arith.select %gt3A_42, %slice3A_41, %select_n3A_40 : vector<1x2048xi1>, vector<1x2048xf32>
    %slice3A_47 = vector.extract_strided_slice %dot_general3A_5 {offsets = [7, 0], sizes = [1, 2048], strides = [1, 1]} : vector<8x2048xf32> to vector<1x2048xf32>
    %gt3A_48 = arith.cmpf ogt, %slice3A_47, %select_n3A_46 : vector<1x2048xf32>
    %jit3A_49 = arith.constant 7 : i32
    %broadcast_in_dim3A_50 = vector.broadcast %jit3A_49 : i32 to vector<1x2048xi32>
    %select_n3A_51 = arith.select %gt3A_48, %broadcast_in_dim3A_50, %select_n3A_45 : vector<1x2048xi1>, vector<1x2048xi32>
    %select_n3A_52 = arith.select %gt3A_48, %slice3A_47, %select_n3A_46 : vector<1x2048xi1>, vector<1x2048xf32>
    %broadcast_in_dim3A_53 = arith.constant -1.000000e+30 : f32
    %broadcast_in_dim3A_54 = vector.broadcast %broadcast_in_dim3A_53 : f32 to vector<1x2048xf32>
    %broadcast_in_dim3A_55 = arith.constant 0 : i32
    %broadcast_in_dim3A_56 = vector.broadcast %broadcast_in_dim3A_55 : i32 to vector<1x2048xi32>
    %slice3A_57 = vector.extract_strided_slice %dot_general3A_5 {offsets = [0, 0], sizes = [1, 2048], strides = [1, 1]} : vector<8x2048xf32> to vector<1x2048xf32>
    %gt3A_58 = arith.cmpf ogt, %slice3A_57, %broadcast_in_dim3A_54 : vector<1x2048xf32>
    %ne3A = arith.constant 0 : i32
    %ne3A_59 = vector.broadcast %ne3A : i32 to vector<1x2048xi32>
    %ne3A_60 = arith.cmpi ne, %select_n3A_51, %ne3A_59 : vector<1x2048xi32>
    %and3A = arith.andi %gt3A_58, %ne3A_60 : vector<1x2048xi1>
    %jit3A_61 = arith.constant 0 : i32
    %broadcast_in_dim3A_62 = vector.broadcast %jit3A_61 : i32 to vector<1x2048xi32>
    %select_n3A_63 = arith.select %and3A, %broadcast_in_dim3A_62, %broadcast_in_dim3A_56 : vector<1x2048xi1>, vector<1x2048xi32>
    %select_n3A_64 = arith.select %and3A, %slice3A_57, %broadcast_in_dim3A_54 : vector<1x2048xi1>, vector<1x2048xf32>
    %slice3A_65 = vector.extract_strided_slice %dot_general3A_5 {offsets = [1, 0], sizes = [1, 2048], strides = [1, 1]} : vector<8x2048xf32> to vector<1x2048xf32>
    %gt3A_66 = arith.cmpf ogt, %slice3A_65, %select_n3A_64 : vector<1x2048xf32>
    %ne3A_67 = arith.constant 1 : i32
    %ne3A_68 = vector.broadcast %ne3A_67 : i32 to vector<1x2048xi32>
    %ne3A_69 = arith.cmpi ne, %select_n3A_51, %ne3A_68 : vector<1x2048xi32>
    %and3A_70 = arith.andi %gt3A_66, %ne3A_69 : vector<1x2048xi1>
    %jit3A_71 = arith.constant 1 : i32
    %broadcast_in_dim3A_72 = vector.broadcast %jit3A_71 : i32 to vector<1x2048xi32>
    %select_n3A_73 = arith.select %and3A_70, %broadcast_in_dim3A_72, %select_n3A_63 : vector<1x2048xi1>, vector<1x2048xi32>
    %select_n3A_74 = arith.select %and3A_70, %slice3A_65, %select_n3A_64 : vector<1x2048xi1>, vector<1x2048xf32>
    %slice3A_75 = vector.extract_strided_slice %dot_general3A_5 {offsets = [2, 0], sizes = [1, 2048], strides = [1, 1]} : vector<8x2048xf32> to vector<1x2048xf32>
    %gt3A_76 = arith.cmpf ogt, %slice3A_75, %select_n3A_74 : vector<1x2048xf32>
    %ne3A_77 = arith.constant 2 : i32
    %ne3A_78 = vector.broadcast %ne3A_77 : i32 to vector<1x2048xi32>
    %ne3A_79 = arith.cmpi ne, %select_n3A_51, %ne3A_78 : vector<1x2048xi32>
    %and3A_80 = arith.andi %gt3A_76, %ne3A_79 : vector<1x2048xi1>
    %jit3A_81 = arith.constant 2 : i32
    %broadcast_in_dim3A_82 = vector.broadcast %jit3A_81 : i32 to vector<1x2048xi32>
    %select_n3A_83 = arith.select %and3A_80, %broadcast_in_dim3A_82, %select_n3A_73 : vector<1x2048xi1>, vector<1x2048xi32>
    %select_n3A_84 = arith.select %and3A_80, %slice3A_75, %select_n3A_74 : vector<1x2048xi1>, vector<1x2048xf32>
    %slice3A_85 = vector.extract_strided_slice %dot_general3A_5 {offsets = [3, 0], sizes = [1, 2048], strides = [1, 1]} : vector<8x2048xf32> to vector<1x2048xf32>
    %gt3A_86 = arith.cmpf ogt, %slice3A_85, %select_n3A_84 : vector<1x2048xf32>
    %ne3A_87 = arith.constant 3 : i32
    %ne3A_88 = vector.broadcast %ne3A_87 : i32 to vector<1x2048xi32>
    %ne3A_89 = arith.cmpi ne, %select_n3A_51, %ne3A_88 : vector<1x2048xi32>
    %and3A_90 = arith.andi %gt3A_86, %ne3A_89 : vector<1x2048xi1>
    %jit3A_91 = arith.constant 3 : i32
    %broadcast_in_dim3A_92 = vector.broadcast %jit3A_91 : i32 to vector<1x2048xi32>
    %select_n3A_93 = arith.select %and3A_90, %broadcast_in_dim3A_92, %select_n3A_83 : vector<1x2048xi1>, vector<1x2048xi32>
    %select_n3A_94 = arith.select %and3A_90, %slice3A_85, %select_n3A_84 : vector<1x2048xi1>, vector<1x2048xf32>
    %slice3A_95 = vector.extract_strided_slice %dot_general3A_5 {offsets = [4, 0], sizes = [1, 2048], strides = [1, 1]} : vector<8x2048xf32> to vector<1x2048xf32>
    %gt3A_96 = arith.cmpf ogt, %slice3A_95, %select_n3A_94 : vector<1x2048xf32>
    %ne3A_97 = arith.constant 4 : i32
    %ne3A_98 = vector.broadcast %ne3A_97 : i32 to vector<1x2048xi32>
    %ne3A_99 = arith.cmpi ne, %select_n3A_51, %ne3A_98 : vector<1x2048xi32>
    %and3A_100 = arith.andi %gt3A_96, %ne3A_99 : vector<1x2048xi1>
    %jit3A_101 = arith.constant 4 : i32
    %broadcast_in_dim3A_102 = vector.broadcast %jit3A_101 : i32 to vector<1x2048xi32>
    %select_n3A_103 = arith.select %and3A_100, %broadcast_in_dim3A_102, %select_n3A_93 : vector<1x2048xi1>, vector<1x2048xi32>
    %select_n3A_104 = arith.select %and3A_100, %slice3A_95, %select_n3A_94 : vector<1x2048xi1>, vector<1x2048xf32>
    %slice3A_105 = vector.extract_strided_slice %dot_general3A_5 {offsets = [5, 0], sizes = [1, 2048], strides = [1, 1]} : vector<8x2048xf32> to vector<1x2048xf32>
    %gt3A_106 = arith.cmpf ogt, %slice3A_105, %select_n3A_104 : vector<1x2048xf32>
    %ne3A_107 = arith.constant 5 : i32
    %ne3A_108 = vector.broadcast %ne3A_107 : i32 to vector<1x2048xi32>
    %ne3A_109 = arith.cmpi ne, %select_n3A_51, %ne3A_108 : vector<1x2048xi32>
    %and3A_110 = arith.andi %gt3A_106, %ne3A_109 : vector<1x2048xi1>
    %jit3A_111 = arith.constant 5 : i32
    %broadcast_in_dim3A_112 = vector.broadcast %jit3A_111 : i32 to vector<1x2048xi32>
    %select_n3A_113 = arith.select %and3A_110, %broadcast_in_dim3A_112, %select_n3A_103 : vector<1x2048xi1>, vector<1x2048xi32>
    %select_n3A_114 = arith.select %and3A_110, %slice3A_105, %select_n3A_104 : vector<1x2048xi1>, vector<1x2048xf32>
    %slice3A_115 = vector.extract_strided_slice %dot_general3A_5 {offsets = [6, 0], sizes = [1, 2048], strides = [1, 1]} : vector<8x2048xf32> to vector<1x2048xf32>
    %gt3A_116 = arith.cmpf ogt, %slice3A_115, %select_n3A_114 : vector<1x2048xf32>
    %ne3A_117 = arith.constant 6 : i32
    %ne3A_118 = vector.broadcast %ne3A_117 : i32 to vector<1x2048xi32>
    %ne3A_119 = arith.cmpi ne, %select_n3A_51, %ne3A_118 : vector<1x2048xi32>
    %and3A_120 = arith.andi %gt3A_116, %ne3A_119 : vector<1x2048xi1>
    %jit3A_121 = arith.constant 6 : i32
    %broadcast_in_dim3A_122 = vector.broadcast %jit3A_121 : i32 to vector<1x2048xi32>
    %select_n3A_123 = arith.select %and3A_120, %broadcast_in_dim3A_122, %select_n3A_113 : vector<1x2048xi1>, vector<1x2048xi32>
    %select_n3A_124 = arith.select %and3A_120, %slice3A_115, %select_n3A_114 : vector<1x2048xi1>, vector<1x2048xf32>
    %slice3A_125 = vector.extract_strided_slice %dot_general3A_5 {offsets = [7, 0], sizes = [1, 2048], strides = [1, 1]} : vector<8x2048xf32> to vector<1x2048xf32>
    %gt3A_126 = arith.cmpf ogt, %slice3A_125, %select_n3A_124 : vector<1x2048xf32>
    %ne3A_127 = arith.constant 7 : i32
    %ne3A_128 = vector.broadcast %ne3A_127 : i32 to vector<1x2048xi32>
    %ne3A_129 = arith.cmpi ne, %select_n3A_51, %ne3A_128 : vector<1x2048xi32>
    %and3A_130 = arith.andi %gt3A_126, %ne3A_129 : vector<1x2048xi1>
    %jit3A_131 = arith.constant 7 : i32
    %broadcast_in_dim3A_132 = vector.broadcast %jit3A_131 : i32 to vector<1x2048xi32>
    %select_n3A_133 = arith.select %and3A_130, %broadcast_in_dim3A_132, %select_n3A_123 : vector<1x2048xi1>, vector<1x2048xi32>
    %select_n3A_134 = arith.select %and3A_130, %slice3A_125, %select_n3A_124 : vector<1x2048xi1>, vector<1x2048xf32>
    %sub3A = arith.subf %select_n3A_134, %select_n3A_52 : vector<1x2048xf32>
    %exp3A = math.exp %sub3A : vector<1x2048xf32>
    %add3A = arith.constant 1.000000e+00 : f32
    %add3A_135 = vector.broadcast %add3A : f32 to vector<1x2048xf32>
    %add3A_136 = arith.addf %add3A_135, %exp3A : vector<1x2048xf32>
    %div3A = arith.constant 1.000000e+00 : f32
    %div3A_137 = vector.broadcast %div3A : f32 to vector<1x2048xf32>
    %div3A_138 = arith.divf %div3A_137, %add3A_136 : vector<1x2048xf32>
    %sub3A_139 = arith.constant 1.000000e+00 : f32
    %sub3A_140 = vector.broadcast %sub3A_139 : f32 to vector<1x2048xf32>
    %sub3A_141 = arith.subf %sub3A_140, %div3A_138 : vector<1x2048xf32>
    %concatenate3A = tpu.concatenate %div3A_138, %sub3A_141 in 0 : vector<1x2048xf32>, vector<1x2048xf32> -> vector<2x2048xf32>
    %transpose3A = tpu.transpose %concatenate3A, [1, 0] : vector<2x2048xf32> -> vector<2048x2xf32>
    %swap3A = arith.constant 0 : index
    %swap3A_142 = arith.constant 0 : index
    %swap3A_143 = vector.load %arg2[%swap3A, %swap3A_142] : memref<2048x2xf32, #tpu.memory_space<vmem>>, vector<2048x2xf32>
    tpu.vector_store %arg2[%swap3A, %swap3A_142], %transpose3A {strides = array<i32>} : memref<2048x2xf32, #tpu.memory_space<vmem>>, vector<2048x2xf32>,
    %eq3A = arith.constant 0 : i32
    %eq3A_144 = vector.broadcast %eq3A : i32 to vector<1x2048xi32>
    %eq3A_145 = arith.cmpi eq, %select_n3A_51, %eq3A_144 : vector<1x2048xi32>
    %eq3A_146 = arith.constant 0 : i32
    %eq3A_147 = vector.broadcast %eq3A_146 : i32 to vector<1x2048xi32>
    %eq3A_148 = arith.cmpi eq, %select_n3A_133, %eq3A_147 : vector<1x2048xi32>
    %concatenate3A_149 = tpu.concatenate %eq3A_145, %eq3A_148 in 1 : vector<1x2048xi1>, vector<1x2048xi1> -> vector<1x4096xi1>
    %convert_element_type3A = arith.extui %concatenate3A_149 : vector<1x4096xi1> to vector<1x4096xi32>
    %convert_element_type3A_150 = arith.sitofp %convert_element_type3A : vector<1x4096xi32> to vector<1x4096xf32>
    %eq3A_151 = arith.constant 1 : i32
    %eq3A_152 = vector.broadcast %eq3A_151 : i32 to vector<1x2048xi32>
    %eq3A_153 = arith.cmpi eq, %select_n3A_51, %eq3A_152 : vector<1x2048xi32>
    %eq3A_154 = arith.constant 1 : i32
    %eq3A_155 = vector.broadcast %eq3A_154 : i32 to vector<1x2048xi32>
    %eq3A_156 = arith.cmpi eq, %select_n3A_133, %eq3A_155 : vector<1x2048xi32>
    %concatenate3A_157 = tpu.concatenate %eq3A_153, %eq3A_156 in 1 : vector<1x2048xi1>, vector<1x2048xi1> -> vector<1x4096xi1>
    %convert_element_type3A_158 = arith.extui %concatenate3A_157 : vector<1x4096xi1> to vector<1x4096xi32>
    %convert_element_type3A_159 = arith.sitofp %convert_element_type3A_158 : vector<1x4096xi32> to vector<1x4096xf32>
    %eq3A_160 = arith.constant 2 : i32
    %eq3A_161 = vector.broadcast %eq3A_160 : i32 to vector<1x2048xi32>
    %eq3A_162 = arith.cmpi eq, %select_n3A_51, %eq3A_161 : vector<1x2048xi32>
    %eq3A_163 = arith.constant 2 : i32
    %eq3A_164 = vector.broadcast %eq3A_163 : i32 to vector<1x2048xi32>
    %eq3A_165 = arith.cmpi eq, %select_n3A_133, %eq3A_164 : vector<1x2048xi32>
    %concatenate3A_166 = tpu.concatenate %eq3A_162, %eq3A_165 in 1 : vector<1x2048xi1>, vector<1x2048xi1> -> vector<1x4096xi1>
    %convert_element_type3A_167 = arith.extui %concatenate3A_166 : vector<1x4096xi1> to vector<1x4096xi32>
    %convert_element_type3A_168 = arith.sitofp %convert_element_type3A_167 : vector<1x4096xi32> to vector<1x4096xf32>
    %eq3A_169 = arith.constant 3 : i32
    %eq3A_170 = vector.broadcast %eq3A_169 : i32 to vector<1x2048xi32>
    %eq3A_171 = arith.cmpi eq, %select_n3A_51, %eq3A_170 : vector<1x2048xi32>
    %eq3A_172 = arith.constant 3 : i32
    %eq3A_173 = vector.broadcast %eq3A_172 : i32 to vector<1x2048xi32>
    %eq3A_174 = arith.cmpi eq, %select_n3A_133, %eq3A_173 : vector<1x2048xi32>
    %concatenate3A_175 = tpu.concatenate %eq3A_171, %eq3A_174 in 1 : vector<1x2048xi1>, vector<1x2048xi1> -> vector<1x4096xi1>
    %convert_element_type3A_176 = arith.extui %concatenate3A_175 : vector<1x4096xi1> to vector<1x4096xi32>
    %convert_element_type3A_177 = arith.sitofp %convert_element_type3A_176 : vector<1x4096xi32> to vector<1x4096xf32>
    %eq3A_178 = arith.constant 4 : i32
    %eq3A_179 = vector.broadcast %eq3A_178 : i32 to vector<1x2048xi32>
    %eq3A_180 = arith.cmpi eq, %select_n3A_51, %eq3A_179 : vector<1x2048xi32>
    %eq3A_181 = arith.constant 4 : i32
    %eq3A_182 = vector.broadcast %eq3A_181 : i32 to vector<1x2048xi32>
    %eq3A_183 = arith.cmpi eq, %select_n3A_133, %eq3A_182 : vector<1x2048xi32>
    %concatenate3A_184 = tpu.concatenate %eq3A_180, %eq3A_183 in 1 : vector<1x2048xi1>, vector<1x2048xi1> -> vector<1x4096xi1>
    %convert_element_type3A_185 = arith.extui %concatenate3A_184 : vector<1x4096xi1> to vector<1x4096xi32>
    %convert_element_type3A_186 = arith.sitofp %convert_element_type3A_185 : vector<1x4096xi32> to vector<1x4096xf32>
    %eq3A_187 = arith.constant 5 : i32
    %eq3A_188 = vector.broadcast %eq3A_187 : i32 to vector<1x2048xi32>
    %eq3A_189 = arith.cmpi eq, %select_n3A_51, %eq3A_188 : vector<1x2048xi32>
    %eq3A_190 = arith.constant 5 : i32
    %eq3A_191 = vector.broadcast %eq3A_190 : i32 to vector<1x2048xi32>
    %eq3A_192 = arith.cmpi eq, %select_n3A_133, %eq3A_191 : vector<1x2048xi32>
    %concatenate3A_193 = tpu.concatenate %eq3A_189, %eq3A_192 in 1 : vector<1x2048xi1>, vector<1x2048xi1> -> vector<1x4096xi1>
    %convert_element_type3A_194 = arith.extui %concatenate3A_193 : vector<1x4096xi1> to vector<1x4096xi32>
    %convert_element_type3A_195 = arith.sitofp %convert_element_type3A_194 : vector<1x4096xi32> to vector<1x4096xf32>
    %eq3A_196 = arith.constant 6 : i32
    %eq3A_197 = vector.broadcast %eq3A_196 : i32 to vector<1x2048xi32>
    %eq3A_198 = arith.cmpi eq, %select_n3A_51, %eq3A_197 : vector<1x2048xi32>
    %eq3A_199 = arith.constant 6 : i32
    %eq3A_200 = vector.broadcast %eq3A_199 : i32 to vector<1x2048xi32>
    %eq3A_201 = arith.cmpi eq, %select_n3A_133, %eq3A_200 : vector<1x2048xi32>
    %concatenate3A_202 = tpu.concatenate %eq3A_198, %eq3A_201 in 1 : vector<1x2048xi1>, vector<1x2048xi1> -> vector<1x4096xi1>
    %convert_element_type3A_203 = arith.extui %concatenate3A_202 : vector<1x4096xi1> to vector<1x4096xi32>
    %convert_element_type3A_204 = arith.sitofp %convert_element_type3A_203 : vector<1x4096xi32> to vector<1x4096xf32>
    %eq3A_205 = arith.constant 7 : i32
    %eq3A_206 = vector.broadcast %eq3A_205 : i32 to vector<1x2048xi32>
    %eq3A_207 = arith.cmpi eq, %select_n3A_51, %eq3A_206 : vector<1x2048xi32>
    %eq3A_208 = arith.constant 7 : i32
    %eq3A_209 = vector.broadcast %eq3A_208 : i32 to vector<1x2048xi32>
    %eq3A_210 = arith.cmpi eq, %select_n3A_133, %eq3A_209 : vector<1x2048xi32>
    %concatenate3A_211 = tpu.concatenate %eq3A_207, %eq3A_210 in 1 : vector<1x2048xi1>, vector<1x2048xi1> -> vector<1x4096xi1>
    %convert_element_type3A_212 = arith.extui %concatenate3A_211 : vector<1x4096xi1> to vector<1x4096xi32>
    %convert_element_type3A_213 = arith.sitofp %convert_element_type3A_212 : vector<1x4096xi32> to vector<1x4096xf32>
    %concatenate3A_214 = tpu.concatenate %convert_element_type3A_150, %convert_element_type3A_159, %convert_element_type3A_168, %convert_element_type3A_177, %convert_element_type3A_186, %convert_element_type3A_195, %convert_element_type3A_204, %convert_element_type3A_213 in 0 : vector<1x4096xf32>, vector<1x4096xf32>, vector<1x4096xf32>, vector<1x4096xf32>, vector<1x4096xf32>, vector<1x4096xf32>, vector<1x4096xf32>, vector<1x4096xf32> -> vector<8x4096xf32>
    %broadcast_in_dim3A_215 = arith.constant 0.000000e+00 : f32
    %broadcast_in_dim3A_216 = vector.broadcast %broadcast_in_dim3A_215 : f32 to vector<8x1xf32>
    %slice3A_217 = vector.extract_strided_slice %concatenate3A_214 {offsets = [0, 0], sizes = [8, 4095], strides = [1, 1]} : vector<8x4096xf32> to vector<8x4095xf32>
    %concatenate3A_218 = tpu.concatenate %broadcast_in_dim3A_216, %slice3A_217 in 1 : vector<8x1xf32>, vector<8x4095xf32> -> vector<8x4096xf32>
    %add3A_219 = arith.addf %concatenate3A_214, %concatenate3A_218 : vector<8x4096xf32>
    %broadcast_in_dim3A_220 = arith.constant 0.000000e+00 : f32
    %broadcast_in_dim3A_221 = vector.broadcast %broadcast_in_dim3A_220 : f32 to vector<8x2xf32>
    %slice3A_222 = vector.extract_strided_slice %add3A_219 {offsets = [0, 0], sizes = [8, 4094], strides = [1, 1]} : vector<8x4096xf32> to vector<8x4094xf32>
    %concatenate3A_223 = tpu.concatenate %broadcast_in_dim3A_221, %slice3A_222 in 1 : vector<8x2xf32>, vector<8x4094xf32> -> vector<8x4096xf32>
    %add3A_224 = arith.addf %add3A_219, %concatenate3A_223 : vector<8x4096xf32>
    %broadcast_in_dim3A_225 = arith.constant 0.000000e+00 : f32
    %broadcast_in_dim3A_226 = vector.broadcast %broadcast_in_dim3A_225 : f32 to vector<8x4xf32>
    %slice3A_227 = vector.extract_strided_slice %add3A_224 {offsets = [0, 0], sizes = [8, 4092], strides = [1, 1]} : vector<8x4096xf32> to vector<8x4092xf32>
    %concatenate3A_228 = tpu.concatenate %broadcast_in_dim3A_226, %slice3A_227 in 1 : vector<8x4xf32>, vector<8x4092xf32> -> vector<8x4096xf32>
    %add3A_229 = arith.addf %add3A_224, %concatenate3A_228 : vector<8x4096xf32>
    %broadcast_in_dim3A_230 = arith.constant 0.000000e+00 : f32
    %broadcast_in_dim3A_231 = vector.broadcast %broadcast_in_dim3A_230 : f32 to vector<8x8xf32>
    %slice3A_232 = vector.extract_strided_slice %add3A_229 {offsets = [0, 0], sizes = [8, 4088], strides = [1, 1]} : vector<8x4096xf32> to vector<8x4088xf32>
    %concatenate3A_233 = tpu.concatenate %broadcast_in_dim3A_231, %slice3A_232 in 1 : vector<8x8xf32>, vector<8x4088xf32> -> vector<8x4096xf32>
    %add3A_234 = arith.addf %add3A_229, %concatenate3A_233 : vector<8x4096xf32>
    %broadcast_in_dim3A_235 = arith.constant 0.000000e+00 : f32
    %broadcast_in_dim3A_236 = vector.broadcast %broadcast_in_dim3A_235 : f32 to vector<8x16xf32>
    %slice3A_237 = vector.extract_strided_slice %add3A_234 {offsets = [0, 0], sizes = [8, 4080], strides = [1, 1]} : vector<8x4096xf32> to vector<8x4080xf32>
    %concatenate3A_238 = tpu.concatenate %broadcast_in_dim3A_236, %slice3A_237 in 1 : vector<8x16xf32>, vector<8x4080xf32> -> vector<8x4096xf32>
    %add3A_239 = arith.addf %add3A_234, %concatenate3A_238 : vector<8x4096xf32>
    %broadcast_in_dim3A_240 = arith.constant 0.000000e+00 : f32
    %broadcast_in_dim3A_241 = vector.broadcast %broadcast_in_dim3A_240 : f32 to vector<8x32xf32>
    %slice3A_242 = vector.extract_strided_slice %add3A_239 {offsets = [0, 0], sizes = [8, 4064], strides = [1, 1]} : vector<8x4096xf32> to vector<8x4064xf32>
    %concatenate3A_243 = tpu.concatenate %broadcast_in_dim3A_241, %slice3A_242 in 1 : vector<8x32xf32>, vector<8x4064xf32> -> vector<8x4096xf32>
    %add3A_244 = arith.addf %add3A_239, %concatenate3A_243 : vector<8x4096xf32>
    %broadcast_in_dim3A_245 = arith.constant 0.000000e+00 : f32
    %broadcast_in_dim3A_246 = vector.broadcast %broadcast_in_dim3A_245 : f32 to vector<8x64xf32>
    %slice3A_247 = vector.extract_strided_slice %add3A_244 {offsets = [0, 0], sizes = [8, 4032], strides = [1, 1]} : vector<8x4096xf32> to vector<8x4032xf32>
    %concatenate3A_248 = tpu.concatenate %broadcast_in_dim3A_246, %slice3A_247 in 1 : vector<8x64xf32>, vector<8x4032xf32> -> vector<8x4096xf32>
    %add3A_249 = arith.addf %add3A_244, %concatenate3A_248 : vector<8x4096xf32>
    %broadcast_in_dim3A_250 = arith.constant 0.000000e+00 : f32
    %broadcast_in_dim3A_251 = vector.broadcast %broadcast_in_dim3A_250 : f32 to vector<8x128xf32>
    %slice3A_252 = vector.extract_strided_slice %add3A_249 {offsets = [0, 0], sizes = [8, 3968], strides = [1, 1]} : vector<8x4096xf32> to vector<8x3968xf32>
    %concatenate3A_253 = tpu.concatenate %broadcast_in_dim3A_251, %slice3A_252 in 1 : vector<8x128xf32>, vector<8x3968xf32> -> vector<8x4096xf32>
    %add3A_254 = arith.addf %add3A_249, %concatenate3A_253 : vector<8x4096xf32>
    %broadcast_in_dim3A_255 = arith.constant 0.000000e+00 : f32
    %broadcast_in_dim3A_256 = vector.broadcast %broadcast_in_dim3A_255 : f32 to vector<8x256xf32>
    %slice3A_257 = vector.extract_strided_slice %add3A_254 {offsets = [0, 0], sizes = [8, 3840], strides = [1, 1]} : vector<8x4096xf32> to vector<8x3840xf32>
    %concatenate3A_258 = tpu.concatenate %broadcast_in_dim3A_256, %slice3A_257 in 1 : vector<8x256xf32>, vector<8x3840xf32> -> vector<8x4096xf32>
    %add3A_259 = arith.addf %add3A_254, %concatenate3A_258 : vector<8x4096xf32>
    %broadcast_in_dim3A_260 = arith.constant 0.000000e+00 : f32
    %broadcast_in_dim3A_261 = vector.broadcast %broadcast_in_dim3A_260 : f32 to vector<8x512xf32>
    %slice3A_262 = vector.extract_strided_slice %add3A_259 {offsets = [0, 0], sizes = [8, 3584], strides = [1, 1]} : vector<8x4096xf32> to vector<8x3584xf32>
    %concatenate3A_263 = tpu.concatenate %broadcast_in_dim3A_261, %slice3A_262 in 1 : vector<8x512xf32>, vector<8x3584xf32> -> vector<8x4096xf32>
    %add3A_264 = arith.addf %add3A_259, %concatenate3A_263 : vector<8x4096xf32>
    %broadcast_in_dim3A_265 = arith.constant 0.000000e+00 : f32
    %broadcast_in_dim3A_266 = vector.broadcast %broadcast_in_dim3A_265 : f32 to vector<8x1024xf32>
    %slice3A_267 = vector.extract_strided_slice %add3A_264 {offsets = [0, 0], sizes = [8, 3072], strides = [1, 1]} : vector<8x4096xf32> to vector<8x3072xf32>
    %concatenate3A_268 = tpu.concatenate %broadcast_in_dim3A_266, %slice3A_267 in 1 : vector<8x1024xf32>, vector<8x3072xf32> -> vector<8x4096xf32>
    %add3A_269 = arith.addf %add3A_264, %concatenate3A_268 : vector<8x4096xf32>
    %broadcast_in_dim3A_270 = arith.constant 0.000000e+00 : f32
    %broadcast_in_dim3A_271 = vector.broadcast %broadcast_in_dim3A_270 : f32 to vector<8x2048xf32>
    %slice3A_272 = vector.extract_strided_slice %add3A_269 {offsets = [0, 0], sizes = [8, 2048], strides = [1, 1]} : vector<8x4096xf32> to vector<8x2048xf32>
    %concatenate3A_273 = tpu.concatenate %broadcast_in_dim3A_271, %slice3A_272 in 1 : vector<8x2048xf32>, vector<8x2048xf32> -> vector<8x4096xf32>
    %add3A_274 = arith.addf %add3A_269, %concatenate3A_273 : vector<8x4096xf32>
    %slice3A_275 = vector.extract_strided_slice %add3A_274 {offsets = [0, 4095], sizes = [8, 1], strides = [1, 1]} : vector<8x4096xf32> to vector<8x1xf32>
    %add3A_276 = arith.constant 2.550000e+02 : f32
    %add3A_277 = vector.broadcast %add3A_276 : f32 to vector<8x1xf32>
    %add3A_278 = arith.addf %slice3A_275, %add3A_277 : vector<8x1xf32>
    %div3A_279 = arith.constant 2.560000e+02 : f32
    %div3A_280 = vector.broadcast %div3A_279 : f32 to vector<8x1xf32>
    %div3A_281 = arith.divf %add3A_278, %div3A_280 : vector<8x1xf32>
    %floor3A = math.floor %div3A_281 : vector<8x1xf32>
    %mul3A = arith.constant 2.560000e+02 : f32
    %mul3A_282 = vector.broadcast %mul3A : f32 to vector<8x1xf32>
    %mul3A_283 = arith.mulf %floor3A, %mul3A_282 : vector<8x1xf32>
    %broadcast_in_dim3A_284 = arith.constant 0.000000e+00 : f32
    %broadcast_in_dim3A_285 = vector.broadcast %broadcast_in_dim3A_284 : f32 to vector<1x1xf32>
    %slice3A_286 = vector.extract_strided_slice %mul3A_283 {offsets = [0, 0], sizes = [7, 1], strides = [1, 1]} : vector<8x1xf32> to vector<7x1xf32>
    %concatenate3A_287 = tpu.concatenate %broadcast_in_dim3A_285, %slice3A_286 in 0 : vector<1x1xf32>, vector<7x1xf32> -> vector<8x1xf32>
    %add3A_288 = arith.addf %mul3A_283, %concatenate3A_287 : vector<8x1xf32>
    %broadcast_in_dim3A_289 = arith.constant 0.000000e+00 : f32
    %broadcast_in_dim3A_290 = vector.broadcast %broadcast_in_dim3A_289 : f32 to vector<2x1xf32>
    %slice3A_291 = vector.extract_strided_slice %add3A_288 {offsets = [0, 0], sizes = [6, 1], strides = [1, 1]} : vector<8x1xf32> to vector<6x1xf32>
    %concatenate3A_292 = tpu.concatenate %broadcast_in_dim3A_290, %slice3A_291 in 0 : vector<2x1xf32>, vector<6x1xf32> -> vector<8x1xf32>
    %add3A_293 = arith.addf %add3A_288, %concatenate3A_292 : vector<8x1xf32>
    %broadcast_in_dim3A_294 = arith.constant 0.000000e+00 : f32
    %broadcast_in_dim3A_295 = vector.broadcast %broadcast_in_dim3A_294 : f32 to vector<4x1xf32>
    %slice3A_296 = vector.extract_strided_slice %add3A_293 {offsets = [0, 0], sizes = [4, 1], strides = [1, 1]} : vector<8x1xf32> to vector<4x1xf32>
    %concatenate3A_297 = tpu.concatenate %broadcast_in_dim3A_295, %slice3A_296 in 0 : vector<4x1xf32>, vector<4x1xf32> -> vector<8x1xf32>
    %add3A_298 = arith.addf %add3A_293, %concatenate3A_297 : vector<8x1xf32>
    %sub3A_299 = arith.subf %add3A_298, %mul3A_283 : vector<8x1xf32>
    %sub3A_300 = arith.constant 1.000000e+00 : f32
    %sub3A_301 = vector.broadcast %sub3A_300 : f32 to vector<8x4096xf32>
    %sub3A_302 = arith.subf %add3A_274, %sub3A_301 : vector<8x4096xf32>
    %add3A_303 = vector.broadcast %sub3A_299 : vector<8x1xf32> to vector<8x4096xf32>
    %add3A_304 = arith.addf %sub3A_302, %add3A_303 : vector<8x4096xf32>
    %mul3A_305 = arith.mulf %concatenate3A_214, %add3A_304 : vector<8x4096xf32>
    %reduce_sum3A = arith.constant dense<0.000000e+00> : vector<4096xf32>
    %reduce_sum3A_306 = vector.multi_reduction <add>, %mul3A_305, %reduce_sum3A [0] : vector<8x4096xf32> to vector<4096xf32>
    %broadcast_in_dim3A_307 = vector.shape_cast %reduce_sum3A_306 : vector<4096xf32> to vector<1x4096xf32>
    %slice3A_308 = vector.extract_strided_slice %broadcast_in_dim3A_307 {offsets = [0, 0], sizes = [1, 2048], strides = [1, 1]} : vector<1x4096xf32> to vector<1x2048xf32>
    %slice3A_309 = vector.extract_strided_slice %broadcast_in_dim3A_307 {offsets = [0, 2048], sizes = [1, 2048], strides = [1, 1]} : vector<1x4096xf32> to vector<1x2048xf32>
    %concatenate3A_310 = tpu.concatenate %slice3A_308, %slice3A_309 in 0 : vector<1x2048xf32>, vector<1x2048xf32> -> vector<2x2048xf32>
    %convert_element_type3A_311 = arith.fptosi %concatenate3A_310 : vector<2x2048xf32> to vector<2x2048xi32>
    %swap3A_312 = arith.constant 0 : index
    %swap3A_313 = arith.constant 0 : index
    %swap3A_314 = vector.load %arg3[%swap3A_312, %swap3A_313] : memref<2x2048xi32, #tpu.memory_space<vmem>>, vector<2x2048xi32>
    tpu.vector_store %arg3[%swap3A_312, %swap3A_313], %convert_element_type3A_311 {strides = array<i32>} : memref<2x2048xi32, #tpu.memory_space<vmem>>, vector<2x2048xi32>,
    %add3A_315 = arith.addf %sub3A_299, %mul3A_283 : vector<8x1xf32>
    %iota3A = tpu.iota {dimensions = array<i32: 1>} : vector<1x64xi32>
    %convert_element_type3A_316 = arith.sitofp %iota3A : vector<1x64xi32> to vector<1x64xf32>
    %mul3A_317 = arith.constant 2.560000e+02 : f32
    %mul3A_318 = vector.broadcast %mul3A_317 : f32 to vector<1x64xf32>
    %mul3A_319 = arith.mulf %convert_element_type3A_316, %mul3A_318 : vector<1x64xf32>
    %le3A = vector.broadcast %add3A_315 : vector<8x1xf32> to vector<8x64xf32>
    %le3A_320 = vector.broadcast %mul3A_319 : vector<1x64xf32> to vector<8x64xf32>
    %le3A_321 = arith.cmpf ole, %le3A, %le3A_320 : vector<8x64xf32>
    %convert_element_type3A_322 = arith.extui %le3A_321 : vector<8x64xi1> to vector<8x64xi32>
    %reduce_sum3A_323 = arith.constant dense<0> : vector<64xi32>
    %reduce_sum3A_324 = vector.multi_reduction <add>, %convert_element_type3A_322, %reduce_sum3A_323 [0] : vector<8x64xi32> to vector<64xi32>
    %broadcast_in_dim3A_325 = vector.shape_cast %reduce_sum3A_324 : vector<64xi32> to vector<1x64xi32>
    %reduce_sum3A_326 = arith.constant dense<0.000000e+00> : vector<1xf32>
    %reduce_sum3A_327 = vector.multi_reduction <add>, %mul3A_283, %reduce_sum3A_326 [0] : vector<8x1xf32> to vector<1xf32>
    %broadcast_in_dim3A_328 = vector.shape_cast %reduce_sum3A_327 : vector<1xf32> to vector<1x1xf32>
    %div3A_329 = arith.constant 2.560000e+02 : f32
    %div3A_330 = vector.broadcast %div3A_329 : f32 to vector<1x1xf32>
    %div3A_331 = arith.divf %broadcast_in_dim3A_328, %div3A_330 : vector<1x1xf32>
    %convert_element_type3A_332 = arith.fptosi %div3A_331 : vector<1x1xf32> to vector<1x1xi32>
    %eq3A_333 = arith.constant 63 : i32
    %eq3A_334 = vector.broadcast %eq3A_333 : i32 to vector<1x64xi32>
    %eq3A_335 = arith.cmpi eq, %iota3A, %eq3A_334 : vector<1x64xi32>
    %min3A = arith.constant 7 : i32
    %min3A_336 = vector.broadcast %min3A : i32 to vector<1x64xi32>
    %min3A_337 = arith.minsi %broadcast_in_dim3A_325, %min3A_336 : vector<1x64xi32>
    %broadcast_in_dim3A_338 = vector.shape_cast %convert_element_type3A_332 : vector<1x1xi32> to vector<1x1xi32>
    %broadcast_in_dim3A_339 = vector.broadcast %broadcast_in_dim3A_338 : vector<1x1xi32> to vector<1x64xi32>
    %select_n3A_340 = arith.select %eq3A_335, %broadcast_in_dim3A_339, %min3A_337 : vector<1x64xi1>, vector<1x64xi32>
    %swap3A_341 = arith.constant 0 : index
    %swap3A_342 = arith.constant 0 : index
    %swap3A_343 = vector.load %arg4[%swap3A_341, %swap3A_342] : memref<1x64xi32, #tpu.memory_space<vmem>>, vector<1x64xi32>
    tpu.vector_store %arg4[%swap3A_341, %swap3A_342], %select_n3A_340 {strides = array<i32>} : memref<1x64xi32, #tpu.memory_space<vmem>>, vector<1x64xi32>,
    return
  }
}

</mosaic_0001>

<sc_bundles>
// kernel: kernel.10.cloned.1.call-start
scs
__scs_entry_jumppad:
0x0: {  	(pc) =	sbr.rel $0x88, $3  }
0x1: {  	(tag) =	ssettag $0x0;
	lr =	simm.s32 $0x1  }
0x2: {  	[smem:$0x3F93] =	sst lr;
	_ =	strace $0xD0000000  }
0x3: {  	_ = 	snop  }
0x4: {  	_ = 	snop  }
0x5: {  	_ = 	snop  }
0x6: {  	_ = 	snop  }
0x7: {  	_ = 	snop  }
__scs_overlays_trampoline_lowered:
0x8: {  	[smem:$0x3FA2] =	sst s0  }
0x9: {  	[smem:$0x3FA3] =	sst s1  }
0xa: {  	[smem:$0x3FA4] =	sst s2  }
0xb: {  	[smem:$0x3FA5] =	sst s3  }
0xc: {  	[smem:$0x3FA6] =	sst s4  }
0xd: {  	[smem:$0x3FA7] =	sst s5  }
0xe: {  	[smem:$0x3FA8] =	sst s6  }
0xf: {  	[smem:$0x3FA9] =	sst s7  }
0x10: {  	[smem:$0x3FAA] =	sst s8  }
0x11: {  	[smem:$0x3FAB] =	sst s9;
	s0 =	simm.s32 @!p0 $0x0  }
0x12: {  	s1 =	sld [smem:$0x3F91];
	s0 =	simm.s32 @p0 $0x1  }
0x13: {  	[smem:$0x3FAC] =	sst s0;
	s0 =	simm.s32 @!p1 $0x0  }
0x14: {  	s2 =	sld [smem:$0x3F90];
	s0 =	simm.s32 @p1 $0x1  }
0x15: {  	[smem:$0x3FAD] =	sst s0;
	s0 =	simm.s32 @!p2 $0x0  }
0x16: {  	s3 =	sld [smem:$0x3FDB];
	s0 =	simm.s32 @p2 $0x1  }
0x17: {  	s4 =	simm.s32 $0x1BF5;
	[smem:$0x3FAF] =	sst s0  }
0x18: {  	s0 =	sld [smem:$0x3F92];
	_ =	swait.ge [sflag:s4], $0x0  }
0x19: {  	s7 =	sld [smem:$0x3F93]  }
0x1a: {  	s8 =	sadd.s32 $0xFFFFE003, lr  }
0x1b: {  	s9 =	sadd.s32 $0xFFFFFEF7, lr;
	s5 =	simm.s32 $0xFFFFFFFF;
	p2 =	slt.u32 s8, $0xFFFFF086  }
0x1c: {  	p1 =	slt.u32 s9, $0xF7A;
	s5 =	simm.s32 @!p2 $0x0  }
0x1d: {  	s5 =	simm.s32 @p1 $0x1;
	p0 =	seq.s32 s7, s2  }
0x1e: {  	s7 =	smul.u32 @!p0 $0xF7A, s2;
	p2 =	seq.s32 @!p0 s5, $0x0  }
0x1f: {  	s9 =	smul.u32 $0xF7A, s1;
	s8 =	simm.s32 @!p0 $0x1BF5;
	p2 =	por !p2, p0  }
0x20: {  	[sflag:s8] =	ssyncset.s32 @!p0 $0xFFFFF086;
	s6 =	sadd.s32 @!p0 s3, s7;
	s7 =	simm.s32 @!p0 $0x108  }
0x21: {  	s3 =	sadd.s32 s3, s9;
	s6 =	sadd.s32 @!p0 $0x88, s6;
	s7 =	simm.s32 @p2 $0x1082  }
0x22: {  	[simem:s7], [sflag:s8] =	dma.local @!p0 [hbm:s6], $0xF7A  }
0x23: {  	s9 =	sor.u32 $0xD0000000, s2;
	s6 =	simm.s32 $0x108;
	_ =	swait.ge @!p0 [sflag:s8], $0x0  }
0x24: {  	s3 =	sadd.s32 $0x88, s3;
	s6 =	simm.s32 @!p1 $0x1082;
	[sflag:s4] =	ssyncset.s32 $0xFFFFF086  }
0x25: {  	[simem:s6], [sflag:s4] =	dma.local [hbm:s3], $0xF7A  }
0x26: {  	[smem:$0x3F93] =	sst s1;
	(tag) =	ssettag s2;
	_ =	strace s9  }
0x27: {  	s1 =	sld [smem:$0x3FA3]  }
0x28: {  	s2 =	sld [smem:$0x3FA4]  }
0x29: {  	s4 =	sld [smem:$0x3FA6]  }
0x2a: {  	p0 =	seq.s32 s5, $0x0;
	s5 =	sld [smem:$0x3FA7]  }
0x2b: {  	s6 =	sld [smem:$0x3FA8]  }
0x2c: {  	s7 =	sld [smem:$0x3FA9]  }
0x2d: {  	s3 =	simm.s32 $0x108;
	s8 =	sld [smem:$0x3FAA]  }
0x2e: {  	s3 =	simm.s32 @!p0 $0x1082;
	s9 =	sld [smem:$0x3FAB]  }
0x2f: {  	lr =	sadd.s32 s0, s3;
	s0 =	sld [smem:$0x3FA2]  }
0x30: {  	s3 =	sld [smem:$0x3FA5]  }
0x31: {  	[smem:$0x3FAE] =	sst s10  }
0x32: {  	s10 =	sld [smem:$0x3FAC];
	_ =	sdelay $0x3  }
0x33: {  	p0 =	seq.s32 s10, $0x1;
	s10 =	sld [smem:$0x3FAE];
	_ =	sdelay $0x3  }
0x34: {  	[smem:$0x3FAE] =	sst s10  }
0x35: {  	s10 =	sld [smem:$0x3FAD];
	_ =	sdelay $0x3  }
0x36: {  	p1 =	seq.s32 s10, $0x1;
	s10 =	sld [smem:$0x3FAE];
	_ =	sdelay $0x3  }
0x37: {  	[smem:$0x3FAE] =	sst s10  }
0x38: {  	s10 =	sld [smem:$0x3FAF]  }
0x39: {  	_ = 	snop;
	(pc) =	sbr.ind lr, $3  }
0x3a: {  	_ = 	snop  }
0x3b: {  	_ = 	snop  }
0x3c: {  	p2 =	seq.s32 s10, $0x1;
	s10 =	sld [smem:$0x3FAE]  }
0x3d: {  	_ =	shalt  }
0x3e: {  	_ =	shalt  }
0x3f: {  	_ =	shalt  }
0x40: {  	_ =	shalt  }
0x41: {  	_ =	shalt  }
0x42: {  	_ =	shalt  }
0x43: {  	_ =	shalt  }
0x44: {  	_ =	shalt  }
0x45: {  	_ =	shalt  }
0x46: {  	_ =	shalt  }
0x47: {  	_ =	shalt  }
0x48: {  	_ =	shalt  }
0x49: {  	_ =	shalt  }
0x4a: {  	_ =	shalt  }
0x4b: {  	_ =	shalt  }
0x4c: {  	_ =	shalt  }
0x4d: {  	_ =	shalt  }
0x4e: {  	_ =	shalt  }
0x4f: {  	_ =	shalt  }
0x50: {  	_ =	shalt  }
0x51: {  	_ =	shalt  }
0x52: {  	_ =	shalt  }
0x53: {  	_ =	shalt  }
0x54: {  	_ =	shalt  }
0x55: {  	_ =	shalt  }
0x56: {  	_ =	shalt  }
0x57: {  	_ =	shalt  }
0x58: {  	_ =	shalt  }
0x59: {  	_ =	shalt  }
0x5a: {  	_ =	shalt  }
0x5b: {  	_ =	shalt  }
0x5c: {  	_ =	shalt  }
0x5d: {  	_ =	shalt  }
0x5e: {  	_ =	shalt  }
0x5f: {  	_ =	shalt  }
0x60: {  	_ =	shalt  }
0x61: {  	_ =	shalt  }
0x62: {  	_ =	shalt  }
0x63: {  	_ =	shalt  }
0x64: {  	_ =	shalt  }
0x65: {  	_ =	shalt  }
0x66: {  	_ =	shalt  }
0x67: {  	_ =	shalt  }
0x68: {  	_ =	shalt  }
0x69: {  	_ =	shalt  }
0x6a: {  	_ =	shalt  }
0x6b: {  	_ =	shalt  }
0x6c: {  	_ =	shalt  }
0x6d: {  	_ =	shalt  }
0x6e: {  	_ =	shalt  }
0x6f: {  	_ =	shalt  }
0x70: {  	_ =	shalt  }
0x71: {  	_ =	shalt  }
0x72: {  	_ =	shalt  }
0x73: {  	_ =	shalt  }
0x74: {  	_ =	shalt  }
0x75: {  	_ =	shalt  }
0x76: {  	_ =	shalt  }
0x77: {  	_ =	shalt  }
0x78: {  	_ =	shalt  }
0x79: {  	_ =	shalt  }
0x7a: {  	_ =	shalt  }
0x7b: {  	_ =	shalt  }
0x7c: {  	_ =	shalt  }
0x7d: {  	_ =	shalt  }
0x7e: {  	_ =	shalt  }
0x7f: {  	_ =	shalt  }
0x80: {  	_ =	shalt  }
0x81: {  	_ =	shalt  }
0x82: {  	_ =	shalt  }
0x83: {  	_ =	shalt  }
0x84: {  	_ =	shalt  }
0x85: {  	_ =	shalt  }
0x86: {  	_ =	shalt  }
0x87: {  	_ =	shalt  }
.Lfunc_end0:
.L_simem_size_0:
called_computation.1_lowered:
.L_overlay_start_0:
0x88: {  	s2 =	sld [smem:$0x3FD9]  }
0x89: {  	s3 =	sld [smem:$0x3FFE];
	_ =	sdelay $0x1  }
0x8a: {  	s1 =	srdreg.scid  }
0x8b: {  	s0 =	sand.u32 $0x1, s1  }
0x8c: {  	s14 =	sshll.u32 s0, $0xA;
	s2 =	sadd.s32 s3, s2  }
0x8d: {  	s2 =	sadd.s32 s2, s14  }
0x8e: {  	[smem:$0x3FBA] =	sst s2  }
0x8f: {  	_ = 	snop  }
0x90: {  	s2 =	sld [smem:$0x3FD0];
	_ =	sdelay $0x2  }
0x91: {  	s15 =	simm.s32 $0xA;
	s4 =	simm.s32 $0x10  }
0x92: {  	[smem:s4], [sflag:s15] =	dma.local [hbm:s2], $0x1  }
0x93: {  	_ =	swait.eq [sflag:s15], $0x1  }
0x94: {  	[sflag:s15] =	ssyncset.done $0x0  }
0x95: {  	[sflag:s15] =	ssyncadd.s32 $0xFFFFFFFF  }
0x96: {  	s16 =	sld [smem:$0x11];
	(tm) =	ssettm $0x1  }
0x97: {  	s17 =	sld [smem:$0x3FFB];
	_ =	sdelay $0x3  }
0x98: {  	_ =	strace s17  }
0x99: {  	s3 =	sld [smem:$0x3FFC];
	_ =	sdelay $0x3  }
0x9a: {  	_ =	strace s3  }
0x9b: {  	s3 =	sld [smem:$0x3FFD];
	_ =	sdelay $0x3  }
0x9c: {  	_ =	strace s3  }
0x9d: {  	_ =	strace $0x8FFFFFFF  }
0x9e: {  	s18 =	sld [smem:$0x3FDB];
	_ =	sdelay $0x1  }
0x9f: {  	s19 =	simm.s32 $_scs_section_size  }
0xa0: {  	s5 =	simm.s32 $_size__tile_overlayer_lowered;
	s6 =	simm.s32 $_tile_overlayer_lowered  }
0xa1: {  	s22 =	simm.s32 $0x1BFF;
	s21 =	sshll.u32 s6, $0x1;
	s3 =	sadd.s32 s19, s18  }
0xa2: {  	s7 =	simm.s32 $0x0;
	s20 =	sshll.u32 s5, $0x1;
	s5 =	sadd.s32 s21, s3  }
0xa3: {  	[timem:s7], [sflag:s22] =	dma.local [hbm:s5], s20  }
0xa4: {  	_ =	swait.ge [sflag:s22], s20  }
0xa5: {  	s4 =	ssub.s32 $0x0, s20;
	[sflag:s22] =	ssyncset.done $0x0  }
0xa6: {  	[sflag:s22] =	ssyncadd.s32 s4;
	_ =	sdelay $0x1  }
0xa7: {  	s23 =	simm.s32 $0x1B8B  }
0xa8: {  	_ =	swait.ge [sflag:s23], $0x1  }
0xa9: {  	[sflag:s23] =	ssyncset.done $0x0  }
0xaa: {  	s25 =	simm.s32 $0x1B8E;
	s24 =	sld [smem:$0x3FFE];
	[sflag:s23] =	ssyncadd.s32 $0xFFFFFFFF  }
0xab: {  	s26 =	simm.s32 $execute0_lowered;
	[smem:$0x3FD2] =	sst s25  }
0xac: {  	s5 =	sshll.u32 s26, $0x1;
	_ =	strace $0x80000051;
	[dreg:$0x1] =	wrdreg $0xFFFFFFFF  }
0xad: {  	s28 =	simm.s32 $_size_execute0_lowered;
	s3 =	sadd.s32 s3, s5;
	[dreg:$0x0] =	wrdreg $0x0  }
0xae: {  	s5 =	sshll.u32 s28, $0x1;
	[dreg:$0x2] =	wrdreg s3  }
0xaf: {  	[dreg:$0x3] =	wrdreg s5  }
0xb0: {  	[dreg:$0x4] =	wrdreg $0xC0  }
0xb1: {  	_ =	task [dreg:s7], $0x5FFFF  }
0xb2: {  	[dreg:$0x1] =	wrdreg $0xFFFFFFFF  }
0xb3: {  	[dreg:$0x0] =	wrdreg $0x60  }
0xb4: {  	[dreg:$0x2] =	wrdreg s24  }
0xb5: {  	[dreg:$0x3] =	wrdreg s16  }
0xb6: {  	[dreg:$0x4] =	wrdreg $0x9  }
0xb7: {  	_ =	task.clear_ibuf [dreg:s7], $0x5FFFF;
	_ =	strace $0x90000051  }
0xb8: {  	s29 =	simm.s32 $0x9;
	_ =	strace $0x80000061  }
0xb9: {  	_ =	swait.ge [sflag:s29], $0x1  }
0xba: {  	[sflag:s29] =	ssyncadd.s32 $0xFFFFFFFF  }
0xbb: {  	_ =	strace $0x90000061  }
0xbc: {  	_ =	sfence  }
0xbd: {  	s30 =	sld [smem:$0x0];
	_ =	sdelay $0x2  }
0xbe: {  	s31 =	sshll.u32 s1, $0xD;
	s1 =	sshrl.u32 s1, $0x2  }
0xbf: {  	s3 =	sand.u32 $0x4000, s31;
	s1 =	sadd.s32 s1, s30  }
0xc0: {  	s0 =	sor.u32 s3, s0;
	s1 =	sshll.u32 s1, $0x11  }
0xc1: {  	s0 =	sor.u32 s1, s0  }
0xc2: {  	s0 =	sadd.s32 $0x8F2B, s0  }
0xc3: {  	[sflag:s0] =	ssyncadd.remote.s32 $0x1  }
0xc4: {  	_ =	sfence.sel $0xFFFF  }
0xc5: {  	[dreg:$0x0] =	wrdreg $0xFFFFFFFF;
	(pc) =	sbr.abs _section_cstart, $3  }
0xc6: {  	[dreg:$0x1] =	wrdreg $0xFFFFFFFF  }
0xc7: {  	_ =	task.clear_ibuf [dreg:s7], $0x2FFFF;
	_ =	strace $0x9FFFFFFF  }
0xc8: {  	(tm) =	ssettm $0x7FFFFFFF  }
0xc9: {  	_ =	shalt  }
tec
execute0_lowered:
.L_overlay_start_1:
0x0: {  	(tag) =	ssettag $0x1  }
0x1: {  	s11 =	rddreg [dreg:$0x0]  }
0x2: {  	s1 =	rddreg [dreg:$0x1]  }
0x3: {  	s0 =	rddreg [dreg:$0x2]  }
0x4: {  	s2 =	simm.s32 $0x0;
	s8 =	srdreg.scid;
	s3 =	stileid.u32  }
0x5: {  	s15 =	simm.s32 $0x0;
	[smem:$0x7FF] =	sst s2;
	s4 =	sadd.s32 $0x3600, s11  }
0x6: {  	s5 =	sadd.s32 $0x4B600, s11;
	s6 =	sadd.s32 $0x93600, s11;
	s7 =	sadd.s32 $0xC3600, s11  }
0x7: {  	s9 =	sand.u32 $0x1, s8;
	s8 =	sshll.u32 s3, $0x1;
	s12 =	sshll.u32 s3, $0x6  }
.Ltmp0:
0x8: {  	_ =	strace $0x80000052;
	s10 =	ssub.s32 $0x2, s9;
	(pc) =	sbr.rel .LBB2_1-.Ltmp0, $4  }
0x9: {  	s13 =	sand.u32 $0x10, s8;
	s12 =	sand.u32 $0x1C0, s12;
	s14 =	sshrl.u32 s10, $0x1  }
0xa: {  	v2 =	vlaneseq.u32;
	p0 =	seq.s32 s9, $0x1;
	s13 =	sadd.s32 s1, s13;
	s14 =	ssub.s32 s10, s14  }
0xb: {  	vm0 =	vmmov $0xffff;
	vm1 =	vmmov $0xff;
	v1 =	vshrl.u32 v2, $0x3;
	s9 =	sadd.s32 s12, s13;
	s10 =	sadd.s32 $0x3700, s11;
	s11 =	sadd.s32 $0x4B700, s11  }
0xc: {  	v0 =	vand.u32 $0x7, v2;
	v2 =	vor.u32 $0x8, v2;
	v1 =	vmul.u32 $0x8, v1;
	s13 =	simm.s32 $0x5;
	s12 =	smax.u32 s14, $0x1;
	s14 =	simm.s32 $0x3  }
.LBB2_10:
0xd: {  	_ =	strace $0x8000005F  }
0xe: {  	_ =	swait.ge [sflag:s14], $0xC000  }
0xf: {  	[sflag:s14] =	ssyncset.done $0x0  }
0x10: {  	[sflag:s14] =	ssyncadd.s32 $0xFFFF4000  }
0x11: {  	s16 =	simm.s32 $0x1;
	_ =	strace $0x9000005F  }
.LBB2_13:
0x12: {  	_ =	strace $0x80000060;
	s16 =	sadd.s32 $0x3, s16  }
0x13: {  	_ =	swait.ge [sflag:s16], $0xC000  }
0x14: {  	[sflag:s16] =	ssyncset.done $0x0  }
0x15: {  	[sflag:s16] =	ssyncadd.s32 $0xFFFF4000  }
0x16: {  	_ =	strace $0x90000060  }
.LBB2_14:
0x17: {  	s15 =	sadd.s32 $0x1, s15  }
0x18: {  	p1 =	sne.s32 s15, s12  }
.Ltmp1:
0x19: {  	_ = 	snop;
	(pc) =	sbr.rel @!p1 .LBB2_15-.Ltmp1, $1  }
0x1a: {  	_ =	sdelay $0x3  }
.LBB2_1:
.Ltmp2:
0x1b: {  	(pc) =	sbr.rel @!p0 .LBB2_2-.Ltmp2, $1  }
0x1c: {  	_ =	sdelay $0x3  }
0x1d: {  	_ =	strace $0x8000005A;
	s16 =	simm.s32 $0x0  }
0x1e: {  	p1 =	por $0x0, $0x0;
	p3 =	por $0x1, $0x1;
	s17 =	simm.s32 $0x1  }
0x1f: {  	[tilespmem:s16], [sflag:$0x1] =	stream.linear.gather [hbm4b:s9+s16], $0x80, $0x200038;
	[tilespmem:$0x18100] =	vst v63  }
0x20: {  	s18 =	simm.s32 $0x0;
	s19 =	simm.s32 $0x0;
	_ =	strace $0x9000005A  }
.LBB2_9:
0x21: {  	s21 =	sadd.s32 s8, s16  }
0x22: {  	s22 =	sadd.s32 $0xFFFFFFFF, s16;
	p5 =	seq.s32 s16, $0x0;
	s16 =	sadd.s32 $0x1, s16  }
0x23: {  	p2 =	seq.s32 s16, $0x2  }
0x24: {  	s16 =	simm.s32 @p2 $0x0  }
0x25: {  	s23 =	sadd.s32 s8, s16  }
0x26: {  	s20 =	sshra.s32 s21, $0x1F;
	s24 =	sshra.s32 s23, $0x1F  }
0x27: {  	s20 =	sshrl.u32 s20, $0x1C;
	s24 =	sshrl.u32 s24, $0x1C  }
0x28: {  	s25 =	sadd.s32 s20, s21;
	s24 =	sadd.s32 s24, s23  }
0x29: {  	s20 =	sshra.s32 s25, $0x4;
	s25 =	sand.u32 $0xFFFFFFF0, s25;
	s26 =	sand.u32 $0xFFFFFFF0, s24  }
0x2a: {  	s21 =	ssub.s32 s21, s25;
	s24 =	sshra.s32 s24, $0x4;
	s23 =	ssub.s32 s23, s26  }
0x2b: {  	p4 =	sne.s32 s20, s24;
	p6 =	sne.s32 s21, s23  }
0x2c: {  	p4 =	por p4, p6  }
0x2d: {  	p6 =	por !p3, !p4  }
0x2e: {  	p2 =	por p3, p3;
	p3 =	por !p6, !p6  }
0x2f: {  	s25 =	sshll.u32 @p3 s24, $0xB  }
0x30: {  	s23 =	sshll.u32 @p3 s23, $0x8;
	s24 =	sshll.u32 @p3 s24, $0x7;
	s25 =	sand.u32 @p3 $0xFFFFF000, s25  }
0x31: {  	s22 =	simm.s32 @p5 $0x1;
	s24 =	sand.u32 @p3 $0x80, s24;
	s23 =	sadd.s32 @p3 s23, s25  }
0x32: {  	s22 =	sadd.s32 s8, s22;
	_ =	strace @p3 $0x8000005B;
	s23 =	sor.u32 @p3 s24, s23  }
0x33: {  	s26 =	simm.s32 @p3 $0x0;
	s24 =	sand.u32 @p3 $0x1, s17;
	s23 =	sshrl.u32 @p3 s23, $0x3  }
0x34: {  	s25 =	sshll.u32 @p3 s24, $0x7;
	s24 =	sadd.s32 @p3 $0x1, s24;
	s23 =	sadd.s32 @p3 s1, s23  }
0x35: {  	[tilespmem:s25], [sflag:s24] =	stream.linear.gather @p3 [hbm4b:s23+s26], $0x80, $0x200038;
	[tilespmem:$0x18100] =	vst v63  }
0x36: {  	s25 =	sshra.s32 s22, $0x1F  }
0x37: {  	s23 =	sshrl.u32 s25, $0x1C  }
0x38: {  	s23 =	sadd.s32 s23, s22  }
0x39: {  	s26 =	sand.u32 $0xFFFFFFF0, s23  }
0x3a: {  	s23 =	sshra.s32 s23, $0x4;
	s22 =	ssub.s32 s22, s26  }
0x3b: {  	p5 =	sne.s32 s20, s23;
	p6 =	sne.s32 s21, s22  }
0x3c: {  	p5 =	por p5, p6  }
0x3d: {  	p6 =	por p2, p5  }
0x3e: {  	_ =	strace @p3 $0x9000005B;
	s22 =	sand.u32 @p6 $0x1, s19  }
0x3f: {  	_ =	strace @p6 $0x8000005C;
	s22 =	sadd.s32 @p6 $0x1, s22  }
0x40: {  	_ =	swait.ge @p6 [sflag:s22], $0x80  }
0x41: {  	[sflag:s22] =	ssyncset.done @p6 $0x0  }
0x42: {  	[sflag:s22] =	ssyncadd.s32 @p6 $0xFFFFFF80  }
0x43: {  	s28 =	sshll.u32 s19, $0x7;
	_ =	strace @p6 $0x9000005C  }
0x44: {  	s25 =	sand.u32 $0x80, s28;
	_ =	strace $0x8000005D  }
0x45: {  	v3 =	vld [tilespmem:s25+$0x0];
	_ =	sdelay $0x4  }
0x46: {  	v4 =	vshrl.u32 v3, $0x3  }
0x47: {  	v4 =	vmul.u32 $0x18, v4  }
0x48: {  	v3 =	vand.u32 $0x7, v3  }
0x49: {  	v3 =	vor.u32 v3, v4  }
0x4a: {  	v4 =	vperm.xlane v3, v0;
	_ =	sdelay $0x1  }
0x4b: {  	s22 =	sand.u32 $0x1, s18;
	v4 =	vadd.s32 v1, v4  }
0x4c: {  	s29 =	smul.u32 $0x30000, s22  }
0x4d: {  	v3 =	vperm.xlane v3, v2  }
0x4e: {  	s24 =	sshrl.u32 s29, $0x2  }
0x4f: {  	s23 =	sor.u32 $0x100, s24;
	v3 =	vadd.s32 v1, v3  }
0x50: {  	[tilespmem:s23], [sflag:$0x5] =	stream.indirect_vreg.gather [hbm4b:s5+s2], $0x80, v4, vm0, $0x2000b8;
	[tilespmem:$0x18100] =	vst v63  }
0x51: {  	s30 =	sor.u32 $0x900, s24  }
0x52: {  	[tilespmem:s30], [sflag:$0x5] =	stream.indirect_vreg.gather [hbm4b:s11+s2], $0x80, v4, vm1, $0x2000b8;
	[tilespmem:$0x18100] =	vst v63  }
0x53: {  	s31 =	sor.u32 $0xD00, s24  }
0x54: {  	[tilespmem:s31], [sflag:$0x5] =	stream.indirect_vreg.gather [hbm4b:s5+s2], $0x80, v3, vm0, $0x2000b8;
	[tilespmem:$0x18100] =	vst v63  }
0x55: {  	s28 =	sor.u32 $0x1500, s24  }
0x56: {  	[tilespmem:s28], [sflag:$0x5] =	stream.indirect_vreg.gather [hbm4b:s11+s2], $0x80, v3, vm1, $0x2000b8;
	[tilespmem:$0x18100] =	vst v63  }
0x57: {  	v3 =	vld [tilespmem:s25+$0x10];
	_ =	sdelay $0x4  }
0x58: {  	v57 =	vshrl.u32 v3, $0x3  }
0x59: {  	v4 =	vmul.u32 $0x18, v57  }
0x5a: {  	v3 =	vand.u32 $0x7, v3  }
0x5b: {  	v3 =	vor.u32 v3, v4  }
0x5c: {  	v4 =	vperm.xlane v3, v0;
	_ =	sdelay $0x1  }
0x5d: {  	v4 =	vadd.s32 v1, v4;
	_ =	sdelay $0x1  }
0x5e: {  	v3 =	vperm.xlane v3, v2;
	_ =	sdelay $0x1  }
0x5f: {  	s29 =	sor.u32 $0x1900, s24;
	v3 =	vadd.s32 v1, v3  }
0x60: {  	[tilespmem:s29], [sflag:$0x5] =	stream.indirect_vreg.gather [hbm4b:s5+s2], $0x80, v4, vm0, $0x2000b8;
	[tilespmem:$0x18100] =	vst v63  }
0x61: {  	s30 =	sor.u32 $0x2100, s24  }
0x62: {  	[tilespmem:s30], [sflag:$0x5] =	stream.indirect_vreg.gather [hbm4b:s11+s2], $0x80, v4, vm1, $0x2000b8;
	[tilespmem:$0x18100] =	vst v63  }
0x63: {  	s31 =	sor.u32 $0x2500, s24  }
0x64: {  	[tilespmem:s31], [sflag:$0x5] =	stream.indirect_vreg.gather [hbm4b:s5+s2], $0x80, v3, vm0, $0x2000b8;
	[tilespmem:$0x18100] =	vst v63  }
0x65: {  	s28 =	sor.u32 $0x2D00, s24  }
0x66: {  	[tilespmem:s28], [sflag:$0x5] =	stream.indirect_vreg.gather [hbm4b:s11+s2], $0x80, v3, vm1, $0x2000b8;
	[tilespmem:$0x18100] =	vst v63  }
0x67: {  	v3 =	vld [tilespmem:s25+$0x20];
	_ =	sdelay $0x4  }
0x68: {  	v58 =	vshrl.u32 v3, $0x3  }
0x69: {  	v4 =	vmul.u32 $0x18, v58  }
0x6a: {  	v3 =	vand.u32 $0x7, v3  }
0x6b: {  	v3 =	vor.u32 v3, v4  }
0x6c: {  	v4 =	vperm.xlane v3, v0;
	_ =	sdelay $0x1  }
0x6d: {  	v4 =	vadd.s32 v1, v4;
	_ =	sdelay $0x1  }
0x6e: {  	v3 =	vperm.xlane v3, v2;
	_ =	sdelay $0x1  }
0x6f: {  	s29 =	sor.u32 $0x3100, s24;
	v3 =	vadd.s32 v1, v3  }
0x70: {  	[tilespmem:s29], [sflag:$0x5] =	stream.indirect_vreg.gather [hbm4b:s5+s2], $0x80, v4, vm0, $0x2000b8;
	[tilespmem:$0x18100] =	vst v63  }
0x71: {  	s30 =	sor.u32 $0x3900, s24  }
0x72: {  	[tilespmem:s30], [sflag:$0x5] =	stream.indirect_vreg.gather [hbm4b:s11+s2], $0x80, v4, vm1, $0x2000b8;
	[tilespmem:$0x18100] =	vst v63  }
0x73: {  	s31 =	sor.u32 $0x3D00, s24  }
0x74: {  	[tilespmem:s31], [sflag:$0x5] =	stream.indirect_vreg.gather [hbm4b:s5+s2], $0x80, v3, vm0, $0x2000b8;
	[tilespmem:$0x18100] =	vst v63  }
0x75: {  	s28 =	sadd.s32 $0x4500, s24  }
0x76: {  	[tilespmem:s28], [sflag:$0x5] =	stream.indirect_vreg.gather [hbm4b:s11+s2], $0x80, v3, vm1, $0x2000b8;
	[tilespmem:$0x18100] =	vst v63  }
0x77: {  	v3 =	vld [tilespmem:s25+$0x30];
	_ =	sdelay $0x4  }
0x78: {  	v59 =	vshrl.u32 v3, $0x3  }
0x79: {  	v4 =	vmul.u32 $0x18, v59  }
0x7a: {  	v3 =	vand.u32 $0x7, v3  }
0x7b: {  	v3 =	vor.u32 v3, v4  }
0x7c: {  	v4 =	vperm.xlane v3, v0;
	_ =	sdelay $0x1  }
0x7d: {  	v4 =	vadd.s32 v1, v4;
	_ =	sdelay $0x1  }
0x7e: {  	v3 =	vperm.xlane v3, v2;
	_ =	sdelay $0x1  }
0x7f: {  	s29 =	sadd.s32 $0x4900, s24;
	v3 =	vadd.s32 v1, v3  }
0x80: {  	[tilespmem:s29], [sflag:$0x5] =	stream.indirect_vreg.gather [hbm4b:s5+s2], $0x80, v4, vm0, $0x2000b8;
	[tilespmem:$0x18100] =	vst v63  }
0x81: {  	s30 =	sadd.s32 $0x5100, s24  }
0x82: {  	[tilespmem:s30], [sflag:$0x5] =	stream.indirect_vreg.gather [hbm4b:s11+s2], $0x80, v4, vm1, $0x2000b8;
	[tilespmem:$0x18100] =	vst v63  }
0x83: {  	s31 =	sadd.s32 $0x5500, s24  }
0x84: {  	[tilespmem:s31], [sflag:$0x5] =	stream.indirect_vreg.gather [hbm4b:s5+s2], $0x80, v3, vm0, $0x2000b8;
	[tilespmem:$0x18100] =	vst v63  }
0x85: {  	s28 =	sadd.s32 $0x5D00, s24  }
0x86: {  	[tilespmem:s28], [sflag:$0x5] =	stream.indirect_vreg.gather [hbm4b:s11+s2], $0x80, v3, vm1, $0x2000b8;
	[tilespmem:$0x18100] =	vst v63  }
0x87: {  	v3 =	vld [tilespmem:s25+$0x40];
	_ =	sdelay $0x4  }
0x88: {  	v60 =	vshrl.u32 v3, $0x3  }
0x89: {  	v4 =	vmul.u32 $0x18, v60  }
0x8a: {  	v3 =	vand.u32 $0x7, v3  }
0x8b: {  	v3 =	vor.u32 v3, v4  }
0x8c: {  	v4 =	vperm.xlane v3, v0;
	_ =	sdelay $0x1  }
0x8d: {  	v4 =	vadd.s32 v1, v4;
	_ =	sdelay $0x1  }
0x8e: {  	v3 =	vperm.xlane v3, v2;
	_ =	sdelay $0x1  }
0x8f: {  	s29 =	sadd.s32 $0x6100, s24;
	v3 =	vadd.s32 v1, v3  }
0x90: {  	[tilespmem:s29], [sflag:$0x5] =	stream.indirect_vreg.gather [hbm4b:s5+s2], $0x80, v4, vm0, $0x2000b8;
	[tilespmem:$0x18100] =	vst v63  }
0x91: {  	s30 =	sadd.s32 $0x6900, s24  }
0x92: {  	[tilespmem:s30], [sflag:$0x5] =	stream.indirect_vreg.gather [hbm4b:s11+s2], $0x80, v4, vm1, $0x2000b8;
	[tilespmem:$0x18100] =	vst v63  }
0x93: {  	s31 =	sadd.s32 $0x6D00, s24  }
0x94: {  	[tilespmem:s31], [sflag:$0x5] =	stream.indirect_vreg.gather [hbm4b:s5+s2], $0x80, v3, vm0, $0x2000b8;
	[tilespmem:$0x18100] =	vst v63  }
0x95: {  	s28 =	sadd.s32 $0x7500, s24  }
0x96: {  	[tilespmem:s28], [sflag:$0x5] =	stream.indirect_vreg.gather [hbm4b:s11+s2], $0x80, v3, vm1, $0x2000b8;
	[tilespmem:$0x18100] =	vst v63  }
0x97: {  	v3 =	vld [tilespmem:s25+$0x50];
	_ =	sdelay $0x4  }
0x98: {  	v61 =	vshrl.u32 v3, $0x3  }
0x99: {  	v4 =	vmul.u32 $0x18, v61  }
0x9a: {  	v3 =	vand.u32 $0x7, v3  }
0x9b: {  	v3 =	vor.u32 v3, v4  }
0x9c: {  	v4 =	vperm.xlane v3, v0;
	_ =	sdelay $0x1  }
0x9d: {  	v4 =	vadd.s32 v1, v4;
	_ =	sdelay $0x1  }
0x9e: {  	v3 =	vperm.xlane v3, v2;
	_ =	sdelay $0x1  }
0x9f: {  	s29 =	sadd.s32 $0x7900, s24;
	v3 =	vadd.s32 v1, v3  }
0xa0: {  	[tilespmem:s29], [sflag:$0x5] =	stream.indirect_vreg.gather [hbm4b:s5+s2], $0x80, v4, vm0, $0x2000b8;
	[tilespmem:$0x18100] =	vst v63  }
0xa1: {  	s30 =	sadd.s32 $0x8100, s24  }
0xa2: {  	[tilespmem:s30], [sflag:$0x5] =	stream.indirect_vreg.gather [hbm4b:s11+s2], $0x80, v4, vm1, $0x2000b8;
	[tilespmem:$0x18100] =	vst v63  }
0xa3: {  	s31 =	sadd.s32 $0x8500, s24  }
0xa4: {  	[tilespmem:s31], [sflag:$0x5] =	stream.indirect_vreg.gather [hbm4b:s5+s2], $0x80, v3, vm0, $0x2000b8;
	[tilespmem:$0x18100] =	vst v63  }
0xa5: {  	s28 =	sadd.s32 $0x8D00, s24  }
0xa6: {  	[tilespmem:s28], [sflag:$0x5] =	stream.indirect_vreg.gather [hbm4b:s11+s2], $0x80, v3, vm1, $0x2000b8;
	[tilespmem:$0x18100] =	vst v63  }
0xa7: {  	v3 =	vld [tilespmem:s25+$0x60];
	_ =	sdelay $0x4  }
0xa8: {  	v62 =	vshrl.u32 v3, $0x3  }
0xa9: {  	v4 =	vmul.u32 $0x18, v62  }
0xaa: {  	v3 =	vand.u32 $0x7, v3  }
0xab: {  	v3 =	vor.u32 v3, v4  }
0xac: {  	v4 =	vperm.xlane v3, v0;
	_ =	sdelay $0x1  }
0xad: {  	v4 =	vadd.s32 v1, v4;
	_ =	sdelay $0x1  }
0xae: {  	v3 =	vperm.xlane v3, v2;
	_ =	sdelay $0x1  }
0xaf: {  	s29 =	sadd.s32 $0x9100, s24;
	v3 =	vadd.s32 v1, v3  }
0xb0: {  	[tilespmem:s29], [sflag:$0x5] =	stream.indirect_vreg.gather [hbm4b:s5+s2], $0x80, v4, vm0, $0x2000b8;
	[tilespmem:$0x18100] =	vst v63  }
0xb1: {  	s30 =	sadd.s32 $0x9900, s24  }
0xb2: {  	[tilespmem:s30], [sflag:$0x5] =	stream.indirect_vreg.gather [hbm4b:s11+s2], $0x80, v4, vm1, $0x2000b8;
	[tilespmem:$0x18100] =	vst v63  }
0xb3: {  	s31 =	sadd.s32 $0x9D00, s24  }
0xb4: {  	[tilespmem:s31], [sflag:$0x5] =	stream.indirect_vreg.gather [hbm4b:s5+s2], $0x80, v3, vm0, $0x2000b8;
	[tilespmem:$0x18100] =	vst v63  }
0xb5: {  	s28 =	sadd.s32 $0xA500, s24  }
0xb6: {  	[tilespmem:s28], [sflag:$0x5] =	stream.indirect_vreg.gather [hbm4b:s11+s2], $0x80, v3, vm1, $0x2000b8;
	[tilespmem:$0x18100] =	vst v63  }
0xb7: {  	v3 =	vld [tilespmem:s25+$0x70];
	_ =	sdelay $0x4  }
0xb8: {  	v63 =	vshrl.u32 v3, $0x3  }
0xb9: {  	v4 =	vmul.u32 $0x18, v63  }
0xba: {  	v3 =	vand.u32 $0x7, v3  }
0xbb: {  	v3 =	vor.u32 v3, v4  }
0xbc: {  	v4 =	vperm.xlane v3, v0;
	_ =	sdelay $0x1  }
0xbd: {  	v4 =	vadd.s32 v1, v4;
	_ =	sdelay $0x1  }
0xbe: {  	v3 =	vperm.xlane v3, v2;
	_ =	sdelay $0x1  }
0xbf: {  	s29 =	sadd.s32 $0xA900, s24;
	v3 =	vadd.s32 v1, v3  }
0xc0: {  	[tilespmem:s29], [sflag:$0x5] =	stream.indirect_vreg.gather [hbm4b:s5+s2], $0x80, v4, vm0, $0x2000b8;
	[tilespmem:$0x18100] =	vst v63  }
0xc1: {  	p4 =	por p1, p4;
	s30 =	sadd.s32 $0xB100, s24  }
0xc2: {  	[tilespmem:s30], [sflag:$0x5] =	stream.indirect_vreg.gather [hbm4b:s11+s2], $0x80, v4, vm1, $0x2000b8;
	[tilespmem:$0x18100] =	vst v63  }
0xc3: {  	s20 =	smul.u32 @p4 $0xC0000, s20;
	s31 =	sadd.s32 $0xB500, s24  }
0xc4: {  	[tilespmem:s31], [sflag:$0x5] =	stream.indirect_vreg.gather [hbm4b:s5+s2], $0x80, v3, vm0, $0x2000b8;
	[tilespmem:$0x18100] =	vst v63  }
0xc5: {  	s21 =	smul.u32 @p4 $0xC000, s21;
	p1 =	por @p4 !p1, !p5;
	s24 =	sadd.s32 $0xBD00, s24  }
0xc6: {  	[tilespmem:s24], [sflag:$0x5] =	stream.indirect_vreg.gather [hbm4b:s11+s2], $0x80, v3, vm1, $0x2000b8;
	[tilespmem:$0x18100] =	vst v63  }
0xc7: {  	p1 =	por @p4 !p1, !p1;
	_ =	swait.ge [sflag:s13], $0xC000  }
0xc8: {  	s20 =	sadd.s32 @p4 s20, s21;
	p1 =	por !p4, !p1;
	[sflag:s13] =	ssyncset.done $0x0  }
.Ltmp3:
0xc9: {  	s20 =	sshrl.u32 @p4 s20, $0x3;
	[sflag:s13] =	ssyncadd.s32 $0xFFFF4000;
	(pc) =	sbr.rel @!p1 .LBB2_10-.Ltmp3, $4  }
0xca: {  	s20 =	sadd.s32 @p4 s7, s20;
	_ =	strace $0x9000005D  }
0xcb: {  	s21 =	sadd.s32 @p4 $0x3, s22;
	s22 =	simm.s32 @p4 $0x0;
	_ =	strace @p4 $0x8000005E  }
0xcc: {  	[hbm4b:s20+s22] =	stream.linear.scatter @p4 [tilespmem:s23], [sflag:s21], $0xC000, $0x200038;
	[tilespmem:$0x18100] =	vst v63  }
0xcd: {  	_ =	strace @p4 $0x9000005E  }
.Ltmp4:
0xce: {  	(pc) =	sbr.rel @p2 .LBB2_9-.Ltmp4, $4  }
0xcf: {  	s20 =	simm.s32 $0x1  }
0xd0: {  	s21 =	sadd.s32 @p4 $0x1, s18;
	s22 =	simm.s32 $0x0;
	p1 =	por $0x1, $0x1  }
0xd1: {  	s20 =	simm.s32 @!p3 $0x0;
	s18 =	smov.u32 @p4 s21;
	s22 =	simm.s32 @p4 $0x1  }
0xd2: {  	p3 =	por $0x0, $0x0;
	s17 =	sadd.s32 s20, s17;
	s19 =	sadd.s32 s19, s22  }
.Ltmp5:
0xd3: {  	(pc) =	sbr.rel .LBB2_13-.Ltmp5, $2  }
0xd4: {  	_ =	sdelay $0x2  }
0xd5: {  	s16 =	simm.s32 $0x0  }
.LBB2_2:
0xd6: {  	_ =	strace $0x80000053;
	s16 =	simm.s32 $0x0  }
0xd7: {  	p1 =	por $0x0, $0x0;
	p3 =	por $0x1, $0x1;
	s17 =	simm.s32 $0x1  }
0xd8: {  	[tilespmem:s16], [sflag:$0x1] =	stream.linear.gather [hbm4b:s9+s16], $0x80, $0x200038;
	[tilespmem:$0x18100] =	vst v63  }
0xd9: {  	s18 =	simm.s32 $0x0;
	s19 =	simm.s32 $0x0;
	_ =	strace $0x90000053  }
.LBB2_3:
0xda: {  	s21 =	sadd.s32 s8, s16  }
0xdb: {  	s22 =	sadd.s32 $0xFFFFFFFF, s16;
	p5 =	seq.s32 s16, $0x0;
	s16 =	sadd.s32 $0x1, s16  }
0xdc: {  	p2 =	seq.s32 s16, $0x2  }
0xdd: {  	s16 =	simm.s32 @p2 $0x0  }
0xde: {  	s23 =	sadd.s32 s8, s16  }
0xdf: {  	s20 =	sshra.s32 s21, $0x1F;
	s24 =	sshra.s32 s23, $0x1F  }
0xe0: {  	s20 =	sshrl.u32 s20, $0x1C;
	s24 =	sshrl.u32 s24, $0x1C  }
0xe1: {  	s25 =	sadd.s32 s20, s21;
	s24 =	sadd.s32 s24, s23  }
0xe2: {  	s20 =	sshra.s32 s25, $0x4;
	s25 =	sand.u32 $0xFFFFFFF0, s25;
	s26 =	sand.u32 $0xFFFFFFF0, s24  }
0xe3: {  	s21 =	ssub.s32 s21, s25;
	s24 =	sshra.s32 s24, $0x4;
	s23 =	ssub.s32 s23, s26  }
0xe4: {  	p4 =	sne.s32 s20, s24;
	p6 =	sne.s32 s21, s23  }
0xe5: {  	p4 =	por p4, p6  }
0xe6: {  	p6 =	por !p3, !p4  }
0xe7: {  	p2 =	por p3, p3;
	p3 =	por !p6, !p6  }
0xe8: {  	s25 =	sshll.u32 @p3 s24, $0xB  }
0xe9: {  	s23 =	sshll.u32 @p3 s23, $0x8;
	s24 =	sshll.u32 @p3 s24, $0x7;
	s25 =	sand.u32 @p3 $0xFFFFF000, s25  }
0xea: {  	s22 =	simm.s32 @p5 $0x1;
	s24 =	sand.u32 @p3 $0x80, s24;
	s23 =	sadd.s32 @p3 s23, s25  }
0xeb: {  	s22 =	sadd.s32 s8, s22;
	_ =	strace @p3 $0x80000054;
	s23 =	sor.u32 @p3 s24, s23  }
0xec: {  	s26 =	simm.s32 @p3 $0x0;
	s24 =	sand.u32 @p3 $0x1, s17;
	s23 =	sshrl.u32 @p3 s23, $0x3  }
0xed: {  	s25 =	sshll.u32 @p3 s24, $0x7;
	s24 =	sadd.s32 @p3 $0x1, s24;
	s23 =	sadd.s32 @p3 s1, s23  }
0xee: {  	[tilespmem:s25], [sflag:s24] =	stream.linear.gather @p3 [hbm4b:s23+s26], $0x80, $0x200038;
	[tilespmem:$0x18100] =	vst v63  }
0xef: {  	s25 =	sshra.s32 s22, $0x1F  }
0xf0: {  	s23 =	sshrl.u32 s25, $0x1C  }
0xf1: {  	s23 =	sadd.s32 s23, s22  }
0xf2: {  	s26 =	sand.u32 $0xFFFFFFF0, s23  }
0xf3: {  	s23 =	sshra.s32 s23, $0x4;
	s22 =	ssub.s32 s22, s26  }
0xf4: {  	p5 =	sne.s32 s20, s23;
	p6 =	sne.s32 s21, s22  }
0xf5: {  	p5 =	por p5, p6  }
0xf6: {  	p6 =	por p2, p5  }
0xf7: {  	_ =	strace @p3 $0x90000054;
	s22 =	sand.u32 @p6 $0x1, s19  }
0xf8: {  	_ =	strace @p6 $0x80000055;
	s22 =	sadd.s32 @p6 $0x1, s22  }
0xf9: {  	_ =	swait.ge @p6 [sflag:s22], $0x80  }
0xfa: {  	[sflag:s22] =	ssyncset.done @p6 $0x0  }
0xfb: {  	[sflag:s22] =	ssyncadd.s32 @p6 $0xFFFFFF80  }
0xfc: {  	s28 =	sshll.u32 s19, $0x7;
	_ =	strace @p6 $0x90000055  }
0xfd: {  	s25 =	sand.u32 $0x80, s28;
	_ =	strace $0x80000056  }
0xfe: {  	v3 =	vld [tilespmem:s25+$0x0];
	_ =	sdelay $0x4  }
0xff: {  	v4 =	vshrl.u32 v3, $0x3  }
0x100: {  	v4 =	vmul.u32 $0x18, v4  }
0x101: {  	v3 =	vand.u32 $0x7, v3  }
0x102: {  	v3 =	vor.u32 v3, v4  }
0x103: {  	v4 =	vperm.xlane v3, v0;
	_ =	sdelay $0x1  }
0x104: {  	s22 =	sand.u32 $0x1, s18;
	v4 =	vadd.s32 v1, v4  }
0x105: {  	s29 =	smul.u32 $0x30000, s22  }
0x106: {  	v3 =	vperm.xlane v3, v2  }
0x107: {  	s24 =	sshrl.u32 s29, $0x2  }
0x108: {  	s23 =	sor.u32 $0x100, s24;
	v3 =	vadd.s32 v1, v3  }
0x109: {  	[tilespmem:s23], [sflag:$0x5] =	stream.indirect_vreg.gather [hbm4b:s4+s2], $0x80, v4, vm0, $0x2000b8;
	[tilespmem:$0x18100] =	vst v63  }
0x10a: {  	s30 =	sor.u32 $0x900, s24  }
0x10b: {  	[tilespmem:s30], [sflag:$0x5] =	stream.indirect_vreg.gather [hbm4b:s10+s2], $0x80, v4, vm1, $0x2000b8;
	[tilespmem:$0x18100] =	vst v63  }
0x10c: {  	s31 =	sor.u32 $0xD00, s24  }
0x10d: {  	[tilespmem:s31], [sflag:$0x5] =	stream.indirect_vreg.gather [hbm4b:s4+s2], $0x80, v3, vm0, $0x2000b8;
	[tilespmem:$0x18100] =	vst v63  }
0x10e: {  	s28 =	sor.u32 $0x1500, s24  }
0x10f: {  	[tilespmem:s28], [sflag:$0x5] =	stream.indirect_vreg.gather [hbm4b:s10+s2], $0x80, v3, vm1, $0x2000b8;
	[tilespmem:$0x18100] =	vst v63  }
0x110: {  	v3 =	vld [tilespmem:s25+$0x10];
	_ =	sdelay $0x4  }
0x111: {  	v57 =	vshrl.u32 v3, $0x3  }
0x112: {  	v4 =	vmul.u32 $0x18, v57  }
0x113: {  	v3 =	vand.u32 $0x7, v3  }
0x114: {  	v3 =	vor.u32 v3, v4  }
0x115: {  	v4 =	vperm.xlane v3, v0;
	_ =	sdelay $0x1  }
0x116: {  	v4 =	vadd.s32 v1, v4;
	_ =	sdelay $0x1  }
0x117: {  	v3 =	vperm.xlane v3, v2;
	_ =	sdelay $0x1  }
0x118: {  	s29 =	sor.u32 $0x1900, s24;
	v3 =	vadd.s32 v1, v3  }
0x119: {  	[tilespmem:s29], [sflag:$0x5] =	stream.indirect_vreg.gather [hbm4b:s4+s2], $0x80, v4, vm0, $0x2000b8;
	[tilespmem:$0x18100] =	vst v63  }
0x11a: {  	s30 =	sor.u32 $0x2100, s24  }
0x11b: {  	[tilespmem:s30], [sflag:$0x5] =	stream.indirect_vreg.gather [hbm4b:s10+s2], $0x80, v4, vm1, $0x2000b8;
	[tilespmem:$0x18100] =	vst v63  }
0x11c: {  	s31 =	sor.u32 $0x2500, s24  }
0x11d: {  	[tilespmem:s31], [sflag:$0x5] =	stream.indirect_vreg.gather [hbm4b:s4+s2], $0x80, v3, vm0, $0x2000b8;
	[tilespmem:$0x18100] =	vst v63  }
0x11e: {  	s28 =	sor.u32 $0x2D00, s24  }
0x11f: {  	[tilespmem:s28], [sflag:$0x5] =	stream.indirect_vreg.gather [hbm4b:s10+s2], $0x80, v3, vm1, $0x2000b8;
	[tilespmem:$0x18100] =	vst v63  }
0x120: {  	v3 =	vld [tilespmem:s25+$0x20];
	_ =	sdelay $0x4  }
0x121: {  	v58 =	vshrl.u32 v3, $0x3  }
0x122: {  	v4 =	vmul.u32 $0x18, v58  }
0x123: {  	v3 =	vand.u32 $0x7, v3  }
0x124: {  	v3 =	vor.u32 v3, v4  }
0x125: {  	v4 =	vperm.xlane v3, v0;
	_ =	sdelay $0x1  }
0x126: {  	v4 =	vadd.s32 v1, v4;
	_ =	sdelay $0x1  }
0x127: {  	v3 =	vperm.xlane v3, v2;
	_ =	sdelay $0x1  }
0x128: {  	s29 =	sor.u32 $0x3100, s24;
	v3 =	vadd.s32 v1, v3  }
0x129: {  	[tilespmem:s29], [sflag:$0x5] =	stream.indirect_vreg.gather [hbm4b:s4+s2], $0x80, v4, vm0, $0x2000b8;
	[tilespmem:$0x18100] =	vst v63  }
0x12a: {  	s30 =	sor.u32 $0x3900, s24  }
0x12b: {  	[tilespmem:s30], [sflag:$0x5] =	stream.indirect_vreg.gather [hbm4b:s10+s2], $0x80, v4, vm1, $0x2000b8;
	[tilespmem:$0x18100] =	vst v63  }
0x12c: {  	s31 =	sor.u32 $0x3D00, s24  }
0x12d: {  	[tilespmem:s31], [sflag:$0x5] =	stream.indirect_vreg.gather [hbm4b:s4+s2], $0x80, v3, vm0, $0x2000b8;
	[tilespmem:$0x18100] =	vst v63  }
0x12e: {  	s28 =	sadd.s32 $0x4500, s24  }
0x12f: {  	[tilespmem:s28], [sflag:$0x5] =	stream.indirect_vreg.gather [hbm4b:s10+s2], $0x80, v3, vm1, $0x2000b8;
	[tilespmem:$0x18100] =	vst v63  }
0x130: {  	v3 =	vld [tilespmem:s25+$0x30];
	_ =	sdelay $0x4  }
0x131: {  	v59 =	vshrl.u32 v3, $0x3  }
0x132: {  	v4 =	vmul.u32 $0x18, v59  }
0x133: {  	v3 =	vand.u32 $0x7, v3  }
0x134: {  	v3 =	vor.u32 v3, v4  }
0x135: {  	v4 =	vperm.xlane v3, v0;
	_ =	sdelay $0x1  }
0x136: {  	v4 =	vadd.s32 v1, v4;
	_ =	sdelay $0x1  }
0x137: {  	v3 =	vperm.xlane v3, v2;
	_ =	sdelay $0x1  }
0x138: {  	s29 =	sadd.s32 $0x4900, s24;
	v3 =	vadd.s32 v1, v3  }
0x139: {  	[tilespmem:s29], [sflag:$0x5] =	stream.indirect_vreg.gather [hbm4b:s4+s2], $0x80, v4, vm0, $0x2000b8;
	[tilespmem:$0x18100] =	vst v63  }
0x13a: {  	s30 =	sadd.s32 $0x5100, s24  }
0x13b: {  	[tilespmem:s30], [sflag:$0x5] =	stream.indirect_vreg.gather [hbm4b:s10+s2], $0x80, v4, vm1, $0x2000b8;
	[tilespmem:$0x18100] =	vst v63  }
0x13c: {  	s31 =	sadd.s32 $0x5500, s24  }
0x13d: {  	[tilespmem:s31], [sflag:$0x5] =	stream.indirect_vreg.gather [hbm4b:s4+s2], $0x80, v3, vm0, $0x2000b8;
	[tilespmem:$0x18100] =	vst v63  }
0x13e: {  	s28 =	sadd.s32 $0x5D00, s24  }
0x13f: {  	[tilespmem:s28], [sflag:$0x5] =	stream.indirect_vreg.gather [hbm4b:s10+s2], $0x80, v3, vm1, $0x2000b8;
	[tilespmem:$0x18100] =	vst v63  }
0x140: {  	v3 =	vld [tilespmem:s25+$0x40];
	_ =	sdelay $0x4  }
0x141: {  	v60 =	vshrl.u32 v3, $0x3  }
0x142: {  	v4 =	vmul.u32 $0x18, v60  }
0x143: {  	v3 =	vand.u32 $0x7, v3  }
0x144: {  	v3 =	vor.u32 v3, v4  }
0x145: {  	v4 =	vperm.xlane v3, v0;
	_ =	sdelay $0x1  }
0x146: {  	v4 =	vadd.s32 v1, v4;
	_ =	sdelay $0x1  }
0x147: {  	v3 =	vperm.xlane v3, v2;
	_ =	sdelay $0x1  }
0x148: {  	s29 =	sadd.s32 $0x6100, s24;
	v3 =	vadd.s32 v1, v3  }
0x149: {  	[tilespmem:s29], [sflag:$0x5] =	stream.indirect_vreg.gather [hbm4b:s4+s2], $0x80, v4, vm0, $0x2000b8;
	[tilespmem:$0x18100] =	vst v63  }
0x14a: {  	s30 =	sadd.s32 $0x6900, s24  }
0x14b: {  	[tilespmem:s30], [sflag:$0x5] =	stream.indirect_vreg.gather [hbm4b:s10+s2], $0x80, v4, vm1, $0x2000b8;
	[tilespmem:$0x18100] =	vst v63  }
0x14c: {  	s31 =	sadd.s32 $0x6D00, s24  }
0x14d: {  	[tilespmem:s31], [sflag:$0x5] =	stream.indirect_vreg.gather [hbm4b:s4+s2], $0x80, v3, vm0, $0x2000b8;
	[tilespmem:$0x18100] =	vst v63  }
0x14e: {  	s28 =	sadd.s32 $0x7500, s24  }
0x14f: {  	[tilespmem:s28], [sflag:$0x5] =	stream.indirect_vreg.gather [hbm4b:s10+s2], $0x80, v3, vm1, $0x2000b8;
	[tilespmem:$0x18100] =	vst v63  }
0x150: {  	v3 =	vld [tilespmem:s25+$0x50];
	_ =	sdelay $0x4  }
0x151: {  	v61 =	vshrl.u32 v3, $0x3  }
0x152: {  	v4 =	vmul.u32 $0x18, v61  }
0x153: {  	v3 =	vand.u32 $0x7, v3  }
0x154: {  	v3 =	vor.u32 v3, v4  }
0x155: {  	v4 =	vperm.xlane v3, v0;
	_ =	sdelay $0x1  }
0x156: {  	v4 =	vadd.s32 v1, v4;
	_ =	sdelay $0x1  }
0x157: {  	v3 =	vperm.xlane v3, v2;
	_ =	sdelay $0x1  }
0x158: {  	s29 =	sadd.s32 $0x7900, s24;
	v3 =	vadd.s32 v1, v3  }
0x159: {  	[tilespmem:s29], [sflag:$0x5] =	stream.indirect_vreg.gather [hbm4b:s4+s2], $0x80, v4, vm0, $0x2000b8;
	[tilespmem:$0x18100] =	vst v63  }
0x15a: {  	s30 =	sadd.s32 $0x8100, s24  }
0x15b: {  	[tilespmem:s30], [sflag:$0x5] =	stream.indirect_vreg.gather [hbm4b:s10+s2], $0x80, v4, vm1, $0x2000b8;
	[tilespmem:$0x18100] =	vst v63  }
0x15c: {  	s31 =	sadd.s32 $0x8500, s24  }
0x15d: {  	[tilespmem:s31], [sflag:$0x5] =	stream.indirect_vreg.gather [hbm4b:s4+s2], $0x80, v3, vm0, $0x2000b8;
	[tilespmem:$0x18100] =	vst v63  }
0x15e: {  	s28 =	sadd.s32 $0x8D00, s24  }
0x15f: {  	[tilespmem:s28], [sflag:$0x5] =	stream.indirect_vreg.gather [hbm4b:s10+s2], $0x80, v3, vm1, $0x2000b8;
	[tilespmem:$0x18100] =	vst v63  }
0x160: {  	v3 =	vld [tilespmem:s25+$0x60];
	_ =	sdelay $0x4  }
0x161: {  	v62 =	vshrl.u32 v3, $0x3  }
0x162: {  	v4 =	vmul.u32 $0x18, v62  }
0x163: {  	v3 =	vand.u32 $0x7, v3  }
0x164: {  	v3 =	vor.u32 v3, v4  }
0x165: {  	v4 =	vperm.xlane v3, v0;
	_ =	sdelay $0x1  }
0x166: {  	v4 =	vadd.s32 v1, v4;
	_ =	sdelay $0x1  }
0x167: {  	v3 =	vperm.xlane v3, v2;
	_ =	sdelay $0x1  }
0x168: {  	s29 =	sadd.s32 $0x9100, s24;
	v3 =	vadd.s32 v1, v3  }
0x169: {  	[tilespmem:s29], [sflag:$0x5] =	stream.indirect_vreg.gather [hbm4b:s4+s2], $0x80, v4, vm0, $0x2000b8;
	[tilespmem:$0x18100] =	vst v63  }
0x16a: {  	s30 =	sadd.s32 $0x9900, s24  }
0x16b: {  	[tilespmem:s30], [sflag:$0x5] =	stream.indirect_vreg.gather [hbm4b:s10+s2], $0x80, v4, vm1, $0x2000b8;
	[tilespmem:$0x18100] =	vst v63  }
0x16c: {  	s31 =	sadd.s32 $0x9D00, s24  }
0x16d: {  	[tilespmem:s31], [sflag:$0x5] =	stream.indirect_vreg.gather [hbm4b:s4+s2], $0x80, v3, vm0, $0x2000b8;
	[tilespmem:$0x18100] =	vst v63  }
0x16e: {  	s28 =	sadd.s32 $0xA500, s24  }
0x16f: {  	[tilespmem:s28], [sflag:$0x5] =	stream.indirect_vreg.gather [hbm4b:s10+s2], $0x80, v3, vm1, $0x2000b8;
	[tilespmem:$0x18100] =	vst v63  }
0x170: {  	v3 =	vld [tilespmem:s25+$0x70];
	_ =	sdelay $0x4  }
0x171: {  	v63 =	vshrl.u32 v3, $0x3  }
0x172: {  	v4 =	vmul.u32 $0x18, v63  }
0x173: {  	v3 =	vand.u32 $0x7, v3  }
0x174: {  	v3 =	vor.u32 v3, v4  }
0x175: {  	v4 =	vperm.xlane v3, v0;
	_ =	sdelay $0x1  }
0x176: {  	v4 =	vadd.s32 v1, v4;
	_ =	sdelay $0x1  }
0x177: {  	v3 =	vperm.xlane v3, v2;
	_ =	sdelay $0x1  }
0x178: {  	s29 =	sadd.s32 $0xA900, s24;
	v3 =	vadd.s32 v1, v3  }
0x179: {  	[tilespmem:s29], [sflag:$0x5] =	stream.indirect_vreg.gather [hbm4b:s4+s2], $0x80, v4, vm0, $0x2000b8;
	[tilespmem:$0x18100] =	vst v63  }
0x17a: {  	p4 =	por p1, p4;
	s30 =	sadd.s32 $0xB100, s24  }
0x17b: {  	[tilespmem:s30], [sflag:$0x5] =	stream.indirect_vreg.gather [hbm4b:s10+s2], $0x80, v4, vm1, $0x2000b8;
	[tilespmem:$0x18100] =	vst v63  }
0x17c: {  	s20 =	smul.u32 @p4 $0xC0000, s20;
	s31 =	sadd.s32 $0xB500, s24  }
0x17d: {  	[tilespmem:s31], [sflag:$0x5] =	stream.indirect_vreg.gather [hbm4b:s4+s2], $0x80, v3, vm0, $0x2000b8;
	[tilespmem:$0x18100] =	vst v63  }
0x17e: {  	s21 =	smul.u32 @p4 $0xC000, s21;
	p1 =	por @p4 !p1, !p5;
	s24 =	sadd.s32 $0xBD00, s24  }
0x17f: {  	[tilespmem:s24], [sflag:$0x5] =	stream.indirect_vreg.gather [hbm4b:s10+s2], $0x80, v3, vm1, $0x2000b8;
	[tilespmem:$0x18100] =	vst v63  }
0x180: {  	p1 =	por @p4 !p1, !p1;
	_ =	swait.ge [sflag:s13], $0xC000  }
0x181: {  	s20 =	sadd.s32 @p4 s20, s21;
	p1 =	por !p4, !p1;
	[sflag:s13] =	ssyncset.done $0x0  }
.Ltmp6:
0x182: {  	s20 =	sshrl.u32 @p4 s20, $0x3;
	[sflag:s13] =	ssyncadd.s32 $0xFFFF4000;
	(pc) =	sbr.rel @!p1 .LBB2_4-.Ltmp6, $4  }
0x183: {  	s20 =	sadd.s32 @p4 s6, s20;
	_ =	strace $0x90000056  }
0x184: {  	s21 =	sadd.s32 @p4 $0x3, s22;
	s22 =	simm.s32 @p4 $0x0;
	_ =	strace @p4 $0x80000057  }
0x185: {  	[hbm4b:s20+s22] =	stream.linear.scatter @p4 [tilespmem:s23], [sflag:s21], $0xC000, $0x200038;
	[tilespmem:$0x18100] =	vst v63  }
0x186: {  	_ =	strace @p4 $0x90000057  }
.Ltmp7:
0x187: {  	(pc) =	sbr.rel @p2 .LBB2_3-.Ltmp7, $4  }
0x188: {  	s20 =	simm.s32 $0x1  }
0x189: {  	s21 =	sadd.s32 @p4 $0x1, s18;
	s22 =	simm.s32 $0x0;
	p1 =	por $0x1, $0x1  }
0x18a: {  	s20 =	simm.s32 @!p3 $0x0;
	s18 =	smov.u32 @p4 s21;
	s22 =	simm.s32 @p4 $0x1  }
0x18b: {  	p3 =	por $0x0, $0x0;
	s17 =	sadd.s32 s20, s17;
	s19 =	sadd.s32 s19, s22  }
.Ltmp8:
0x18c: {  	(pc) =	sbr.rel .LBB2_7-.Ltmp8, $2  }
0x18d: {  	_ =	sdelay $0x2  }
0x18e: {  	s16 =	simm.s32 $0x0  }
.LBB2_4:
0x18f: {  	_ =	strace $0x80000058  }
0x190: {  	_ =	swait.ge [sflag:s14], $0xC000  }
0x191: {  	[sflag:s14] =	ssyncset.done $0x0  }
0x192: {  	[sflag:s14] =	ssyncadd.s32 $0xFFFF4000  }
0x193: {  	s16 =	simm.s32 $0x1;
	_ =	strace $0x90000058  }
.LBB2_7:
.Ltmp9:
0x194: {  	_ =	strace $0x80000059;
	s16 =	sadd.s32 $0x3, s16;
	(pc) =	sbr.rel .LBB2_14-.Ltmp9, $4  }
0x195: {  	_ =	swait.ge [sflag:s16], $0xC000  }
0x196: {  	[sflag:s16] =	ssyncset.done $0x0  }
0x197: {  	[sflag:s16] =	ssyncadd.s32 $0xFFFF4000  }
0x198: {  	_ =	strace $0x90000059  }
.LBB2_15:
0x199: {  	_ =	sfence.sel $0x180000  }
0x19a: {  	[bflag:$0x0] =	sbarrier.arrive $0xFFFF  }
0x19b: {  	p0 =	sne.s32 s3, $0x0;
	_ =	strace $0x90000052  }
0x19c: {  	s0 =	sadd.s32 @!p0 $0x100000, s0;
	[bflag:$0x2] =	sbarrier.arrive $0xFFFF  }
0x19d: {  	[sflag:s0] =	ssyncadd.tile.s32 @!p0 $0x1;
	_ =	shalt  }
.Lfunc_end2:
_tile_overlayer_lowered:
.L_overlay_start_2:
0x19e: {  	(tag) =	ssettag $0x2  }
0x19f: {  	s0 =	rddreg [dreg:$0x0];
	s2 =	stileid.u32  }
0x1a0: {  	s1 =	rddreg [dreg:$0x1];
	p0 =	sne.s32 s2, $0x0  }
0x1a1: {  	s3 =	rddreg [dreg:$0x2];
	[bflag:$0x3] =	sbarrier.arrive $0xFFFF;
	s2 =	simm.s32 @!p0 $0x1C01  }
0x1a2: {  	[timem:s3], [sflag:s2] =	dma.local @!p0 [hbm:s0], s1  }
0x1a3: {  	s0 =	simm.s32 @!p0 $0x1  }
0x1a4: {  	_ =	swait.ge @!p0 [sflag:s0], s1  }
0x1a5: {  	s1 =	ssub.s32 @!p0 $0x0, s1;
	[sflag:s0] =	ssyncset.done @!p0 $0x0  }
0x1a6: {  	[sflag:s0] =	ssyncadd.s32 @!p0 s1  }
0x1a7: {  	[bflag:$0x3] =	sbarrier.arrive $0xFFFF  }
0x1a8: {  	_ =	shalt  }

// kernel: kernel.7.cloned.1.call-start
scs
__scs_entry_jumppad:
0x0: {  	(pc) =	sbr.rel $0x88, $3  }
0x1: {  	(tag) =	ssettag $0x0;
	lr =	simm.s32 $0x1  }
0x2: {  	[smem:$0x3F93] =	sst lr;
	_ =	strace $0xD0000000  }
0x3: {  	_ = 	snop  }
0x4: {  	_ = 	snop  }
0x5: {  	_ = 	snop  }
0x6: {  	_ = 	snop  }
0x7: {  	_ = 	snop  }
__scs_overlays_trampoline_lowered:
0x8: {  	[smem:$0x3FA2] =	sst s0  }
0x9: {  	[smem:$0x3FA3] =	sst s1  }
0xa: {  	[smem:$0x3FA4] =	sst s2  }
0xb: {  	[smem:$0x3FA5] =	sst s3  }
0xc: {  	[smem:$0x3FA6] =	sst s4  }
0xd: {  	[smem:$0x3FA7] =	sst s5  }
0xe: {  	[smem:$0x3FA8] =	sst s6  }
0xf: {  	[smem:$0x3FA9] =	sst s7  }
0x10: {  	[smem:$0x3FAA] =	sst s8  }
0x11: {  	[smem:$0x3FAB] =	sst s9;
	s0 =	simm.s32 @!p0 $0x0  }
0x12: {  	s1 =	sld [smem:$0x3F91];
	s0 =	simm.s32 @p0 $0x1  }
0x13: {  	[smem:$0x3FAC] =	sst s0;
	s0 =	simm.s32 @!p1 $0x0  }
0x14: {  	s2 =	sld [smem:$0x3F90];
	s0 =	simm.s32 @p1 $0x1  }
0x15: {  	[smem:$0x3FAD] =	sst s0;
	s0 =	simm.s32 @!p2 $0x0  }
0x16: {  	s3 =	sld [smem:$0x3FDB];
	s0 =	simm.s32 @p2 $0x1  }
0x17: {  	s4 =	simm.s32 $0x1BF5;
	[smem:$0x3FAF] =	sst s0  }
0x18: {  	s0 =	sld [smem:$0x3F92];
	_ =	swait.ge [sflag:s4], $0x0  }
0x19: {  	s7 =	sld [smem:$0x3F93]  }
0x1a: {  	s8 =	sadd.s32 $0xFFFFE003, lr  }
0x1b: {  	s9 =	sadd.s32 $0xFFFFFEF7, lr;
	s5 =	simm.s32 $0xFFFFFFFF;
	p2 =	slt.u32 s8, $0xFFFFF086  }
0x1c: {  	p1 =	slt.u32 s9, $0xF7A;
	s5 =	simm.s32 @!p2 $0x0  }
0x1d: {  	s5 =	simm.s32 @p1 $0x1;
	p0 =	seq.s32 s7, s2  }
0x1e: {  	s7 =	smul.u32 @!p0 $0xF7A, s2;
	p2 =	seq.s32 @!p0 s5, $0x0  }
0x1f: {  	s9 =	smul.u32 $0xF7A, s1;
	s8 =	simm.s32 @!p0 $0x1BF5;
	p2 =	por !p2, p0  }
0x20: {  	[sflag:s8] =	ssyncset.s32 @!p0 $0xFFFFF086;
	s6 =	sadd.s32 @!p0 s3, s7;
	s7 =	simm.s32 @!p0 $0x108  }
0x21: {  	s3 =	sadd.s32 s3, s9;
	s6 =	sadd.s32 @!p0 $0x88, s6;
	s7 =	simm.s32 @p2 $0x1082  }
0x22: {  	[simem:s7], [sflag:s8] =	dma.local @!p0 [hbm:s6], $0xF7A  }
0x23: {  	s9 =	sor.u32 $0xD0000000, s2;
	s6 =	simm.s32 $0x108;
	_ =	swait.ge @!p0 [sflag:s8], $0x0  }
0x24: {  	s3 =	sadd.s32 $0x88, s3;
	s6 =	simm.s32 @!p1 $0x1082;
	[sflag:s4] =	ssyncset.s32 $0xFFFFF086  }
0x25: {  	[simem:s6], [sflag:s4] =	dma.local [hbm:s3], $0xF7A  }
0x26: {  	[smem:$0x3F93] =	sst s1;
	(tag) =	ssettag s2;
	_ =	strace s9  }
0x27: {  	s1 =	sld [smem:$0x3FA3]  }
0x28: {  	s2 =	sld [smem:$0x3FA4]  }
0x29: {  	s4 =	sld [smem:$0x3FA6]  }
0x2a: {  	p0 =	seq.s32 s5, $0x0;
	s5 =	sld [smem:$0x3FA7]  }
0x2b: {  	s6 =	sld [smem:$0x3FA8]  }
0x2c: {  	s7 =	sld [smem:$0x3FA9]  }
0x2d: {  	s3 =	simm.s32 $0x108;
	s8 =	sld [smem:$0x3FAA]  }
0x2e: {  	s3 =	simm.s32 @!p0 $0x1082;
	s9 =	sld [smem:$0x3FAB]  }
0x2f: {  	lr =	sadd.s32 s0, s3;
	s0 =	sld [smem:$0x3FA2]  }
0x30: {  	s3 =	sld [smem:$0x3FA5]  }
0x31: {  	[smem:$0x3FAE] =	sst s10  }
0x32: {  	s10 =	sld [smem:$0x3FAC];
	_ =	sdelay $0x3  }
0x33: {  	p0 =	seq.s32 s10, $0x1;
	s10 =	sld [smem:$0x3FAE];
	_ =	sdelay $0x3  }
0x34: {  	[smem:$0x3FAE] =	sst s10  }
0x35: {  	s10 =	sld [smem:$0x3FAD];
	_ =	sdelay $0x3  }
0x36: {  	p1 =	seq.s32 s10, $0x1;
	s10 =	sld [smem:$0x3FAE];
	_ =	sdelay $0x3  }
0x37: {  	[smem:$0x3FAE] =	sst s10  }
0x38: {  	s10 =	sld [smem:$0x3FAF]  }
0x39: {  	_ = 	snop;
	(pc) =	sbr.ind lr, $3  }
0x3a: {  	_ = 	snop  }
0x3b: {  	_ = 	snop  }
0x3c: {  	p2 =	seq.s32 s10, $0x1;
	s10 =	sld [smem:$0x3FAE]  }
0x3d: {  	_ =	shalt  }
0x3e: {  	_ =	shalt  }
0x3f: {  	_ =	shalt  }
0x40: {  	_ =	shalt  }
0x41: {  	_ =	shalt  }
0x42: {  	_ =	shalt  }
0x43: {  	_ =	shalt  }
0x44: {  	_ =	shalt  }
0x45: {  	_ =	shalt  }
0x46: {  	_ =	shalt  }
0x47: {  	_ =	shalt  }
0x48: {  	_ =	shalt  }
0x49: {  	_ =	shalt  }
0x4a: {  	_ =	shalt  }
0x4b: {  	_ =	shalt  }
0x4c: {  	_ =	shalt  }
0x4d: {  	_ =	shalt  }
0x4e: {  	_ =	shalt  }
0x4f: {  	_ =	shalt  }
0x50: {  	_ =	shalt  }
0x51: {  	_ =	shalt  }
0x52: {  	_ =	shalt  }
0x53: {  	_ =	shalt  }
0x54: {  	_ =	shalt  }
0x55: {  	_ =	shalt  }
0x56: {  	_ =	shalt  }
0x57: {  	_ =	shalt  }
0x58: {  	_ =	shalt  }
0x59: {  	_ =	shalt  }
0x5a: {  	_ =	shalt  }
0x5b: {  	_ =	shalt  }
0x5c: {  	_ =	shalt  }
0x5d: {  	_ =	shalt  }
0x5e: {  	_ =	shalt  }
0x5f: {  	_ =	shalt  }
0x60: {  	_ =	shalt  }
0x61: {  	_ =	shalt  }
0x62: {  	_ =	shalt  }
0x63: {  	_ =	shalt  }
0x64: {  	_ =	shalt  }
0x65: {  	_ =	shalt  }
0x66: {  	_ =	shalt  }
0x67: {  	_ =	shalt  }
0x68: {  	_ =	shalt  }
0x69: {  	_ =	shalt  }
0x6a: {  	_ =	shalt  }
0x6b: {  	_ =	shalt  }
0x6c: {  	_ =	shalt  }
0x6d: {  	_ =	shalt  }
0x6e: {  	_ =	shalt  }
0x6f: {  	_ =	shalt  }
0x70: {  	_ =	shalt  }
0x71: {  	_ =	shalt  }
0x72: {  	_ =	shalt  }
0x73: {  	_ =	shalt  }
0x74: {  	_ =	shalt  }
0x75: {  	_ =	shalt  }
0x76: {  	_ =	shalt  }
0x77: {  	_ =	shalt  }
0x78: {  	_ =	shalt  }
0x79: {  	_ =	shalt  }
0x7a: {  	_ =	shalt  }
0x7b: {  	_ =	shalt  }
0x7c: {  	_ =	shalt  }
0x7d: {  	_ =	shalt  }
0x7e: {  	_ =	shalt  }
0x7f: {  	_ =	shalt  }
0x80: {  	_ =	shalt  }
0x81: {  	_ =	shalt  }
0x82: {  	_ =	shalt  }
0x83: {  	_ =	shalt  }
0x84: {  	_ =	shalt  }
0x85: {  	_ =	shalt  }
0x86: {  	_ =	shalt  }
0x87: {  	_ =	shalt  }
.Lfunc_end0:
.L_simem_size_0:
called_computation_lowered:
.L_overlay_start_0:
0x88: {  	s2 =	sld [smem:$0x3FD9]  }
0x89: {  	s3 =	sld [smem:$0x3FFE];
	_ =	sdelay $0x1  }
0x8a: {  	s1 =	srdreg.scid  }
0x8b: {  	s0 =	sand.u32 $0x1, s1  }
0x8c: {  	s14 =	sshll.u32 s0, $0xA;
	s2 =	sadd.s32 s3, s2  }
0x8d: {  	s2 =	sadd.s32 s2, s14  }
0x8e: {  	[smem:$0x3FBA] =	sst s2  }
0x8f: {  	_ = 	snop  }
0x90: {  	s2 =	sld [smem:$0x3FD0];
	_ =	sdelay $0x2  }
0x91: {  	s4 =	simm.s32 $0xA;
	s5 =	simm.s32 $0x10;
	s15 =	sld [smem:$0x3FC9]  }
0x92: {  	[smem:s5], [sflag:s4] =	dma.local [hbm:s2], $0x1  }
0x93: {  	_ =	swait.eq [sflag:s4], $0x1  }
0x94: {  	[sflag:s4] =	ssyncset.done $0x0  }
0x95: {  	[sflag:s4] =	ssyncadd.s32 $0xFFFFFFFF  }
0x96: {  	s16 =	sld [smem:$0x11];
	(tm) =	ssettm $0x1  }
0x97: {  	s17 =	sld [smem:$0x3FFB];
	_ =	sdelay $0x3  }
0x98: {  	_ =	strace s17  }
0x99: {  	s4 =	sld [smem:$0x3FFC];
	_ =	sdelay $0x3  }
0x9a: {  	_ =	strace s4  }
0x9b: {  	s4 =	sld [smem:$0x3FFD];
	_ =	sdelay $0x3  }
0x9c: {  	_ =	strace s4  }
0x9d: {  	_ =	strace $0x8FFFFFFF  }
0x9e: {  	s18 =	sld [smem:$0x3FDB];
	_ =	sdelay $0x1  }
0x9f: {  	s19 =	simm.s32 $_scs_section_size  }
0xa0: {  	s6 =	simm.s32 $_size__tile_overlayer_lowered;
	s7 =	simm.s32 $_tile_overlayer_lowered  }
0xa1: {  	s22 =	simm.s32 $0x1BFF;
	s21 =	sshll.u32 s7, $0x1;
	s4 =	sadd.s32 s19, s18  }
0xa2: {  	s8 =	simm.s32 $0x0;
	s20 =	sshll.u32 s6, $0x1;
	s6 =	sadd.s32 s21, s4  }
0xa3: {  	[timem:s8], [sflag:s22] =	dma.local [hbm:s6], s20  }
0xa4: {  	_ =	swait.ge [sflag:s22], s20  }
0xa5: {  	s5 =	ssub.s32 $0x0, s20;
	[sflag:s22] =	ssyncset.done $0x0  }
0xa6: {  	[sflag:s22] =	ssyncadd.s32 s5;
	_ =	sdelay $0x1  }
0xa7: {  	s23 =	simm.s32 $0x1B8B  }
0xa8: {  	_ =	swait.ge [sflag:s23], $0x1  }
0xa9: {  	[sflag:s23] =	ssyncset.done $0x0  }
0xaa: {  	s25 =	simm.s32 $0x1B8E;
	s24 =	sld [smem:$0x3FFE];
	[sflag:s23] =	ssyncadd.s32 $0xFFFFFFFF  }
0xab: {  	s26 =	simm.s32 $execute0_lowered;
	[smem:$0x3FD2] =	sst s25  }
0xac: {  	s6 =	sshll.u32 s26, $0x1;
	_ =	strace $0x80000046;
	[dreg:$0x1] =	wrdreg $0xFFFFFFFF  }
0xad: {  	s28 =	simm.s32 $_size_execute0_lowered;
	s4 =	sadd.s32 s4, s6;
	[dreg:$0x0] =	wrdreg $0x0  }
0xae: {  	s6 =	sshll.u32 s28, $0x1;
	[dreg:$0x2] =	wrdreg s4  }
0xaf: {  	[dreg:$0x3] =	wrdreg s6  }
0xb0: {  	[dreg:$0x4] =	wrdreg $0xC0  }
0xb1: {  	_ =	task [dreg:s8], $0x5FFFF  }
0xb2: {  	[dreg:$0x1] =	wrdreg $0xFFFFFFFF  }
0xb3: {  	[dreg:$0x0] =	wrdreg $0x60  }
0xb4: {  	[dreg:$0x2] =	wrdreg s15  }
0xb5: {  	[dreg:$0x3] =	wrdreg s16  }
0xb6: {  	[dreg:$0x4] =	wrdreg s24  }
0xb7: {  	[dreg:$0x5] =	wrdreg $0x9  }
0xb8: {  	_ =	task.clear_ibuf [dreg:s8], $0x6FFFF;
	_ =	strace $0x90000046  }
0xb9: {  	s29 =	simm.s32 $0x9;
	_ =	strace $0x80000050  }
0xba: {  	_ =	swait.ge [sflag:s29], $0x1  }
0xbb: {  	[sflag:s29] =	ssyncadd.s32 $0xFFFFFFFF  }
0xbc: {  	_ =	strace $0x90000050  }
0xbd: {  	_ =	sfence  }
0xbe: {  	s30 =	sld [smem:$0x0];
	_ =	sdelay $0x2  }
0xbf: {  	s31 =	sshll.u32 s1, $0xD;
	s1 =	sshrl.u32 s1, $0x2  }
0xc0: {  	s3 =	sand.u32 $0x4000, s31;
	s1 =	sadd.s32 s1, s30  }
0xc1: {  	s0 =	sor.u32 s3, s0;
	s1 =	sshll.u32 s1, $0x11  }
0xc2: {  	s0 =	sor.u32 s1, s0  }
0xc3: {  	s0 =	sadd.s32 $0x8F2B, s0  }
0xc4: {  	[sflag:s0] =	ssyncadd.remote.s32 $0x1  }
0xc5: {  	_ =	sfence.sel $0xFFFF  }
0xc6: {  	[dreg:$0x0] =	wrdreg $0xFFFFFFFF;
	(pc) =	sbr.abs _section_cstart, $3  }
0xc7: {  	[dreg:$0x1] =	wrdreg $0xFFFFFFFF  }
0xc8: {  	_ =	task.clear_ibuf [dreg:s8], $0x2FFFF;
	_ =	strace $0x9FFFFFFF  }
0xc9: {  	(tm) =	ssettm $0x7FFFFFFF  }
tec
execute0_lowered:
.L_overlay_start_1:
0x0: {  	(tag) =	ssettag $0x1  }
0x1: {  	s0 =	rddreg [dreg:$0x0]  }
0x2: {  	s2 =	rddreg [dreg:$0x1]  }
0x3: {  	s5 =	rddreg [dreg:$0x2];
	s1 =	simm.s32 $0x0  }
0x4: {  	s3 =	srdreg.scid;
	s10 =	stileid.u32;
	s24 =	simm.s32 $0x5  }
0x5: {  	[smem:$0x7FF] =	sst s1;
	s6 =	sand.u32 $0x1, s3;
	s3 =	sadd.s32 $0x3600, s5  }
0x6: {  	s9 =	smul.u32 $0x3000, s10;
	s4 =	sadd.s32 $0x4B600, s5;
	s31 =	sshll.u32 s10, $0x5  }
.Ltmp0:
0x7: {  	_ =	strace $0x80000047;
	s7 =	ssub.s32 $0x2, s6;
	(pc) =	sbr.rel .LBB2_1-.Ltmp0, $4  }
0x8: {  	p0 =	seq.s32 s6, $0x1;
	s2 =	sadd.s32 s2, s31;
	s8 =	sshrl.u32 s7, $0x1  }
0x9: {  	v2 =	vlaneseq.u32;
	s0 =	sadd.s32 s0, s9;
	[dreg:$0x6] =	wrdreg s2;
	s9 =	sadd.s32 $0x4B700, s5  }
0xa: {  	vm0 =	vmmov $0xffff;
	vm1 =	vmmov $0xff;
	v1 =	vshrl.u32 v2, $0x3;
	s8 =	ssub.s32 s7, s8;
	[dreg:$0x4] =	wrdreg s0;
	s0 =	sadd.s32 $0x180, s0  }
0xb: {  	v0 =	vand.u32 $0x7, v2;
	v2 =	vor.u32 $0x8, v2;
	v1 =	vmul.u32 $0x8, v1;
	s7 =	sadd.s32 $0x3700, s5;
	[dreg:$0x5] =	wrdreg s0;
	s10 =	smax.u32 s8, $0x1  }
.LBB2_3:
0xc: {  	_ =	strace $0x8000004C  }
0xd: {  	s12 =	simm.s32 $0xC00;
	s14 =	simm.s32 $0x1800;
	s26 =	rddreg [dreg:$0x5]  }
0xe: {  	[tilespmem:s1], [sflag:$0x1] =	stream.strided.gather [hbm4b:s26+s12], $0xC000, s14, s12, $0x200038;
	[tilespmem:$0x18200] =	vst v63  }
0xf: {  	s6 =	simm.s32 $0x18000;
	s0 =	rddreg [dreg:$0x6]  }
0x10: {  	[tilespmem:s6], [sflag:$0x3] =	stream.linear.gather [hbm4b:s0+s1], $0x100, $0x200038;
	[tilespmem:$0x18200] =	vst v63  }
0x11: {  	_ =	strace $0x9000004C  }
0x12: {  	s8 =	simm.s32 $0x1;
	_ =	strace $0x8000004D  }
0x13: {  	_ =	swait.ge [sflag:s8], $0xC000  }
0x14: {  	[sflag:s8] =	ssyncset.done $0x0  }
0x15: {  	[sflag:s8] =	ssyncadd.s32 $0xFFFF4000  }
0x16: {  	_ =	strace $0x9000004D  }
0x17: {  	s11 =	simm.s32 $0x3;
	_ =	strace $0x8000004E  }
0x18: {  	_ =	swait.ge [sflag:s11], $0x100  }
0x19: {  	[sflag:s11] =	ssyncset.done $0x0  }
0x1a: {  	[sflag:s11] =	ssyncadd.s32 $0xFFFFFF00  }
0x1b: {  	_ =	strace $0x9000004E  }
0x1c: {  	_ =	strace $0x8000004F  }
0x1d: {  	v3 =	vld [tilespmem:$0x18000];
	_ =	sdelay $0x4  }
0x1e: {  	v4 =	vshrl.u32 v3, $0x3  }
0x1f: {  	v4 =	vmul.u32 $0x18, v4  }
0x20: {  	v3 =	vand.u32 $0x7, v3  }
0x21: {  	v3 =	vor.u32 v3, v4  }
0x22: {  	v4 =	vperm.xlane v3, v0;
	_ =	sdelay $0x1  }
0x23: {  	v4 =	vadd.s32 v1, v4;
	_ =	sdelay $0x1  }
0x24: {  	v3 =	vperm.xlane v3, v2;
	_ =	sdelay $0x1  }
0x25: {  	v3 =	vadd.s32 v1, v3  }
0x26: {  	[hbm4b:s4+s1] =	stream.indirect_vreg.scatter [tilespmem:s1], [sflag:$0x5], $0x80, v4, vm0, $0x2000b8;
	[tilespmem:$0x18200] =	vst v63  }
0x27: {  	s26 =	simm.s32 $0x800  }
0x28: {  	[hbm4b:s9+s1] =	stream.indirect_vreg.scatter [tilespmem:s26], [sflag:$0x5], $0x80, v4, vm1, $0x2000b8;
	[tilespmem:$0x18200] =	vst v63  }
0x29: {  	_ = 	snop  }
0x2a: {  	[hbm4b:s4+s1] =	stream.indirect_vreg.scatter [tilespmem:s12], [sflag:$0x5], $0x80, v3, vm0, $0x2000b8;
	[tilespmem:$0x18200] =	vst v63  }
0x2b: {  	s28 =	simm.s32 $0x1400  }
0x2c: {  	[hbm4b:s9+s1] =	stream.indirect_vreg.scatter [tilespmem:s28], [sflag:$0x5], $0x80, v3, vm1, $0x2000b8;
	[tilespmem:$0x18200] =	vst v63  }
0x2d: {  	v3 =	vld [tilespmem:$0x18010];
	_ =	sdelay $0x4  }
0x2e: {  	v49 =	vshrl.u32 v3, $0x3  }
0x2f: {  	v4 =	vmul.u32 $0x18, v49  }
0x30: {  	v3 =	vand.u32 $0x7, v3  }
0x31: {  	v3 =	vor.u32 v3, v4  }
0x32: {  	v4 =	vperm.xlane v3, v0;
	_ =	sdelay $0x1  }
0x33: {  	v4 =	vadd.s32 v1, v4;
	_ =	sdelay $0x1  }
0x34: {  	v3 =	vperm.xlane v3, v2;
	_ =	sdelay $0x1  }
0x35: {  	v3 =	vadd.s32 v1, v3  }
0x36: {  	[hbm4b:s4+s1] =	stream.indirect_vreg.scatter [tilespmem:s14], [sflag:$0x5], $0x80, v4, vm0, $0x2000b8;
	[tilespmem:$0x18200] =	vst v63  }
0x37: {  	s29 =	simm.s32 $0x2000  }
0x38: {  	[hbm4b:s9+s1] =	stream.indirect_vreg.scatter [tilespmem:s29], [sflag:$0x5], $0x80, v4, vm1, $0x2000b8;
	[tilespmem:$0x18200] =	vst v63  }
0x39: {  	s30 =	simm.s32 $0x2400  }
0x3a: {  	[hbm4b:s4+s1] =	stream.indirect_vreg.scatter [tilespmem:s30], [sflag:$0x5], $0x80, v3, vm0, $0x2000b8;
	[tilespmem:$0x18200] =	vst v63  }
0x3b: {  	s31 =	simm.s32 $0x2C00  }
0x3c: {  	[hbm4b:s9+s1] =	stream.indirect_vreg.scatter [tilespmem:s31], [sflag:$0x5], $0x80, v3, vm1, $0x2000b8;
	[tilespmem:$0x18200] =	vst v63  }
0x3d: {  	v3 =	vld [tilespmem:$0x18020];
	_ =	sdelay $0x4  }
0x3e: {  	v50 =	vshrl.u32 v3, $0x3  }
0x3f: {  	v4 =	vmul.u32 $0x18, v50  }
0x40: {  	v3 =	vand.u32 $0x7, v3  }
0x41: {  	v3 =	vor.u32 v3, v4  }
0x42: {  	v4 =	vperm.xlane v3, v0;
	_ =	sdelay $0x1  }
0x43: {  	v4 =	vadd.s32 v1, v4;
	_ =	sdelay $0x1  }
0x44: {  	v3 =	vperm.xlane v3, v2;
	_ =	sdelay $0x1  }
0x45: {  	s13 =	simm.s32 $0x3000;
	v3 =	vadd.s32 v1, v3  }
0x46: {  	[hbm4b:s4+s1] =	stream.indirect_vreg.scatter [tilespmem:s13], [sflag:$0x5], $0x80, v4, vm0, $0x2000b8;
	[tilespmem:$0x18200] =	vst v63  }
0x47: {  	s2 =	simm.s32 $0x3800  }
0x48: {  	[hbm4b:s9+s1] =	stream.indirect_vreg.scatter [tilespmem:s2], [sflag:$0x5], $0x80, v4, vm1, $0x2000b8;
	[tilespmem:$0x18200] =	vst v63  }
0x49: {  	s13 =	simm.s32 $0x3C00  }
0x4a: {  	[hbm4b:s4+s1] =	stream.indirect_vreg.scatter [tilespmem:s13], [sflag:$0x5], $0x80, v3, vm0, $0x2000b8;
	[tilespmem:$0x18200] =	vst v63  }
0x4b: {  	s8 =	simm.s32 $0x4400  }
0x4c: {  	[hbm4b:s9+s1] =	stream.indirect_vreg.scatter [tilespmem:s8], [sflag:$0x5], $0x80, v3, vm1, $0x2000b8;
	[tilespmem:$0x18200] =	vst v63  }
0x4d: {  	v3 =	vld [tilespmem:$0x18030];
	_ =	sdelay $0x4  }
0x4e: {  	v51 =	vshrl.u32 v3, $0x3  }
0x4f: {  	v4 =	vmul.u32 $0x18, v51  }
0x50: {  	v3 =	vand.u32 $0x7, v3  }
0x51: {  	v3 =	vor.u32 v3, v4  }
0x52: {  	v4 =	vperm.xlane v3, v0;
	_ =	sdelay $0x1  }
0x53: {  	v4 =	vadd.s32 v1, v4;
	_ =	sdelay $0x1  }
0x54: {  	v3 =	vperm.xlane v3, v2;
	_ =	sdelay $0x1  }
0x55: {  	s5 =	simm.s32 $0x4800;
	v3 =	vadd.s32 v1, v3  }
0x56: {  	[hbm4b:s4+s1] =	stream.indirect_vreg.scatter [tilespmem:s5], [sflag:$0x5], $0x80, v4, vm0, $0x2000b8;
	[tilespmem:$0x18200] =	vst v63  }
0x57: {  	s6 =	simm.s32 $0x5000  }
0x58: {  	[hbm4b:s9+s1] =	stream.indirect_vreg.scatter [tilespmem:s6], [sflag:$0x5], $0x80, v4, vm1, $0x2000b8;
	[tilespmem:$0x18200] =	vst v63  }
0x59: {  	s16 =	simm.s32 $0x5400  }
0x5a: {  	[hbm4b:s4+s1] =	stream.indirect_vreg.scatter [tilespmem:s16], [sflag:$0x5], $0x80, v3, vm0, $0x2000b8;
	[tilespmem:$0x18200] =	vst v63  }
0x5b: {  	s17 =	simm.s32 $0x5C00  }
0x5c: {  	[hbm4b:s9+s1] =	stream.indirect_vreg.scatter [tilespmem:s17], [sflag:$0x5], $0x80, v3, vm1, $0x2000b8;
	[tilespmem:$0x18200] =	vst v63  }
0x5d: {  	v3 =	vld [tilespmem:$0x18040];
	_ =	sdelay $0x4  }
0x5e: {  	v52 =	vshrl.u32 v3, $0x3  }
0x5f: {  	v4 =	vmul.u32 $0x18, v52  }
0x60: {  	v3 =	vand.u32 $0x7, v3  }
0x61: {  	v3 =	vor.u32 v3, v4  }
0x62: {  	v4 =	vperm.xlane v3, v0;
	_ =	sdelay $0x1  }
0x63: {  	v4 =	vadd.s32 v1, v4;
	_ =	sdelay $0x1  }
0x64: {  	v3 =	vperm.xlane v3, v2;
	_ =	sdelay $0x1  }
0x65: {  	s18 =	simm.s32 $0x6000;
	v3 =	vadd.s32 v1, v3  }
0x66: {  	[hbm4b:s4+s1] =	stream.indirect_vreg.scatter [tilespmem:s18], [sflag:$0x5], $0x80, v4, vm0, $0x2000b8;
	[tilespmem:$0x18200] =	vst v63  }
0x67: {  	s19 =	simm.s32 $0x6800  }
0x68: {  	[hbm4b:s9+s1] =	stream.indirect_vreg.scatter [tilespmem:s19], [sflag:$0x5], $0x80, v4, vm1, $0x2000b8;
	[tilespmem:$0x18200] =	vst v63  }
0x69: {  	s20 =	simm.s32 $0x6C00  }
0x6a: {  	[hbm4b:s4+s1] =	stream.indirect_vreg.scatter [tilespmem:s20], [sflag:$0x5], $0x80, v3, vm0, $0x2000b8;
	[tilespmem:$0x18200] =	vst v63  }
0x6b: {  	s21 =	simm.s32 $0x7400  }
0x6c: {  	[hbm4b:s9+s1] =	stream.indirect_vreg.scatter [tilespmem:s21], [sflag:$0x5], $0x80, v3, vm1, $0x2000b8;
	[tilespmem:$0x18200] =	vst v63  }
0x6d: {  	v3 =	vld [tilespmem:$0x18050];
	_ =	sdelay $0x4  }
0x6e: {  	v53 =	vshrl.u32 v3, $0x3  }
0x6f: {  	v4 =	vmul.u32 $0x18, v53  }
0x70: {  	v3 =	vand.u32 $0x7, v3  }
0x71: {  	v3 =	vor.u32 v3, v4  }
0x72: {  	v4 =	vperm.xlane v3, v0;
	_ =	sdelay $0x1  }
0x73: {  	v4 =	vadd.s32 v1, v4;
	_ =	sdelay $0x1  }
0x74: {  	v3 =	vperm.xlane v3, v2;
	_ =	sdelay $0x1  }
0x75: {  	s22 =	simm.s32 $0x7800;
	v3 =	vadd.s32 v1, v3  }
0x76: {  	[hbm4b:s4+s1] =	stream.indirect_vreg.scatter [tilespmem:s22], [sflag:$0x5], $0x80, v4, vm0, $0x2000b8;
	[tilespmem:$0x18200] =	vst v63  }
0x77: {  	s23 =	simm.s32 $0x8000  }
0x78: {  	[hbm4b:s9+s1] =	stream.indirect_vreg.scatter [tilespmem:s23], [sflag:$0x5], $0x80, v4, vm1, $0x2000b8;
	[tilespmem:$0x18200] =	vst v63  }
0x79: {  	s11 =	simm.s32 $0x8400  }
0x7a: {  	[hbm4b:s4+s1] =	stream.indirect_vreg.scatter [tilespmem:s11], [sflag:$0x5], $0x80, v3, vm0, $0x2000b8;
	[tilespmem:$0x18200] =	vst v63  }
0x7b: {  	s15 =	simm.s32 $0x8C00  }
0x7c: {  	[hbm4b:s9+s1] =	stream.indirect_vreg.scatter [tilespmem:s15], [sflag:$0x5], $0x80, v3, vm1, $0x2000b8;
	[tilespmem:$0x18200] =	vst v63  }
0x7d: {  	v3 =	vld [tilespmem:$0x18060];
	_ =	sdelay $0x4  }
0x7e: {  	v54 =	vshrl.u32 v3, $0x3  }
0x7f: {  	v4 =	vmul.u32 $0x18, v54  }
0x80: {  	v3 =	vand.u32 $0x7, v3  }
0x81: {  	v3 =	vor.u32 v3, v4  }
0x82: {  	v4 =	vperm.xlane v3, v0;
	_ =	sdelay $0x1  }
0x83: {  	v4 =	vadd.s32 v1, v4;
	_ =	sdelay $0x1  }
0x84: {  	v3 =	vperm.xlane v3, v2;
	_ =	sdelay $0x1  }
0x85: {  	s25 =	simm.s32 $0x9000;
	v3 =	vadd.s32 v1, v3  }
0x86: {  	[hbm4b:s4+s1] =	stream.indirect_vreg.scatter [tilespmem:s25], [sflag:$0x5], $0x80, v4, vm0, $0x2000b8;
	[tilespmem:$0x18200] =	vst v63  }
0x87: {  	s0 =	simm.s32 $0x9800  }
0x88: {  	[hbm4b:s9+s1] =	stream.indirect_vreg.scatter [tilespmem:s0], [sflag:$0x5], $0x80, v4, vm1, $0x2000b8;
	[tilespmem:$0x18200] =	vst v63  }
0x89: {  	s0 =	simm.s32 $0x9C00  }
0x8a: {  	[hbm4b:s4+s1] =	stream.indirect_vreg.scatter [tilespmem:s0], [sflag:$0x5], $0x80, v3, vm0, $0x2000b8;
	[tilespmem:$0x18200] =	vst v63  }
0x8b: {  	s0 =	simm.s32 $0xA400  }
0x8c: {  	[hbm4b:s9+s1] =	stream.indirect_vreg.scatter [tilespmem:s0], [sflag:$0x5], $0x80, v3, vm1, $0x2000b8;
	[tilespmem:$0x18200] =	vst v63  }
0x8d: {  	v3 =	vld [tilespmem:$0x18070];
	_ =	sdelay $0x4  }
0x8e: {  	v55 =	vshrl.u32 v3, $0x3  }
0x8f: {  	v4 =	vmul.u32 $0x18, v55  }
0x90: {  	v3 =	vand.u32 $0x7, v3  }
0x91: {  	v3 =	vor.u32 v3, v4  }
0x92: {  	v4 =	vperm.xlane v3, v0;
	_ =	sdelay $0x1  }
0x93: {  	v4 =	vadd.s32 v1, v4;
	_ =	sdelay $0x1  }
0x94: {  	v3 =	vperm.xlane v3, v2;
	_ =	sdelay $0x1  }
0x95: {  	s0 =	simm.s32 $0xA800;
	v3 =	vadd.s32 v1, v3  }
0x96: {  	[hbm4b:s4+s1] =	stream.indirect_vreg.scatter [tilespmem:s0], [sflag:$0x5], $0x80, v4, vm0, $0x2000b8;
	[tilespmem:$0x18200] =	vst v63  }
0x97: {  	s0 =	simm.s32 $0xB000  }
0x98: {  	[hbm4b:s9+s1] =	stream.indirect_vreg.scatter [tilespmem:s0], [sflag:$0x5], $0x80, v4, vm1, $0x2000b8;
	[tilespmem:$0x18200] =	vst v63  }
0x99: {  	s0 =	simm.s32 $0xB400  }
0x9a: {  	[hbm4b:s4+s1] =	stream.indirect_vreg.scatter [tilespmem:s0], [sflag:$0x5], $0x80, v3, vm0, $0x2000b8;
	[tilespmem:$0x18200] =	vst v63  }
0x9b: {  	s0 =	simm.s32 $0xBC00  }
0x9c: {  	[hbm4b:s9+s1] =	stream.indirect_vreg.scatter [tilespmem:s0], [sflag:$0x5], $0x80, v3, vm1, $0x2000b8;
	[tilespmem:$0x18200] =	vst v63  }
0x9d: {  	_ =	swait.ge [sflag:s24], $0xC000  }
0x9e: {  	[sflag:s24] =	ssyncset.done $0x0  }
0x9f: {  	[sflag:s24] =	ssyncadd.s32 $0xFFFF4000  }
0xa0: {  	v3 =	vld [tilespmem:$0x18080];
	_ =	sdelay $0x4  }
0xa1: {  	v56 =	vshrl.u32 v3, $0x3  }
0xa2: {  	v4 =	vmul.u32 $0x18, v56  }
0xa3: {  	v3 =	vand.u32 $0x7, v3  }
0xa4: {  	v3 =	vor.u32 v3, v4  }
0xa5: {  	v4 =	vperm.xlane v3, v0;
	_ =	sdelay $0x1  }
0xa6: {  	v4 =	vadd.s32 v1, v4;
	_ =	sdelay $0x1  }
0xa7: {  	v3 =	vperm.xlane v3, v2;
	_ =	sdelay $0x1  }
0xa8: {  	v3 =	vadd.s32 v1, v3  }
0xa9: {  	[hbm4b:s4+s1] =	stream.indirect_vreg.scatter [tilespmem:s1], [sflag:$0x5], $0x80, v4, vm0, $0x2000b8;
	[tilespmem:$0x18200] =	vst v63  }
0xaa: {  	_ = 	snop  }
0xab: {  	[hbm4b:s9+s1] =	stream.indirect_vreg.scatter [tilespmem:s26], [sflag:$0x5], $0x80, v4, vm1, $0x2000b8;
	[tilespmem:$0x18200] =	vst v63  }
0xac: {  	_ = 	snop  }
0xad: {  	[hbm4b:s4+s1] =	stream.indirect_vreg.scatter [tilespmem:s12], [sflag:$0x5], $0x80, v3, vm0, $0x2000b8;
	[tilespmem:$0x18200] =	vst v63  }
0xae: {  	_ = 	snop  }
0xaf: {  	[hbm4b:s9+s1] =	stream.indirect_vreg.scatter [tilespmem:s28], [sflag:$0x5], $0x80, v3, vm1, $0x2000b8;
	[tilespmem:$0x18200] =	vst v63  }
0xb0: {  	v3 =	vld [tilespmem:$0x18090];
	_ =	sdelay $0x4  }
0xb1: {  	v57 =	vshrl.u32 v3, $0x3  }
0xb2: {  	v4 =	vmul.u32 $0x18, v57  }
0xb3: {  	v3 =	vand.u32 $0x7, v3  }
0xb4: {  	v3 =	vor.u32 v3, v4  }
0xb5: {  	v4 =	vperm.xlane v3, v0;
	_ =	sdelay $0x1  }
0xb6: {  	v4 =	vadd.s32 v1, v4;
	_ =	sdelay $0x1  }
0xb7: {  	v3 =	vperm.xlane v3, v2;
	_ =	sdelay $0x1  }
0xb8: {  	v3 =	vadd.s32 v1, v3  }
0xb9: {  	[hbm4b:s4+s1] =	stream.indirect_vreg.scatter [tilespmem:s14], [sflag:$0x5], $0x80, v4, vm0, $0x2000b8;
	[tilespmem:$0x18200] =	vst v63  }
0xba: {  	_ = 	snop  }
0xbb: {  	[hbm4b:s9+s1] =	stream.indirect_vreg.scatter [tilespmem:s29], [sflag:$0x5], $0x80, v4, vm1, $0x2000b8;
	[tilespmem:$0x18200] =	vst v63  }
0xbc: {  	_ = 	snop  }
0xbd: {  	[hbm4b:s4+s1] =	stream.indirect_vreg.scatter [tilespmem:s30], [sflag:$0x5], $0x80, v3, vm0, $0x2000b8;
	[tilespmem:$0x18200] =	vst v63  }
0xbe: {  	_ = 	snop  }
0xbf: {  	[hbm4b:s9+s1] =	stream.indirect_vreg.scatter [tilespmem:s31], [sflag:$0x5], $0x80, v3, vm1, $0x2000b8;
	[tilespmem:$0x18200] =	vst v63  }
0xc0: {  	v3 =	vld [tilespmem:$0x180A0];
	_ =	sdelay $0x4  }
0xc1: {  	v58 =	vshrl.u32 v3, $0x3  }
0xc2: {  	v4 =	vmul.u32 $0x18, v58  }
0xc3: {  	v3 =	vand.u32 $0x7, v3  }
0xc4: {  	v3 =	vor.u32 v3, v4  }
0xc5: {  	v4 =	vperm.xlane v3, v0;
	_ =	sdelay $0x1  }
0xc6: {  	v4 =	vadd.s32 v1, v4;
	_ =	sdelay $0x1  }
0xc7: {  	v3 =	vperm.xlane v3, v2;
	_ =	sdelay $0x1  }
0xc8: {  	s14 =	simm.s32 $0x3000;
	v3 =	vadd.s32 v1, v3  }
0xc9: {  	[hbm4b:s4+s1] =	stream.indirect_vreg.scatter [tilespmem:s14], [sflag:$0x5], $0x80, v4, vm0, $0x2000b8;
	[tilespmem:$0x18200] =	vst v63  }
0xca: {  	_ = 	snop  }
0xcb: {  	[hbm4b:s9+s1] =	stream.indirect_vreg.scatter [tilespmem:s2], [sflag:$0x5], $0x80, v4, vm1, $0x2000b8;
	[tilespmem:$0x18200] =	vst v63  }
0xcc: {  	_ = 	snop  }
0xcd: {  	[hbm4b:s4+s1] =	stream.indirect_vreg.scatter [tilespmem:s13], [sflag:$0x5], $0x80, v3, vm0, $0x2000b8;
	[tilespmem:$0x18200] =	vst v63  }
0xce: {  	_ = 	snop  }
0xcf: {  	[hbm4b:s9+s1] =	stream.indirect_vreg.scatter [tilespmem:s8], [sflag:$0x5], $0x80, v3, vm1, $0x2000b8;
	[tilespmem:$0x18200] =	vst v63  }
0xd0: {  	v3 =	vld [tilespmem:$0x180B0];
	_ =	sdelay $0x4  }
0xd1: {  	v59 =	vshrl.u32 v3, $0x3  }
0xd2: {  	v4 =	vmul.u32 $0x18, v59  }
0xd3: {  	v3 =	vand.u32 $0x7, v3  }
0xd4: {  	v3 =	vor.u32 v3, v4  }
0xd5: {  	v4 =	vperm.xlane v3, v0;
	_ =	sdelay $0x1  }
0xd6: {  	v4 =	vadd.s32 v1, v4;
	_ =	sdelay $0x1  }
0xd7: {  	v3 =	vperm.xlane v3, v2;
	_ =	sdelay $0x1  }
0xd8: {  	v3 =	vadd.s32 v1, v3  }
0xd9: {  	[hbm4b:s4+s1] =	stream.indirect_vreg.scatter [tilespmem:s5], [sflag:$0x5], $0x80, v4, vm0, $0x2000b8;
	[tilespmem:$0x18200] =	vst v63  }
0xda: {  	_ = 	snop  }
0xdb: {  	[hbm4b:s9+s1] =	stream.indirect_vreg.scatter [tilespmem:s6], [sflag:$0x5], $0x80, v4, vm1, $0x2000b8;
	[tilespmem:$0x18200] =	vst v63  }
0xdc: {  	_ = 	snop  }
0xdd: {  	[hbm4b:s4+s1] =	stream.indirect_vreg.scatter [tilespmem:s16], [sflag:$0x5], $0x80, v3, vm0, $0x2000b8;
	[tilespmem:$0x18200] =	vst v63  }
0xde: {  	_ = 	snop  }
0xdf: {  	[hbm4b:s9+s1] =	stream.indirect_vreg.scatter [tilespmem:s17], [sflag:$0x5], $0x80, v3, vm1, $0x2000b8;
	[tilespmem:$0x18200] =	vst v63  }
0xe0: {  	v3 =	vld [tilespmem:$0x180C0];
	_ =	sdelay $0x4  }
0xe1: {  	v60 =	vshrl.u32 v3, $0x3  }
0xe2: {  	v4 =	vmul.u32 $0x18, v60  }
0xe3: {  	v3 =	vand.u32 $0x7, v3  }
0xe4: {  	v3 =	vor.u32 v3, v4  }
0xe5: {  	v4 =	vperm.xlane v3, v0;
	_ =	sdelay $0x1  }
0xe6: {  	v4 =	vadd.s32 v1, v4;
	_ =	sdelay $0x1  }
0xe7: {  	v3 =	vperm.xlane v3, v2;
	_ =	sdelay $0x1  }
0xe8: {  	v3 =	vadd.s32 v1, v3  }
0xe9: {  	[hbm4b:s4+s1] =	stream.indirect_vreg.scatter [tilespmem:s18], [sflag:$0x5], $0x80, v4, vm0, $0x2000b8;
	[tilespmem:$0x18200] =	vst v63  }
0xea: {  	_ = 	snop  }
0xeb: {  	[hbm4b:s9+s1] =	stream.indirect_vreg.scatter [tilespmem:s19], [sflag:$0x5], $0x80, v4, vm1, $0x2000b8;
	[tilespmem:$0x18200] =	vst v63  }
0xec: {  	_ = 	snop  }
0xed: {  	[hbm4b:s4+s1] =	stream.indirect_vreg.scatter [tilespmem:s20], [sflag:$0x5], $0x80, v3, vm0, $0x2000b8;
	[tilespmem:$0x18200] =	vst v63  }
0xee: {  	_ = 	snop  }
0xef: {  	[hbm4b:s9+s1] =	stream.indirect_vreg.scatter [tilespmem:s21], [sflag:$0x5], $0x80, v3, vm1, $0x2000b8;
	[tilespmem:$0x18200] =	vst v63  }
0xf0: {  	v3 =	vld [tilespmem:$0x180D0];
	_ =	sdelay $0x4  }
0xf1: {  	v61 =	vshrl.u32 v3, $0x3  }
0xf2: {  	v4 =	vmul.u32 $0x18, v61  }
0xf3: {  	v3 =	vand.u32 $0x7, v3  }
0xf4: {  	v3 =	vor.u32 v3, v4  }
0xf5: {  	v4 =	vperm.xlane v3, v0;
	_ =	sdelay $0x1  }
0xf6: {  	v4 =	vadd.s32 v1, v4;
	_ =	sdelay $0x1  }
0xf7: {  	v3 =	vperm.xlane v3, v2;
	_ =	sdelay $0x1  }
0xf8: {  	v3 =	vadd.s32 v1, v3  }
0xf9: {  	[hbm4b:s4+s1] =	stream.indirect_vreg.scatter [tilespmem:s22], [sflag:$0x5], $0x80, v4, vm0, $0x2000b8;
	[tilespmem:$0x18200] =	vst v63  }
0xfa: {  	_ = 	snop  }
0xfb: {  	[hbm4b:s9+s1] =	stream.indirect_vreg.scatter [tilespmem:s23], [sflag:$0x5], $0x80, v4, vm1, $0x2000b8;
	[tilespmem:$0x18200] =	vst v63  }
0xfc: {  	_ = 	snop  }
0xfd: {  	[hbm4b:s4+s1] =	stream.indirect_vreg.scatter [tilespmem:s11], [sflag:$0x5], $0x80, v3, vm0, $0x2000b8;
	[tilespmem:$0x18200] =	vst v63  }
0xfe: {  	_ = 	snop  }
0xff: {  	[hbm4b:s9+s1] =	stream.indirect_vreg.scatter [tilespmem:s15], [sflag:$0x5], $0x80, v3, vm1, $0x2000b8;
	[tilespmem:$0x18200] =	vst v63  }
0x100: {  	v3 =	vld [tilespmem:$0x180E0];
	_ =	sdelay $0x4  }
0x101: {  	v62 =	vshrl.u32 v3, $0x3  }
0x102: {  	v4 =	vmul.u32 $0x18, v62  }
0x103: {  	v3 =	vand.u32 $0x7, v3  }
0x104: {  	v3 =	vor.u32 v3, v4  }
0x105: {  	v4 =	vperm.xlane v3, v0;
	_ =	sdelay $0x1  }
0x106: {  	v4 =	vadd.s32 v1, v4;
	_ =	sdelay $0x1  }
0x107: {  	v3 =	vperm.xlane v3, v2;
	_ =	sdelay $0x1  }
0x108: {  	v3 =	vadd.s32 v1, v3  }
0x109: {  	[hbm4b:s4+s1] =	stream.indirect_vreg.scatter [tilespmem:s25], [sflag:$0x5], $0x80, v4, vm0, $0x2000b8;
	[tilespmem:$0x18200] =	vst v63  }
0x10a: {  	s23 =	simm.s32 $0x9800  }
0x10b: {  	[hbm4b:s9+s1] =	stream.indirect_vreg.scatter [tilespmem:s23], [sflag:$0x5], $0x80, v4, vm1, $0x2000b8;
	[tilespmem:$0x18200] =	vst v63  }
0x10c: {  	s25 =	simm.s32 $0x9C00  }
0x10d: {  	[hbm4b:s4+s1] =	stream.indirect_vreg.scatter [tilespmem:s25], [sflag:$0x5], $0x80, v3, vm0, $0x2000b8;
	[tilespmem:$0x18200] =	vst v63  }
0x10e: {  	s26 =	simm.s32 $0xA400  }
0x10f: {  	[hbm4b:s9+s1] =	stream.indirect_vreg.scatter [tilespmem:s26], [sflag:$0x5], $0x80, v3, vm1, $0x2000b8;
	[tilespmem:$0x18200] =	vst v63  }
0x110: {  	v3 =	vld [tilespmem:$0x180F0];
	_ =	sdelay $0x4  }
0x111: {  	v63 =	vshrl.u32 v3, $0x3  }
0x112: {  	v4 =	vmul.u32 $0x18, v63  }
0x113: {  	v3 =	vand.u32 $0x7, v3  }
0x114: {  	v3 =	vor.u32 v3, v4  }
0x115: {  	v4 =	vperm.xlane v3, v0;
	_ =	sdelay $0x1  }
0x116: {  	v4 =	vadd.s32 v1, v4;
	_ =	sdelay $0x1  }
0x117: {  	v3 =	vperm.xlane v3, v2;
	_ =	sdelay $0x1  }
0x118: {  	s28 =	simm.s32 $0xA800;
	v3 =	vadd.s32 v1, v3  }
0x119: {  	[hbm4b:s4+s1] =	stream.indirect_vreg.scatter [tilespmem:s28], [sflag:$0x5], $0x80, v4, vm0, $0x2000b8;
	[tilespmem:$0x18200] =	vst v63  }
0x11a: {  	s29 =	simm.s32 $0xB000  }
0x11b: {  	[hbm4b:s9+s1] =	stream.indirect_vreg.scatter [tilespmem:s29], [sflag:$0x5], $0x80, v4, vm1, $0x2000b8;
	[tilespmem:$0x18200] =	vst v63  }
0x11c: {  	s30 =	simm.s32 $0xB400  }
0x11d: {  	[hbm4b:s4+s1] =	stream.indirect_vreg.scatter [tilespmem:s30], [sflag:$0x5], $0x80, v3, vm0, $0x2000b8;
	[tilespmem:$0x18200] =	vst v63  }
0x11e: {  	s31 =	simm.s32 $0xBC00  }
0x11f: {  	[hbm4b:s9+s1] =	stream.indirect_vreg.scatter [tilespmem:s31], [sflag:$0x5], $0x80, v3, vm1, $0x2000b8;
	[tilespmem:$0x18200] =	vst v63  }
0x120: {  	_ =	swait.ge [sflag:s24], $0xC000  }
0x121: {  	[sflag:s24] =	ssyncset.done $0x0  }
0x122: {  	[sflag:s24] =	ssyncadd.s32 $0xFFFF4000  }
0x123: {  	_ =	strace $0x9000004F  }
.LBB2_4:
0x124: {  	s10 =	sadd.s32 $0xFFFFFFFF, s10  }
0x125: {  	p1 =	sne.s32 s10, $0x0  }
.Ltmp1:
0x126: {  	_ = 	snop;
	(pc) =	sbr.rel @!p1 .LBB2_5-.Ltmp1, $1  }
0x127: {  	_ =	sdelay $0x3  }
.LBB2_1:
.Ltmp2:
0x128: {  	(pc) =	sbr.rel @p0 .LBB2_3-.Ltmp2, $1  }
0x129: {  	_ =	sdelay $0x3  }
0x12a: {  	_ =	strace $0x80000048  }
0x12b: {  	s12 =	simm.s32 $0xC00;
	s14 =	simm.s32 $0x1800;
	s25 =	rddreg [dreg:$0x4]  }
0x12c: {  	[tilespmem:s1], [sflag:$0x1] =	stream.strided.gather [hbm4b:s25+s12], $0xC000, s14, s12, $0x200038;
	[tilespmem:$0x18200] =	vst v63  }
0x12d: {  	s26 =	simm.s32 $0x18000;
	s0 =	rddreg [dreg:$0x6]  }
0x12e: {  	[tilespmem:s26], [sflag:$0x3] =	stream.linear.gather [hbm4b:s0+s1], $0x100, $0x200038;
	[tilespmem:$0x18200] =	vst v63  }
0x12f: {  	_ =	strace $0x90000048  }
0x130: {  	s8 =	simm.s32 $0x1;
	_ =	strace $0x80000049  }
0x131: {  	_ =	swait.ge [sflag:s8], $0xC000  }
0x132: {  	[sflag:s8] =	ssyncset.done $0x0  }
0x133: {  	[sflag:s8] =	ssyncadd.s32 $0xFFFF4000  }
0x134: {  	_ =	strace $0x90000049  }
0x135: {  	s11 =	simm.s32 $0x3;
	_ =	strace $0x8000004A  }
0x136: {  	_ =	swait.ge [sflag:s11], $0x100  }
0x137: {  	[sflag:s11] =	ssyncset.done $0x0  }
0x138: {  	[sflag:s11] =	ssyncadd.s32 $0xFFFFFF00  }
0x139: {  	_ =	strace $0x9000004A  }
0x13a: {  	_ =	strace $0x8000004B  }
0x13b: {  	v3 =	vld [tilespmem:$0x18000];
	_ =	sdelay $0x4  }
0x13c: {  	v4 =	vshrl.u32 v3, $0x3  }
0x13d: {  	v4 =	vmul.u32 $0x18, v4  }
0x13e: {  	v3 =	vand.u32 $0x7, v3  }
0x13f: {  	v3 =	vor.u32 v3, v4  }
0x140: {  	v4 =	vperm.xlane v3, v0;
	_ =	sdelay $0x1  }
0x141: {  	v4 =	vadd.s32 v1, v4;
	_ =	sdelay $0x1  }
0x142: {  	v3 =	vperm.xlane v3, v2;
	_ =	sdelay $0x1  }
0x143: {  	v3 =	vadd.s32 v1, v3  }
0x144: {  	[hbm4b:s3+s1] =	stream.indirect_vreg.scatter [tilespmem:s1], [sflag:$0x5], $0x80, v4, vm0, $0x2000b8;
	[tilespmem:$0x18200] =	vst v63  }
0x145: {  	s26 =	simm.s32 $0x800  }
0x146: {  	[hbm4b:s7+s1] =	stream.indirect_vreg.scatter [tilespmem:s26], [sflag:$0x5], $0x80, v4, vm1, $0x2000b8;
	[tilespmem:$0x18200] =	vst v63  }
0x147: {  	_ = 	snop  }
0x148: {  	[hbm4b:s3+s1] =	stream.indirect_vreg.scatter [tilespmem:s12], [sflag:$0x5], $0x80, v3, vm0, $0x2000b8;
	[tilespmem:$0x18200] =	vst v63  }
0x149: {  	s28 =	simm.s32 $0x1400  }
0x14a: {  	[hbm4b:s7+s1] =	stream.indirect_vreg.scatter [tilespmem:s28], [sflag:$0x5], $0x80, v3, vm1, $0x2000b8;
	[tilespmem:$0x18200] =	vst v63  }
0x14b: {  	v3 =	vld [tilespmem:$0x18010];
	_ =	sdelay $0x4  }
0x14c: {  	v49 =	vshrl.u32 v3, $0x3  }
0x14d: {  	v4 =	vmul.u32 $0x18, v49  }
0x14e: {  	v3 =	vand.u32 $0x7, v3  }
0x14f: {  	v3 =	vor.u32 v3, v4  }
0x150: {  	v4 =	vperm.xlane v3, v0;
	_ =	sdelay $0x1  }
0x151: {  	v4 =	vadd.s32 v1, v4;
	_ =	sdelay $0x1  }
0x152: {  	v3 =	vperm.xlane v3, v2;
	_ =	sdelay $0x1  }
0x153: {  	v3 =	vadd.s32 v1, v3  }
0x154: {  	[hbm4b:s3+s1] =	stream.indirect_vreg.scatter [tilespmem:s14], [sflag:$0x5], $0x80, v4, vm0, $0x2000b8;
	[tilespmem:$0x18200] =	vst v63  }
0x155: {  	s29 =	simm.s32 $0x2000  }
0x156: {  	[hbm4b:s7+s1] =	stream.indirect_vreg.scatter [tilespmem:s29], [sflag:$0x5], $0x80, v4, vm1, $0x2000b8;
	[tilespmem:$0x18200] =	vst v63  }
0x157: {  	s30 =	simm.s32 $0x2400  }
0x158: {  	[hbm4b:s3+s1] =	stream.indirect_vreg.scatter [tilespmem:s30], [sflag:$0x5], $0x80, v3, vm0, $0x2000b8;
	[tilespmem:$0x18200] =	vst v63  }
0x159: {  	s31 =	simm.s32 $0x2C00  }
0x15a: {  	[hbm4b:s7+s1] =	stream.indirect_vreg.scatter [tilespmem:s31], [sflag:$0x5], $0x80, v3, vm1, $0x2000b8;
	[tilespmem:$0x18200] =	vst v63  }
0x15b: {  	v3 =	vld [tilespmem:$0x18020];
	_ =	sdelay $0x4  }
0x15c: {  	v50 =	vshrl.u32 v3, $0x3  }
0x15d: {  	v4 =	vmul.u32 $0x18, v50  }
0x15e: {  	v3 =	vand.u32 $0x7, v3  }
0x15f: {  	v3 =	vor.u32 v3, v4  }
0x160: {  	v4 =	vperm.xlane v3, v0;
	_ =	sdelay $0x1  }
0x161: {  	v4 =	vadd.s32 v1, v4;
	_ =	sdelay $0x1  }
0x162: {  	v3 =	vperm.xlane v3, v2;
	_ =	sdelay $0x1  }
0x163: {  	s13 =	simm.s32 $0x3000;
	v3 =	vadd.s32 v1, v3  }
0x164: {  	[hbm4b:s3+s1] =	stream.indirect_vreg.scatter [tilespmem:s13], [sflag:$0x5], $0x80, v4, vm0, $0x2000b8;
	[tilespmem:$0x18200] =	vst v63  }
0x165: {  	s2 =	simm.s32 $0x3800  }
0x166: {  	[hbm4b:s7+s1] =	stream.indirect_vreg.scatter [tilespmem:s2], [sflag:$0x5], $0x80, v4, vm1, $0x2000b8;
	[tilespmem:$0x18200] =	vst v63  }
0x167: {  	s13 =	simm.s32 $0x3C00  }
0x168: {  	[hbm4b:s3+s1] =	stream.indirect_vreg.scatter [tilespmem:s13], [sflag:$0x5], $0x80, v3, vm0, $0x2000b8;
	[tilespmem:$0x18200] =	vst v63  }
0x169: {  	s8 =	simm.s32 $0x4400  }
0x16a: {  	[hbm4b:s7+s1] =	stream.indirect_vreg.scatter [tilespmem:s8], [sflag:$0x5], $0x80, v3, vm1, $0x2000b8;
	[tilespmem:$0x18200] =	vst v63  }
0x16b: {  	v3 =	vld [tilespmem:$0x18030];
	_ =	sdelay $0x4  }
0x16c: {  	v51 =	vshrl.u32 v3, $0x3  }
0x16d: {  	v4 =	vmul.u32 $0x18, v51  }
0x16e: {  	v3 =	vand.u32 $0x7, v3  }
0x16f: {  	v3 =	vor.u32 v3, v4  }
0x170: {  	v4 =	vperm.xlane v3, v0;
	_ =	sdelay $0x1  }
0x171: {  	v4 =	vadd.s32 v1, v4;
	_ =	sdelay $0x1  }
0x172: {  	v3 =	vperm.xlane v3, v2;
	_ =	sdelay $0x1  }
0x173: {  	s5 =	simm.s32 $0x4800;
	v3 =	vadd.s32 v1, v3  }
0x174: {  	[hbm4b:s3+s1] =	stream.indirect_vreg.scatter [tilespmem:s5], [sflag:$0x5], $0x80, v4, vm0, $0x2000b8;
	[tilespmem:$0x18200] =	vst v63  }
0x175: {  	s6 =	simm.s32 $0x5000  }
0x176: {  	[hbm4b:s7+s1] =	stream.indirect_vreg.scatter [tilespmem:s6], [sflag:$0x5], $0x80, v4, vm1, $0x2000b8;
	[tilespmem:$0x18200] =	vst v63  }
0x177: {  	s16 =	simm.s32 $0x5400  }
0x178: {  	[hbm4b:s3+s1] =	stream.indirect_vreg.scatter [tilespmem:s16], [sflag:$0x5], $0x80, v3, vm0, $0x2000b8;
	[tilespmem:$0x18200] =	vst v63  }
0x179: {  	s17 =	simm.s32 $0x5C00  }
0x17a: {  	[hbm4b:s7+s1] =	stream.indirect_vreg.scatter [tilespmem:s17], [sflag:$0x5], $0x80, v3, vm1, $0x2000b8;
	[tilespmem:$0x18200] =	vst v63  }
0x17b: {  	v3 =	vld [tilespmem:$0x18040];
	_ =	sdelay $0x4  }
0x17c: {  	v52 =	vshrl.u32 v3, $0x3  }
0x17d: {  	v4 =	vmul.u32 $0x18, v52  }
0x17e: {  	v3 =	vand.u32 $0x7, v3  }
0x17f: {  	v3 =	vor.u32 v3, v4  }
0x180: {  	v4 =	vperm.xlane v3, v0;
	_ =	sdelay $0x1  }
0x181: {  	v4 =	vadd.s32 v1, v4;
	_ =	sdelay $0x1  }
0x182: {  	v3 =	vperm.xlane v3, v2;
	_ =	sdelay $0x1  }
0x183: {  	s18 =	simm.s32 $0x6000;
	v3 =	vadd.s32 v1, v3  }
0x184: {  	[hbm4b:s3+s1] =	stream.indirect_vreg.scatter [tilespmem:s18], [sflag:$0x5], $0x80, v4, vm0, $0x2000b8;
	[tilespmem:$0x18200] =	vst v63  }
0x185: {  	s19 =	simm.s32 $0x6800  }
0x186: {  	[hbm4b:s7+s1] =	stream.indirect_vreg.scatter [tilespmem:s19], [sflag:$0x5], $0x80, v4, vm1, $0x2000b8;
	[tilespmem:$0x18200] =	vst v63  }
0x187: {  	s20 =	simm.s32 $0x6C00  }
0x188: {  	[hbm4b:s3+s1] =	stream.indirect_vreg.scatter [tilespmem:s20], [sflag:$0x5], $0x80, v3, vm0, $0x2000b8;
	[tilespmem:$0x18200] =	vst v63  }
0x189: {  	s21 =	simm.s32 $0x7400  }
0x18a: {  	[hbm4b:s7+s1] =	stream.indirect_vreg.scatter [tilespmem:s21], [sflag:$0x5], $0x80, v3, vm1, $0x2000b8;
	[tilespmem:$0x18200] =	vst v63  }
0x18b: {  	v3 =	vld [tilespmem:$0x18050];
	_ =	sdelay $0x4  }
0x18c: {  	v53 =	vshrl.u32 v3, $0x3  }
0x18d: {  	v4 =	vmul.u32 $0x18, v53  }
0x18e: {  	v3 =	vand.u32 $0x7, v3  }
0x18f: {  	v3 =	vor.u32 v3, v4  }
0x190: {  	v4 =	vperm.xlane v3, v0;
	_ =	sdelay $0x1  }
0x191: {  	v4 =	vadd.s32 v1, v4;
	_ =	sdelay $0x1  }
0x192: {  	v3 =	vperm.xlane v3, v2;
	_ =	sdelay $0x1  }
0x193: {  	s22 =	simm.s32 $0x7800;
	v3 =	vadd.s32 v1, v3  }
0x194: {  	[hbm4b:s3+s1] =	stream.indirect_vreg.scatter [tilespmem:s22], [sflag:$0x5], $0x80, v4, vm0, $0x2000b8;
	[tilespmem:$0x18200] =	vst v63  }
0x195: {  	s23 =	simm.s32 $0x8000  }
0x196: {  	[hbm4b:s7+s1] =	stream.indirect_vreg.scatter [tilespmem:s23], [sflag:$0x5], $0x80, v4, vm1, $0x2000b8;
	[tilespmem:$0x18200] =	vst v63  }
0x197: {  	s11 =	simm.s32 $0x8400  }
0x198: {  	[hbm4b:s3+s1] =	stream.indirect_vreg.scatter [tilespmem:s11], [sflag:$0x5], $0x80, v3, vm0, $0x2000b8;
	[tilespmem:$0x18200] =	vst v63  }
0x199: {  	s15 =	simm.s32 $0x8C00  }
0x19a: {  	[hbm4b:s7+s1] =	stream.indirect_vreg.scatter [tilespmem:s15], [sflag:$0x5], $0x80, v3, vm1, $0x2000b8;
	[tilespmem:$0x18200] =	vst v63  }
0x19b: {  	v3 =	vld [tilespmem:$0x18060];
	_ =	sdelay $0x4  }
0x19c: {  	v54 =	vshrl.u32 v3, $0x3  }
0x19d: {  	v4 =	vmul.u32 $0x18, v54  }
0x19e: {  	v3 =	vand.u32 $0x7, v3  }
0x19f: {  	v3 =	vor.u32 v3, v4  }
0x1a0: {  	v4 =	vperm.xlane v3, v0;
	_ =	sdelay $0x1  }
0x1a1: {  	v4 =	vadd.s32 v1, v4;
	_ =	sdelay $0x1  }
0x1a2: {  	v3 =	vperm.xlane v3, v2;
	_ =	sdelay $0x1  }
0x1a3: {  	s25 =	simm.s32 $0x9000;
	v3 =	vadd.s32 v1, v3  }
0x1a4: {  	[hbm4b:s3+s1] =	stream.indirect_vreg.scatter [tilespmem:s25], [sflag:$0x5], $0x80, v4, vm0, $0x2000b8;
	[tilespmem:$0x18200] =	vst v63  }
0x1a5: {  	s0 =	simm.s32 $0x9800  }
0x1a6: {  	[hbm4b:s7+s1] =	stream.indirect_vreg.scatter [tilespmem:s0], [sflag:$0x5], $0x80, v4, vm1, $0x2000b8;
	[tilespmem:$0x18200] =	vst v63  }
0x1a7: {  	s0 =	simm.s32 $0x9C00  }
0x1a8: {  	[hbm4b:s3+s1] =	stream.indirect_vreg.scatter [tilespmem:s0], [sflag:$0x5], $0x80, v3, vm0, $0x2000b8;
	[tilespmem:$0x18200] =	vst v63  }
0x1a9: {  	s0 =	simm.s32 $0xA400  }
0x1aa: {  	[hbm4b:s7+s1] =	stream.indirect_vreg.scatter [tilespmem:s0], [sflag:$0x5], $0x80, v3, vm1, $0x2000b8;
	[tilespmem:$0x18200] =	vst v63  }
0x1ab: {  	v3 =	vld [tilespmem:$0x18070];
	_ =	sdelay $0x4  }
0x1ac: {  	v55 =	vshrl.u32 v3, $0x3  }
0x1ad: {  	v4 =	vmul.u32 $0x18, v55  }
0x1ae: {  	v3 =	vand.u32 $0x7, v3  }
0x1af: {  	v3 =	vor.u32 v3, v4  }
0x1b0: {  	v4 =	vperm.xlane v3, v0;
	_ =	sdelay $0x1  }
0x1b1: {  	v4 =	vadd.s32 v1, v4;
	_ =	sdelay $0x1  }
0x1b2: {  	v3 =	vperm.xlane v3, v2;
	_ =	sdelay $0x1  }
0x1b3: {  	s0 =	simm.s32 $0xA800;
	v3 =	vadd.s32 v1, v3  }
0x1b4: {  	[hbm4b:s3+s1] =	stream.indirect_vreg.scatter [tilespmem:s0], [sflag:$0x5], $0x80, v4, vm0, $0x2000b8;
	[tilespmem:$0x18200] =	vst v63  }
0x1b5: {  	s0 =	simm.s32 $0xB000  }
0x1b6: {  	[hbm4b:s7+s1] =	stream.indirect_vreg.scatter [tilespmem:s0], [sflag:$0x5], $0x80, v4, vm1, $0x2000b8;
	[tilespmem:$0x18200] =	vst v63  }
0x1b7: {  	s0 =	simm.s32 $0xB400  }
0x1b8: {  	[hbm4b:s3+s1] =	stream.indirect_vreg.scatter [tilespmem:s0], [sflag:$0x5], $0x80, v3, vm0, $0x2000b8;
	[tilespmem:$0x18200] =	vst v63  }
0x1b9: {  	s0 =	simm.s32 $0xBC00  }
0x1ba: {  	[hbm4b:s7+s1] =	stream.indirect_vreg.scatter [tilespmem:s0], [sflag:$0x5], $0x80, v3, vm1, $0x2000b8;
	[tilespmem:$0x18200] =	vst v63  }
0x1bb: {  	_ =	swait.ge [sflag:s24], $0xC000  }
0x1bc: {  	[sflag:s24] =	ssyncset.done $0x0  }
0x1bd: {  	[sflag:s24] =	ssyncadd.s32 $0xFFFF4000  }
0x1be: {  	v3 =	vld [tilespmem:$0x18080];
	_ =	sdelay $0x4  }
0x1bf: {  	v56 =	vshrl.u32 v3, $0x3  }
0x1c0: {  	v4 =	vmul.u32 $0x18, v56  }
0x1c1: {  	v3 =	vand.u32 $0x7, v3  }
0x1c2: {  	v3 =	vor.u32 v3, v4  }
0x1c3: {  	v4 =	vperm.xlane v3, v0;
	_ =	sdelay $0x1  }
0x1c4: {  	v4 =	vadd.s32 v1, v4;
	_ =	sdelay $0x1  }
0x1c5: {  	v3 =	vperm.xlane v3, v2;
	_ =	sdelay $0x1  }
0x1c6: {  	v3 =	vadd.s32 v1, v3  }
0x1c7: {  	[hbm4b:s3+s1] =	stream.indirect_vreg.scatter [tilespmem:s1], [sflag:$0x5], $0x80, v4, vm0, $0x2000b8;
	[tilespmem:$0x18200] =	vst v63  }
0x1c8: {  	_ = 	snop  }
0x1c9: {  	[hbm4b:s7+s1] =	stream.indirect_vreg.scatter [tilespmem:s26], [sflag:$0x5], $0x80, v4, vm1, $0x2000b8;
	[tilespmem:$0x18200] =	vst v63  }
0x1ca: {  	_ = 	snop  }
0x1cb: {  	[hbm4b:s3+s1] =	stream.indirect_vreg.scatter [tilespmem:s12], [sflag:$0x5], $0x80, v3, vm0, $0x2000b8;
	[tilespmem:$0x18200] =	vst v63  }
0x1cc: {  	_ = 	snop  }
0x1cd: {  	[hbm4b:s7+s1] =	stream.indirect_vreg.scatter [tilespmem:s28], [sflag:$0x5], $0x80, v3, vm1, $0x2000b8;
	[tilespmem:$0x18200] =	vst v63  }
0x1ce: {  	v3 =	vld [tilespmem:$0x18090];
	_ =	sdelay $0x4  }
0x1cf: {  	v57 =	vshrl.u32 v3, $0x3  }
0x1d0: {  	v4 =	vmul.u32 $0x18, v57  }
0x1d1: {  	v3 =	vand.u32 $0x7, v3  }
0x1d2: {  	v3 =	vor.u32 v3, v4  }
0x1d3: {  	v4 =	vperm.xlane v3, v0;
	_ =	sdelay $0x1  }
0x1d4: {  	v4 =	vadd.s32 v1, v4;
	_ =	sdelay $0x1  }
0x1d5: {  	v3 =	vperm.xlane v3, v2;
	_ =	sdelay $0x1  }
0x1d6: {  	v3 =	vadd.s32 v1, v3  }
0x1d7: {  	[hbm4b:s3+s1] =	stream.indirect_vreg.scatter [tilespmem:s14], [sflag:$0x5], $0x80, v4, vm0, $0x2000b8;
	[tilespmem:$0x18200] =	vst v63  }
0x1d8: {  	_ = 	snop  }
0x1d9: {  	[hbm4b:s7+s1] =	stream.indirect_vreg.scatter [tilespmem:s29], [sflag:$0x5], $0x80, v4, vm1, $0x2000b8;
	[tilespmem:$0x18200] =	vst v63  }
0x1da: {  	_ = 	snop  }
0x1db: {  	[hbm4b:s3+s1] =	stream.indirect_vreg.scatter [tilespmem:s30], [sflag:$0x5], $0x80, v3, vm0, $0x2000b8;
	[tilespmem:$0x18200] =	vst v63  }
0x1dc: {  	_ = 	snop  }
0x1dd: {  	[hbm4b:s7+s1] =	stream.indirect_vreg.scatter [tilespmem:s31], [sflag:$0x5], $0x80, v3, vm1, $0x2000b8;
	[tilespmem:$0x18200] =	vst v63  }
0x1de: {  	v3 =	vld [tilespmem:$0x180A0];
	_ =	sdelay $0x4  }
0x1df: {  	v58 =	vshrl.u32 v3, $0x3  }
0x1e0: {  	v4 =	vmul.u32 $0x18, v58  }
0x1e1: {  	v3 =	vand.u32 $0x7, v3  }
0x1e2: {  	v3 =	vor.u32 v3, v4  }
0x1e3: {  	v4 =	vperm.xlane v3, v0;
	_ =	sdelay $0x1  }
0x1e4: {  	v4 =	vadd.s32 v1, v4;
	_ =	sdelay $0x1  }
0x1e5: {  	v3 =	vperm.xlane v3, v2;
	_ =	sdelay $0x1  }
0x1e6: {  	s14 =	simm.s32 $0x3000;
	v3 =	vadd.s32 v1, v3  }
0x1e7: {  	[hbm4b:s3+s1] =	stream.indirect_vreg.scatter [tilespmem:s14], [sflag:$0x5], $0x80, v4, vm0, $0x2000b8;
	[tilespmem:$0x18200] =	vst v63  }
0x1e8: {  	_ = 	snop  }
0x1e9: {  	[hbm4b:s7+s1] =	stream.indirect_vreg.scatter [tilespmem:s2], [sflag:$0x5], $0x80, v4, vm1, $0x2000b8;
	[tilespmem:$0x18200] =	vst v63  }
0x1ea: {  	_ = 	snop  }
0x1eb: {  	[hbm4b:s3+s1] =	stream.indirect_vreg.scatter [tilespmem:s13], [sflag:$0x5], $0x80, v3, vm0, $0x2000b8;
	[tilespmem:$0x18200] =	vst v63  }
0x1ec: {  	_ = 	snop  }
0x1ed: {  	[hbm4b:s7+s1] =	stream.indirect_vreg.scatter [tilespmem:s8], [sflag:$0x5], $0x80, v3, vm1, $0x2000b8;
	[tilespmem:$0x18200] =	vst v63  }
0x1ee: {  	v3 =	vld [tilespmem:$0x180B0];
	_ =	sdelay $0x4  }
0x1ef: {  	v59 =	vshrl.u32 v3, $0x3  }
0x1f0: {  	v4 =	vmul.u32 $0x18, v59  }
0x1f1: {  	v3 =	vand.u32 $0x7, v3  }
0x1f2: {  	v3 =	vor.u32 v3, v4  }
0x1f3: {  	v4 =	vperm.xlane v3, v0;
	_ =	sdelay $0x1  }
0x1f4: {  	v4 =	vadd.s32 v1, v4;
	_ =	sdelay $0x1  }
0x1f5: {  	v3 =	vperm.xlane v3, v2;
	_ =	sdelay $0x1  }
0x1f6: {  	v3 =	vadd.s32 v1, v3  }
0x1f7: {  	[hbm4b:s3+s1] =	stream.indirect_vreg.scatter [tilespmem:s5], [sflag:$0x5], $0x80, v4, vm0, $0x2000b8;
	[tilespmem:$0x18200] =	vst v63  }
0x1f8: {  	_ = 	snop  }
0x1f9: {  	[hbm4b:s7+s1] =	stream.indirect_vreg.scatter [tilespmem:s6], [sflag:$0x5], $0x80, v4, vm1, $0x2000b8;
	[tilespmem:$0x18200] =	vst v63  }
0x1fa: {  	_ = 	snop  }
0x1fb: {  	[hbm4b:s3+s1] =	stream.indirect_vreg.scatter [tilespmem:s16], [sflag:$0x5], $0x80, v3, vm0, $0x2000b8;
	[tilespmem:$0x18200] =	vst v63  }
0x1fc: {  	_ = 	snop  }
0x1fd: {  	[hbm4b:s7+s1] =	stream.indirect_vreg.scatter [tilespmem:s17], [sflag:$0x5], $0x80, v3, vm1, $0x2000b8;
	[tilespmem:$0x18200] =	vst v63  }
0x1fe: {  	v3 =	vld [tilespmem:$0x180C0];
	_ =	sdelay $0x4  }
0x1ff: {  	v60 =	vshrl.u32 v3, $0x3  }
0x200: {  	v4 =	vmul.u32 $0x18, v60  }
0x201: {  	v3 =	vand.u32 $0x7, v3  }
0x202: {  	v3 =	vor.u32 v3, v4  }
0x203: {  	v4 =	vperm.xlane v3, v0;
	_ =	sdelay $0x1  }
0x204: {  	v4 =	vadd.s32 v1, v4;
	_ =	sdelay $0x1  }
0x205: {  	v3 =	vperm.xlane v3, v2;
	_ =	sdelay $0x1  }
0x206: {  	v3 =	vadd.s32 v1, v3  }
0x207: {  	[hbm4b:s3+s1] =	stream.indirect_vreg.scatter [tilespmem:s18], [sflag:$0x5], $0x80, v4, vm0, $0x2000b8;
	[tilespmem:$0x18200] =	vst v63  }
0x208: {  	_ = 	snop  }
0x209: {  	[hbm4b:s7+s1] =	stream.indirect_vreg.scatter [tilespmem:s19], [sflag:$0x5], $0x80, v4, vm1, $0x2000b8;
	[tilespmem:$0x18200] =	vst v63  }
0x20a: {  	_ = 	snop  }
0x20b: {  	[hbm4b:s3+s1] =	stream.indirect_vreg.scatter [tilespmem:s20], [sflag:$0x5], $0x80, v3, vm0, $0x2000b8;
	[tilespmem:$0x18200] =	vst v63  }
0x20c: {  	_ = 	snop  }
0x20d: {  	[hbm4b:s7+s1] =	stream.indirect_vreg.scatter [tilespmem:s21], [sflag:$0x5], $0x80, v3, vm1, $0x2000b8;
	[tilespmem:$0x18200] =	vst v63  }
0x20e: {  	v3 =	vld [tilespmem:$0x180D0];
	_ =	sdelay $0x4  }
0x20f: {  	v61 =	vshrl.u32 v3, $0x3  }
0x210: {  	v4 =	vmul.u32 $0x18, v61  }
0x211: {  	v3 =	vand.u32 $0x7, v3  }
0x212: {  	v3 =	vor.u32 v3, v4  }
0x213: {  	v4 =	vperm.xlane v3, v0;
	_ =	sdelay $0x1  }
0x214: {  	v4 =	vadd.s32 v1, v4;
	_ =	sdelay $0x1  }
0x215: {  	v3 =	vperm.xlane v3, v2;
	_ =	sdelay $0x1  }
0x216: {  	v3 =	vadd.s32 v1, v3  }
0x217: {  	[hbm4b:s3+s1] =	stream.indirect_vreg.scatter [tilespmem:s22], [sflag:$0x5], $0x80, v4, vm0, $0x2000b8;
	[tilespmem:$0x18200] =	vst v63  }
0x218: {  	_ = 	snop  }
0x219: {  	[hbm4b:s7+s1] =	stream.indirect_vreg.scatter [tilespmem:s23], [sflag:$0x5], $0x80, v4, vm1, $0x2000b8;
	[tilespmem:$0x18200] =	vst v63  }
0x21a: {  	_ = 	snop  }
0x21b: {  	[hbm4b:s3+s1] =	stream.indirect_vreg.scatter [tilespmem:s11], [sflag:$0x5], $0x80, v3, vm0, $0x2000b8;
	[tilespmem:$0x18200] =	vst v63  }
0x21c: {  	_ = 	snop  }
0x21d: {  	[hbm4b:s7+s1] =	stream.indirect_vreg.scatter [tilespmem:s15], [sflag:$0x5], $0x80, v3, vm1, $0x2000b8;
	[tilespmem:$0x18200] =	vst v63  }
0x21e: {  	v3 =	vld [tilespmem:$0x180E0];
	_ =	sdelay $0x4  }
0x21f: {  	v62 =	vshrl.u32 v3, $0x3  }
0x220: {  	v4 =	vmul.u32 $0x18, v62  }
0x221: {  	v3 =	vand.u32 $0x7, v3  }
0x222: {  	v3 =	vor.u32 v3, v4  }
0x223: {  	v4 =	vperm.xlane v3, v0;
	_ =	sdelay $0x1  }
0x224: {  	v4 =	vadd.s32 v1, v4;
	_ =	sdelay $0x1  }
0x225: {  	v3 =	vperm.xlane v3, v2;
	_ =	sdelay $0x1  }
0x226: {  	v3 =	vadd.s32 v1, v3  }
0x227: {  	[hbm4b:s3+s1] =	stream.indirect_vreg.scatter [tilespmem:s25], [sflag:$0x5], $0x80, v4, vm0, $0x2000b8;
	[tilespmem:$0x18200] =	vst v63  }
0x228: {  	s23 =	simm.s32 $0x9800  }
0x229: {  	[hbm4b:s7+s1] =	stream.indirect_vreg.scatter [tilespmem:s23], [sflag:$0x5], $0x80, v4, vm1, $0x2000b8;
	[tilespmem:$0x18200] =	vst v63  }
0x22a: {  	s25 =	simm.s32 $0x9C00  }
0x22b: {  	[hbm4b:s3+s1] =	stream.indirect_vreg.scatter [tilespmem:s25], [sflag:$0x5], $0x80, v3, vm0, $0x2000b8;
	[tilespmem:$0x18200] =	vst v63  }
0x22c: {  	s26 =	simm.s32 $0xA400  }
0x22d: {  	[hbm4b:s7+s1] =	stream.indirect_vreg.scatter [tilespmem:s26], [sflag:$0x5], $0x80, v3, vm1, $0x2000b8;
	[tilespmem:$0x18200] =	vst v63  }
0x22e: {  	v3 =	vld [tilespmem:$0x180F0];
	_ =	sdelay $0x4  }
0x22f: {  	v63 =	vshrl.u32 v3, $0x3  }
0x230: {  	v4 =	vmul.u32 $0x18, v63  }
0x231: {  	v3 =	vand.u32 $0x7, v3  }
0x232: {  	v3 =	vor.u32 v3, v4  }
0x233: {  	v4 =	vperm.xlane v3, v0;
	_ =	sdelay $0x1  }
0x234: {  	v4 =	vadd.s32 v1, v4;
	_ =	sdelay $0x1  }
0x235: {  	v3 =	vperm.xlane v3, v2;
	_ =	sdelay $0x1  }
0x236: {  	s28 =	simm.s32 $0xA800;
	v3 =	vadd.s32 v1, v3  }
0x237: {  	[hbm4b:s3+s1] =	stream.indirect_vreg.scatter [tilespmem:s28], [sflag:$0x5], $0x80, v4, vm0, $0x2000b8;
	[tilespmem:$0x18200] =	vst v63  }
0x238: {  	s29 =	simm.s32 $0xB000  }
0x239: {  	[hbm4b:s7+s1] =	stream.indirect_vreg.scatter [tilespmem:s29], [sflag:$0x5], $0x80, v4, vm1, $0x2000b8;
	[tilespmem:$0x18200] =	vst v63  }
0x23a: {  	s30 =	simm.s32 $0xB400  }
0x23b: {  	[hbm4b:s3+s1] =	stream.indirect_vreg.scatter [tilespmem:s30], [sflag:$0x5], $0x80, v3, vm0, $0x2000b8;
	[tilespmem:$0x18200] =	vst v63  }
0x23c: {  	s31 =	simm.s32 $0xBC00  }
0x23d: {  	[hbm4b:s7+s1] =	stream.indirect_vreg.scatter [tilespmem:s31], [sflag:$0x5], $0x80, v3, vm1, $0x2000b8;
	[tilespmem:$0x18200] =	vst v63  }
.Ltmp3:
0x23e: {  	_ = 	snop;
	(pc) =	sbr.rel .LBB2_4-.Ltmp3, $4  }
0x23f: {  	_ =	swait.ge [sflag:s24], $0xC000  }
0x240: {  	[sflag:s24] =	ssyncset.done $0x0  }
0x241: {  	[sflag:s24] =	ssyncadd.s32 $0xFFFF4000  }
0x242: {  	_ =	strace $0x9000004B  }
.LBB2_5:
0x243: {  	_ =	sfence.sel $0x180000  }
0x244: {  	[bflag:$0x0] =	sbarrier.arrive $0xFFFF  }
0x245: {  	_ =	strace $0x90000047  }
0x246: {  	s0 =	stileid.u32;
	[bflag:$0x2] =	sbarrier.arrive $0xFFFF  }
0x247: {  	p0 =	sne.s32 s0, $0x0;
	s0 =	rddreg [dreg:$0x3]  }
0x248: {  	s0 =	sadd.s32 @!p0 $0x100000, s0  }
0x249: {  	[sflag:s0] =	ssyncadd.tile.s32 @!p0 $0x1;
	_ =	shalt  }
.Lfunc_end2:
_tile_overlayer_lowered:
.L_overlay_start_2:
0x24a: {  	(tag) =	ssettag $0x2  }
0x24b: {  	s0 =	rddreg [dreg:$0x0];
	s2 =	stileid.u32  }
0x24c: {  	s1 =	rddreg [dreg:$0x1];
	p0 =	sne.s32 s2, $0x0  }
0x24d: {  	s3 =	rddreg [dreg:$0x2];
	[bflag:$0x3] =	sbarrier.arrive $0xFFFF;
	s2 =	simm.s32 @!p0 $0x1C01  }
0x24e: {  	[timem:s3], [sflag:s2] =	dma.local @!p0 [hbm:s0], s1  }
0x24f: {  	s0 =	simm.s32 @!p0 $0x1  }
0x250: {  	_ =	swait.ge @!p0 [sflag:s0], s1  }
0x251: {  	s1 =	ssub.s32 @!p0 $0x0, s1;
	[sflag:s0] =	ssyncset.done @!p0 $0x0  }
0x252: {  	[sflag:s0] =	ssyncadd.s32 @!p0 s1  }
0x253: {  	[bflag:$0x3] =	sbarrier.arrive $0xFFFF  }
0x254: {  	_ =	shalt  }

</sc_bundles>
